<compile_context>
chip_gen: v7x
topology: tpu7x:2x2x1
jax: 0.10.2.dev20260603
libtpu: 0.0.44.dev20260713+nightly
codegen_flags: <defaults>
</compile_context>

<pallas_src>
import functools

import jax
import jax.numpy as jnp
from jax import lax
from jax.experimental import pallas as pl
from jax.experimental.pallas import tpu as pltpu
from jax.experimental.pallas import tpu_sc as plsc

_D = 128
_DH = 64
_NPAD = 10240
_BM = 1024
_NC = 2
_NS = 16
_KCH = 128
_NBUF = 6
_RPT = _NPAD // _NS


def _mesh():
    return plsc.VectorSubcoreMesh(core_axis_name="c", subcore_axis_name="s")



def _make_deg_kernel(nchunk):
    @functools.partial(
        pl.kernel,
        out_type=jax.ShapeDtypeStruct((_NC, _NPAD, 16), jnp.float32),
        mesh=_mesh(),
        compiler_params=pltpu.CompilerParams(use_tc_tiling_on_sc=False),
        scratch_types=[
            pltpu.VMEM((nchunk, _KCH), jnp.int32),
            pltpu.VMEM((_KCH, 16), jnp.float32),
            pltpu.VMEM_SHARED((_NPAD, 16), jnp.float32),
        ],
    )
    def deg_kernel(dst_hbm, out_hbm, dst_v, ones_v, acc):
        c = lax.axis_index("c")
        s = lax.axis_index("s")
        pltpu.sync_copy(dst_hbm.at[s], dst_v)

        def fill(i, _):
            ones_v[i, :] = jnp.full((16,), 1.0, jnp.float32)
            return ()

        lax.fori_loop(0, _KCH, fill, ())
        sl = pl.ds(s * _RPT, _RPT)
        for r in range(_RPT // _KCH):
            pltpu.sync_copy(ones_v, acc.at[pl.ds(s * _RPT + r * _KCH, _KCH)])
        plsc.subcore_barrier()

        def step(j, _):
            pltpu.sync_copy(ones_v, acc.at[dst_v.at[j]], add=True)
            return ()

        lax.fori_loop(0, nchunk, step, ())
        plsc.subcore_barrier()
        pltpu.sync_copy(acc.at[sl], out_hbm.at[c].at[sl])

    return deg_kernel


def _make_agg_kernel(nchunk):
    ntail = nchunk % _NBUF
    nloop = nchunk - ntail

    @functools.partial(
        pl.kernel,
        out_type=jax.ShapeDtypeStruct((_NC, _NPAD, _DH), jnp.float32),
        mesh=_mesh(),
        compiler_params=pltpu.CompilerParams(use_tc_tiling_on_sc=False),
        scratch_types=[
            pltpu.VMEM((nchunk, _KCH), jnp.int32),
            pltpu.VMEM((nchunk, _KCH), jnp.int32),
            pltpu.VMEM((_NBUF, _KCH, _DH), jnp.float32),
            [pltpu.SemaphoreType.DMA] * _NBUF,
            pltpu.VMEM_SHARED((_NPAD, _DH), jnp.float32),
        ],
    )
    def agg_kernel(zs_hbm, src_hbm, dst_hbm, out_hbm, src_v, dst_v, rows, sems, acc):
        c = lax.axis_index("c")
        s = lax.axis_index("s")
        zh = zs_hbm.at[c]
        pltpu.sync_copy(src_hbm.at[s], src_v)
        pltpu.sync_copy(dst_hbm.at[s], dst_v)
        sl = pl.ds(s * _RPT, _RPT)
        pltpu.sync_copy(zh.at[sl], acc.at[sl])
        plsc.subcore_barrier()

        for b in range(_NBUF):
            pltpu.async_copy(zh.at[src_v.at[b]], rows.at[b], sems[b])

        def group(g, _):
            j0 = g * _NBUF
            for b in range(_NBUF):
                j = j0 + b
                pltpu.make_async_copy(
                    zh.at[src_v.at[j]], rows.at[b], sems[b]
                ).wait()
                pltpu.sync_copy(rows.at[b], acc.at[dst_v.at[j]], add=True)
                nj = j + _NBUF

                @pl.when(nj < nchunk)
                def _():
                    pltpu.async_copy(zh.at[src_v.at[nj]], rows.at[b], sems[b])
            return ()

        lax.fori_loop(0, nloop // _NBUF, group, ())
        for j in range(nloop, nchunk):
            b = j % _NBUF
            pltpu.make_async_copy(
                zh.at[src_v.at[j]], rows.at[b], sems[b]
            ).wait()
            pltpu.sync_copy(rows.at[b], acc.at[dst_v.at[j]], add=True)
        plsc.subcore_barrier()
        pltpu.sync_copy(acc.at[sl], out_hbm.at[c].at[sl])

    return agg_kernel



def _matmul_tc(xp, W):
    def body(x_ref, w_ref, o_ref):
        o_ref[...] = jnp.dot(x_ref[...], w_ref[...],
                             preferred_element_type=jnp.float32)

    return pl.pallas_call(
        body,
        grid=(_NPAD // _BM,),
        in_specs=[
            pl.BlockSpec((_BM, _D), lambda i: (i, 0)),
            pl.BlockSpec((_D, _D), lambda i: (0, 0)),
        ],
        out_specs=pl.BlockSpec((_BM, _D), lambda i: (i, 0)),
        out_shape=jax.ShapeDtypeStruct((_NPAD, _D), jnp.float32),
    )(xp, W)


def _scale_tc(z0, degc):
    def body(z0_ref, d_ref, z_ref, dis_ref):
        dis = lax.rsqrt(d_ref[...][:, 0:1])
        z = dis * z0_ref[...]
        z_ref[0] = z[:, :_DH]
        z_ref[1] = z[:, _DH:]
        dis_ref[...] = jnp.broadcast_to(dis, (_BM, _D))

    return pl.pallas_call(
        body,
        grid=(_NPAD // _BM,),
        in_specs=[
            pl.BlockSpec((_BM, _D), lambda i: (i, 0)),
            pl.BlockSpec((_BM, 16), lambda i: (i, 0)),
        ],
        out_specs=[
            pl.BlockSpec((_NC, _BM, _DH), lambda i: (0, i, 0)),
            pl.BlockSpec((_BM, _D), lambda i: (i, 0)),
        ],
        out_shape=[
            jax.ShapeDtypeStruct((_NC, _NPAD, _DH), jnp.float32),
            jax.ShapeDtypeStruct((_NPAD, _D), jnp.float32),
        ],
    )(z0, degc)


def _mid_tc(ag, dis, b, W):
    def body(ag_ref, dis_ref, b_ref, w_ref, z_ref):
        agg = jnp.concatenate([ag_ref[0], ag_ref[1]], axis=1)
        h = jnp.maximum(dis_ref[...] * agg + b_ref[...], 0.0)
        z = dis_ref[...] * jnp.dot(h, w_ref[...],
                                   preferred_element_type=jnp.float32)
        z_ref[0] = z[:, :_DH]
        z_ref[1] = z[:, _DH:]

    return pl.pallas_call(
        body,
        grid=(_NPAD // _BM,),
        in_specs=[
            pl.BlockSpec((_NC, _BM, _DH), lambda i: (0, i, 0)),
            pl.BlockSpec((_BM, _D), lambda i: (i, 0)),
            pl.BlockSpec((1, _D), lambda i: (0, 0)),
            pl.BlockSpec((_D, _D), lambda i: (0, 0)),
        ],
        out_specs=pl.BlockSpec((_NC, _BM, _DH), lambda i: (0, i, 0)),
        out_shape=jax.ShapeDtypeStruct((_NC, _NPAD, _DH), jnp.float32),
    )(ag, dis, b, W)


def _final_tc(ag, dis, b):
    def body(ag_ref, dis_ref, b_ref, o_ref):
        agg = jnp.concatenate([ag_ref[0], ag_ref[1]], axis=1)
        o_ref[...] = jnp.maximum(dis_ref[...] * agg + b_ref[...], 0.0)

    return pl.pallas_call(
        body,
        grid=(_NPAD // _BM,),
        in_specs=[
            pl.BlockSpec((_NC, _BM, _DH), lambda i: (0, i, 0)),
            pl.BlockSpec((_BM, _D), lambda i: (i, 0)),
            pl.BlockSpec((1, _D), lambda i: (0, 0)),
        ],
        out_specs=pl.BlockSpec((_BM, _D), lambda i: (i, 0)),
        out_shape=jax.ShapeDtypeStruct((_NPAD, _D), jnp.float32),
    )(ag, dis, b)



@jax.jit
def kernel(x, edge_index, W1, b1, W2, b2, W3, b3):
    n = x.shape[0]
    e = edge_index.shape[1]

    xp = jnp.zeros((_NPAD, _D), jnp.float32).at[:n].set(x)

    eblk = _NS * _KCH
    e_pad = ((e + eblk - 1) // eblk) * eblk
    nchunk = e_pad // eblk
    src = jnp.full((e_pad,), _NPAD - 1, jnp.int32).at[:e].set(edge_index[0])
    dst = jnp.full((e_pad,), _NPAD - 1, jnp.int32).at[:e].set(edge_index[1])
    src3 = src.reshape(_NS, nchunk, _KCH)
    dst3 = dst.reshape(_NS, nchunk, _KCH)

    deg_kernel = _make_deg_kernel(nchunk)
    agg_kernel = _make_agg_kernel(nchunk)

    dp = deg_kernel(dst3)
    z0 = _matmul_tc(xp, W1)
    degc = dp[0]
    z1, dis = _scale_tc(z0, degc)
    a1 = agg_kernel(z1, src3, dst3)
    z2 = _mid_tc(a1, dis, b1.reshape(1, _D), W2)
    a2 = agg_kernel(z2, src3, dst3)
    z3 = _mid_tc(a2, dis, b2.reshape(1, _D), W3)
    a3 = agg_kernel(z3, src3, dst3)
    h = _final_tc(a3, dis, b3.reshape(1, _D))
    return h[:n]

# --- scband reference (transcript-rebuilt; emitter-appended) ---
"""Pipeline reference for scband-gcnbackbone-24386824306774 (READ-ONLY COPY).

The authoritative reference and input builder live on the scoring server;
editing this copy changes nothing except your own understanding.
"""

import jax, jax.numpy as jnp
import numpy as np

N = 10000
E = 320000
D = 128


def _gcn_layer(x, edge_index, W, b):
    # PyG-style GCNConv: add self-loops, symmetric normalization, linear transform,
    # scatter-add aggregation into destination nodes, then bias.
    n = x.shape[0]
    loop = jnp.arange(n, dtype=edge_index.dtype)
    src = jnp.concatenate([edge_index[0], loop])
    dst = jnp.concatenate([edge_index[1], loop])
    h = x @ W
    deg = jnp.zeros((n,), dtype=x.dtype).at[dst].add(1.0)
    deg_inv_sqrt = jnp.where(deg > 0, jax.lax.rsqrt(jnp.maximum(deg, 1e-12)), 0.0)
    norm = deg_inv_sqrt[src] * deg_inv_sqrt[dst]
    out = jnp.zeros_like(h).at[dst].add(norm[:, None] * h[src])
    return out + b


def setup_inputs(seed: int = 0) -> dict:
    key = jax.random.key(seed)
    ks = jax.random.split(key, 6)
    x = jax.random.normal(ks[0], (N, D), dtype=jnp.float32)
    edge_index = jax.random.randint(ks[1], (2, E), 0, N, dtype=jnp.int32)

    def lin(k, fan_in, fan_out):
        lim = 1.0 / np.sqrt(fan_in)
        return jax.random.uniform(k, (fan_in, fan_out), minval=-lim, maxval=lim, dtype=jnp.float32)

    W1 = lin(ks[2], D, D)
    W2 = lin(ks[3], D, D)
    W3 = lin(ks[4], D, D)
    b1 = jnp.zeros((D,), jnp.float32)
    b2 = jnp.zeros((D,), jnp.float32)
    b3 = jnp.zeros((D,), jnp.float32)
    return {"x": x, "edge_index": edge_index, "W1": W1, "b1": b1, "W2": W2, "b2": b2, "W3": W3, "b3": b3}


def reference(x, edge_index, W1, b1, W2, b2, W3, b3):
    h = jax.nn.relu(_gcn_layer(x, edge_index, W1, b1))
    h = jax.nn.relu(_gcn_layer(h, edge_index, W2, b2))
    h = jax.nn.relu(_gcn_layer(h, edge_index, W3, b3))
    return h

if __name__ == "__main__":
    import jax
    _d = setup_inputs()
    print(jax.jit(kernel)(*tuple(_d.values())))

</pallas_src>

<mosaic_0001>
#map = affine_map<(d0, d1) -> (0, 0, 0)>
module attributes {stable_mosaic.version = 14 : i64} {
  func.func @agg_kernel(%arg0: i32, %arg1: i32, %arg2: memref<2x10240x64xf32, #tpu.memory_space<hbm>>, %arg3: memref<16x157x128xi32, #tpu.memory_space<hbm>>, %arg4: memref<16x157x128xi32, #tpu.memory_space<hbm>>, %arg5: memref<2x10240x64xf32, #tpu.memory_space<hbm>>, %arg6: memref<157x128xi32, #tpu.memory_space<vmem>>, %arg7: memref<157x128xi32, #tpu.memory_space<vmem>>, %arg8: memref<6x128x64xf32, #tpu.memory_space<vmem>>, %arg9: memref<!tpu.dma_semaphore, #tpu.memory_space<semaphore_mem>>, %arg10: memref<!tpu.dma_semaphore, #tpu.memory_space<semaphore_mem>>, %arg11: memref<!tpu.dma_semaphore, #tpu.memory_space<semaphore_mem>>, %arg12: memref<!tpu.dma_semaphore, #tpu.memory_space<semaphore_mem>>, %arg13: memref<!tpu.dma_semaphore, #tpu.memory_space<semaphore_mem>>, %arg14: memref<!tpu.dma_semaphore, #tpu.memory_space<semaphore_mem>>, %arg15: memref<10240x64xf32, #tpu.memory_space<vmem_shared>>) attributes {dimension_semantics = [#tpu.dimension_semantics<core_parallel>, #tpu.dimension_semantics<subcore_parallel>], iteration_bounds = array<i64: 2, 16>, scalar_prefetch = 0 : i64, scratch_operands = 10 : i64, tpu.core_type = #tpu.core_type<sc_vector_subcore>, window_params = [{transform_indices = #map}, {transform_indices = #map}, {transform_indices = #map}, {transform_indices = #map}]} {
    "tpu.region"() ({
      %run_scoped3A_117 = tpu.sem_alloc : memref<!tpu.dma_semaphore, #tpu.memory_space<semaphore_mem>>
      %dma_start3A_118 = arith.constant 0 : i32
      %dma_start3A_119 = arith.constant 0 : i32
      %dma_start3A_120 = tpu.memref_slice %arg3[%arg1, %dma_start3A_118, %dma_start3A_119] : memref<16x157x128xi32, #tpu.memory_space<hbm>> -> memref<1x157x128xi32, #tpu.memory_space<hbm>>
      %dma_start3A_121 = tpu.memref_squeeze %dma_start3A_120 : memref<1x157x128xi32, #tpu.memory_space<hbm>> -> memref<157x128xi32, #tpu.memory_space<hbm>>
      %dma_start3A_122 = arith.constant 0 : i32
      %dma_start3A_123 = arith.constant 0 : i32
      %dma_start3A_124 = tpu.memref_slice %arg3[%arg1, %dma_start3A_122, %dma_start3A_123] : memref<16x157x128xi32, #tpu.memory_space<hbm>> -> memref<1x157x128xi32, #tpu.memory_space<hbm>>
      %dma_start3A_125 = tpu.memref_squeeze %dma_start3A_124 : memref<1x157x128xi32, #tpu.memory_space<hbm>> -> memref<157x128xi32, #tpu.memory_space<hbm>>
      tpu.enqueue_dma source(%dma_start3A_125 : memref<157x128xi32, #tpu.memory_space<hbm>>) target(%arg6 : memref<157x128xi32, #tpu.memory_space<vmem>>) target_semaphore(%run_scoped3A_117 : memref<!tpu.dma_semaphore, #tpu.memory_space<semaphore_mem>>)
      %dma_wait3A_126 = arith.constant 0 : i32
      %dma_wait3A_127 = arith.constant 0 : i32
      %dma_wait3A_128 = tpu.memref_slice %arg3[%arg1, %dma_wait3A_126, %dma_wait3A_127] : memref<16x157x128xi32, #tpu.memory_space<hbm>> -> memref<1x157x128xi32, #tpu.memory_space<hbm>>
      %dma_wait3A_129 = tpu.memref_squeeze %dma_wait3A_128 : memref<1x157x128xi32, #tpu.memory_space<hbm>> -> memref<157x128xi32, #tpu.memory_space<hbm>>
      %dma_wait3A_130 = arith.constant 0 : i32
      %dma_wait3A_131 = arith.constant 0 : i32
      %dma_wait3A_132 = tpu.memref_slice %arg3[%arg1, %dma_wait3A_130, %dma_wait3A_131] : memref<16x157x128xi32, #tpu.memory_space<hbm>> -> memref<1x157x128xi32, #tpu.memory_space<hbm>>
      %dma_wait3A_133 = tpu.memref_squeeze %dma_wait3A_132 : memref<1x157x128xi32, #tpu.memory_space<hbm>> -> memref<157x128xi32, #tpu.memory_space<hbm>>
      tpu.wait_dma2 semaphore(%run_scoped3A_117 : memref<!tpu.dma_semaphore, #tpu.memory_space<semaphore_mem>>) src(%dma_wait3A_133 : memref<157x128xi32, #tpu.memory_space<hbm>>) dst(%arg6 : memref<157x128xi32, #tpu.memory_space<vmem>>)
      tpu.yield
    }) : () -> ()
    "tpu.region"() ({
      %run_scoped3A_117 = tpu.sem_alloc : memref<!tpu.dma_semaphore, #tpu.memory_space<semaphore_mem>>
      %dma_start3A_118 = arith.constant 0 : i32
      %dma_start3A_119 = arith.constant 0 : i32
      %dma_start3A_120 = tpu.memref_slice %arg4[%arg1, %dma_start3A_118, %dma_start3A_119] : memref<16x157x128xi32, #tpu.memory_space<hbm>> -> memref<1x157x128xi32, #tpu.memory_space<hbm>>
      %dma_start3A_121 = tpu.memref_squeeze %dma_start3A_120 : memref<1x157x128xi32, #tpu.memory_space<hbm>> -> memref<157x128xi32, #tpu.memory_space<hbm>>
      %dma_start3A_122 = arith.constant 0 : i32
      %dma_start3A_123 = arith.constant 0 : i32
      %dma_start3A_124 = tpu.memref_slice %arg4[%arg1, %dma_start3A_122, %dma_start3A_123] : memref<16x157x128xi32, #tpu.memory_space<hbm>> -> memref<1x157x128xi32, #tpu.memory_space<hbm>>
      %dma_start3A_125 = tpu.memref_squeeze %dma_start3A_124 : memref<1x157x128xi32, #tpu.memory_space<hbm>> -> memref<157x128xi32, #tpu.memory_space<hbm>>
      tpu.enqueue_dma source(%dma_start3A_125 : memref<157x128xi32, #tpu.memory_space<hbm>>) target(%arg7 : memref<157x128xi32, #tpu.memory_space<vmem>>) target_semaphore(%run_scoped3A_117 : memref<!tpu.dma_semaphore, #tpu.memory_space<semaphore_mem>>)
      %dma_wait3A_126 = arith.constant 0 : i32
      %dma_wait3A_127 = arith.constant 0 : i32
      %dma_wait3A_128 = tpu.memref_slice %arg4[%arg1, %dma_wait3A_126, %dma_wait3A_127] : memref<16x157x128xi32, #tpu.memory_space<hbm>> -> memref<1x157x128xi32, #tpu.memory_space<hbm>>
      %dma_wait3A_129 = tpu.memref_squeeze %dma_wait3A_128 : memref<1x157x128xi32, #tpu.memory_space<hbm>> -> memref<157x128xi32, #tpu.memory_space<hbm>>
      %dma_wait3A_130 = arith.constant 0 : i32
      %dma_wait3A_131 = arith.constant 0 : i32
      %dma_wait3A_132 = tpu.memref_slice %arg4[%arg1, %dma_wait3A_130, %dma_wait3A_131] : memref<16x157x128xi32, #tpu.memory_space<hbm>> -> memref<1x157x128xi32, #tpu.memory_space<hbm>>
      %dma_wait3A_133 = tpu.memref_squeeze %dma_wait3A_132 : memref<1x157x128xi32, #tpu.memory_space<hbm>> -> memref<157x128xi32, #tpu.memory_space<hbm>>
      tpu.wait_dma2 semaphore(%run_scoped3A_117 : memref<!tpu.dma_semaphore, #tpu.memory_space<semaphore_mem>>) src(%dma_wait3A_133 : memref<157x128xi32, #tpu.memory_space<hbm>>) dst(%arg7 : memref<157x128xi32, #tpu.memory_space<vmem>>)
      tpu.yield
    }) : () -> ()
    %mul3A = arith.constant 640 : i32
    %mul3A_0 = arith.muli %arg1, %mul3A : i32
    "tpu.region"() ({
      %run_scoped3A_117 = tpu.sem_alloc : memref<!tpu.dma_semaphore, #tpu.memory_space<semaphore_mem>>
      %dma_start3A_118 = arith.constant 0 : i32
      %dma_start3A_119 = tpu.memref_slice %arg15[%mul3A_0, %dma_start3A_118] : memref<10240x64xf32, #tpu.memory_space<vmem_shared>> -> memref<640x64xf32, #tpu.memory_space<vmem_shared>>
      %dma_start3A_120 = arith.constant 0 : i32
      %dma_start3A_121 = arith.constant 0 : i32
      %dma_start3A_122 = tpu.memref_slice %arg2[%arg0, %dma_start3A_120, %dma_start3A_121] : memref<2x10240x64xf32, #tpu.memory_space<hbm>> -> memref<1x10240x64xf32, #tpu.memory_space<hbm>>
      %dma_start3A_123 = tpu.memref_squeeze %dma_start3A_122 : memref<1x10240x64xf32, #tpu.memory_space<hbm>> -> memref<10240x64xf32, #tpu.memory_space<hbm>>
      %dma_start3A_124 = arith.constant 0 : i32
      %dma_start3A_125 = tpu.memref_slice %dma_start3A_123[%mul3A_0, %dma_start3A_124] : memref<10240x64xf32, #tpu.memory_space<hbm>> -> memref<640x64xf32, #tpu.memory_space<hbm>>
      tpu.enqueue_dma source(%dma_start3A_125 : memref<640x64xf32, #tpu.memory_space<hbm>>) target(%dma_start3A_119 : memref<640x64xf32, #tpu.memory_space<vmem_shared>>) target_semaphore(%run_scoped3A_117 : memref<!tpu.dma_semaphore, #tpu.memory_space<semaphore_mem>>)
      %dma_wait3A_126 = arith.constant 0 : i32
      %dma_wait3A_127 = tpu.memref_slice %arg15[%mul3A_0, %dma_wait3A_126] : memref<10240x64xf32, #tpu.memory_space<vmem_shared>> -> memref<640x64xf32, #tpu.memory_space<vmem_shared>>
      %dma_wait3A_128 = arith.constant 0 : i32
      %dma_wait3A_129 = arith.constant 0 : i32
      %dma_wait3A_130 = tpu.memref_slice %arg2[%arg0, %dma_wait3A_128, %dma_wait3A_129] : memref<2x10240x64xf32, #tpu.memory_space<hbm>> -> memref<1x10240x64xf32, #tpu.memory_space<hbm>>
      %dma_wait3A_131 = tpu.memref_squeeze %dma_wait3A_130 : memref<1x10240x64xf32, #tpu.memory_space<hbm>> -> memref<10240x64xf32, #tpu.memory_space<hbm>>
      %dma_wait3A_132 = arith.constant 0 : i32
      %dma_wait3A_133 = tpu.memref_slice %dma_wait3A_131[%mul3A_0, %dma_wait3A_132] : memref<10240x64xf32, #tpu.memory_space<hbm>> -> memref<640x64xf32, #tpu.memory_space<hbm>>
      tpu.wait_dma2 semaphore(%run_scoped3A_117 : memref<!tpu.dma_semaphore, #tpu.memory_space<semaphore_mem>>) src(%dma_wait3A_133 : memref<640x64xf32, #tpu.memory_space<hbm>>) dst(%dma_wait3A_127 : memref<640x64xf32, #tpu.memory_space<vmem_shared>>)
      tpu.yield
    }) : () -> ()
    %barrier3A = arith.constant 0 : index
    tpu.barrier barrier_id(%barrier3A)
    %dma_start3A = arith.constant 0 : i32
    %dma_start3A_1 = arith.constant 0 : i32
    %dma_start3A_2 = arith.constant 0 : i32
    %dma_start3A_3 = arith.constant 0 : i32
    %dma_start3A_4 = tpu.memref_slice %arg8[%dma_start3A_1, %dma_start3A_2, %dma_start3A_3] : memref<6x128x64xf32, #tpu.memory_space<vmem>> -> memref<1x128x64xf32, #tpu.memory_space<vmem>>
    %dma_start3A_5 = tpu.memref_squeeze %dma_start3A_4 : memref<1x128x64xf32, #tpu.memory_space<vmem>> -> memref<128x64xf32, #tpu.memory_space<vmem>>
    %dma_start3A_6 = arith.constant 0 : i32
    %dma_start3A_7 = tpu.memref_slice %arg6[%dma_start3A, %dma_start3A_6] : memref<157x128xi32, #tpu.memory_space<vmem>> -> memref<1x128xi32, #tpu.memory_space<vmem>>
    %dma_start3A_8 = tpu.memref_squeeze %dma_start3A_7 : memref<1x128xi32, #tpu.memory_space<vmem>> -> memref<128xi32, #tpu.memory_space<vmem>>
    %dma_start3A_9 = arith.constant 0 : i32
    %dma_start3A_10 = arith.constant 0 : i32
    %dma_start3A_11 = tpu.memref_slice %arg2[%arg0, %dma_start3A_9, %dma_start3A_10] : memref<2x10240x64xf32, #tpu.memory_space<hbm>> -> memref<1x10240x64xf32, #tpu.memory_space<hbm>>
    %dma_start3A_12 = tpu.memref_squeeze %dma_start3A_11 : memref<1x10240x64xf32, #tpu.memory_space<hbm>> -> memref<10240x64xf32, #tpu.memory_space<hbm>>
    %dma_start3A_13 = arith.constant 0 : i32
    %dma_start3A_14 = arith.constant 0 : i32
    %dma_start3A_15 = tpu.memref_slice %dma_start3A_12[%dma_start3A_13, %dma_start3A_14] : memref<10240x64xf32, #tpu.memory_space<hbm>> -> memref<10240x64xf32, #tpu.memory_space<hbm>>
    tpu.enqueue_indirect_dma source(%dma_start3A_15 : memref<10240x64xf32, #tpu.memory_space<hbm>>) target(%dma_start3A_5 : memref<128x64xf32, #tpu.memory_space<vmem>>) offsets(%dma_start3A_8 : memref<128xi32, #tpu.memory_space<vmem>>) semaphore(%arg9 : memref<!tpu.dma_semaphore, #tpu.memory_space<semaphore_mem>>)
    %dma_start3A_16 = arith.constant 1 : i32
    %dma_start3A_17 = arith.constant 1 : i32
    %dma_start3A_18 = arith.constant 0 : i32
    %dma_start3A_19 = arith.constant 0 : i32
    %dma_start3A_20 = tpu.memref_slice %arg8[%dma_start3A_17, %dma_start3A_18, %dma_start3A_19] : memref<6x128x64xf32, #tpu.memory_space<vmem>> -> memref<1x128x64xf32, #tpu.memory_space<vmem>>
    %dma_start3A_21 = tpu.memref_squeeze %dma_start3A_20 : memref<1x128x64xf32, #tpu.memory_space<vmem>> -> memref<128x64xf32, #tpu.memory_space<vmem>>
    %dma_start3A_22 = arith.constant 0 : i32
    %dma_start3A_23 = tpu.memref_slice %arg6[%dma_start3A_16, %dma_start3A_22] : memref<157x128xi32, #tpu.memory_space<vmem>> -> memref<1x128xi32, #tpu.memory_space<vmem>>
    %dma_start3A_24 = tpu.memref_squeeze %dma_start3A_23 : memref<1x128xi32, #tpu.memory_space<vmem>> -> memref<128xi32, #tpu.memory_space<vmem>>
    %dma_start3A_25 = arith.constant 0 : i32
    %dma_start3A_26 = arith.constant 0 : i32
    %dma_start3A_27 = tpu.memref_slice %arg2[%arg0, %dma_start3A_25, %dma_start3A_26] : memref<2x10240x64xf32, #tpu.memory_space<hbm>> -> memref<1x10240x64xf32, #tpu.memory_space<hbm>>
    %dma_start3A_28 = tpu.memref_squeeze %dma_start3A_27 : memref<1x10240x64xf32, #tpu.memory_space<hbm>> -> memref<10240x64xf32, #tpu.memory_space<hbm>>
    %dma_start3A_29 = arith.constant 0 : i32
    %dma_start3A_30 = arith.constant 0 : i32
    %dma_start3A_31 = tpu.memref_slice %dma_start3A_28[%dma_start3A_29, %dma_start3A_30] : memref<10240x64xf32, #tpu.memory_space<hbm>> -> memref<10240x64xf32, #tpu.memory_space<hbm>>
    tpu.enqueue_indirect_dma source(%dma_start3A_31 : memref<10240x64xf32, #tpu.memory_space<hbm>>) target(%dma_start3A_21 : memref<128x64xf32, #tpu.memory_space<vmem>>) offsets(%dma_start3A_24 : memref<128xi32, #tpu.memory_space<vmem>>) semaphore(%arg10 : memref<!tpu.dma_semaphore, #tpu.memory_space<semaphore_mem>>)
    %dma_start3A_32 = arith.constant 2 : i32
    %dma_start3A_33 = arith.constant 2 : i32
    %dma_start3A_34 = arith.constant 0 : i32
    %dma_start3A_35 = arith.constant 0 : i32
    %dma_start3A_36 = tpu.memref_slice %arg8[%dma_start3A_33, %dma_start3A_34, %dma_start3A_35] : memref<6x128x64xf32, #tpu.memory_space<vmem>> -> memref<1x128x64xf32, #tpu.memory_space<vmem>>
    %dma_start3A_37 = tpu.memref_squeeze %dma_start3A_36 : memref<1x128x64xf32, #tpu.memory_space<vmem>> -> memref<128x64xf32, #tpu.memory_space<vmem>>
    %dma_start3A_38 = arith.constant 0 : i32
    %dma_start3A_39 = tpu.memref_slice %arg6[%dma_start3A_32, %dma_start3A_38] : memref<157x128xi32, #tpu.memory_space<vmem>> -> memref<1x128xi32, #tpu.memory_space<vmem>>
    %dma_start3A_40 = tpu.memref_squeeze %dma_start3A_39 : memref<1x128xi32, #tpu.memory_space<vmem>> -> memref<128xi32, #tpu.memory_space<vmem>>
    %dma_start3A_41 = arith.constant 0 : i32
    %dma_start3A_42 = arith.constant 0 : i32
    %dma_start3A_43 = tpu.memref_slice %arg2[%arg0, %dma_start3A_41, %dma_start3A_42] : memref<2x10240x64xf32, #tpu.memory_space<hbm>> -> memref<1x10240x64xf32, #tpu.memory_space<hbm>>
    %dma_start3A_44 = tpu.memref_squeeze %dma_start3A_43 : memref<1x10240x64xf32, #tpu.memory_space<hbm>> -> memref<10240x64xf32, #tpu.memory_space<hbm>>
    %dma_start3A_45 = arith.constant 0 : i32
    %dma_start3A_46 = arith.constant 0 : i32
    %dma_start3A_47 = tpu.memref_slice %dma_start3A_44[%dma_start3A_45, %dma_start3A_46] : memref<10240x64xf32, #tpu.memory_space<hbm>> -> memref<10240x64xf32, #tpu.memory_space<hbm>>
    tpu.enqueue_indirect_dma source(%dma_start3A_47 : memref<10240x64xf32, #tpu.memory_space<hbm>>) target(%dma_start3A_37 : memref<128x64xf32, #tpu.memory_space<vmem>>) offsets(%dma_start3A_40 : memref<128xi32, #tpu.memory_space<vmem>>) semaphore(%arg11 : memref<!tpu.dma_semaphore, #tpu.memory_space<semaphore_mem>>)
    %dma_start3A_48 = arith.constant 3 : i32
    %dma_start3A_49 = arith.constant 3 : i32
    %dma_start3A_50 = arith.constant 0 : i32
    %dma_start3A_51 = arith.constant 0 : i32
    %dma_start3A_52 = tpu.memref_slice %arg8[%dma_start3A_49, %dma_start3A_50, %dma_start3A_51] : memref<6x128x64xf32, #tpu.memory_space<vmem>> -> memref<1x128x64xf32, #tpu.memory_space<vmem>>
    %dma_start3A_53 = tpu.memref_squeeze %dma_start3A_52 : memref<1x128x64xf32, #tpu.memory_space<vmem>> -> memref<128x64xf32, #tpu.memory_space<vmem>>
    %dma_start3A_54 = arith.constant 0 : i32
    %dma_start3A_55 = tpu.memref_slice %arg6[%dma_start3A_48, %dma_start3A_54] : memref<157x128xi32, #tpu.memory_space<vmem>> -> memref<1x128xi32, #tpu.memory_space<vmem>>
    %dma_start3A_56 = tpu.memref_squeeze %dma_start3A_55 : memref<1x128xi32, #tpu.memory_space<vmem>> -> memref<128xi32, #tpu.memory_space<vmem>>
    %dma_start3A_57 = arith.constant 0 : i32
    %dma_start3A_58 = arith.constant 0 : i32
    %dma_start3A_59 = tpu.memref_slice %arg2[%arg0, %dma_start3A_57, %dma_start3A_58] : memref<2x10240x64xf32, #tpu.memory_space<hbm>> -> memref<1x10240x64xf32, #tpu.memory_space<hbm>>
    %dma_start3A_60 = tpu.memref_squeeze %dma_start3A_59 : memref<1x10240x64xf32, #tpu.memory_space<hbm>> -> memref<10240x64xf32, #tpu.memory_space<hbm>>
    %dma_start3A_61 = arith.constant 0 : i32
    %dma_start3A_62 = arith.constant 0 : i32
    %dma_start3A_63 = tpu.memref_slice %dma_start3A_60[%dma_start3A_61, %dma_start3A_62] : memref<10240x64xf32, #tpu.memory_space<hbm>> -> memref<10240x64xf32, #tpu.memory_space<hbm>>
    tpu.enqueue_indirect_dma source(%dma_start3A_63 : memref<10240x64xf32, #tpu.memory_space<hbm>>) target(%dma_start3A_53 : memref<128x64xf32, #tpu.memory_space<vmem>>) offsets(%dma_start3A_56 : memref<128xi32, #tpu.memory_space<vmem>>) semaphore(%arg12 : memref<!tpu.dma_semaphore, #tpu.memory_space<semaphore_mem>>)
    %dma_start3A_64 = arith.constant 4 : i32
    %dma_start3A_65 = arith.constant 4 : i32
    %dma_start3A_66 = arith.constant 0 : i32
    %dma_start3A_67 = arith.constant 0 : i32
    %dma_start3A_68 = tpu.memref_slice %arg8[%dma_start3A_65, %dma_start3A_66, %dma_start3A_67] : memref<6x128x64xf32, #tpu.memory_space<vmem>> -> memref<1x128x64xf32, #tpu.memory_space<vmem>>
    %dma_start3A_69 = tpu.memref_squeeze %dma_start3A_68 : memref<1x128x64xf32, #tpu.memory_space<vmem>> -> memref<128x64xf32, #tpu.memory_space<vmem>>
    %dma_start3A_70 = arith.constant 0 : i32
    %dma_start3A_71 = tpu.memref_slice %arg6[%dma_start3A_64, %dma_start3A_70] : memref<157x128xi32, #tpu.memory_space<vmem>> -> memref<1x128xi32, #tpu.memory_space<vmem>>
    %dma_start3A_72 = tpu.memref_squeeze %dma_start3A_71 : memref<1x128xi32, #tpu.memory_space<vmem>> -> memref<128xi32, #tpu.memory_space<vmem>>
    %dma_start3A_73 = arith.constant 0 : i32
    %dma_start3A_74 = arith.constant 0 : i32
    %dma_start3A_75 = tpu.memref_slice %arg2[%arg0, %dma_start3A_73, %dma_start3A_74] : memref<2x10240x64xf32, #tpu.memory_space<hbm>> -> memref<1x10240x64xf32, #tpu.memory_space<hbm>>
    %dma_start3A_76 = tpu.memref_squeeze %dma_start3A_75 : memref<1x10240x64xf32, #tpu.memory_space<hbm>> -> memref<10240x64xf32, #tpu.memory_space<hbm>>
    %dma_start3A_77 = arith.constant 0 : i32
    %dma_start3A_78 = arith.constant 0 : i32
    %dma_start3A_79 = tpu.memref_slice %dma_start3A_76[%dma_start3A_77, %dma_start3A_78] : memref<10240x64xf32, #tpu.memory_space<hbm>> -> memref<10240x64xf32, #tpu.memory_space<hbm>>
    tpu.enqueue_indirect_dma source(%dma_start3A_79 : memref<10240x64xf32, #tpu.memory_space<hbm>>) target(%dma_start3A_69 : memref<128x64xf32, #tpu.memory_space<vmem>>) offsets(%dma_start3A_72 : memref<128xi32, #tpu.memory_space<vmem>>) semaphore(%arg13 : memref<!tpu.dma_semaphore, #tpu.memory_space<semaphore_mem>>)
    %dma_start3A_80 = arith.constant 5 : i32
    %dma_start3A_81 = arith.constant 5 : i32
    %dma_start3A_82 = arith.constant 0 : i32
    %dma_start3A_83 = arith.constant 0 : i32
    %dma_start3A_84 = tpu.memref_slice %arg8[%dma_start3A_81, %dma_start3A_82, %dma_start3A_83] : memref<6x128x64xf32, #tpu.memory_space<vmem>> -> memref<1x128x64xf32, #tpu.memory_space<vmem>>
    %dma_start3A_85 = tpu.memref_squeeze %dma_start3A_84 : memref<1x128x64xf32, #tpu.memory_space<vmem>> -> memref<128x64xf32, #tpu.memory_space<vmem>>
    %dma_start3A_86 = arith.constant 0 : i32
    %dma_start3A_87 = tpu.memref_slice %arg6[%dma_start3A_80, %dma_start3A_86] : memref<157x128xi32, #tpu.memory_space<vmem>> -> memref<1x128xi32, #tpu.memory_space<vmem>>
    %dma_start3A_88 = tpu.memref_squeeze %dma_start3A_87 : memref<1x128xi32, #tpu.memory_space<vmem>> -> memref<128xi32, #tpu.memory_space<vmem>>
    %dma_start3A_89 = arith.constant 0 : i32
    %dma_start3A_90 = arith.constant 0 : i32
    %dma_start3A_91 = tpu.memref_slice %arg2[%arg0, %dma_start3A_89, %dma_start3A_90] : memref<2x10240x64xf32, #tpu.memory_space<hbm>> -> memref<1x10240x64xf32, #tpu.memory_space<hbm>>
    %dma_start3A_92 = tpu.memref_squeeze %dma_start3A_91 : memref<1x10240x64xf32, #tpu.memory_space<hbm>> -> memref<10240x64xf32, #tpu.memory_space<hbm>>
    %dma_start3A_93 = arith.constant 0 : i32
    %dma_start3A_94 = arith.constant 0 : i32
    %dma_start3A_95 = tpu.memref_slice %dma_start3A_92[%dma_start3A_93, %dma_start3A_94] : memref<10240x64xf32, #tpu.memory_space<hbm>> -> memref<10240x64xf32, #tpu.memory_space<hbm>>
    tpu.enqueue_indirect_dma source(%dma_start3A_95 : memref<10240x64xf32, #tpu.memory_space<hbm>>) target(%dma_start3A_85 : memref<128x64xf32, #tpu.memory_space<vmem>>) offsets(%dma_start3A_88 : memref<128xi32, #tpu.memory_space<vmem>>) semaphore(%arg14 : memref<!tpu.dma_semaphore, #tpu.memory_space<semaphore_mem>>)
    %scan3A = arith.constant 0 : i32
    %scan3A_96 = arith.constant 26 : i32
    %scan3A_97 = arith.addi %scan3A, %scan3A_96 : i32
    %scan3A_98 = arith.constant 1 : i32
    scf.for %scan3A_117 = %scan3A to %scan3A_97 step %scan3A_98  : i32 {
      %mul3A_118 = arith.constant 6 : i32
      %mul3A_119 = arith.muli %scan3A_117, %mul3A_118 : i32
      %add3A = arith.constant 0 : i32
      %add3A_120 = arith.addi %mul3A_119, %add3A : i32
      %dma_wait3A_121 = arith.constant 0 : i32
      %dma_wait3A_122 = arith.constant 0 : i32
      %dma_wait3A_123 = arith.constant 0 : i32
      %dma_wait3A_124 = tpu.memref_slice %arg8[%dma_wait3A_121, %dma_wait3A_122, %dma_wait3A_123] : memref<6x128x64xf32, #tpu.memory_space<vmem>> -> memref<1x128x64xf32, #tpu.memory_space<vmem>>
      %dma_wait3A_125 = tpu.memref_squeeze %dma_wait3A_124 : memref<1x128x64xf32, #tpu.memory_space<vmem>> -> memref<128x64xf32, #tpu.memory_space<vmem>>
      %dma_wait3A_126 = arith.constant 0 : i32
      %dma_wait3A_127 = tpu.memref_slice %arg6[%add3A_120, %dma_wait3A_126] : memref<157x128xi32, #tpu.memory_space<vmem>> -> memref<1x128xi32, #tpu.memory_space<vmem>>
      %dma_wait3A_128 = tpu.memref_squeeze %dma_wait3A_127 : memref<1x128xi32, #tpu.memory_space<vmem>> -> memref<128xi32, #tpu.memory_space<vmem>>
      %dma_wait3A_129 = arith.constant 0 : i32
      %dma_wait3A_130 = arith.constant 0 : i32
      %dma_wait3A_131 = tpu.memref_slice %arg2[%arg0, %dma_wait3A_129, %dma_wait3A_130] : memref<2x10240x64xf32, #tpu.memory_space<hbm>> -> memref<1x10240x64xf32, #tpu.memory_space<hbm>>
      %dma_wait3A_132 = tpu.memref_squeeze %dma_wait3A_131 : memref<1x10240x64xf32, #tpu.memory_space<hbm>> -> memref<10240x64xf32, #tpu.memory_space<hbm>>
      %dma_wait3A_133 = arith.constant 0 : i32
      %dma_wait3A_134 = arith.constant 0 : i32
      %dma_wait3A_135 = tpu.memref_slice %dma_wait3A_132[%dma_wait3A_133, %dma_wait3A_134] : memref<10240x64xf32, #tpu.memory_space<hbm>> -> memref<10240x64xf32, #tpu.memory_space<hbm>>
      tpu.wait_indirect_dma semaphore(%arg9 : memref<!tpu.dma_semaphore, #tpu.memory_space<semaphore_mem>>) src(%dma_wait3A_135 : memref<10240x64xf32, #tpu.memory_space<hbm>>) dst(%dma_wait3A_125 : memref<128x64xf32, #tpu.memory_space<vmem>>)
      %run_scoped3A_136 = arith.constant 0 : i32
      "tpu.region"() ({
        %run_scoped3A_266 = tpu.sem_alloc : memref<!tpu.dma_semaphore, #tpu.memory_space<semaphore_mem>>
        %dma_start3A_267 = arith.constant 0 : i32
        %dma_start3A_268 = arith.constant 0 : i32
        %dma_start3A_269 = tpu.memref_slice %arg8[%run_scoped3A_136, %dma_start3A_267, %dma_start3A_268] : memref<6x128x64xf32, #tpu.memory_space<vmem>> -> memref<1x128x64xf32, #tpu.memory_space<vmem>>
        %dma_start3A_270 = tpu.memref_squeeze %dma_start3A_269 : memref<1x128x64xf32, #tpu.memory_space<vmem>> -> memref<128x64xf32, #tpu.memory_space<vmem>>
        %dma_start3A_271 = arith.constant 0 : i32
        %dma_start3A_272 = tpu.memref_slice %arg7[%add3A_120, %dma_start3A_271] : memref<157x128xi32, #tpu.memory_space<vmem>> -> memref<1x128xi32, #tpu.memory_space<vmem>>
        %dma_start3A_273 = tpu.memref_squeeze %dma_start3A_272 : memref<1x128xi32, #tpu.memory_space<vmem>> -> memref<128xi32, #tpu.memory_space<vmem>>
        %dma_start3A_274 = arith.constant 0 : i32
        %dma_start3A_275 = arith.constant 0 : i32
        %dma_start3A_276 = tpu.memref_slice %arg15[%dma_start3A_274, %dma_start3A_275] : memref<10240x64xf32, #tpu.memory_space<vmem_shared>> -> memref<10240x64xf32, #tpu.memory_space<vmem_shared>>
        tpu.enqueue_indirect_dma source(%dma_start3A_270 : memref<128x64xf32, #tpu.memory_space<vmem>>) target(%dma_start3A_276 : memref<10240x64xf32, #tpu.memory_space<vmem_shared>>) offsets(%dma_start3A_273 : memref<128xi32, #tpu.memory_space<vmem>>) semaphore(%run_scoped3A_266 : memref<!tpu.dma_semaphore, #tpu.memory_space<semaphore_mem>>) {add = true}
        %dma_wait3A_277 = arith.constant 0 : i32
        %dma_wait3A_278 = arith.constant 0 : i32
        %dma_wait3A_279 = tpu.memref_slice %arg8[%run_scoped3A_136, %dma_wait3A_277, %dma_wait3A_278] : memref<6x128x64xf32, #tpu.memory_space<vmem>> -> memref<1x128x64xf32, #tpu.memory_space<vmem>>
        %dma_wait3A_280 = tpu.memref_squeeze %dma_wait3A_279 : memref<1x128x64xf32, #tpu.memory_space<vmem>> -> memref<128x64xf32, #tpu.memory_space<vmem>>
        %dma_wait3A_281 = arith.constant 0 : i32
        %dma_wait3A_282 = tpu.memref_slice %arg7[%add3A_120, %dma_wait3A_281] : memref<157x128xi32, #tpu.memory_space<vmem>> -> memref<1x128xi32, #tpu.memory_space<vmem>>
        %dma_wait3A_283 = tpu.memref_squeeze %dma_wait3A_282 : memref<1x128xi32, #tpu.memory_space<vmem>> -> memref<128xi32, #tpu.memory_space<vmem>>
        %dma_wait3A_284 = arith.constant 0 : i32
        %dma_wait3A_285 = arith.constant 0 : i32
        %dma_wait3A_286 = tpu.memref_slice %arg15[%dma_wait3A_284, %dma_wait3A_285] : memref<10240x64xf32, #tpu.memory_space<vmem_shared>> -> memref<10240x64xf32, #tpu.memory_space<vmem_shared>>
        tpu.wait_indirect_dma semaphore(%run_scoped3A_266 : memref<!tpu.dma_semaphore, #tpu.memory_space<semaphore_mem>>) src(%dma_wait3A_280 : memref<128x64xf32, #tpu.memory_space<vmem>>) dst(%dma_wait3A_286 : memref<10240x64xf32, #tpu.memory_space<vmem_shared>>)
        tpu.yield
      }) : () -> ()
      %add3A_137 = arith.constant 6 : i32
      %add3A_138 = arith.addi %add3A_120, %add3A_137 : i32
      %lt3A = arith.constant 157 : i32
      %lt3A_139 = arith.cmpi slt, %add3A_138, %lt3A : i32
      %convert_element_type3A = arith.extui %lt3A_139 : i1 to i32
      %cond3A = arith.constant 0 : i32
      %cond3A_140 = arith.cmpi ne, %convert_element_type3A, %cond3A : i32
      scf.if %cond3A_140 {
        %dma_start3A_266 = arith.constant 0 : i32
        %dma_start3A_267 = arith.constant 0 : i32
        %dma_start3A_268 = arith.constant 0 : i32
        %dma_start3A_269 = tpu.memref_slice %arg8[%dma_start3A_266, %dma_start3A_267, %dma_start3A_268] : memref<6x128x64xf32, #tpu.memory_space<vmem>> -> memref<1x128x64xf32, #tpu.memory_space<vmem>>
        %dma_start3A_270 = tpu.memref_squeeze %dma_start3A_269 : memref<1x128x64xf32, #tpu.memory_space<vmem>> -> memref<128x64xf32, #tpu.memory_space<vmem>>
        %dma_start3A_271 = arith.constant 0 : i32
        %dma_start3A_272 = tpu.memref_slice %arg6[%add3A_138, %dma_start3A_271] : memref<157x128xi32, #tpu.memory_space<vmem>> -> memref<1x128xi32, #tpu.memory_space<vmem>>
        %dma_start3A_273 = tpu.memref_squeeze %dma_start3A_272 : memref<1x128xi32, #tpu.memory_space<vmem>> -> memref<128xi32, #tpu.memory_space<vmem>>
        %dma_start3A_274 = arith.constant 0 : i32
        %dma_start3A_275 = arith.constant 0 : i32
        %dma_start3A_276 = tpu.memref_slice %arg2[%arg0, %dma_start3A_274, %dma_start3A_275] : memref<2x10240x64xf32, #tpu.memory_space<hbm>> -> memref<1x10240x64xf32, #tpu.memory_space<hbm>>
        %dma_start3A_277 = tpu.memref_squeeze %dma_start3A_276 : memref<1x10240x64xf32, #tpu.memory_space<hbm>> -> memref<10240x64xf32, #tpu.memory_space<hbm>>
        %dma_start3A_278 = arith.constant 0 : i32
        %dma_start3A_279 = arith.constant 0 : i32
        %dma_start3A_280 = tpu.memref_slice %dma_start3A_277[%dma_start3A_278, %dma_start3A_279] : memref<10240x64xf32, #tpu.memory_space<hbm>> -> memref<10240x64xf32, #tpu.memory_space<hbm>>
        tpu.enqueue_indirect_dma source(%dma_start3A_280 : memref<10240x64xf32, #tpu.memory_space<hbm>>) target(%dma_start3A_270 : memref<128x64xf32, #tpu.memory_space<vmem>>) offsets(%dma_start3A_273 : memref<128xi32, #tpu.memory_space<vmem>>) semaphore(%arg9 : memref<!tpu.dma_semaphore, #tpu.memory_space<semaphore_mem>>)
      } else {
      }
      %add3A_141 = arith.constant 1 : i32
      %add3A_142 = arith.addi %mul3A_119, %add3A_141 : i32
      %dma_wait3A_143 = arith.constant 1 : i32
      %dma_wait3A_144 = arith.constant 0 : i32
      %dma_wait3A_145 = arith.constant 0 : i32
      %dma_wait3A_146 = tpu.memref_slice %arg8[%dma_wait3A_143, %dma_wait3A_144, %dma_wait3A_145] : memref<6x128x64xf32, #tpu.memory_space<vmem>> -> memref<1x128x64xf32, #tpu.memory_space<vmem>>
      %dma_wait3A_147 = tpu.memref_squeeze %dma_wait3A_146 : memref<1x128x64xf32, #tpu.memory_space<vmem>> -> memref<128x64xf32, #tpu.memory_space<vmem>>
      %dma_wait3A_148 = arith.constant 0 : i32
      %dma_wait3A_149 = tpu.memref_slice %arg6[%add3A_142, %dma_wait3A_148] : memref<157x128xi32, #tpu.memory_space<vmem>> -> memref<1x128xi32, #tpu.memory_space<vmem>>
      %dma_wait3A_150 = tpu.memref_squeeze %dma_wait3A_149 : memref<1x128xi32, #tpu.memory_space<vmem>> -> memref<128xi32, #tpu.memory_space<vmem>>
      %dma_wait3A_151 = arith.constant 0 : i32
      %dma_wait3A_152 = arith.constant 0 : i32
      %dma_wait3A_153 = tpu.memref_slice %arg2[%arg0, %dma_wait3A_151, %dma_wait3A_152] : memref<2x10240x64xf32, #tpu.memory_space<hbm>> -> memref<1x10240x64xf32, #tpu.memory_space<hbm>>
      %dma_wait3A_154 = tpu.memref_squeeze %dma_wait3A_153 : memref<1x10240x64xf32, #tpu.memory_space<hbm>> -> memref<10240x64xf32, #tpu.memory_space<hbm>>
      %dma_wait3A_155 = arith.constant 0 : i32
      %dma_wait3A_156 = arith.constant 0 : i32
      %dma_wait3A_157 = tpu.memref_slice %dma_wait3A_154[%dma_wait3A_155, %dma_wait3A_156] : memref<10240x64xf32, #tpu.memory_space<hbm>> -> memref<10240x64xf32, #tpu.memory_space<hbm>>
      tpu.wait_indirect_dma semaphore(%arg10 : memref<!tpu.dma_semaphore, #tpu.memory_space<semaphore_mem>>) src(%dma_wait3A_157 : memref<10240x64xf32, #tpu.memory_space<hbm>>) dst(%dma_wait3A_147 : memref<128x64xf32, #tpu.memory_space<vmem>>)
      %run_scoped3A_158 = arith.constant 1 : i32
      "tpu.region"() ({
        %run_scoped3A_266 = tpu.sem_alloc : memref<!tpu.dma_semaphore, #tpu.memory_space<semaphore_mem>>
        %dma_start3A_267 = arith.constant 0 : i32
        %dma_start3A_268 = arith.constant 0 : i32
        %dma_start3A_269 = tpu.memref_slice %arg8[%run_scoped3A_158, %dma_start3A_267, %dma_start3A_268] : memref<6x128x64xf32, #tpu.memory_space<vmem>> -> memref<1x128x64xf32, #tpu.memory_space<vmem>>
        %dma_start3A_270 = tpu.memref_squeeze %dma_start3A_269 : memref<1x128x64xf32, #tpu.memory_space<vmem>> -> memref<128x64xf32, #tpu.memory_space<vmem>>
        %dma_start3A_271 = arith.constant 0 : i32
        %dma_start3A_272 = tpu.memref_slice %arg7[%add3A_142, %dma_start3A_271] : memref<157x128xi32, #tpu.memory_space<vmem>> -> memref<1x128xi32, #tpu.memory_space<vmem>>
        %dma_start3A_273 = tpu.memref_squeeze %dma_start3A_272 : memref<1x128xi32, #tpu.memory_space<vmem>> -> memref<128xi32, #tpu.memory_space<vmem>>
        %dma_start3A_274 = arith.constant 0 : i32
        %dma_start3A_275 = arith.constant 0 : i32
        %dma_start3A_276 = tpu.memref_slice %arg15[%dma_start3A_274, %dma_start3A_275] : memref<10240x64xf32, #tpu.memory_space<vmem_shared>> -> memref<10240x64xf32, #tpu.memory_space<vmem_shared>>
        tpu.enqueue_indirect_dma source(%dma_start3A_270 : memref<128x64xf32, #tpu.memory_space<vmem>>) target(%dma_start3A_276 : memref<10240x64xf32, #tpu.memory_space<vmem_shared>>) offsets(%dma_start3A_273 : memref<128xi32, #tpu.memory_space<vmem>>) semaphore(%run_scoped3A_266 : memref<!tpu.dma_semaphore, #tpu.memory_space<semaphore_mem>>) {add = true}
        %dma_wait3A_277 = arith.constant 0 : i32
        %dma_wait3A_278 = arith.constant 0 : i32
        %dma_wait3A_279 = tpu.memref_slice %arg8[%run_scoped3A_158, %dma_wait3A_277, %dma_wait3A_278] : memref<6x128x64xf32, #tpu.memory_space<vmem>> -> memref<1x128x64xf32, #tpu.memory_space<vmem>>
        %dma_wait3A_280 = tpu.memref_squeeze %dma_wait3A_279 : memref<1x128x64xf32, #tpu.memory_space<vmem>> -> memref<128x64xf32, #tpu.memory_space<vmem>>
        %dma_wait3A_281 = arith.constant 0 : i32
        %dma_wait3A_282 = tpu.memref_slice %arg7[%add3A_142, %dma_wait3A_281] : memref<157x128xi32, #tpu.memory_space<vmem>> -> memref<1x128xi32, #tpu.memory_space<vmem>>
        %dma_wait3A_283 = tpu.memref_squeeze %dma_wait3A_282 : memref<1x128xi32, #tpu.memory_space<vmem>> -> memref<128xi32, #tpu.memory_space<vmem>>
        %dma_wait3A_284 = arith.constant 0 : i32
        %dma_wait3A_285 = arith.constant 0 : i32
        %dma_wait3A_286 = tpu.memref_slice %arg15[%dma_wait3A_284, %dma_wait3A_285] : memref<10240x64xf32, #tpu.memory_space<vmem_shared>> -> memref<10240x64xf32, #tpu.memory_space<vmem_shared>>
        tpu.wait_indirect_dma semaphore(%run_scoped3A_266 : memref<!tpu.dma_semaphore, #tpu.memory_space<semaphore_mem>>) src(%dma_wait3A_280 : memref<128x64xf32, #tpu.memory_space<vmem>>) dst(%dma_wait3A_286 : memref<10240x64xf32, #tpu.memory_space<vmem_shared>>)
        tpu.yield
      }) : () -> ()
      %add3A_159 = arith.constant 6 : i32
      %add3A_160 = arith.addi %add3A_142, %add3A_159 : i32
      %lt3A_161 = arith.constant 157 : i32
      %lt3A_162 = arith.cmpi slt, %add3A_160, %lt3A_161 : i32
      %convert_element_type3A_163 = arith.extui %lt3A_162 : i1 to i32
      %cond3A_164 = arith.constant 0 : i32
      %cond3A_165 = arith.cmpi ne, %convert_element_type3A_163, %cond3A_164 : i32
      scf.if %cond3A_165 {
        %dma_start3A_266 = arith.constant 1 : i32
        %dma_start3A_267 = arith.constant 0 : i32
        %dma_start3A_268 = arith.constant 0 : i32
        %dma_start3A_269 = tpu.memref_slice %arg8[%dma_start3A_266, %dma_start3A_267, %dma_start3A_268] : memref<6x128x64xf32, #tpu.memory_space<vmem>> -> memref<1x128x64xf32, #tpu.memory_space<vmem>>
        %dma_start3A_270 = tpu.memref_squeeze %dma_start3A_269 : memref<1x128x64xf32, #tpu.memory_space<vmem>> -> memref<128x64xf32, #tpu.memory_space<vmem>>
        %dma_start3A_271 = arith.constant 0 : i32
        %dma_start3A_272 = tpu.memref_slice %arg6[%add3A_160, %dma_start3A_271] : memref<157x128xi32, #tpu.memory_space<vmem>> -> memref<1x128xi32, #tpu.memory_space<vmem>>
        %dma_start3A_273 = tpu.memref_squeeze %dma_start3A_272 : memref<1x128xi32, #tpu.memory_space<vmem>> -> memref<128xi32, #tpu.memory_space<vmem>>
        %dma_start3A_274 = arith.constant 0 : i32
        %dma_start3A_275 = arith.constant 0 : i32
        %dma_start3A_276 = tpu.memref_slice %arg2[%arg0, %dma_start3A_274, %dma_start3A_275] : memref<2x10240x64xf32, #tpu.memory_space<hbm>> -> memref<1x10240x64xf32, #tpu.memory_space<hbm>>
        %dma_start3A_277 = tpu.memref_squeeze %dma_start3A_276 : memref<1x10240x64xf32, #tpu.memory_space<hbm>> -> memref<10240x64xf32, #tpu.memory_space<hbm>>
        %dma_start3A_278 = arith.constant 0 : i32
        %dma_start3A_279 = arith.constant 0 : i32
        %dma_start3A_280 = tpu.memref_slice %dma_start3A_277[%dma_start3A_278, %dma_start3A_279] : memref<10240x64xf32, #tpu.memory_space<hbm>> -> memref<10240x64xf32, #tpu.memory_space<hbm>>
        tpu.enqueue_indirect_dma source(%dma_start3A_280 : memref<10240x64xf32, #tpu.memory_space<hbm>>) target(%dma_start3A_270 : memref<128x64xf32, #tpu.memory_space<vmem>>) offsets(%dma_start3A_273 : memref<128xi32, #tpu.memory_space<vmem>>) semaphore(%arg10 : memref<!tpu.dma_semaphore, #tpu.memory_space<semaphore_mem>>)
      } else {
      }
      %add3A_166 = arith.constant 2 : i32
      %add3A_167 = arith.addi %mul3A_119, %add3A_166 : i32
      %dma_wait3A_168 = arith.constant 2 : i32
      %dma_wait3A_169 = arith.constant 0 : i32
      %dma_wait3A_170 = arith.constant 0 : i32
      %dma_wait3A_171 = tpu.memref_slice %arg8[%dma_wait3A_168, %dma_wait3A_169, %dma_wait3A_170] : memref<6x128x64xf32, #tpu.memory_space<vmem>> -> memref<1x128x64xf32, #tpu.memory_space<vmem>>
      %dma_wait3A_172 = tpu.memref_squeeze %dma_wait3A_171 : memref<1x128x64xf32, #tpu.memory_space<vmem>> -> memref<128x64xf32, #tpu.memory_space<vmem>>
      %dma_wait3A_173 = arith.constant 0 : i32
      %dma_wait3A_174 = tpu.memref_slice %arg6[%add3A_167, %dma_wait3A_173] : memref<157x128xi32, #tpu.memory_space<vmem>> -> memref<1x128xi32, #tpu.memory_space<vmem>>
      %dma_wait3A_175 = tpu.memref_squeeze %dma_wait3A_174 : memref<1x128xi32, #tpu.memory_space<vmem>> -> memref<128xi32, #tpu.memory_space<vmem>>
      %dma_wait3A_176 = arith.constant 0 : i32
      %dma_wait3A_177 = arith.constant 0 : i32
      %dma_wait3A_178 = tpu.memref_slice %arg2[%arg0, %dma_wait3A_176, %dma_wait3A_177] : memref<2x10240x64xf32, #tpu.memory_space<hbm>> -> memref<1x10240x64xf32, #tpu.memory_space<hbm>>
      %dma_wait3A_179 = tpu.memref_squeeze %dma_wait3A_178 : memref<1x10240x64xf32, #tpu.memory_space<hbm>> -> memref<10240x64xf32, #tpu.memory_space<hbm>>
      %dma_wait3A_180 = arith.constant 0 : i32
      %dma_wait3A_181 = arith.constant 0 : i32
      %dma_wait3A_182 = tpu.memref_slice %dma_wait3A_179[%dma_wait3A_180, %dma_wait3A_181] : memref<10240x64xf32, #tpu.memory_space<hbm>> -> memref<10240x64xf32, #tpu.memory_space<hbm>>
      tpu.wait_indirect_dma semaphore(%arg11 : memref<!tpu.dma_semaphore, #tpu.memory_space<semaphore_mem>>) src(%dma_wait3A_182 : memref<10240x64xf32, #tpu.memory_space<hbm>>) dst(%dma_wait3A_172 : memref<128x64xf32, #tpu.memory_space<vmem>>)
      %run_scoped3A_183 = arith.constant 2 : i32
      "tpu.region"() ({
        %run_scoped3A_266 = tpu.sem_alloc : memref<!tpu.dma_semaphore, #tpu.memory_space<semaphore_mem>>
        %dma_start3A_267 = arith.constant 0 : i32
        %dma_start3A_268 = arith.constant 0 : i32
        %dma_start3A_269 = tpu.memref_slice %arg8[%run_scoped3A_183, %dma_start3A_267, %dma_start3A_268] : memref<6x128x64xf32, #tpu.memory_space<vmem>> -> memref<1x128x64xf32, #tpu.memory_space<vmem>>
        %dma_start3A_270 = tpu.memref_squeeze %dma_start3A_269 : memref<1x128x64xf32, #tpu.memory_space<vmem>> -> memref<128x64xf32, #tpu.memory_space<vmem>>
        %dma_start3A_271 = arith.constant 0 : i32
        %dma_start3A_272 = tpu.memref_slice %arg7[%add3A_167, %dma_start3A_271] : memref<157x128xi32, #tpu.memory_space<vmem>> -> memref<1x128xi32, #tpu.memory_space<vmem>>
        %dma_start3A_273 = tpu.memref_squeeze %dma_start3A_272 : memref<1x128xi32, #tpu.memory_space<vmem>> -> memref<128xi32, #tpu.memory_space<vmem>>
        %dma_start3A_274 = arith.constant 0 : i32
        %dma_start3A_275 = arith.constant 0 : i32
        %dma_start3A_276 = tpu.memref_slice %arg15[%dma_start3A_274, %dma_start3A_275] : memref<10240x64xf32, #tpu.memory_space<vmem_shared>> -> memref<10240x64xf32, #tpu.memory_space<vmem_shared>>
        tpu.enqueue_indirect_dma source(%dma_start3A_270 : memref<128x64xf32, #tpu.memory_space<vmem>>) target(%dma_start3A_276 : memref<10240x64xf32, #tpu.memory_space<vmem_shared>>) offsets(%dma_start3A_273 : memref<128xi32, #tpu.memory_space<vmem>>) semaphore(%run_scoped3A_266 : memref<!tpu.dma_semaphore, #tpu.memory_space<semaphore_mem>>) {add = true}
        %dma_wait3A_277 = arith.constant 0 : i32
        %dma_wait3A_278 = arith.constant 0 : i32
        %dma_wait3A_279 = tpu.memref_slice %arg8[%run_scoped3A_183, %dma_wait3A_277, %dma_wait3A_278] : memref<6x128x64xf32, #tpu.memory_space<vmem>> -> memref<1x128x64xf32, #tpu.memory_space<vmem>>
        %dma_wait3A_280 = tpu.memref_squeeze %dma_wait3A_279 : memref<1x128x64xf32, #tpu.memory_space<vmem>> -> memref<128x64xf32, #tpu.memory_space<vmem>>
        %dma_wait3A_281 = arith.constant 0 : i32
        %dma_wait3A_282 = tpu.memref_slice %arg7[%add3A_167, %dma_wait3A_281] : memref<157x128xi32, #tpu.memory_space<vmem>> -> memref<1x128xi32, #tpu.memory_space<vmem>>
        %dma_wait3A_283 = tpu.memref_squeeze %dma_wait3A_282 : memref<1x128xi32, #tpu.memory_space<vmem>> -> memref<128xi32, #tpu.memory_space<vmem>>
        %dma_wait3A_284 = arith.constant 0 : i32
        %dma_wait3A_285 = arith.constant 0 : i32
        %dma_wait3A_286 = tpu.memref_slice %arg15[%dma_wait3A_284, %dma_wait3A_285] : memref<10240x64xf32, #tpu.memory_space<vmem_shared>> -> memref<10240x64xf32, #tpu.memory_space<vmem_shared>>
        tpu.wait_indirect_dma semaphore(%run_scoped3A_266 : memref<!tpu.dma_semaphore, #tpu.memory_space<semaphore_mem>>) src(%dma_wait3A_280 : memref<128x64xf32, #tpu.memory_space<vmem>>) dst(%dma_wait3A_286 : memref<10240x64xf32, #tpu.memory_space<vmem_shared>>)
        tpu.yield
      }) : () -> ()
      %add3A_184 = arith.constant 6 : i32
      %add3A_185 = arith.addi %add3A_167, %add3A_184 : i32
      %lt3A_186 = arith.constant 157 : i32
      %lt3A_187 = arith.cmpi slt, %add3A_185, %lt3A_186 : i32
      %convert_element_type3A_188 = arith.extui %lt3A_187 : i1 to i32
      %cond3A_189 = arith.constant 0 : i32
      %cond3A_190 = arith.cmpi ne, %convert_element_type3A_188, %cond3A_189 : i32
      scf.if %cond3A_190 {
        %dma_start3A_266 = arith.constant 2 : i32
        %dma_start3A_267 = arith.constant 0 : i32
        %dma_start3A_268 = arith.constant 0 : i32
        %dma_start3A_269 = tpu.memref_slice %arg8[%dma_start3A_266, %dma_start3A_267, %dma_start3A_268] : memref<6x128x64xf32, #tpu.memory_space<vmem>> -> memref<1x128x64xf32, #tpu.memory_space<vmem>>
        %dma_start3A_270 = tpu.memref_squeeze %dma_start3A_269 : memref<1x128x64xf32, #tpu.memory_space<vmem>> -> memref<128x64xf32, #tpu.memory_space<vmem>>
        %dma_start3A_271 = arith.constant 0 : i32
        %dma_start3A_272 = tpu.memref_slice %arg6[%add3A_185, %dma_start3A_271] : memref<157x128xi32, #tpu.memory_space<vmem>> -> memref<1x128xi32, #tpu.memory_space<vmem>>
        %dma_start3A_273 = tpu.memref_squeeze %dma_start3A_272 : memref<1x128xi32, #tpu.memory_space<vmem>> -> memref<128xi32, #tpu.memory_space<vmem>>
        %dma_start3A_274 = arith.constant 0 : i32
        %dma_start3A_275 = arith.constant 0 : i32
        %dma_start3A_276 = tpu.memref_slice %arg2[%arg0, %dma_start3A_274, %dma_start3A_275] : memref<2x10240x64xf32, #tpu.memory_space<hbm>> -> memref<1x10240x64xf32, #tpu.memory_space<hbm>>
        %dma_start3A_277 = tpu.memref_squeeze %dma_start3A_276 : memref<1x10240x64xf32, #tpu.memory_space<hbm>> -> memref<10240x64xf32, #tpu.memory_space<hbm>>
        %dma_start3A_278 = arith.constant 0 : i32
        %dma_start3A_279 = arith.constant 0 : i32
        %dma_start3A_280 = tpu.memref_slice %dma_start3A_277[%dma_start3A_278, %dma_start3A_279] : memref<10240x64xf32, #tpu.memory_space<hbm>> -> memref<10240x64xf32, #tpu.memory_space<hbm>>
        tpu.enqueue_indirect_dma source(%dma_start3A_280 : memref<10240x64xf32, #tpu.memory_space<hbm>>) target(%dma_start3A_270 : memref<128x64xf32, #tpu.memory_space<vmem>>) offsets(%dma_start3A_273 : memref<128xi32, #tpu.memory_space<vmem>>) semaphore(%arg11 : memref<!tpu.dma_semaphore, #tpu.memory_space<semaphore_mem>>)
      } else {
      }
      %add3A_191 = arith.constant 3 : i32
      %add3A_192 = arith.addi %mul3A_119, %add3A_191 : i32
      %dma_wait3A_193 = arith.constant 3 : i32
      %dma_wait3A_194 = arith.constant 0 : i32
      %dma_wait3A_195 = arith.constant 0 : i32
      %dma_wait3A_196 = tpu.memref_slice %arg8[%dma_wait3A_193, %dma_wait3A_194, %dma_wait3A_195] : memref<6x128x64xf32, #tpu.memory_space<vmem>> -> memref<1x128x64xf32, #tpu.memory_space<vmem>>
      %dma_wait3A_197 = tpu.memref_squeeze %dma_wait3A_196 : memref<1x128x64xf32, #tpu.memory_space<vmem>> -> memref<128x64xf32, #tpu.memory_space<vmem>>
      %dma_wait3A_198 = arith.constant 0 : i32
      %dma_wait3A_199 = tpu.memref_slice %arg6[%add3A_192, %dma_wait3A_198] : memref<157x128xi32, #tpu.memory_space<vmem>> -> memref<1x128xi32, #tpu.memory_space<vmem>>
      %dma_wait3A_200 = tpu.memref_squeeze %dma_wait3A_199 : memref<1x128xi32, #tpu.memory_space<vmem>> -> memref<128xi32, #tpu.memory_space<vmem>>
      %dma_wait3A_201 = arith.constant 0 : i32
      %dma_wait3A_202 = arith.constant 0 : i32
      %dma_wait3A_203 = tpu.memref_slice %arg2[%arg0, %dma_wait3A_201, %dma_wait3A_202] : memref<2x10240x64xf32, #tpu.memory_space<hbm>> -> memref<1x10240x64xf32, #tpu.memory_space<hbm>>
      %dma_wait3A_204 = tpu.memref_squeeze %dma_wait3A_203 : memref<1x10240x64xf32, #tpu.memory_space<hbm>> -> memref<10240x64xf32, #tpu.memory_space<hbm>>
      %dma_wait3A_205 = arith.constant 0 : i32
      %dma_wait3A_206 = arith.constant 0 : i32
      %dma_wait3A_207 = tpu.memref_slice %dma_wait3A_204[%dma_wait3A_205, %dma_wait3A_206] : memref<10240x64xf32, #tpu.memory_space<hbm>> -> memref<10240x64xf32, #tpu.memory_space<hbm>>
      tpu.wait_indirect_dma semaphore(%arg12 : memref<!tpu.dma_semaphore, #tpu.memory_space<semaphore_mem>>) src(%dma_wait3A_207 : memref<10240x64xf32, #tpu.memory_space<hbm>>) dst(%dma_wait3A_197 : memref<128x64xf32, #tpu.memory_space<vmem>>)
      %run_scoped3A_208 = arith.constant 3 : i32
      "tpu.region"() ({
        %run_scoped3A_266 = tpu.sem_alloc : memref<!tpu.dma_semaphore, #tpu.memory_space<semaphore_mem>>
        %dma_start3A_267 = arith.constant 0 : i32
        %dma_start3A_268 = arith.constant 0 : i32
        %dma_start3A_269 = tpu.memref_slice %arg8[%run_scoped3A_208, %dma_start3A_267, %dma_start3A_268] : memref<6x128x64xf32, #tpu.memory_space<vmem>> -> memref<1x128x64xf32, #tpu.memory_space<vmem>>
        %dma_start3A_270 = tpu.memref_squeeze %dma_start3A_269 : memref<1x128x64xf32, #tpu.memory_space<vmem>> -> memref<128x64xf32, #tpu.memory_space<vmem>>
        %dma_start3A_271 = arith.constant 0 : i32
        %dma_start3A_272 = tpu.memref_slice %arg7[%add3A_192, %dma_start3A_271] : memref<157x128xi32, #tpu.memory_space<vmem>> -> memref<1x128xi32, #tpu.memory_space<vmem>>
        %dma_start3A_273 = tpu.memref_squeeze %dma_start3A_272 : memref<1x128xi32, #tpu.memory_space<vmem>> -> memref<128xi32, #tpu.memory_space<vmem>>
        %dma_start3A_274 = arith.constant 0 : i32
        %dma_start3A_275 = arith.constant 0 : i32
        %dma_start3A_276 = tpu.memref_slice %arg15[%dma_start3A_274, %dma_start3A_275] : memref<10240x64xf32, #tpu.memory_space<vmem_shared>> -> memref<10240x64xf32, #tpu.memory_space<vmem_shared>>
        tpu.enqueue_indirect_dma source(%dma_start3A_270 : memref<128x64xf32, #tpu.memory_space<vmem>>) target(%dma_start3A_276 : memref<10240x64xf32, #tpu.memory_space<vmem_shared>>) offsets(%dma_start3A_273 : memref<128xi32, #tpu.memory_space<vmem>>) semaphore(%run_scoped3A_266 : memref<!tpu.dma_semaphore, #tpu.memory_space<semaphore_mem>>) {add = true}
        %dma_wait3A_277 = arith.constant 0 : i32
        %dma_wait3A_278 = arith.constant 0 : i32
        %dma_wait3A_279 = tpu.memref_slice %arg8[%run_scoped3A_208, %dma_wait3A_277, %dma_wait3A_278] : memref<6x128x64xf32, #tpu.memory_space<vmem>> -> memref<1x128x64xf32, #tpu.memory_space<vmem>>
        %dma_wait3A_280 = tpu.memref_squeeze %dma_wait3A_279 : memref<1x128x64xf32, #tpu.memory_space<vmem>> -> memref<128x64xf32, #tpu.memory_space<vmem>>
        %dma_wait3A_281 = arith.constant 0 : i32
        %dma_wait3A_282 = tpu.memref_slice %arg7[%add3A_192, %dma_wait3A_281] : memref<157x128xi32, #tpu.memory_space<vmem>> -> memref<1x128xi32, #tpu.memory_space<vmem>>
        %dma_wait3A_283 = tpu.memref_squeeze %dma_wait3A_282 : memref<1x128xi32, #tpu.memory_space<vmem>> -> memref<128xi32, #tpu.memory_space<vmem>>
        %dma_wait3A_284 = arith.constant 0 : i32
        %dma_wait3A_285 = arith.constant 0 : i32
        %dma_wait3A_286 = tpu.memref_slice %arg15[%dma_wait3A_284, %dma_wait3A_285] : memref<10240x64xf32, #tpu.memory_space<vmem_shared>> -> memref<10240x64xf32, #tpu.memory_space<vmem_shared>>
        tpu.wait_indirect_dma semaphore(%run_scoped3A_266 : memref<!tpu.dma_semaphore, #tpu.memory_space<semaphore_mem>>) src(%dma_wait3A_280 : memref<128x64xf32, #tpu.memory_space<vmem>>) dst(%dma_wait3A_286 : memref<10240x64xf32, #tpu.memory_space<vmem_shared>>)
        tpu.yield
      }) : () -> ()
      %add3A_209 = arith.constant 6 : i32
      %add3A_210 = arith.addi %add3A_192, %add3A_209 : i32
      %lt3A_211 = arith.constant 157 : i32
      %lt3A_212 = arith.cmpi slt, %add3A_210, %lt3A_211 : i32
      %convert_element_type3A_213 = arith.extui %lt3A_212 : i1 to i32
      %cond3A_214 = arith.constant 0 : i32
      %cond3A_215 = arith.cmpi ne, %convert_element_type3A_213, %cond3A_214 : i32
      scf.if %cond3A_215 {
        %dma_start3A_266 = arith.constant 3 : i32
        %dma_start3A_267 = arith.constant 0 : i32
        %dma_start3A_268 = arith.constant 0 : i32
        %dma_start3A_269 = tpu.memref_slice %arg8[%dma_start3A_266, %dma_start3A_267, %dma_start3A_268] : memref<6x128x64xf32, #tpu.memory_space<vmem>> -> memref<1x128x64xf32, #tpu.memory_space<vmem>>
        %dma_start3A_270 = tpu.memref_squeeze %dma_start3A_269 : memref<1x128x64xf32, #tpu.memory_space<vmem>> -> memref<128x64xf32, #tpu.memory_space<vmem>>
        %dma_start3A_271 = arith.constant 0 : i32
        %dma_start3A_272 = tpu.memref_slice %arg6[%add3A_210, %dma_start3A_271] : memref<157x128xi32, #tpu.memory_space<vmem>> -> memref<1x128xi32, #tpu.memory_space<vmem>>
        %dma_start3A_273 = tpu.memref_squeeze %dma_start3A_272 : memref<1x128xi32, #tpu.memory_space<vmem>> -> memref<128xi32, #tpu.memory_space<vmem>>
        %dma_start3A_274 = arith.constant 0 : i32
        %dma_start3A_275 = arith.constant 0 : i32
        %dma_start3A_276 = tpu.memref_slice %arg2[%arg0, %dma_start3A_274, %dma_start3A_275] : memref<2x10240x64xf32, #tpu.memory_space<hbm>> -> memref<1x10240x64xf32, #tpu.memory_space<hbm>>
        %dma_start3A_277 = tpu.memref_squeeze %dma_start3A_276 : memref<1x10240x64xf32, #tpu.memory_space<hbm>> -> memref<10240x64xf32, #tpu.memory_space<hbm>>
        %dma_start3A_278 = arith.constant 0 : i32
        %dma_start3A_279 = arith.constant 0 : i32
        %dma_start3A_280 = tpu.memref_slice %dma_start3A_277[%dma_start3A_278, %dma_start3A_279] : memref<10240x64xf32, #tpu.memory_space<hbm>> -> memref<10240x64xf32, #tpu.memory_space<hbm>>
        tpu.enqueue_indirect_dma source(%dma_start3A_280 : memref<10240x64xf32, #tpu.memory_space<hbm>>) target(%dma_start3A_270 : memref<128x64xf32, #tpu.memory_space<vmem>>) offsets(%dma_start3A_273 : memref<128xi32, #tpu.memory_space<vmem>>) semaphore(%arg12 : memref<!tpu.dma_semaphore, #tpu.memory_space<semaphore_mem>>)
      } else {
      }
      %add3A_216 = arith.constant 4 : i32
      %add3A_217 = arith.addi %mul3A_119, %add3A_216 : i32
      %dma_wait3A_218 = arith.constant 4 : i32
      %dma_wait3A_219 = arith.constant 0 : i32
      %dma_wait3A_220 = arith.constant 0 : i32
      %dma_wait3A_221 = tpu.memref_slice %arg8[%dma_wait3A_218, %dma_wait3A_219, %dma_wait3A_220] : memref<6x128x64xf32, #tpu.memory_space<vmem>> -> memref<1x128x64xf32, #tpu.memory_space<vmem>>
      %dma_wait3A_222 = tpu.memref_squeeze %dma_wait3A_221 : memref<1x128x64xf32, #tpu.memory_space<vmem>> -> memref<128x64xf32, #tpu.memory_space<vmem>>
      %dma_wait3A_223 = arith.constant 0 : i32
      %dma_wait3A_224 = tpu.memref_slice %arg6[%add3A_217, %dma_wait3A_223] : memref<157x128xi32, #tpu.memory_space<vmem>> -> memref<1x128xi32, #tpu.memory_space<vmem>>
      %dma_wait3A_225 = tpu.memref_squeeze %dma_wait3A_224 : memref<1x128xi32, #tpu.memory_space<vmem>> -> memref<128xi32, #tpu.memory_space<vmem>>
      %dma_wait3A_226 = arith.constant 0 : i32
      %dma_wait3A_227 = arith.constant 0 : i32
      %dma_wait3A_228 = tpu.memref_slice %arg2[%arg0, %dma_wait3A_226, %dma_wait3A_227] : memref<2x10240x64xf32, #tpu.memory_space<hbm>> -> memref<1x10240x64xf32, #tpu.memory_space<hbm>>
      %dma_wait3A_229 = tpu.memref_squeeze %dma_wait3A_228 : memref<1x10240x64xf32, #tpu.memory_space<hbm>> -> memref<10240x64xf32, #tpu.memory_space<hbm>>
      %dma_wait3A_230 = arith.constant 0 : i32
      %dma_wait3A_231 = arith.constant 0 : i32
      %dma_wait3A_232 = tpu.memref_slice %dma_wait3A_229[%dma_wait3A_230, %dma_wait3A_231] : memref<10240x64xf32, #tpu.memory_space<hbm>> -> memref<10240x64xf32, #tpu.memory_space<hbm>>
      tpu.wait_indirect_dma semaphore(%arg13 : memref<!tpu.dma_semaphore, #tpu.memory_space<semaphore_mem>>) src(%dma_wait3A_232 : memref<10240x64xf32, #tpu.memory_space<hbm>>) dst(%dma_wait3A_222 : memref<128x64xf32, #tpu.memory_space<vmem>>)
      %run_scoped3A_233 = arith.constant 4 : i32
      "tpu.region"() ({
        %run_scoped3A_266 = tpu.sem_alloc : memref<!tpu.dma_semaphore, #tpu.memory_space<semaphore_mem>>
        %dma_start3A_267 = arith.constant 0 : i32
        %dma_start3A_268 = arith.constant 0 : i32
        %dma_start3A_269 = tpu.memref_slice %arg8[%run_scoped3A_233, %dma_start3A_267, %dma_start3A_268] : memref<6x128x64xf32, #tpu.memory_space<vmem>> -> memref<1x128x64xf32, #tpu.memory_space<vmem>>
        %dma_start3A_270 = tpu.memref_squeeze %dma_start3A_269 : memref<1x128x64xf32, #tpu.memory_space<vmem>> -> memref<128x64xf32, #tpu.memory_space<vmem>>
        %dma_start3A_271 = arith.constant 0 : i32
        %dma_start3A_272 = tpu.memref_slice %arg7[%add3A_217, %dma_start3A_271] : memref<157x128xi32, #tpu.memory_space<vmem>> -> memref<1x128xi32, #tpu.memory_space<vmem>>
        %dma_start3A_273 = tpu.memref_squeeze %dma_start3A_272 : memref<1x128xi32, #tpu.memory_space<vmem>> -> memref<128xi32, #tpu.memory_space<vmem>>
        %dma_start3A_274 = arith.constant 0 : i32
        %dma_start3A_275 = arith.constant 0 : i32
        %dma_start3A_276 = tpu.memref_slice %arg15[%dma_start3A_274, %dma_start3A_275] : memref<10240x64xf32, #tpu.memory_space<vmem_shared>> -> memref<10240x64xf32, #tpu.memory_space<vmem_shared>>
        tpu.enqueue_indirect_dma source(%dma_start3A_270 : memref<128x64xf32, #tpu.memory_space<vmem>>) target(%dma_start3A_276 : memref<10240x64xf32, #tpu.memory_space<vmem_shared>>) offsets(%dma_start3A_273 : memref<128xi32, #tpu.memory_space<vmem>>) semaphore(%run_scoped3A_266 : memref<!tpu.dma_semaphore, #tpu.memory_space<semaphore_mem>>) {add = true}
        %dma_wait3A_277 = arith.constant 0 : i32
        %dma_wait3A_278 = arith.constant 0 : i32
        %dma_wait3A_279 = tpu.memref_slice %arg8[%run_scoped3A_233, %dma_wait3A_277, %dma_wait3A_278] : memref<6x128x64xf32, #tpu.memory_space<vmem>> -> memref<1x128x64xf32, #tpu.memory_space<vmem>>
        %dma_wait3A_280 = tpu.memref_squeeze %dma_wait3A_279 : memref<1x128x64xf32, #tpu.memory_space<vmem>> -> memref<128x64xf32, #tpu.memory_space<vmem>>
        %dma_wait3A_281 = arith.constant 0 : i32
        %dma_wait3A_282 = tpu.memref_slice %arg7[%add3A_217, %dma_wait3A_281] : memref<157x128xi32, #tpu.memory_space<vmem>> -> memref<1x128xi32, #tpu.memory_space<vmem>>
        %dma_wait3A_283 = tpu.memref_squeeze %dma_wait3A_282 : memref<1x128xi32, #tpu.memory_space<vmem>> -> memref<128xi32, #tpu.memory_space<vmem>>
        %dma_wait3A_284 = arith.constant 0 : i32
        %dma_wait3A_285 = arith.constant 0 : i32
        %dma_wait3A_286 = tpu.memref_slice %arg15[%dma_wait3A_284, %dma_wait3A_285] : memref<10240x64xf32, #tpu.memory_space<vmem_shared>> -> memref<10240x64xf32, #tpu.memory_space<vmem_shared>>
        tpu.wait_indirect_dma semaphore(%run_scoped3A_266 : memref<!tpu.dma_semaphore, #tpu.memory_space<semaphore_mem>>) src(%dma_wait3A_280 : memref<128x64xf32, #tpu.memory_space<vmem>>) dst(%dma_wait3A_286 : memref<10240x64xf32, #tpu.memory_space<vmem_shared>>)
        tpu.yield
      }) : () -> ()
      %add3A_234 = arith.constant 6 : i32
      %add3A_235 = arith.addi %add3A_217, %add3A_234 : i32
      %lt3A_236 = arith.constant 157 : i32
      %lt3A_237 = arith.cmpi slt, %add3A_235, %lt3A_236 : i32
      %convert_element_type3A_238 = arith.extui %lt3A_237 : i1 to i32
      %cond3A_239 = arith.constant 0 : i32
      %cond3A_240 = arith.cmpi ne, %convert_element_type3A_238, %cond3A_239 : i32
      scf.if %cond3A_240 {
        %dma_start3A_266 = arith.constant 4 : i32
        %dma_start3A_267 = arith.constant 0 : i32
        %dma_start3A_268 = arith.constant 0 : i32
        %dma_start3A_269 = tpu.memref_slice %arg8[%dma_start3A_266, %dma_start3A_267, %dma_start3A_268] : memref<6x128x64xf32, #tpu.memory_space<vmem>> -> memref<1x128x64xf32, #tpu.memory_space<vmem>>
        %dma_start3A_270 = tpu.memref_squeeze %dma_start3A_269 : memref<1x128x64xf32, #tpu.memory_space<vmem>> -> memref<128x64xf32, #tpu.memory_space<vmem>>
        %dma_start3A_271 = arith.constant 0 : i32
        %dma_start3A_272 = tpu.memref_slice %arg6[%add3A_235, %dma_start3A_271] : memref<157x128xi32, #tpu.memory_space<vmem>> -> memref<1x128xi32, #tpu.memory_space<vmem>>
        %dma_start3A_273 = tpu.memref_squeeze %dma_start3A_272 : memref<1x128xi32, #tpu.memory_space<vmem>> -> memref<128xi32, #tpu.memory_space<vmem>>
        %dma_start3A_274 = arith.constant 0 : i32
        %dma_start3A_275 = arith.constant 0 : i32
        %dma_start3A_276 = tpu.memref_slice %arg2[%arg0, %dma_start3A_274, %dma_start3A_275] : memref<2x10240x64xf32, #tpu.memory_space<hbm>> -> memref<1x10240x64xf32, #tpu.memory_space<hbm>>
        %dma_start3A_277 = tpu.memref_squeeze %dma_start3A_276 : memref<1x10240x64xf32, #tpu.memory_space<hbm>> -> memref<10240x64xf32, #tpu.memory_space<hbm>>
        %dma_start3A_278 = arith.constant 0 : i32
        %dma_start3A_279 = arith.constant 0 : i32
        %dma_start3A_280 = tpu.memref_slice %dma_start3A_277[%dma_start3A_278, %dma_start3A_279] : memref<10240x64xf32, #tpu.memory_space<hbm>> -> memref<10240x64xf32, #tpu.memory_space<hbm>>
        tpu.enqueue_indirect_dma source(%dma_start3A_280 : memref<10240x64xf32, #tpu.memory_space<hbm>>) target(%dma_start3A_270 : memref<128x64xf32, #tpu.memory_space<vmem>>) offsets(%dma_start3A_273 : memref<128xi32, #tpu.memory_space<vmem>>) semaphore(%arg13 : memref<!tpu.dma_semaphore, #tpu.memory_space<semaphore_mem>>)
      } else {
      }
      %add3A_241 = arith.constant 5 : i32
      %add3A_242 = arith.addi %mul3A_119, %add3A_241 : i32
      %dma_wait3A_243 = arith.constant 5 : i32
      %dma_wait3A_244 = arith.constant 0 : i32
      %dma_wait3A_245 = arith.constant 0 : i32
      %dma_wait3A_246 = tpu.memref_slice %arg8[%dma_wait3A_243, %dma_wait3A_244, %dma_wait3A_245] : memref<6x128x64xf32, #tpu.memory_space<vmem>> -> memref<1x128x64xf32, #tpu.memory_space<vmem>>
      %dma_wait3A_247 = tpu.memref_squeeze %dma_wait3A_246 : memref<1x128x64xf32, #tpu.memory_space<vmem>> -> memref<128x64xf32, #tpu.memory_space<vmem>>
      %dma_wait3A_248 = arith.constant 0 : i32
      %dma_wait3A_249 = tpu.memref_slice %arg6[%add3A_242, %dma_wait3A_248] : memref<157x128xi32, #tpu.memory_space<vmem>> -> memref<1x128xi32, #tpu.memory_space<vmem>>
      %dma_wait3A_250 = tpu.memref_squeeze %dma_wait3A_249 : memref<1x128xi32, #tpu.memory_space<vmem>> -> memref<128xi32, #tpu.memory_space<vmem>>
      %dma_wait3A_251 = arith.constant 0 : i32
      %dma_wait3A_252 = arith.constant 0 : i32
      %dma_wait3A_253 = tpu.memref_slice %arg2[%arg0, %dma_wait3A_251, %dma_wait3A_252] : memref<2x10240x64xf32, #tpu.memory_space<hbm>> -> memref<1x10240x64xf32, #tpu.memory_space<hbm>>
      %dma_wait3A_254 = tpu.memref_squeeze %dma_wait3A_253 : memref<1x10240x64xf32, #tpu.memory_space<hbm>> -> memref<10240x64xf32, #tpu.memory_space<hbm>>
      %dma_wait3A_255 = arith.constant 0 : i32
      %dma_wait3A_256 = arith.constant 0 : i32
      %dma_wait3A_257 = tpu.memref_slice %dma_wait3A_254[%dma_wait3A_255, %dma_wait3A_256] : memref<10240x64xf32, #tpu.memory_space<hbm>> -> memref<10240x64xf32, #tpu.memory_space<hbm>>
      tpu.wait_indirect_dma semaphore(%arg14 : memref<!tpu.dma_semaphore, #tpu.memory_space<semaphore_mem>>) src(%dma_wait3A_257 : memref<10240x64xf32, #tpu.memory_space<hbm>>) dst(%dma_wait3A_247 : memref<128x64xf32, #tpu.memory_space<vmem>>)
      %run_scoped3A_258 = arith.constant 5 : i32
      "tpu.region"() ({
        %run_scoped3A_266 = tpu.sem_alloc : memref<!tpu.dma_semaphore, #tpu.memory_space<semaphore_mem>>
        %dma_start3A_267 = arith.constant 0 : i32
        %dma_start3A_268 = arith.constant 0 : i32
        %dma_start3A_269 = tpu.memref_slice %arg8[%run_scoped3A_258, %dma_start3A_267, %dma_start3A_268] : memref<6x128x64xf32, #tpu.memory_space<vmem>> -> memref<1x128x64xf32, #tpu.memory_space<vmem>>
        %dma_start3A_270 = tpu.memref_squeeze %dma_start3A_269 : memref<1x128x64xf32, #tpu.memory_space<vmem>> -> memref<128x64xf32, #tpu.memory_space<vmem>>
        %dma_start3A_271 = arith.constant 0 : i32
        %dma_start3A_272 = tpu.memref_slice %arg7[%add3A_242, %dma_start3A_271] : memref<157x128xi32, #tpu.memory_space<vmem>> -> memref<1x128xi32, #tpu.memory_space<vmem>>
        %dma_start3A_273 = tpu.memref_squeeze %dma_start3A_272 : memref<1x128xi32, #tpu.memory_space<vmem>> -> memref<128xi32, #tpu.memory_space<vmem>>
        %dma_start3A_274 = arith.constant 0 : i32
        %dma_start3A_275 = arith.constant 0 : i32
        %dma_start3A_276 = tpu.memref_slice %arg15[%dma_start3A_274, %dma_start3A_275] : memref<10240x64xf32, #tpu.memory_space<vmem_shared>> -> memref<10240x64xf32, #tpu.memory_space<vmem_shared>>
        tpu.enqueue_indirect_dma source(%dma_start3A_270 : memref<128x64xf32, #tpu.memory_space<vmem>>) target(%dma_start3A_276 : memref<10240x64xf32, #tpu.memory_space<vmem_shared>>) offsets(%dma_start3A_273 : memref<128xi32, #tpu.memory_space<vmem>>) semaphore(%run_scoped3A_266 : memref<!tpu.dma_semaphore, #tpu.memory_space<semaphore_mem>>) {add = true}
        %dma_wait3A_277 = arith.constant 0 : i32
        %dma_wait3A_278 = arith.constant 0 : i32
        %dma_wait3A_279 = tpu.memref_slice %arg8[%run_scoped3A_258, %dma_wait3A_277, %dma_wait3A_278] : memref<6x128x64xf32, #tpu.memory_space<vmem>> -> memref<1x128x64xf32, #tpu.memory_space<vmem>>
        %dma_wait3A_280 = tpu.memref_squeeze %dma_wait3A_279 : memref<1x128x64xf32, #tpu.memory_space<vmem>> -> memref<128x64xf32, #tpu.memory_space<vmem>>
        %dma_wait3A_281 = arith.constant 0 : i32
        %dma_wait3A_282 = tpu.memref_slice %arg7[%add3A_242, %dma_wait3A_281] : memref<157x128xi32, #tpu.memory_space<vmem>> -> memref<1x128xi32, #tpu.memory_space<vmem>>
        %dma_wait3A_283 = tpu.memref_squeeze %dma_wait3A_282 : memref<1x128xi32, #tpu.memory_space<vmem>> -> memref<128xi32, #tpu.memory_space<vmem>>
        %dma_wait3A_284 = arith.constant 0 : i32
        %dma_wait3A_285 = arith.constant 0 : i32
        %dma_wait3A_286 = tpu.memref_slice %arg15[%dma_wait3A_284, %dma_wait3A_285] : memref<10240x64xf32, #tpu.memory_space<vmem_shared>> -> memref<10240x64xf32, #tpu.memory_space<vmem_shared>>
        tpu.wait_indirect_dma semaphore(%run_scoped3A_266 : memref<!tpu.dma_semaphore, #tpu.memory_space<semaphore_mem>>) src(%dma_wait3A_280 : memref<128x64xf32, #tpu.memory_space<vmem>>) dst(%dma_wait3A_286 : memref<10240x64xf32, #tpu.memory_space<vmem_shared>>)
        tpu.yield
      }) : () -> ()
      %add3A_259 = arith.constant 6 : i32
      %add3A_260 = arith.addi %add3A_242, %add3A_259 : i32
      %lt3A_261 = arith.constant 157 : i32
      %lt3A_262 = arith.cmpi slt, %add3A_260, %lt3A_261 : i32
      %convert_element_type3A_263 = arith.extui %lt3A_262 : i1 to i32
      %cond3A_264 = arith.constant 0 : i32
      %cond3A_265 = arith.cmpi ne, %convert_element_type3A_263, %cond3A_264 : i32
      scf.if %cond3A_265 {
        %dma_start3A_266 = arith.constant 5 : i32
        %dma_start3A_267 = arith.constant 0 : i32
        %dma_start3A_268 = arith.constant 0 : i32
        %dma_start3A_269 = tpu.memref_slice %arg8[%dma_start3A_266, %dma_start3A_267, %dma_start3A_268] : memref<6x128x64xf32, #tpu.memory_space<vmem>> -> memref<1x128x64xf32, #tpu.memory_space<vmem>>
        %dma_start3A_270 = tpu.memref_squeeze %dma_start3A_269 : memref<1x128x64xf32, #tpu.memory_space<vmem>> -> memref<128x64xf32, #tpu.memory_space<vmem>>
        %dma_start3A_271 = arith.constant 0 : i32
        %dma_start3A_272 = tpu.memref_slice %arg6[%add3A_260, %dma_start3A_271] : memref<157x128xi32, #tpu.memory_space<vmem>> -> memref<1x128xi32, #tpu.memory_space<vmem>>
        %dma_start3A_273 = tpu.memref_squeeze %dma_start3A_272 : memref<1x128xi32, #tpu.memory_space<vmem>> -> memref<128xi32, #tpu.memory_space<vmem>>
        %dma_start3A_274 = arith.constant 0 : i32
        %dma_start3A_275 = arith.constant 0 : i32
        %dma_start3A_276 = tpu.memref_slice %arg2[%arg0, %dma_start3A_274, %dma_start3A_275] : memref<2x10240x64xf32, #tpu.memory_space<hbm>> -> memref<1x10240x64xf32, #tpu.memory_space<hbm>>
        %dma_start3A_277 = tpu.memref_squeeze %dma_start3A_276 : memref<1x10240x64xf32, #tpu.memory_space<hbm>> -> memref<10240x64xf32, #tpu.memory_space<hbm>>
        %dma_start3A_278 = arith.constant 0 : i32
        %dma_start3A_279 = arith.constant 0 : i32
        %dma_start3A_280 = tpu.memref_slice %dma_start3A_277[%dma_start3A_278, %dma_start3A_279] : memref<10240x64xf32, #tpu.memory_space<hbm>> -> memref<10240x64xf32, #tpu.memory_space<hbm>>
        tpu.enqueue_indirect_dma source(%dma_start3A_280 : memref<10240x64xf32, #tpu.memory_space<hbm>>) target(%dma_start3A_270 : memref<128x64xf32, #tpu.memory_space<vmem>>) offsets(%dma_start3A_273 : memref<128xi32, #tpu.memory_space<vmem>>) semaphore(%arg14 : memref<!tpu.dma_semaphore, #tpu.memory_space<semaphore_mem>>)
      } else {
      }
    }
    %scan3A_99 = arith.constant 26 : i32
    %dma_wait3A = arith.constant 156 : i32
    %dma_wait3A_100 = arith.constant 0 : i32
    %dma_wait3A_101 = arith.constant 0 : i32
    %dma_wait3A_102 = arith.constant 0 : i32
    %dma_wait3A_103 = tpu.memref_slice %arg8[%dma_wait3A_100, %dma_wait3A_101, %dma_wait3A_102] : memref<6x128x64xf32, #tpu.memory_space<vmem>> -> memref<1x128x64xf32, #tpu.memory_space<vmem>>
    %dma_wait3A_104 = tpu.memref_squeeze %dma_wait3A_103 : memref<1x128x64xf32, #tpu.memory_space<vmem>> -> memref<128x64xf32, #tpu.memory_space<vmem>>
    %dma_wait3A_105 = arith.constant 0 : i32
    %dma_wait3A_106 = tpu.memref_slice %arg6[%dma_wait3A, %dma_wait3A_105] : memref<157x128xi32, #tpu.memory_space<vmem>> -> memref<1x128xi32, #tpu.memory_space<vmem>>
    %dma_wait3A_107 = tpu.memref_squeeze %dma_wait3A_106 : memref<1x128xi32, #tpu.memory_space<vmem>> -> memref<128xi32, #tpu.memory_space<vmem>>
    %dma_wait3A_108 = arith.constant 0 : i32
    %dma_wait3A_109 = arith.constant 0 : i32
    %dma_wait3A_110 = tpu.memref_slice %arg2[%arg0, %dma_wait3A_108, %dma_wait3A_109] : memref<2x10240x64xf32, #tpu.memory_space<hbm>> -> memref<1x10240x64xf32, #tpu.memory_space<hbm>>
    %dma_wait3A_111 = tpu.memref_squeeze %dma_wait3A_110 : memref<1x10240x64xf32, #tpu.memory_space<hbm>> -> memref<10240x64xf32, #tpu.memory_space<hbm>>
    %dma_wait3A_112 = arith.constant 0 : i32
    %dma_wait3A_113 = arith.constant 0 : i32
    %dma_wait3A_114 = tpu.memref_slice %dma_wait3A_111[%dma_wait3A_112, %dma_wait3A_113] : memref<10240x64xf32, #tpu.memory_space<hbm>> -> memref<10240x64xf32, #tpu.memory_space<hbm>>
    tpu.wait_indirect_dma semaphore(%arg9 : memref<!tpu.dma_semaphore, #tpu.memory_space<semaphore_mem>>) src(%dma_wait3A_114 : memref<10240x64xf32, #tpu.memory_space<hbm>>) dst(%dma_wait3A_104 : memref<128x64xf32, #tpu.memory_space<vmem>>)
    %run_scoped3A = arith.constant 0 : i32
    %run_scoped3A_115 = arith.constant 156 : i32
    "tpu.region"() ({
      %run_scoped3A_117 = tpu.sem_alloc : memref<!tpu.dma_semaphore, #tpu.memory_space<semaphore_mem>>
      %dma_start3A_118 = arith.constant 0 : i32
      %dma_start3A_119 = arith.constant 0 : i32
      %dma_start3A_120 = tpu.memref_slice %arg8[%run_scoped3A, %dma_start3A_118, %dma_start3A_119] : memref<6x128x64xf32, #tpu.memory_space<vmem>> -> memref<1x128x64xf32, #tpu.memory_space<vmem>>
      %dma_start3A_121 = tpu.memref_squeeze %dma_start3A_120 : memref<1x128x64xf32, #tpu.memory_space<vmem>> -> memref<128x64xf32, #tpu.memory_space<vmem>>
      %dma_start3A_122 = arith.constant 0 : i32
      %dma_start3A_123 = tpu.memref_slice %arg7[%run_scoped3A_115, %dma_start3A_122] : memref<157x128xi32, #tpu.memory_space<vmem>> -> memref<1x128xi32, #tpu.memory_space<vmem>>
      %dma_start3A_124 = tpu.memref_squeeze %dma_start3A_123 : memref<1x128xi32, #tpu.memory_space<vmem>> -> memref<128xi32, #tpu.memory_space<vmem>>
      %dma_start3A_125 = arith.constant 0 : i32
      %dma_start3A_126 = arith.constant 0 : i32
      %dma_start3A_127 = tpu.memref_slice %arg15[%dma_start3A_125, %dma_start3A_126] : memref<10240x64xf32, #tpu.memory_space<vmem_shared>> -> memref<10240x64xf32, #tpu.memory_space<vmem_shared>>
      tpu.enqueue_indirect_dma source(%dma_start3A_121 : memref<128x64xf32, #tpu.memory_space<vmem>>) target(%dma_start3A_127 : memref<10240x64xf32, #tpu.memory_space<vmem_shared>>) offsets(%dma_start3A_124 : memref<128xi32, #tpu.memory_space<vmem>>) semaphore(%run_scoped3A_117 : memref<!tpu.dma_semaphore, #tpu.memory_space<semaphore_mem>>) {add = true}
      %dma_wait3A_128 = arith.constant 0 : i32
      %dma_wait3A_129 = arith.constant 0 : i32
      %dma_wait3A_130 = tpu.memref_slice %arg8[%run_scoped3A, %dma_wait3A_128, %dma_wait3A_129] : memref<6x128x64xf32, #tpu.memory_space<vmem>> -> memref<1x128x64xf32, #tpu.memory_space<vmem>>
      %dma_wait3A_131 = tpu.memref_squeeze %dma_wait3A_130 : memref<1x128x64xf32, #tpu.memory_space<vmem>> -> memref<128x64xf32, #tpu.memory_space<vmem>>
      %dma_wait3A_132 = arith.constant 0 : i32
      %dma_wait3A_133 = tpu.memref_slice %arg7[%run_scoped3A_115, %dma_wait3A_132] : memref<157x128xi32, #tpu.memory_space<vmem>> -> memref<1x128xi32, #tpu.memory_space<vmem>>
      %dma_wait3A_134 = tpu.memref_squeeze %dma_wait3A_133 : memref<1x128xi32, #tpu.memory_space<vmem>> -> memref<128xi32, #tpu.memory_space<vmem>>
      %dma_wait3A_135 = arith.constant 0 : i32
      %dma_wait3A_136 = arith.constant 0 : i32
      %dma_wait3A_137 = tpu.memref_slice %arg15[%dma_wait3A_135, %dma_wait3A_136] : memref<10240x64xf32, #tpu.memory_space<vmem_shared>> -> memref<10240x64xf32, #tpu.memory_space<vmem_shared>>
      tpu.wait_indirect_dma semaphore(%run_scoped3A_117 : memref<!tpu.dma_semaphore, #tpu.memory_space<semaphore_mem>>) src(%dma_wait3A_131 : memref<128x64xf32, #tpu.memory_space<vmem>>) dst(%dma_wait3A_137 : memref<10240x64xf32, #tpu.memory_space<vmem_shared>>)
      tpu.yield
    }) : () -> ()
    %barrier3A_116 = arith.constant 0 : index
    tpu.barrier barrier_id(%barrier3A_116)
    "tpu.region"() ({
      %run_scoped3A_117 = tpu.sem_alloc : memref<!tpu.dma_semaphore, #tpu.memory_space<semaphore_mem>>
      %dma_start3A_118 = arith.constant 0 : i32
      %dma_start3A_119 = arith.constant 0 : i32
      %dma_start3A_120 = tpu.memref_slice %arg5[%arg0, %dma_start3A_118, %dma_start3A_119] : memref<2x10240x64xf32, #tpu.memory_space<hbm>> -> memref<1x10240x64xf32, #tpu.memory_space<hbm>>
      %dma_start3A_121 = tpu.memref_squeeze %dma_start3A_120 : memref<1x10240x64xf32, #tpu.memory_space<hbm>> -> memref<10240x64xf32, #tpu.memory_space<hbm>>
      %dma_start3A_122 = arith.constant 0 : i32
      %dma_start3A_123 = tpu.memref_slice %dma_start3A_121[%mul3A_0, %dma_start3A_122] : memref<10240x64xf32, #tpu.memory_space<hbm>> -> memref<640x64xf32, #tpu.memory_space<hbm>>
      %dma_start3A_124 = arith.constant 0 : i32
      %dma_start3A_125 = tpu.memref_slice %arg15[%mul3A_0, %dma_start3A_124] : memref<10240x64xf32, #tpu.memory_space<vmem_shared>> -> memref<640x64xf32, #tpu.memory_space<vmem_shared>>
      tpu.enqueue_dma source(%dma_start3A_125 : memref<640x64xf32, #tpu.memory_space<vmem_shared>>) target(%dma_start3A_123 : memref<640x64xf32, #tpu.memory_space<hbm>>) target_semaphore(%run_scoped3A_117 : memref<!tpu.dma_semaphore, #tpu.memory_space<semaphore_mem>>)
      %dma_wait3A_126 = arith.constant 0 : i32
      %dma_wait3A_127 = arith.constant 0 : i32
      %dma_wait3A_128 = tpu.memref_slice %arg5[%arg0, %dma_wait3A_126, %dma_wait3A_127] : memref<2x10240x64xf32, #tpu.memory_space<hbm>> -> memref<1x10240x64xf32, #tpu.memory_space<hbm>>
      %dma_wait3A_129 = tpu.memref_squeeze %dma_wait3A_128 : memref<1x10240x64xf32, #tpu.memory_space<hbm>> -> memref<10240x64xf32, #tpu.memory_space<hbm>>
      %dma_wait3A_130 = arith.constant 0 : i32
      %dma_wait3A_131 = tpu.memref_slice %dma_wait3A_129[%mul3A_0, %dma_wait3A_130] : memref<10240x64xf32, #tpu.memory_space<hbm>> -> memref<640x64xf32, #tpu.memory_space<hbm>>
      %dma_wait3A_132 = arith.constant 0 : i32
      %dma_wait3A_133 = tpu.memref_slice %arg15[%mul3A_0, %dma_wait3A_132] : memref<10240x64xf32, #tpu.memory_space<vmem_shared>> -> memref<640x64xf32, #tpu.memory_space<vmem_shared>>
      tpu.wait_dma2 semaphore(%run_scoped3A_117 : memref<!tpu.dma_semaphore, #tpu.memory_space<semaphore_mem>>) src(%dma_wait3A_133 : memref<640x64xf32, #tpu.memory_space<vmem_shared>>) dst(%dma_wait3A_131 : memref<640x64xf32, #tpu.memory_space<hbm>>)
      tpu.yield
    }) : () -> ()
    return
  }
}

#map = affine_map<(d0, d1) -> (0, 0, 0)>
module attributes {stable_mosaic.version = 14 : i64} {
  func.func @agg_kernel(%arg0: i32, %arg1: i32, %arg2: memref<2x10240x64xf32, #tpu.memory_space<hbm>>, %arg3: memref<16x157x128xi32, #tpu.memory_space<hbm>>, %arg4: memref<16x157x128xi32, #tpu.memory_space<hbm>>, %arg5: memref<2x10240x64xf32, #tpu.memory_space<hbm>>, %arg6: memref<157x128xi32, #tpu.memory_space<vmem>>, %arg7: memref<157x128xi32, #tpu.memory_space<vmem>>, %arg8: memref<6x128x64xf32, #tpu.memory_space<vmem>>, %arg9: memref<!tpu.dma_semaphore, #tpu.memory_space<semaphore_mem>>, %arg10: memref<!tpu.dma_semaphore, #tpu.memory_space<semaphore_mem>>, %arg11: memref<!tpu.dma_semaphore, #tpu.memory_space<semaphore_mem>>, %arg12: memref<!tpu.dma_semaphore, #tpu.memory_space<semaphore_mem>>, %arg13: memref<!tpu.dma_semaphore, #tpu.memory_space<semaphore_mem>>, %arg14: memref<!tpu.dma_semaphore, #tpu.memory_space<semaphore_mem>>, %arg15: memref<10240x64xf32, #tpu.memory_space<vmem_shared>>) attributes {dimension_semantics = [#tpu.dimension_semantics<core_parallel>, #tpu.dimension_semantics<subcore_parallel>], iteration_bounds = array<i64: 2, 16>, scalar_prefetch = 0 : i64, scratch_operands = 10 : i64, tpu.core_type = #tpu.core_type<sc_vector_subcore>, window_params = [{transform_indices = #map}, {transform_indices = #map}, {transform_indices = #map}, {transform_indices = #map}]} {
    "tpu.region"() ({
      %run_scoped3A_117 = tpu.sem_alloc : memref<!tpu.dma_semaphore, #tpu.memory_space<semaphore_mem>>
      %dma_start3A_118 = arith.constant 0 : i32
      %dma_start3A_119 = arith.constant 0 : i32
      %dma_start3A_120 = tpu.memref_slice %arg3[%arg1, %dma_start3A_118, %dma_start3A_119] : memref<16x157x128xi32, #tpu.memory_space<hbm>> -> memref<1x157x128xi32, #tpu.memory_space<hbm>>
      %dma_start3A_121 = tpu.memref_squeeze %dma_start3A_120 : memref<1x157x128xi32, #tpu.memory_space<hbm>> -> memref<157x128xi32, #tpu.memory_space<hbm>>
      %dma_start3A_122 = arith.constant 0 : i32
      %dma_start3A_123 = arith.constant 0 : i32
      %dma_start3A_124 = tpu.memref_slice %arg3[%arg1, %dma_start3A_122, %dma_start3A_123] : memref<16x157x128xi32, #tpu.memory_space<hbm>> -> memref<1x157x128xi32, #tpu.memory_space<hbm>>
      %dma_start3A_125 = tpu.memref_squeeze %dma_start3A_124 : memref<1x157x128xi32, #tpu.memory_space<hbm>> -> memref<157x128xi32, #tpu.memory_space<hbm>>
      tpu.enqueue_dma source(%dma_start3A_125 : memref<157x128xi32, #tpu.memory_space<hbm>>) target(%arg6 : memref<157x128xi32, #tpu.memory_space<vmem>>) target_semaphore(%run_scoped3A_117 : memref<!tpu.dma_semaphore, #tpu.memory_space<semaphore_mem>>)
      %dma_wait3A_126 = arith.constant 0 : i32
      %dma_wait3A_127 = arith.constant 0 : i32
      %dma_wait3A_128 = tpu.memref_slice %arg3[%arg1, %dma_wait3A_126, %dma_wait3A_127] : memref<16x157x128xi32, #tpu.memory_space<hbm>> -> memref<1x157x128xi32, #tpu.memory_space<hbm>>
      %dma_wait3A_129 = tpu.memref_squeeze %dma_wait3A_128 : memref<1x157x128xi32, #tpu.memory_space<hbm>> -> memref<157x128xi32, #tpu.memory_space<hbm>>
      %dma_wait3A_130 = arith.constant 0 : i32
      %dma_wait3A_131 = arith.constant 0 : i32
      %dma_wait3A_132 = tpu.memref_slice %arg3[%arg1, %dma_wait3A_130, %dma_wait3A_131] : memref<16x157x128xi32, #tpu.memory_space<hbm>> -> memref<1x157x128xi32, #tpu.memory_space<hbm>>
      %dma_wait3A_133 = tpu.memref_squeeze %dma_wait3A_132 : memref<1x157x128xi32, #tpu.memory_space<hbm>> -> memref<157x128xi32, #tpu.memory_space<hbm>>
      tpu.wait_dma2 semaphore(%run_scoped3A_117 : memref<!tpu.dma_semaphore, #tpu.memory_space<semaphore_mem>>) src(%dma_wait3A_133 : memref<157x128xi32, #tpu.memory_space<hbm>>) dst(%arg6 : memref<157x128xi32, #tpu.memory_space<vmem>>)
      tpu.yield
    }) : () -> ()
    "tpu.region"() ({
      %run_scoped3A_117 = tpu.sem_alloc : memref<!tpu.dma_semaphore, #tpu.memory_space<semaphore_mem>>
      %dma_start3A_118 = arith.constant 0 : i32
      %dma_start3A_119 = arith.constant 0 : i32
      %dma_start3A_120 = tpu.memref_slice %arg4[%arg1, %dma_start3A_118, %dma_start3A_119] : memref<16x157x128xi32, #tpu.memory_space<hbm>> -> memref<1x157x128xi32, #tpu.memory_space<hbm>>
      %dma_start3A_121 = tpu.memref_squeeze %dma_start3A_120 : memref<1x157x128xi32, #tpu.memory_space<hbm>> -> memref<157x128xi32, #tpu.memory_space<hbm>>
      %dma_start3A_122 = arith.constant 0 : i32
      %dma_start3A_123 = arith.constant 0 : i32
      %dma_start3A_124 = tpu.memref_slice %arg4[%arg1, %dma_start3A_122, %dma_start3A_123] : memref<16x157x128xi32, #tpu.memory_space<hbm>> -> memref<1x157x128xi32, #tpu.memory_space<hbm>>
      %dma_start3A_125 = tpu.memref_squeeze %dma_start3A_124 : memref<1x157x128xi32, #tpu.memory_space<hbm>> -> memref<157x128xi32, #tpu.memory_space<hbm>>
      tpu.enqueue_dma source(%dma_start3A_125 : memref<157x128xi32, #tpu.memory_space<hbm>>) target(%arg7 : memref<157x128xi32, #tpu.memory_space<vmem>>) target_semaphore(%run_scoped3A_117 : memref<!tpu.dma_semaphore, #tpu.memory_space<semaphore_mem>>)
      %dma_wait3A_126 = arith.constant 0 : i32
      %dma_wait3A_127 = arith.constant 0 : i32
      %dma_wait3A_128 = tpu.memref_slice %arg4[%arg1, %dma_wait3A_126, %dma_wait3A_127] : memref<16x157x128xi32, #tpu.memory_space<hbm>> -> memref<1x157x128xi32, #tpu.memory_space<hbm>>
      %dma_wait3A_129 = tpu.memref_squeeze %dma_wait3A_128 : memref<1x157x128xi32, #tpu.memory_space<hbm>> -> memref<157x128xi32, #tpu.memory_space<hbm>>
      %dma_wait3A_130 = arith.constant 0 : i32
      %dma_wait3A_131 = arith.constant 0 : i32
      %dma_wait3A_132 = tpu.memref_slice %arg4[%arg1, %dma_wait3A_130, %dma_wait3A_131] : memref<16x157x128xi32, #tpu.memory_space<hbm>> -> memref<1x157x128xi32, #tpu.memory_space<hbm>>
      %dma_wait3A_133 = tpu.memref_squeeze %dma_wait3A_132 : memref<1x157x128xi32, #tpu.memory_space<hbm>> -> memref<157x128xi32, #tpu.memory_space<hbm>>
      tpu.wait_dma2 semaphore(%run_scoped3A_117 : memref<!tpu.dma_semaphore, #tpu.memory_space<semaphore_mem>>) src(%dma_wait3A_133 : memref<157x128xi32, #tpu.memory_space<hbm>>) dst(%arg7 : memref<157x128xi32, #tpu.memory_space<vmem>>)
      tpu.yield
    }) : () -> ()
    %mul3A = arith.constant 640 : i32
    %mul3A_0 = arith.muli %arg1, %mul3A : i32
    "tpu.region"() ({
      %run_scoped3A_117 = tpu.sem_alloc : memref<!tpu.dma_semaphore, #tpu.memory_space<semaphore_mem>>
      %dma_start3A_118 = arith.constant 0 : i32
      %dma_start3A_119 = tpu.memref_slice %arg15[%mul3A_0, %dma_start3A_118] : memref<10240x64xf32, #tpu.memory_space<vmem_shared>> -> memref<640x64xf32, #tpu.memory_space<vmem_shared>>
      %dma_start3A_120 = arith.constant 0 : i32
      %dma_start3A_121 = arith.constant 0 : i32
      %dma_start3A_122 = tpu.memref_slice %arg2[%arg0, %dma_start3A_120, %dma_start3A_121] : memref<2x10240x64xf32, #tpu.memory_space<hbm>> -> memref<1x10240x64xf32, #tpu.memory_space<hbm>>
      %dma_start3A_123 = tpu.memref_squeeze %dma_start3A_122 : memref<1x10240x64xf32, #tpu.memory_space<hbm>> -> memref<10240x64xf32, #tpu.memory_space<hbm>>
      %dma_start3A_124 = arith.constant 0 : i32
      %dma_start3A_125 = tpu.memref_slice %dma_start3A_123[%mul3A_0, %dma_start3A_124] : memref<10240x64xf32, #tpu.memory_space<hbm>> -> memref<640x64xf32, #tpu.memory_space<hbm>>
      tpu.enqueue_dma source(%dma_start3A_125 : memref<640x64xf32, #tpu.memory_space<hbm>>) target(%dma_start3A_119 : memref<640x64xf32, #tpu.memory_space<vmem_shared>>) target_semaphore(%run_scoped3A_117 : memref<!tpu.dma_semaphore, #tpu.memory_space<semaphore_mem>>)
      %dma_wait3A_126 = arith.constant 0 : i32
      %dma_wait3A_127 = tpu.memref_slice %arg15[%mul3A_0, %dma_wait3A_126] : memref<10240x64xf32, #tpu.memory_space<vmem_shared>> -> memref<640x64xf32, #tpu.memory_space<vmem_shared>>
      %dma_wait3A_128 = arith.constant 0 : i32
      %dma_wait3A_129 = arith.constant 0 : i32
      %dma_wait3A_130 = tpu.memref_slice %arg2[%arg0, %dma_wait3A_128, %dma_wait3A_129] : memref<2x10240x64xf32, #tpu.memory_space<hbm>> -> memref<1x10240x64xf32, #tpu.memory_space<hbm>>
      %dma_wait3A_131 = tpu.memref_squeeze %dma_wait3A_130 : memref<1x10240x64xf32, #tpu.memory_space<hbm>> -> memref<10240x64xf32, #tpu.memory_space<hbm>>
      %dma_wait3A_132 = arith.constant 0 : i32
      %dma_wait3A_133 = tpu.memref_slice %dma_wait3A_131[%mul3A_0, %dma_wait3A_132] : memref<10240x64xf32, #tpu.memory_space<hbm>> -> memref<640x64xf32, #tpu.memory_space<hbm>>
      tpu.wait_dma2 semaphore(%run_scoped3A_117 : memref<!tpu.dma_semaphore, #tpu.memory_space<semaphore_mem>>) src(%dma_wait3A_133 : memref<640x64xf32, #tpu.memory_space<hbm>>) dst(%dma_wait3A_127 : memref<640x64xf32, #tpu.memory_space<vmem_shared>>)
      tpu.yield
    }) : () -> ()
    %barrier3A = arith.constant 0 : index
    tpu.barrier barrier_id(%barrier3A)
    %dma_start3A = arith.constant 0 : i32
    %dma_start3A_1 = arith.constant 0 : i32
    %dma_start3A_2 = arith.constant 0 : i32
    %dma_start3A_3 = arith.constant 0 : i32
    %dma_start3A_4 = tpu.memref_slice %arg8[%dma_start3A_1, %dma_start3A_2, %dma_start3A_3] : memref<6x128x64xf32, #tpu.memory_space<vmem>> -> memref<1x128x64xf32, #tpu.memory_space<vmem>>
    %dma_start3A_5 = tpu.memref_squeeze %dma_start3A_4 : memref<1x128x64xf32, #tpu.memory_space<vmem>> -> memref<128x64xf32, #tpu.memory_space<vmem>>
    %dma_start3A_6 = arith.constant 0 : i32
    %dma_start3A_7 = tpu.memref_slice %arg6[%dma_start3A, %dma_start3A_6] : memref<157x128xi32, #tpu.memory_space<vmem>> -> memref<1x128xi32, #tpu.memory_space<vmem>>
    %dma_start3A_8 = tpu.memref_squeeze %dma_start3A_7 : memref<1x128xi32, #tpu.memory_space<vmem>> -> memref<128xi32, #tpu.memory_space<vmem>>
    %dma_start3A_9 = arith.constant 0 : i32
    %dma_start3A_10 = arith.constant 0 : i32
    %dma_start3A_11 = tpu.memref_slice %arg2[%arg0, %dma_start3A_9, %dma_start3A_10] : memref<2x10240x64xf32, #tpu.memory_space<hbm>> -> memref<1x10240x64xf32, #tpu.memory_space<hbm>>
    %dma_start3A_12 = tpu.memref_squeeze %dma_start3A_11 : memref<1x10240x64xf32, #tpu.memory_space<hbm>> -> memref<10240x64xf32, #tpu.memory_space<hbm>>
    %dma_start3A_13 = arith.constant 0 : i32
    %dma_start3A_14 = arith.constant 0 : i32
    %dma_start3A_15 = tpu.memref_slice %dma_start3A_12[%dma_start3A_13, %dma_start3A_14] : memref<10240x64xf32, #tpu.memory_space<hbm>> -> memref<10240x64xf32, #tpu.memory_space<hbm>>
    tpu.enqueue_indirect_dma source(%dma_start3A_15 : memref<10240x64xf32, #tpu.memory_space<hbm>>) target(%dma_start3A_5 : memref<128x64xf32, #tpu.memory_space<vmem>>) offsets(%dma_start3A_8 : memref<128xi32, #tpu.memory_space<vmem>>) semaphore(%arg9 : memref<!tpu.dma_semaphore, #tpu.memory_space<semaphore_mem>>)
    %dma_start3A_16 = arith.constant 1 : i32
    %dma_start3A_17 = arith.constant 1 : i32
    %dma_start3A_18 = arith.constant 0 : i32
    %dma_start3A_19 = arith.constant 0 : i32
    %dma_start3A_20 = tpu.memref_slice %arg8[%dma_start3A_17, %dma_start3A_18, %dma_start3A_19] : memref<6x128x64xf32, #tpu.memory_space<vmem>> -> memref<1x128x64xf32, #tpu.memory_space<vmem>>
    %dma_start3A_21 = tpu.memref_squeeze %dma_start3A_20 : memref<1x128x64xf32, #tpu.memory_space<vmem>> -> memref<128x64xf32, #tpu.memory_space<vmem>>
    %dma_start3A_22 = arith.constant 0 : i32
    %dma_start3A_23 = tpu.memref_slice %arg6[%dma_start3A_16, %dma_start3A_22] : memref<157x128xi32, #tpu.memory_space<vmem>> -> memref<1x128xi32, #tpu.memory_space<vmem>>
    %dma_start3A_24 = tpu.memref_squeeze %dma_start3A_23 : memref<1x128xi32, #tpu.memory_space<vmem>> -> memref<128xi32, #tpu.memory_space<vmem>>
    %dma_start3A_25 = arith.constant 0 : i32
    %dma_start3A_26 = arith.constant 0 : i32
    %dma_start3A_27 = tpu.memref_slice %arg2[%arg0, %dma_start3A_25, %dma_start3A_26] : memref<2x10240x64xf32, #tpu.memory_space<hbm>> -> memref<1x10240x64xf32, #tpu.memory_space<hbm>>
    %dma_start3A_28 = tpu.memref_squeeze %dma_start3A_27 : memref<1x10240x64xf32, #tpu.memory_space<hbm>> -> memref<10240x64xf32, #tpu.memory_space<hbm>>
    %dma_start3A_29 = arith.constant 0 : i32
    %dma_start3A_30 = arith.constant 0 : i32
    %dma_start3A_31 = tpu.memref_slice %dma_start3A_28[%dma_start3A_29, %dma_start3A_30] : memref<10240x64xf32, #tpu.memory_space<hbm>> -> memref<10240x64xf32, #tpu.memory_space<hbm>>
    tpu.enqueue_indirect_dma source(%dma_start3A_31 : memref<10240x64xf32, #tpu.memory_space<hbm>>) target(%dma_start3A_21 : memref<128x64xf32, #tpu.memory_space<vmem>>) offsets(%dma_start3A_24 : memref<128xi32, #tpu.memory_space<vmem>>) semaphore(%arg10 : memref<!tpu.dma_semaphore, #tpu.memory_space<semaphore_mem>>)
    %dma_start3A_32 = arith.constant 2 : i32
    %dma_start3A_33 = arith.constant 2 : i32
    %dma_start3A_34 = arith.constant 0 : i32
    %dma_start3A_35 = arith.constant 0 : i32
    %dma_start3A_36 = tpu.memref_slice %arg8[%dma_start3A_33, %dma_start3A_34, %dma_start3A_35] : memref<6x128x64xf32, #tpu.memory_space<vmem>> -> memref<1x128x64xf32, #tpu.memory_space<vmem>>
    %dma_start3A_37 = tpu.memref_squeeze %dma_start3A_36 : memref<1x128x64xf32, #tpu.memory_space<vmem>> -> memref<128x64xf32, #tpu.memory_space<vmem>>
    %dma_start3A_38 = arith.constant 0 : i32
    %dma_start3A_39 = tpu.memref_slice %arg6[%dma_start3A_32, %dma_start3A_38] : memref<157x128xi32, #tpu.memory_space<vmem>> -> memref<1x128xi32, #tpu.memory_space<vmem>>
    %dma_start3A_40 = tpu.memref_squeeze %dma_start3A_39 : memref<1x128xi32, #tpu.memory_space<vmem>> -> memref<128xi32, #tpu.memory_space<vmem>>
    %dma_start3A_41 = arith.constant 0 : i32
    %dma_start3A_42 = arith.constant 0 : i32
    %dma_start3A_43 = tpu.memref_slice %arg2[%arg0, %dma_start3A_41, %dma_start3A_42] : memref<2x10240x64xf32, #tpu.memory_space<hbm>> -> memref<1x10240x64xf32, #tpu.memory_space<hbm>>
    %dma_start3A_44 = tpu.memref_squeeze %dma_start3A_43 : memref<1x10240x64xf32, #tpu.memory_space<hbm>> -> memref<10240x64xf32, #tpu.memory_space<hbm>>
    %dma_start3A_45 = arith.constant 0 : i32
    %dma_start3A_46 = arith.constant 0 : i32
    %dma_start3A_47 = tpu.memref_slice %dma_start3A_44[%dma_start3A_45, %dma_start3A_46] : memref<10240x64xf32, #tpu.memory_space<hbm>> -> memref<10240x64xf32, #tpu.memory_space<hbm>>
    tpu.enqueue_indirect_dma source(%dma_start3A_47 : memref<10240x64xf32, #tpu.memory_space<hbm>>) target(%dma_start3A_37 : memref<128x64xf32, #tpu.memory_space<vmem>>) offsets(%dma_start3A_40 : memref<128xi32, #tpu.memory_space<vmem>>) semaphore(%arg11 : memref<!tpu.dma_semaphore, #tpu.memory_space<semaphore_mem>>)
    %dma_start3A_48 = arith.constant 3 : i32
    %dma_start3A_49 = arith.constant 3 : i32
    %dma_start3A_50 = arith.constant 0 : i32
    %dma_start3A_51 = arith.constant 0 : i32
    %dma_start3A_52 = tpu.memref_slice %arg8[%dma_start3A_49, %dma_start3A_50, %dma_start3A_51] : memref<6x128x64xf32, #tpu.memory_space<vmem>> -> memref<1x128x64xf32, #tpu.memory_space<vmem>>
    %dma_start3A_53 = tpu.memref_squeeze %dma_start3A_52 : memref<1x128x64xf32, #tpu.memory_space<vmem>> -> memref<128x64xf32, #tpu.memory_space<vmem>>
    %dma_start3A_54 = arith.constant 0 : i32
    %dma_start3A_55 = tpu.memref_slice %arg6[%dma_start3A_48, %dma_start3A_54] : memref<157x128xi32, #tpu.memory_space<vmem>> -> memref<1x128xi32, #tpu.memory_space<vmem>>
    %dma_start3A_56 = tpu.memref_squeeze %dma_start3A_55 : memref<1x128xi32, #tpu.memory_space<vmem>> -> memref<128xi32, #tpu.memory_space<vmem>>
    %dma_start3A_57 = arith.constant 0 : i32
    %dma_start3A_58 = arith.constant 0 : i32
    %dma_start3A_59 = tpu.memref_slice %arg2[%arg0, %dma_start3A_57, %dma_start3A_58] : memref<2x10240x64xf32, #tpu.memory_space<hbm>> -> memref<1x10240x64xf32, #tpu.memory_space<hbm>>
    %dma_start3A_60 = tpu.memref_squeeze %dma_start3A_59 : memref<1x10240x64xf32, #tpu.memory_space<hbm>> -> memref<10240x64xf32, #tpu.memory_space<hbm>>
    %dma_start3A_61 = arith.constant 0 : i32
    %dma_start3A_62 = arith.constant 0 : i32
    %dma_start3A_63 = tpu.memref_slice %dma_start3A_60[%dma_start3A_61, %dma_start3A_62] : memref<10240x64xf32, #tpu.memory_space<hbm>> -> memref<10240x64xf32, #tpu.memory_space<hbm>>
    tpu.enqueue_indirect_dma source(%dma_start3A_63 : memref<10240x64xf32, #tpu.memory_space<hbm>>) target(%dma_start3A_53 : memref<128x64xf32, #tpu.memory_space<vmem>>) offsets(%dma_start3A_56 : memref<128xi32, #tpu.memory_space<vmem>>) semaphore(%arg12 : memref<!tpu.dma_semaphore, #tpu.memory_space<semaphore_mem>>)
    %dma_start3A_64 = arith.constant 4 : i32
    %dma_start3A_65 = arith.constant 4 : i32
    %dma_start3A_66 = arith.constant 0 : i32
    %dma_start3A_67 = arith.constant 0 : i32
    %dma_start3A_68 = tpu.memref_slice %arg8[%dma_start3A_65, %dma_start3A_66, %dma_start3A_67] : memref<6x128x64xf32, #tpu.memory_space<vmem>> -> memref<1x128x64xf32, #tpu.memory_space<vmem>>
    %dma_start3A_69 = tpu.memref_squeeze %dma_start3A_68 : memref<1x128x64xf32, #tpu.memory_space<vmem>> -> memref<128x64xf32, #tpu.memory_space<vmem>>
    %dma_start3A_70 = arith.constant 0 : i32
    %dma_start3A_71 = tpu.memref_slice %arg6[%dma_start3A_64, %dma_start3A_70] : memref<157x128xi32, #tpu.memory_space<vmem>> -> memref<1x128xi32, #tpu.memory_space<vmem>>
    %dma_start3A_72 = tpu.memref_squeeze %dma_start3A_71 : memref<1x128xi32, #tpu.memory_space<vmem>> -> memref<128xi32, #tpu.memory_space<vmem>>
    %dma_start3A_73 = arith.constant 0 : i32
    %dma_start3A_74 = arith.constant 0 : i32
    %dma_start3A_75 = tpu.memref_slice %arg2[%arg0, %dma_start3A_73, %dma_start3A_74] : memref<2x10240x64xf32, #tpu.memory_space<hbm>> -> memref<1x10240x64xf32, #tpu.memory_space<hbm>>
    %dma_start3A_76 = tpu.memref_squeeze %dma_start3A_75 : memref<1x10240x64xf32, #tpu.memory_space<hbm>> -> memref<10240x64xf32, #tpu.memory_space<hbm>>
    %dma_start3A_77 = arith.constant 0 : i32
    %dma_start3A_78 = arith.constant 0 : i32
    %dma_start3A_79 = tpu.memref_slice %dma_start3A_76[%dma_start3A_77, %dma_start3A_78] : memref<10240x64xf32, #tpu.memory_space<hbm>> -> memref<10240x64xf32, #tpu.memory_space<hbm>>
    tpu.enqueue_indirect_dma source(%dma_start3A_79 : memref<10240x64xf32, #tpu.memory_space<hbm>>) target(%dma_start3A_69 : memref<128x64xf32, #tpu.memory_space<vmem>>) offsets(%dma_start3A_72 : memref<128xi32, #tpu.memory_space<vmem>>) semaphore(%arg13 : memref<!tpu.dma_semaphore, #tpu.memory_space<semaphore_mem>>)
    %dma_start3A_80 = arith.constant 5 : i32
    %dma_start3A_81 = arith.constant 5 : i32
    %dma_start3A_82 = arith.constant 0 : i32
    %dma_start3A_83 = arith.constant 0 : i32
    %dma_start3A_84 = tpu.memref_slice %arg8[%dma_start3A_81, %dma_start3A_82, %dma_start3A_83] : memref<6x128x64xf32, #tpu.memory_space<vmem>> -> memref<1x128x64xf32, #tpu.memory_space<vmem>>
    %dma_start3A_85 = tpu.memref_squeeze %dma_start3A_84 : memref<1x128x64xf32, #tpu.memory_space<vmem>> -> memref<128x64xf32, #tpu.memory_space<vmem>>
    %dma_start3A_86 = arith.constant 0 : i32
    %dma_start3A_87 = tpu.memref_slice %arg6[%dma_start3A_80, %dma_start3A_86] : memref<157x128xi32, #tpu.memory_space<vmem>> -> memref<1x128xi32, #tpu.memory_space<vmem>>
    %dma_start3A_88 = tpu.memref_squeeze %dma_start3A_87 : memref<1x128xi32, #tpu.memory_space<vmem>> -> memref<128xi32, #tpu.memory_space<vmem>>
    %dma_start3A_89 = arith.constant 0 : i32
    %dma_start3A_90 = arith.constant 0 : i32
    %dma_start3A_91 = tpu.memref_slice %arg2[%arg0, %dma_start3A_89, %dma_start3A_90] : memref<2x10240x64xf32, #tpu.memory_space<hbm>> -> memref<1x10240x64xf32, #tpu.memory_space<hbm>>
    %dma_start3A_92 = tpu.memref_squeeze %dma_start3A_91 : memref<1x10240x64xf32, #tpu.memory_space<hbm>> -> memref<10240x64xf32, #tpu.memory_space<hbm>>
    %dma_start3A_93 = arith.constant 0 : i32
    %dma_start3A_94 = arith.constant 0 : i32
    %dma_start3A_95 = tpu.memref_slice %dma_start3A_92[%dma_start3A_93, %dma_start3A_94] : memref<10240x64xf32, #tpu.memory_space<hbm>> -> memref<10240x64xf32, #tpu.memory_space<hbm>>
    tpu.enqueue_indirect_dma source(%dma_start3A_95 : memref<10240x64xf32, #tpu.memory_space<hbm>>) target(%dma_start3A_85 : memref<128x64xf32, #tpu.memory_space<vmem>>) offsets(%dma_start3A_88 : memref<128xi32, #tpu.memory_space<vmem>>) semaphore(%arg14 : memref<!tpu.dma_semaphore, #tpu.memory_space<semaphore_mem>>)
    %scan3A = arith.constant 0 : i32
    %scan3A_96 = arith.constant 26 : i32
    %scan3A_97 = arith.addi %scan3A, %scan3A_96 : i32
    %scan3A_98 = arith.constant 1 : i32
    scf.for %scan3A_117 = %scan3A to %scan3A_97 step %scan3A_98  : i32 {
      %mul3A_118 = arith.constant 6 : i32
      %mul3A_119 = arith.muli %scan3A_117, %mul3A_118 : i32
      %add3A = arith.constant 0 : i32
      %add3A_120 = arith.addi %mul3A_119, %add3A : i32
      %dma_wait3A_121 = arith.constant 0 : i32
      %dma_wait3A_122 = arith.constant 0 : i32
      %dma_wait3A_123 = arith.constant 0 : i32
      %dma_wait3A_124 = tpu.memref_slice %arg8[%dma_wait3A_121, %dma_wait3A_122, %dma_wait3A_123] : memref<6x128x64xf32, #tpu.memory_space<vmem>> -> memref<1x128x64xf32, #tpu.memory_space<vmem>>
      %dma_wait3A_125 = tpu.memref_squeeze %dma_wait3A_124 : memref<1x128x64xf32, #tpu.memory_space<vmem>> -> memref<128x64xf32, #tpu.memory_space<vmem>>
      %dma_wait3A_126 = arith.constant 0 : i32
      %dma_wait3A_127 = tpu.memref_slice %arg6[%add3A_120, %dma_wait3A_126] : memref<157x128xi32, #tpu.memory_space<vmem>> -> memref<1x128xi32, #tpu.memory_space<vmem>>
      %dma_wait3A_128 = tpu.memref_squeeze %dma_wait3A_127 : memref<1x128xi32, #tpu.memory_space<vmem>> -> memref<128xi32, #tpu.memory_space<vmem>>
      %dma_wait3A_129 = arith.constant 0 : i32
      %dma_wait3A_130 = arith.constant 0 : i32
      %dma_wait3A_131 = tpu.memref_slice %arg2[%arg0, %dma_wait3A_129, %dma_wait3A_130] : memref<2x10240x64xf32, #tpu.memory_space<hbm>> -> memref<1x10240x64xf32, #tpu.memory_space<hbm>>
      %dma_wait3A_132 = tpu.memref_squeeze %dma_wait3A_131 : memref<1x10240x64xf32, #tpu.memory_space<hbm>> -> memref<10240x64xf32, #tpu.memory_space<hbm>>
      %dma_wait3A_133 = arith.constant 0 : i32
      %dma_wait3A_134 = arith.constant 0 : i32
      %dma_wait3A_135 = tpu.memref_slice %dma_wait3A_132[%dma_wait3A_133, %dma_wait3A_134] : memref<10240x64xf32, #tpu.memory_space<hbm>> -> memref<10240x64xf32, #tpu.memory_space<hbm>>
      tpu.wait_indirect_dma semaphore(%arg9 : memref<!tpu.dma_semaphore, #tpu.memory_space<semaphore_mem>>) src(%dma_wait3A_135 : memref<10240x64xf32, #tpu.memory_space<hbm>>) dst(%dma_wait3A_125 : memref<128x64xf32, #tpu.memory_space<vmem>>)
      %run_scoped3A_136 = arith.constant 0 : i32
      "tpu.region"() ({
        %run_scoped3A_266 = tpu.sem_alloc : memref<!tpu.dma_semaphore, #tpu.memory_space<semaphore_mem>>
        %dma_start3A_267 = arith.constant 0 : i32
        %dma_start3A_268 = arith.constant 0 : i32
        %dma_start3A_269 = tpu.memref_slice %arg8[%run_scoped3A_136, %dma_start3A_267, %dma_start3A_268] : memref<6x128x64xf32, #tpu.memory_space<vmem>> -> memref<1x128x64xf32, #tpu.memory_space<vmem>>
        %dma_start3A_270 = tpu.memref_squeeze %dma_start3A_269 : memref<1x128x64xf32, #tpu.memory_space<vmem>> -> memref<128x64xf32, #tpu.memory_space<vmem>>
        %dma_start3A_271 = arith.constant 0 : i32
        %dma_start3A_272 = tpu.memref_slice %arg7[%add3A_120, %dma_start3A_271] : memref<157x128xi32, #tpu.memory_space<vmem>> -> memref<1x128xi32, #tpu.memory_space<vmem>>
        %dma_start3A_273 = tpu.memref_squeeze %dma_start3A_272 : memref<1x128xi32, #tpu.memory_space<vmem>> -> memref<128xi32, #tpu.memory_space<vmem>>
        %dma_start3A_274 = arith.constant 0 : i32
        %dma_start3A_275 = arith.constant 0 : i32
        %dma_start3A_276 = tpu.memref_slice %arg15[%dma_start3A_274, %dma_start3A_275] : memref<10240x64xf32, #tpu.memory_space<vmem_shared>> -> memref<10240x64xf32, #tpu.memory_space<vmem_shared>>
        tpu.enqueue_indirect_dma source(%dma_start3A_270 : memref<128x64xf32, #tpu.memory_space<vmem>>) target(%dma_start3A_276 : memref<10240x64xf32, #tpu.memory_space<vmem_shared>>) offsets(%dma_start3A_273 : memref<128xi32, #tpu.memory_space<vmem>>) semaphore(%run_scoped3A_266 : memref<!tpu.dma_semaphore, #tpu.memory_space<semaphore_mem>>) {add = true}
        %dma_wait3A_277 = arith.constant 0 : i32
        %dma_wait3A_278 = arith.constant 0 : i32
        %dma_wait3A_279 = tpu.memref_slice %arg8[%run_scoped3A_136, %dma_wait3A_277, %dma_wait3A_278] : memref<6x128x64xf32, #tpu.memory_space<vmem>> -> memref<1x128x64xf32, #tpu.memory_space<vmem>>
        %dma_wait3A_280 = tpu.memref_squeeze %dma_wait3A_279 : memref<1x128x64xf32, #tpu.memory_space<vmem>> -> memref<128x64xf32, #tpu.memory_space<vmem>>
        %dma_wait3A_281 = arith.constant 0 : i32
        %dma_wait3A_282 = tpu.memref_slice %arg7[%add3A_120, %dma_wait3A_281] : memref<157x128xi32, #tpu.memory_space<vmem>> -> memref<1x128xi32, #tpu.memory_space<vmem>>
        %dma_wait3A_283 = tpu.memref_squeeze %dma_wait3A_282 : memref<1x128xi32, #tpu.memory_space<vmem>> -> memref<128xi32, #tpu.memory_space<vmem>>
        %dma_wait3A_284 = arith.constant 0 : i32
        %dma_wait3A_285 = arith.constant 0 : i32
        %dma_wait3A_286 = tpu.memref_slice %arg15[%dma_wait3A_284, %dma_wait3A_285] : memref<10240x64xf32, #tpu.memory_space<vmem_shared>> -> memref<10240x64xf32, #tpu.memory_space<vmem_shared>>
        tpu.wait_indirect_dma semaphore(%run_scoped3A_266 : memref<!tpu.dma_semaphore, #tpu.memory_space<semaphore_mem>>) src(%dma_wait3A_280 : memref<128x64xf32, #tpu.memory_space<vmem>>) dst(%dma_wait3A_286 : memref<10240x64xf32, #tpu.memory_space<vmem_shared>>)
        tpu.yield
      }) : () -> ()
      %add3A_137 = arith.constant 6 : i32
      %add3A_138 = arith.addi %add3A_120, %add3A_137 : i32
      %lt3A = arith.constant 157 : i32
      %lt3A_139 = arith.cmpi slt, %add3A_138, %lt3A : i32
      %convert_element_type3A = arith.extui %lt3A_139 : i1 to i32
      %cond3A = arith.constant 0 : i32
      %cond3A_140 = arith.cmpi ne, %convert_element_type3A, %cond3A : i32
      scf.if %cond3A_140 {
        %dma_start3A_266 = arith.constant 0 : i32
        %dma_start3A_267 = arith.constant 0 : i32
        %dma_start3A_268 = arith.constant 0 : i32
        %dma_start3A_269 = tpu.memref_slice %arg8[%dma_start3A_266, %dma_start3A_267, %dma_start3A_268] : memref<6x128x64xf32, #tpu.memory_space<vmem>> -> memref<1x128x64xf32, #tpu.memory_space<vmem>>
        %dma_start3A_270 = tpu.memref_squeeze %dma_start3A_269 : memref<1x128x64xf32, #tpu.memory_space<vmem>> -> memref<128x64xf32, #tpu.memory_space<vmem>>
        %dma_start3A_271 = arith.constant 0 : i32
        %dma_start3A_272 = tpu.memref_slice %arg6[%add3A_138, %dma_start3A_271] : memref<157x128xi32, #tpu.memory_space<vmem>> -> memref<1x128xi32, #tpu.memory_space<vmem>>
        %dma_start3A_273 = tpu.memref_squeeze %dma_start3A_272 : memref<1x128xi32, #tpu.memory_space<vmem>> -> memref<128xi32, #tpu.memory_space<vmem>>
        %dma_start3A_274 = arith.constant 0 : i32
        %dma_start3A_275 = arith.constant 0 : i32
        %dma_start3A_276 = tpu.memref_slice %arg2[%arg0, %dma_start3A_274, %dma_start3A_275] : memref<2x10240x64xf32, #tpu.memory_space<hbm>> -> memref<1x10240x64xf32, #tpu.memory_space<hbm>>
        %dma_start3A_277 = tpu.memref_squeeze %dma_start3A_276 : memref<1x10240x64xf32, #tpu.memory_space<hbm>> -> memref<10240x64xf32, #tpu.memory_space<hbm>>
        %dma_start3A_278 = arith.constant 0 : i32
        %dma_start3A_279 = arith.constant 0 : i32
        %dma_start3A_280 = tpu.memref_slice %dma_start3A_277[%dma_start3A_278, %dma_start3A_279] : memref<10240x64xf32, #tpu.memory_space<hbm>> -> memref<10240x64xf32, #tpu.memory_space<hbm>>
        tpu.enqueue_indirect_dma source(%dma_start3A_280 : memref<10240x64xf32, #tpu.memory_space<hbm>>) target(%dma_start3A_270 : memref<128x64xf32, #tpu.memory_space<vmem>>) offsets(%dma_start3A_273 : memref<128xi32, #tpu.memory_space<vmem>>) semaphore(%arg9 : memref<!tpu.dma_semaphore, #tpu.memory_space<semaphore_mem>>)
      } else {
      }
      %add3A_141 = arith.constant 1 : i32
      %add3A_142 = arith.addi %mul3A_119, %add3A_141 : i32
      %dma_wait3A_143 = arith.constant 1 : i32
      %dma_wait3A_144 = arith.constant 0 : i32
      %dma_wait3A_145 = arith.constant 0 : i32
      %dma_wait3A_146 = tpu.memref_slice %arg8[%dma_wait3A_143, %dma_wait3A_144, %dma_wait3A_145] : memref<6x128x64xf32, #tpu.memory_space<vmem>> -> memref<1x128x64xf32, #tpu.memory_space<vmem>>
      %dma_wait3A_147 = tpu.memref_squeeze %dma_wait3A_146 : memref<1x128x64xf32, #tpu.memory_space<vmem>> -> memref<128x64xf32, #tpu.memory_space<vmem>>
      %dma_wait3A_148 = arith.constant 0 : i32
      %dma_wait3A_149 = tpu.memref_slice %arg6[%add3A_142, %dma_wait3A_148] : memref<157x128xi32, #tpu.memory_space<vmem>> -> memref<1x128xi32, #tpu.memory_space<vmem>>
      %dma_wait3A_150 = tpu.memref_squeeze %dma_wait3A_149 : memref<1x128xi32, #tpu.memory_space<vmem>> -> memref<128xi32, #tpu.memory_space<vmem>>
      %dma_wait3A_151 = arith.constant 0 : i32
      %dma_wait3A_152 = arith.constant 0 : i32
      %dma_wait3A_153 = tpu.memref_slice %arg2[%arg0, %dma_wait3A_151, %dma_wait3A_152] : memref<2x10240x64xf32, #tpu.memory_space<hbm>> -> memref<1x10240x64xf32, #tpu.memory_space<hbm>>
      %dma_wait3A_154 = tpu.memref_squeeze %dma_wait3A_153 : memref<1x10240x64xf32, #tpu.memory_space<hbm>> -> memref<10240x64xf32, #tpu.memory_space<hbm>>
      %dma_wait3A_155 = arith.constant 0 : i32
      %dma_wait3A_156 = arith.constant 0 : i32
      %dma_wait3A_157 = tpu.memref_slice %dma_wait3A_154[%dma_wait3A_155, %dma_wait3A_156] : memref<10240x64xf32, #tpu.memory_space<hbm>> -> memref<10240x64xf32, #tpu.memory_space<hbm>>
      tpu.wait_indirect_dma semaphore(%arg10 : memref<!tpu.dma_semaphore, #tpu.memory_space<semaphore_mem>>) src(%dma_wait3A_157 : memref<10240x64xf32, #tpu.memory_space<hbm>>) dst(%dma_wait3A_147 : memref<128x64xf32, #tpu.memory_space<vmem>>)
      %run_scoped3A_158 = arith.constant 1 : i32
      "tpu.region"() ({
        %run_scoped3A_266 = tpu.sem_alloc : memref<!tpu.dma_semaphore, #tpu.memory_space<semaphore_mem>>
        %dma_start3A_267 = arith.constant 0 : i32
        %dma_start3A_268 = arith.constant 0 : i32
        %dma_start3A_269 = tpu.memref_slice %arg8[%run_scoped3A_158, %dma_start3A_267, %dma_start3A_268] : memref<6x128x64xf32, #tpu.memory_space<vmem>> -> memref<1x128x64xf32, #tpu.memory_space<vmem>>
        %dma_start3A_270 = tpu.memref_squeeze %dma_start3A_269 : memref<1x128x64xf32, #tpu.memory_space<vmem>> -> memref<128x64xf32, #tpu.memory_space<vmem>>
        %dma_start3A_271 = arith.constant 0 : i32
        %dma_start3A_272 = tpu.memref_slice %arg7[%add3A_142, %dma_start3A_271] : memref<157x128xi32, #tpu.memory_space<vmem>> -> memref<1x128xi32, #tpu.memory_space<vmem>>
        %dma_start3A_273 = tpu.memref_squeeze %dma_start3A_272 : memref<1x128xi32, #tpu.memory_space<vmem>> -> memref<128xi32, #tpu.memory_space<vmem>>
        %dma_start3A_274 = arith.constant 0 : i32
        %dma_start3A_275 = arith.constant 0 : i32
        %dma_start3A_276 = tpu.memref_slice %arg15[%dma_start3A_274, %dma_start3A_275] : memref<10240x64xf32, #tpu.memory_space<vmem_shared>> -> memref<10240x64xf32, #tpu.memory_space<vmem_shared>>
        tpu.enqueue_indirect_dma source(%dma_start3A_270 : memref<128x64xf32, #tpu.memory_space<vmem>>) target(%dma_start3A_276 : memref<10240x64xf32, #tpu.memory_space<vmem_shared>>) offsets(%dma_start3A_273 : memref<128xi32, #tpu.memory_space<vmem>>) semaphore(%run_scoped3A_266 : memref<!tpu.dma_semaphore, #tpu.memory_space<semaphore_mem>>) {add = true}
        %dma_wait3A_277 = arith.constant 0 : i32
        %dma_wait3A_278 = arith.constant 0 : i32
        %dma_wait3A_279 = tpu.memref_slice %arg8[%run_scoped3A_158, %dma_wait3A_277, %dma_wait3A_278] : memref<6x128x64xf32, #tpu.memory_space<vmem>> -> memref<1x128x64xf32, #tpu.memory_space<vmem>>
        %dma_wait3A_280 = tpu.memref_squeeze %dma_wait3A_279 : memref<1x128x64xf32, #tpu.memory_space<vmem>> -> memref<128x64xf32, #tpu.memory_space<vmem>>
        %dma_wait3A_281 = arith.constant 0 : i32
        %dma_wait3A_282 = tpu.memref_slice %arg7[%add3A_142, %dma_wait3A_281] : memref<157x128xi32, #tpu.memory_space<vmem>> -> memref<1x128xi32, #tpu.memory_space<vmem>>
        %dma_wait3A_283 = tpu.memref_squeeze %dma_wait3A_282 : memref<1x128xi32, #tpu.memory_space<vmem>> -> memref<128xi32, #tpu.memory_space<vmem>>
        %dma_wait3A_284 = arith.constant 0 : i32
        %dma_wait3A_285 = arith.constant 0 : i32
        %dma_wait3A_286 = tpu.memref_slice %arg15[%dma_wait3A_284, %dma_wait3A_285] : memref<10240x64xf32, #tpu.memory_space<vmem_shared>> -> memref<10240x64xf32, #tpu.memory_space<vmem_shared>>
        tpu.wait_indirect_dma semaphore(%run_scoped3A_266 : memref<!tpu.dma_semaphore, #tpu.memory_space<semaphore_mem>>) src(%dma_wait3A_280 : memref<128x64xf32, #tpu.memory_space<vmem>>) dst(%dma_wait3A_286 : memref<10240x64xf32, #tpu.memory_space<vmem_shared>>)
        tpu.yield
      }) : () -> ()
      %add3A_159 = arith.constant 6 : i32
      %add3A_160 = arith.addi %add3A_142, %add3A_159 : i32
      %lt3A_161 = arith.constant 157 : i32
      %lt3A_162 = arith.cmpi slt, %add3A_160, %lt3A_161 : i32
      %convert_element_type3A_163 = arith.extui %lt3A_162 : i1 to i32
      %cond3A_164 = arith.constant 0 : i32
      %cond3A_165 = arith.cmpi ne, %convert_element_type3A_163, %cond3A_164 : i32
      scf.if %cond3A_165 {
        %dma_start3A_266 = arith.constant 1 : i32
        %dma_start3A_267 = arith.constant 0 : i32
        %dma_start3A_268 = arith.constant 0 : i32
        %dma_start3A_269 = tpu.memref_slice %arg8[%dma_start3A_266, %dma_start3A_267, %dma_start3A_268] : memref<6x128x64xf32, #tpu.memory_space<vmem>> -> memref<1x128x64xf32, #tpu.memory_space<vmem>>
        %dma_start3A_270 = tpu.memref_squeeze %dma_start3A_269 : memref<1x128x64xf32, #tpu.memory_space<vmem>> -> memref<128x64xf32, #tpu.memory_space<vmem>>
        %dma_start3A_271 = arith.constant 0 : i32
        %dma_start3A_272 = tpu.memref_slice %arg6[%add3A_160, %dma_start3A_271] : memref<157x128xi32, #tpu.memory_space<vmem>> -> memref<1x128xi32, #tpu.memory_space<vmem>>
        %dma_start3A_273 = tpu.memref_squeeze %dma_start3A_272 : memref<1x128xi32, #tpu.memory_space<vmem>> -> memref<128xi32, #tpu.memory_space<vmem>>
        %dma_start3A_274 = arith.constant 0 : i32
        %dma_start3A_275 = arith.constant 0 : i32
        %dma_start3A_276 = tpu.memref_slice %arg2[%arg0, %dma_start3A_274, %dma_start3A_275] : memref<2x10240x64xf32, #tpu.memory_space<hbm>> -> memref<1x10240x64xf32, #tpu.memory_space<hbm>>
        %dma_start3A_277 = tpu.memref_squeeze %dma_start3A_276 : memref<1x10240x64xf32, #tpu.memory_space<hbm>> -> memref<10240x64xf32, #tpu.memory_space<hbm>>
        %dma_start3A_278 = arith.constant 0 : i32
        %dma_start3A_279 = arith.constant 0 : i32
        %dma_start3A_280 = tpu.memref_slice %dma_start3A_277[%dma_start3A_278, %dma_start3A_279] : memref<10240x64xf32, #tpu.memory_space<hbm>> -> memref<10240x64xf32, #tpu.memory_space<hbm>>
        tpu.enqueue_indirect_dma source(%dma_start3A_280 : memref<10240x64xf32, #tpu.memory_space<hbm>>) target(%dma_start3A_270 : memref<128x64xf32, #tpu.memory_space<vmem>>) offsets(%dma_start3A_273 : memref<128xi32, #tpu.memory_space<vmem>>) semaphore(%arg10 : memref<!tpu.dma_semaphore, #tpu.memory_space<semaphore_mem>>)
      } else {
      }
      %add3A_166 = arith.constant 2 : i32
      %add3A_167 = arith.addi %mul3A_119, %add3A_166 : i32
      %dma_wait3A_168 = arith.constant 2 : i32
      %dma_wait3A_169 = arith.constant 0 : i32
      %dma_wait3A_170 = arith.constant 0 : i32
      %dma_wait3A_171 = tpu.memref_slice %arg8[%dma_wait3A_168, %dma_wait3A_169, %dma_wait3A_170] : memref<6x128x64xf32, #tpu.memory_space<vmem>> -> memref<1x128x64xf32, #tpu.memory_space<vmem>>
      %dma_wait3A_172 = tpu.memref_squeeze %dma_wait3A_171 : memref<1x128x64xf32, #tpu.memory_space<vmem>> -> memref<128x64xf32, #tpu.memory_space<vmem>>
      %dma_wait3A_173 = arith.constant 0 : i32
      %dma_wait3A_174 = tpu.memref_slice %arg6[%add3A_167, %dma_wait3A_173] : memref<157x128xi32, #tpu.memory_space<vmem>> -> memref<1x128xi32, #tpu.memory_space<vmem>>
      %dma_wait3A_175 = tpu.memref_squeeze %dma_wait3A_174 : memref<1x128xi32, #tpu.memory_space<vmem>> -> memref<128xi32, #tpu.memory_space<vmem>>
      %dma_wait3A_176 = arith.constant 0 : i32
      %dma_wait3A_177 = arith.constant 0 : i32
      %dma_wait3A_178 = tpu.memref_slice %arg2[%arg0, %dma_wait3A_176, %dma_wait3A_177] : memref<2x10240x64xf32, #tpu.memory_space<hbm>> -> memref<1x10240x64xf32, #tpu.memory_space<hbm>>
      %dma_wait3A_179 = tpu.memref_squeeze %dma_wait3A_178 : memref<1x10240x64xf32, #tpu.memory_space<hbm>> -> memref<10240x64xf32, #tpu.memory_space<hbm>>
      %dma_wait3A_180 = arith.constant 0 : i32
      %dma_wait3A_181 = arith.constant 0 : i32
      %dma_wait3A_182 = tpu.memref_slice %dma_wait3A_179[%dma_wait3A_180, %dma_wait3A_181] : memref<10240x64xf32, #tpu.memory_space<hbm>> -> memref<10240x64xf32, #tpu.memory_space<hbm>>
      tpu.wait_indirect_dma semaphore(%arg11 : memref<!tpu.dma_semaphore, #tpu.memory_space<semaphore_mem>>) src(%dma_wait3A_182 : memref<10240x64xf32, #tpu.memory_space<hbm>>) dst(%dma_wait3A_172 : memref<128x64xf32, #tpu.memory_space<vmem>>)
      %run_scoped3A_183 = arith.constant 2 : i32
      "tpu.region"() ({
        %run_scoped3A_266 = tpu.sem_alloc : memref<!tpu.dma_semaphore, #tpu.memory_space<semaphore_mem>>
        %dma_start3A_267 = arith.constant 0 : i32
        %dma_start3A_268 = arith.constant 0 : i32
        %dma_start3A_269 = tpu.memref_slice %arg8[%run_scoped3A_183, %dma_start3A_267, %dma_start3A_268] : memref<6x128x64xf32, #tpu.memory_space<vmem>> -> memref<1x128x64xf32, #tpu.memory_space<vmem>>
        %dma_start3A_270 = tpu.memref_squeeze %dma_start3A_269 : memref<1x128x64xf32, #tpu.memory_space<vmem>> -> memref<128x64xf32, #tpu.memory_space<vmem>>
        %dma_start3A_271 = arith.constant 0 : i32
        %dma_start3A_272 = tpu.memref_slice %arg7[%add3A_167, %dma_start3A_271] : memref<157x128xi32, #tpu.memory_space<vmem>> -> memref<1x128xi32, #tpu.memory_space<vmem>>
        %dma_start3A_273 = tpu.memref_squeeze %dma_start3A_272 : memref<1x128xi32, #tpu.memory_space<vmem>> -> memref<128xi32, #tpu.memory_space<vmem>>
        %dma_start3A_274 = arith.constant 0 : i32
        %dma_start3A_275 = arith.constant 0 : i32
        %dma_start3A_276 = tpu.memref_slice %arg15[%dma_start3A_274, %dma_start3A_275] : memref<10240x64xf32, #tpu.memory_space<vmem_shared>> -> memref<10240x64xf32, #tpu.memory_space<vmem_shared>>
        tpu.enqueue_indirect_dma source(%dma_start3A_270 : memref<128x64xf32, #tpu.memory_space<vmem>>) target(%dma_start3A_276 : memref<10240x64xf32, #tpu.memory_space<vmem_shared>>) offsets(%dma_start3A_273 : memref<128xi32, #tpu.memory_space<vmem>>) semaphore(%run_scoped3A_266 : memref<!tpu.dma_semaphore, #tpu.memory_space<semaphore_mem>>) {add = true}
        %dma_wait3A_277 = arith.constant 0 : i32
        %dma_wait3A_278 = arith.constant 0 : i32
        %dma_wait3A_279 = tpu.memref_slice %arg8[%run_scoped3A_183, %dma_wait3A_277, %dma_wait3A_278] : memref<6x128x64xf32, #tpu.memory_space<vmem>> -> memref<1x128x64xf32, #tpu.memory_space<vmem>>
        %dma_wait3A_280 = tpu.memref_squeeze %dma_wait3A_279 : memref<1x128x64xf32, #tpu.memory_space<vmem>> -> memref<128x64xf32, #tpu.memory_space<vmem>>
        %dma_wait3A_281 = arith.constant 0 : i32
        %dma_wait3A_282 = tpu.memref_slice %arg7[%add3A_167, %dma_wait3A_281] : memref<157x128xi32, #tpu.memory_space<vmem>> -> memref<1x128xi32, #tpu.memory_space<vmem>>
        %dma_wait3A_283 = tpu.memref_squeeze %dma_wait3A_282 : memref<1x128xi32, #tpu.memory_space<vmem>> -> memref<128xi32, #tpu.memory_space<vmem>>
        %dma_wait3A_284 = arith.constant 0 : i32
        %dma_wait3A_285 = arith.constant 0 : i32
        %dma_wait3A_286 = tpu.memref_slice %arg15[%dma_wait3A_284, %dma_wait3A_285] : memref<10240x64xf32, #tpu.memory_space<vmem_shared>> -> memref<10240x64xf32, #tpu.memory_space<vmem_shared>>
        tpu.wait_indirect_dma semaphore(%run_scoped3A_266 : memref<!tpu.dma_semaphore, #tpu.memory_space<semaphore_mem>>) src(%dma_wait3A_280 : memref<128x64xf32, #tpu.memory_space<vmem>>) dst(%dma_wait3A_286 : memref<10240x64xf32, #tpu.memory_space<vmem_shared>>)
        tpu.yield
      }) : () -> ()
      %add3A_184 = arith.constant 6 : i32
      %add3A_185 = arith.addi %add3A_167, %add3A_184 : i32
      %lt3A_186 = arith.constant 157 : i32
      %lt3A_187 = arith.cmpi slt, %add3A_185, %lt3A_186 : i32
      %convert_element_type3A_188 = arith.extui %lt3A_187 : i1 to i32
      %cond3A_189 = arith.constant 0 : i32
      %cond3A_190 = arith.cmpi ne, %convert_element_type3A_188, %cond3A_189 : i32
      scf.if %cond3A_190 {
        %dma_start3A_266 = arith.constant 2 : i32
        %dma_start3A_267 = arith.constant 0 : i32
        %dma_start3A_268 = arith.constant 0 : i32
        %dma_start3A_269 = tpu.memref_slice %arg8[%dma_start3A_266, %dma_start3A_267, %dma_start3A_268] : memref<6x128x64xf32, #tpu.memory_space<vmem>> -> memref<1x128x64xf32, #tpu.memory_space<vmem>>
        %dma_start3A_270 = tpu.memref_squeeze %dma_start3A_269 : memref<1x128x64xf32, #tpu.memory_space<vmem>> -> memref<128x64xf32, #tpu.memory_space<vmem>>
        %dma_start3A_271 = arith.constant 0 : i32
        %dma_start3A_272 = tpu.memref_slice %arg6[%add3A_185, %dma_start3A_271] : memref<157x128xi32, #tpu.memory_space<vmem>> -> memref<1x128xi32, #tpu.memory_space<vmem>>
        %dma_start3A_273 = tpu.memref_squeeze %dma_start3A_272 : memref<1x128xi32, #tpu.memory_space<vmem>> -> memref<128xi32, #tpu.memory_space<vmem>>
        %dma_start3A_274 = arith.constant 0 : i32
        %dma_start3A_275 = arith.constant 0 : i32
        %dma_start3A_276 = tpu.memref_slice %arg2[%arg0, %dma_start3A_274, %dma_start3A_275] : memref<2x10240x64xf32, #tpu.memory_space<hbm>> -> memref<1x10240x64xf32, #tpu.memory_space<hbm>>
        %dma_start3A_277 = tpu.memref_squeeze %dma_start3A_276 : memref<1x10240x64xf32, #tpu.memory_space<hbm>> -> memref<10240x64xf32, #tpu.memory_space<hbm>>
        %dma_start3A_278 = arith.constant 0 : i32
        %dma_start3A_279 = arith.constant 0 : i32
        %dma_start3A_280 = tpu.memref_slice %dma_start3A_277[%dma_start3A_278, %dma_start3A_279] : memref<10240x64xf32, #tpu.memory_space<hbm>> -> memref<10240x64xf32, #tpu.memory_space<hbm>>
        tpu.enqueue_indirect_dma source(%dma_start3A_280 : memref<10240x64xf32, #tpu.memory_space<hbm>>) target(%dma_start3A_270 : memref<128x64xf32, #tpu.memory_space<vmem>>) offsets(%dma_start3A_273 : memref<128xi32, #tpu.memory_space<vmem>>) semaphore(%arg11 : memref<!tpu.dma_semaphore, #tpu.memory_space<semaphore_mem>>)
      } else {
      }
      %add3A_191 = arith.constant 3 : i32
      %add3A_192 = arith.addi %mul3A_119, %add3A_191 : i32
      %dma_wait3A_193 = arith.constant 3 : i32
      %dma_wait3A_194 = arith.constant 0 : i32
      %dma_wait3A_195 = arith.constant 0 : i32
      %dma_wait3A_196 = tpu.memref_slice %arg8[%dma_wait3A_193, %dma_wait3A_194, %dma_wait3A_195] : memref<6x128x64xf32, #tpu.memory_space<vmem>> -> memref<1x128x64xf32, #tpu.memory_space<vmem>>
      %dma_wait3A_197 = tpu.memref_squeeze %dma_wait3A_196 : memref<1x128x64xf32, #tpu.memory_space<vmem>> -> memref<128x64xf32, #tpu.memory_space<vmem>>
      %dma_wait3A_198 = arith.constant 0 : i32
      %dma_wait3A_199 = tpu.memref_slice %arg6[%add3A_192, %dma_wait3A_198] : memref<157x128xi32, #tpu.memory_space<vmem>> -> memref<1x128xi32, #tpu.memory_space<vmem>>
      %dma_wait3A_200 = tpu.memref_squeeze %dma_wait3A_199 : memref<1x128xi32, #tpu.memory_space<vmem>> -> memref<128xi32, #tpu.memory_space<vmem>>
      %dma_wait3A_201 = arith.constant 0 : i32
      %dma_wait3A_202 = arith.constant 0 : i32
      %dma_wait3A_203 = tpu.memref_slice %arg2[%arg0, %dma_wait3A_201, %dma_wait3A_202] : memref<2x10240x64xf32, #tpu.memory_space<hbm>> -> memref<1x10240x64xf32, #tpu.memory_space<hbm>>
      %dma_wait3A_204 = tpu.memref_squeeze %dma_wait3A_203 : memref<1x10240x64xf32, #tpu.memory_space<hbm>> -> memref<10240x64xf32, #tpu.memory_space<hbm>>
      %dma_wait3A_205 = arith.constant 0 : i32
      %dma_wait3A_206 = arith.constant 0 : i32
      %dma_wait3A_207 = tpu.memref_slice %dma_wait3A_204[%dma_wait3A_205, %dma_wait3A_206] : memref<10240x64xf32, #tpu.memory_space<hbm>> -> memref<10240x64xf32, #tpu.memory_space<hbm>>
      tpu.wait_indirect_dma semaphore(%arg12 : memref<!tpu.dma_semaphore, #tpu.memory_space<semaphore_mem>>) src(%dma_wait3A_207 : memref<10240x64xf32, #tpu.memory_space<hbm>>) dst(%dma_wait3A_197 : memref<128x64xf32, #tpu.memory_space<vmem>>)
      %run_scoped3A_208 = arith.constant 3 : i32
      "tpu.region"() ({
        %run_scoped3A_266 = tpu.sem_alloc : memref<!tpu.dma_semaphore, #tpu.memory_space<semaphore_mem>>
        %dma_start3A_267 = arith.constant 0 : i32
        %dma_start3A_268 = arith.constant 0 : i32
        %dma_start3A_269 = tpu.memref_slice %arg8[%run_scoped3A_208, %dma_start3A_267, %dma_start3A_268] : memref<6x128x64xf32, #tpu.memory_space<vmem>> -> memref<1x128x64xf32, #tpu.memory_space<vmem>>
        %dma_start3A_270 = tpu.memref_squeeze %dma_start3A_269 : memref<1x128x64xf32, #tpu.memory_space<vmem>> -> memref<128x64xf32, #tpu.memory_space<vmem>>
        %dma_start3A_271 = arith.constant 0 : i32
        %dma_start3A_272 = tpu.memref_slice %arg7[%add3A_192, %dma_start3A_271] : memref<157x128xi32, #tpu.memory_space<vmem>> -> memref<1x128xi32, #tpu.memory_space<vmem>>
        %dma_start3A_273 = tpu.memref_squeeze %dma_start3A_272 : memref<1x128xi32, #tpu.memory_space<vmem>> -> memref<128xi32, #tpu.memory_space<vmem>>
        %dma_start3A_274 = arith.constant 0 : i32
        %dma_start3A_275 = arith.constant 0 : i32
        %dma_start3A_276 = tpu.memref_slice %arg15[%dma_start3A_274, %dma_start3A_275] : memref<10240x64xf32, #tpu.memory_space<vmem_shared>> -> memref<10240x64xf32, #tpu.memory_space<vmem_shared>>
        tpu.enqueue_indirect_dma source(%dma_start3A_270 : memref<128x64xf32, #tpu.memory_space<vmem>>) target(%dma_start3A_276 : memref<10240x64xf32, #tpu.memory_space<vmem_shared>>) offsets(%dma_start3A_273 : memref<128xi32, #tpu.memory_space<vmem>>) semaphore(%run_scoped3A_266 : memref<!tpu.dma_semaphore, #tpu.memory_space<semaphore_mem>>) {add = true}
        %dma_wait3A_277 = arith.constant 0 : i32
        %dma_wait3A_278 = arith.constant 0 : i32
        %dma_wait3A_279 = tpu.memref_slice %arg8[%run_scoped3A_208, %dma_wait3A_277, %dma_wait3A_278] : memref<6x128x64xf32, #tpu.memory_space<vmem>> -> memref<1x128x64xf32, #tpu.memory_space<vmem>>
        %dma_wait3A_280 = tpu.memref_squeeze %dma_wait3A_279 : memref<1x128x64xf32, #tpu.memory_space<vmem>> -> memref<128x64xf32, #tpu.memory_space<vmem>>
        %dma_wait3A_281 = arith.constant 0 : i32
        %dma_wait3A_282 = tpu.memref_slice %arg7[%add3A_192, %dma_wait3A_281] : memref<157x128xi32, #tpu.memory_space<vmem>> -> memref<1x128xi32, #tpu.memory_space<vmem>>
        %dma_wait3A_283 = tpu.memref_squeeze %dma_wait3A_282 : memref<1x128xi32, #tpu.memory_space<vmem>> -> memref<128xi32, #tpu.memory_space<vmem>>
        %dma_wait3A_284 = arith.constant 0 : i32
        %dma_wait3A_285 = arith.constant 0 : i32
        %dma_wait3A_286 = tpu.memref_slice %arg15[%dma_wait3A_284, %dma_wait3A_285] : memref<10240x64xf32, #tpu.memory_space<vmem_shared>> -> memref<10240x64xf32, #tpu.memory_space<vmem_shared>>
        tpu.wait_indirect_dma semaphore(%run_scoped3A_266 : memref<!tpu.dma_semaphore, #tpu.memory_space<semaphore_mem>>) src(%dma_wait3A_280 : memref<128x64xf32, #tpu.memory_space<vmem>>) dst(%dma_wait3A_286 : memref<10240x64xf32, #tpu.memory_space<vmem_shared>>)
        tpu.yield
      }) : () -> ()
      %add3A_209 = arith.constant 6 : i32
      %add3A_210 = arith.addi %add3A_192, %add3A_209 : i32
      %lt3A_211 = arith.constant 157 : i32
      %lt3A_212 = arith.cmpi slt, %add3A_210, %lt3A_211 : i32
      %convert_element_type3A_213 = arith.extui %lt3A_212 : i1 to i32
      %cond3A_214 = arith.constant 0 : i32
      %cond3A_215 = arith.cmpi ne, %convert_element_type3A_213, %cond3A_214 : i32
      scf.if %cond3A_215 {
        %dma_start3A_266 = arith.constant 3 : i32
        %dma_start3A_267 = arith.constant 0 : i32
        %dma_start3A_268 = arith.constant 0 : i32
        %dma_start3A_269 = tpu.memref_slice %arg8[%dma_start3A_266, %dma_start3A_267, %dma_start3A_268] : memref<6x128x64xf32, #tpu.memory_space<vmem>> -> memref<1x128x64xf32, #tpu.memory_space<vmem>>
        %dma_start3A_270 = tpu.memref_squeeze %dma_start3A_269 : memref<1x128x64xf32, #tpu.memory_space<vmem>> -> memref<128x64xf32, #tpu.memory_space<vmem>>
        %dma_start3A_271 = arith.constant 0 : i32
        %dma_start3A_272 = tpu.memref_slice %arg6[%add3A_210, %dma_start3A_271] : memref<157x128xi32, #tpu.memory_space<vmem>> -> memref<1x128xi32, #tpu.memory_space<vmem>>
        %dma_start3A_273 = tpu.memref_squeeze %dma_start3A_272 : memref<1x128xi32, #tpu.memory_space<vmem>> -> memref<128xi32, #tpu.memory_space<vmem>>
        %dma_start3A_274 = arith.constant 0 : i32
        %dma_start3A_275 = arith.constant 0 : i32
        %dma_start3A_276 = tpu.memref_slice %arg2[%arg0, %dma_start3A_274, %dma_start3A_275] : memref<2x10240x64xf32, #tpu.memory_space<hbm>> -> memref<1x10240x64xf32, #tpu.memory_space<hbm>>
        %dma_start3A_277 = tpu.memref_squeeze %dma_start3A_276 : memref<1x10240x64xf32, #tpu.memory_space<hbm>> -> memref<10240x64xf32, #tpu.memory_space<hbm>>
        %dma_start3A_278 = arith.constant 0 : i32
        %dma_start3A_279 = arith.constant 0 : i32
        %dma_start3A_280 = tpu.memref_slice %dma_start3A_277[%dma_start3A_278, %dma_start3A_279] : memref<10240x64xf32, #tpu.memory_space<hbm>> -> memref<10240x64xf32, #tpu.memory_space<hbm>>
        tpu.enqueue_indirect_dma source(%dma_start3A_280 : memref<10240x64xf32, #tpu.memory_space<hbm>>) target(%dma_start3A_270 : memref<128x64xf32, #tpu.memory_space<vmem>>) offsets(%dma_start3A_273 : memref<128xi32, #tpu.memory_space<vmem>>) semaphore(%arg12 : memref<!tpu.dma_semaphore, #tpu.memory_space<semaphore_mem>>)
      } else {
      }
      %add3A_216 = arith.constant 4 : i32
      %add3A_217 = arith.addi %mul3A_119, %add3A_216 : i32
      %dma_wait3A_218 = arith.constant 4 : i32
      %dma_wait3A_219 = arith.constant 0 : i32
      %dma_wait3A_220 = arith.constant 0 : i32
      %dma_wait3A_221 = tpu.memref_slice %arg8[%dma_wait3A_218, %dma_wait3A_219, %dma_wait3A_220] : memref<6x128x64xf32, #tpu.memory_space<vmem>> -> memref<1x128x64xf32, #tpu.memory_space<vmem>>
      %dma_wait3A_222 = tpu.memref_squeeze %dma_wait3A_221 : memref<1x128x64xf32, #tpu.memory_space<vmem>> -> memref<128x64xf32, #tpu.memory_space<vmem>>
      %dma_wait3A_223 = arith.constant 0 : i32
      %dma_wait3A_224 = tpu.memref_slice %arg6[%add3A_217, %dma_wait3A_223] : memref<157x128xi32, #tpu.memory_space<vmem>> -> memref<1x128xi32, #tpu.memory_space<vmem>>
      %dma_wait3A_225 = tpu.memref_squeeze %dma_wait3A_224 : memref<1x128xi32, #tpu.memory_space<vmem>> -> memref<128xi32, #tpu.memory_space<vmem>>
      %dma_wait3A_226 = arith.constant 0 : i32
      %dma_wait3A_227 = arith.constant 0 : i32
      %dma_wait3A_228 = tpu.memref_slice %arg2[%arg0, %dma_wait3A_226, %dma_wait3A_227] : memref<2x10240x64xf32, #tpu.memory_space<hbm>> -> memref<1x10240x64xf32, #tpu.memory_space<hbm>>
      %dma_wait3A_229 = tpu.memref_squeeze %dma_wait3A_228 : memref<1x10240x64xf32, #tpu.memory_space<hbm>> -> memref<10240x64xf32, #tpu.memory_space<hbm>>
      %dma_wait3A_230 = arith.constant 0 : i32
      %dma_wait3A_231 = arith.constant 0 : i32
      %dma_wait3A_232 = tpu.memref_slice %dma_wait3A_229[%dma_wait3A_230, %dma_wait3A_231] : memref<10240x64xf32, #tpu.memory_space<hbm>> -> memref<10240x64xf32, #tpu.memory_space<hbm>>
      tpu.wait_indirect_dma semaphore(%arg13 : memref<!tpu.dma_semaphore, #tpu.memory_space<semaphore_mem>>) src(%dma_wait3A_232 : memref<10240x64xf32, #tpu.memory_space<hbm>>) dst(%dma_wait3A_222 : memref<128x64xf32, #tpu.memory_space<vmem>>)
      %run_scoped3A_233 = arith.constant 4 : i32
      "tpu.region"() ({
        %run_scoped3A_266 = tpu.sem_alloc : memref<!tpu.dma_semaphore, #tpu.memory_space<semaphore_mem>>
        %dma_start3A_267 = arith.constant 0 : i32
        %dma_start3A_268 = arith.constant 0 : i32
        %dma_start3A_269 = tpu.memref_slice %arg8[%run_scoped3A_233, %dma_start3A_267, %dma_start3A_268] : memref<6x128x64xf32, #tpu.memory_space<vmem>> -> memref<1x128x64xf32, #tpu.memory_space<vmem>>
        %dma_start3A_270 = tpu.memref_squeeze %dma_start3A_269 : memref<1x128x64xf32, #tpu.memory_space<vmem>> -> memref<128x64xf32, #tpu.memory_space<vmem>>
        %dma_start3A_271 = arith.constant 0 : i32
        %dma_start3A_272 = tpu.memref_slice %arg7[%add3A_217, %dma_start3A_271] : memref<157x128xi32, #tpu.memory_space<vmem>> -> memref<1x128xi32, #tpu.memory_space<vmem>>
        %dma_start3A_273 = tpu.memref_squeeze %dma_start3A_272 : memref<1x128xi32, #tpu.memory_space<vmem>> -> memref<128xi32, #tpu.memory_space<vmem>>
        %dma_start3A_274 = arith.constant 0 : i32
        %dma_start3A_275 = arith.constant 0 : i32
        %dma_start3A_276 = tpu.memref_slice %arg15[%dma_start3A_274, %dma_start3A_275] : memref<10240x64xf32, #tpu.memory_space<vmem_shared>> -> memref<10240x64xf32, #tpu.memory_space<vmem_shared>>
        tpu.enqueue_indirect_dma source(%dma_start3A_270 : memref<128x64xf32, #tpu.memory_space<vmem>>) target(%dma_start3A_276 : memref<10240x64xf32, #tpu.memory_space<vmem_shared>>) offsets(%dma_start3A_273 : memref<128xi32, #tpu.memory_space<vmem>>) semaphore(%run_scoped3A_266 : memref<!tpu.dma_semaphore, #tpu.memory_space<semaphore_mem>>) {add = true}
        %dma_wait3A_277 = arith.constant 0 : i32
        %dma_wait3A_278 = arith.constant 0 : i32
        %dma_wait3A_279 = tpu.memref_slice %arg8[%run_scoped3A_233, %dma_wait3A_277, %dma_wait3A_278] : memref<6x128x64xf32, #tpu.memory_space<vmem>> -> memref<1x128x64xf32, #tpu.memory_space<vmem>>
        %dma_wait3A_280 = tpu.memref_squeeze %dma_wait3A_279 : memref<1x128x64xf32, #tpu.memory_space<vmem>> -> memref<128x64xf32, #tpu.memory_space<vmem>>
        %dma_wait3A_281 = arith.constant 0 : i32
        %dma_wait3A_282 = tpu.memref_slice %arg7[%add3A_217, %dma_wait3A_281] : memref<157x128xi32, #tpu.memory_space<vmem>> -> memref<1x128xi32, #tpu.memory_space<vmem>>
        %dma_wait3A_283 = tpu.memref_squeeze %dma_wait3A_282 : memref<1x128xi32, #tpu.memory_space<vmem>> -> memref<128xi32, #tpu.memory_space<vmem>>
        %dma_wait3A_284 = arith.constant 0 : i32
        %dma_wait3A_285 = arith.constant 0 : i32
        %dma_wait3A_286 = tpu.memref_slice %arg15[%dma_wait3A_284, %dma_wait3A_285] : memref<10240x64xf32, #tpu.memory_space<vmem_shared>> -> memref<10240x64xf32, #tpu.memory_space<vmem_shared>>
        tpu.wait_indirect_dma semaphore(%run_scoped3A_266 : memref<!tpu.dma_semaphore, #tpu.memory_space<semaphore_mem>>) src(%dma_wait3A_280 : memref<128x64xf32, #tpu.memory_space<vmem>>) dst(%dma_wait3A_286 : memref<10240x64xf32, #tpu.memory_space<vmem_shared>>)
        tpu.yield
      }) : () -> ()
      %add3A_234 = arith.constant 6 : i32
      %add3A_235 = arith.addi %add3A_217, %add3A_234 : i32
      %lt3A_236 = arith.constant 157 : i32
      %lt3A_237 = arith.cmpi slt, %add3A_235, %lt3A_236 : i32
      %convert_element_type3A_238 = arith.extui %lt3A_237 : i1 to i32
      %cond3A_239 = arith.constant 0 : i32
      %cond3A_240 = arith.cmpi ne, %convert_element_type3A_238, %cond3A_239 : i32
      scf.if %cond3A_240 {
        %dma_start3A_266 = arith.constant 4 : i32
        %dma_start3A_267 = arith.constant 0 : i32
        %dma_start3A_268 = arith.constant 0 : i32
        %dma_start3A_269 = tpu.memref_slice %arg8[%dma_start3A_266, %dma_start3A_267, %dma_start3A_268] : memref<6x128x64xf32, #tpu.memory_space<vmem>> -> memref<1x128x64xf32, #tpu.memory_space<vmem>>
        %dma_start3A_270 = tpu.memref_squeeze %dma_start3A_269 : memref<1x128x64xf32, #tpu.memory_space<vmem>> -> memref<128x64xf32, #tpu.memory_space<vmem>>
        %dma_start3A_271 = arith.constant 0 : i32
        %dma_start3A_272 = tpu.memref_slice %arg6[%add3A_235, %dma_start3A_271] : memref<157x128xi32, #tpu.memory_space<vmem>> -> memref<1x128xi32, #tpu.memory_space<vmem>>
        %dma_start3A_273 = tpu.memref_squeeze %dma_start3A_272 : memref<1x128xi32, #tpu.memory_space<vmem>> -> memref<128xi32, #tpu.memory_space<vmem>>
        %dma_start3A_274 = arith.constant 0 : i32
        %dma_start3A_275 = arith.constant 0 : i32
        %dma_start3A_276 = tpu.memref_slice %arg2[%arg0, %dma_start3A_274, %dma_start3A_275] : memref<2x10240x64xf32, #tpu.memory_space<hbm>> -> memref<1x10240x64xf32, #tpu.memory_space<hbm>>
        %dma_start3A_277 = tpu.memref_squeeze %dma_start3A_276 : memref<1x10240x64xf32, #tpu.memory_space<hbm>> -> memref<10240x64xf32, #tpu.memory_space<hbm>>
        %dma_start3A_278 = arith.constant 0 : i32
        %dma_start3A_279 = arith.constant 0 : i32
        %dma_start3A_280 = tpu.memref_slice %dma_start3A_277[%dma_start3A_278, %dma_start3A_279] : memref<10240x64xf32, #tpu.memory_space<hbm>> -> memref<10240x64xf32, #tpu.memory_space<hbm>>
        tpu.enqueue_indirect_dma source(%dma_start3A_280 : memref<10240x64xf32, #tpu.memory_space<hbm>>) target(%dma_start3A_270 : memref<128x64xf32, #tpu.memory_space<vmem>>) offsets(%dma_start3A_273 : memref<128xi32, #tpu.memory_space<vmem>>) semaphore(%arg13 : memref<!tpu.dma_semaphore, #tpu.memory_space<semaphore_mem>>)
      } else {
      }
      %add3A_241 = arith.constant 5 : i32
      %add3A_242 = arith.addi %mul3A_119, %add3A_241 : i32
      %dma_wait3A_243 = arith.constant 5 : i32
      %dma_wait3A_244 = arith.constant 0 : i32
      %dma_wait3A_245 = arith.constant 0 : i32
      %dma_wait3A_246 = tpu.memref_slice %arg8[%dma_wait3A_243, %dma_wait3A_244, %dma_wait3A_245] : memref<6x128x64xf32, #tpu.memory_space<vmem>> -> memref<1x128x64xf32, #tpu.memory_space<vmem>>
      %dma_wait3A_247 = tpu.memref_squeeze %dma_wait3A_246 : memref<1x128x64xf32, #tpu.memory_space<vmem>> -> memref<128x64xf32, #tpu.memory_space<vmem>>
      %dma_wait3A_248 = arith.constant 0 : i32
      %dma_wait3A_249 = tpu.memref_slice %arg6[%add3A_242, %dma_wait3A_248] : memref<157x128xi32, #tpu.memory_space<vmem>> -> memref<1x128xi32, #tpu.memory_space<vmem>>
      %dma_wait3A_250 = tpu.memref_squeeze %dma_wait3A_249 : memref<1x128xi32, #tpu.memory_space<vmem>> -> memref<128xi32, #tpu.memory_space<vmem>>
      %dma_wait3A_251 = arith.constant 0 : i32
      %dma_wait3A_252 = arith.constant 0 : i32
      %dma_wait3A_253 = tpu.memref_slice %arg2[%arg0, %dma_wait3A_251, %dma_wait3A_252] : memref<2x10240x64xf32, #tpu.memory_space<hbm>> -> memref<1x10240x64xf32, #tpu.memory_space<hbm>>
      %dma_wait3A_254 = tpu.memref_squeeze %dma_wait3A_253 : memref<1x10240x64xf32, #tpu.memory_space<hbm>> -> memref<10240x64xf32, #tpu.memory_space<hbm>>
      %dma_wait3A_255 = arith.constant 0 : i32
      %dma_wait3A_256 = arith.constant 0 : i32
      %dma_wait3A_257 = tpu.memref_slice %dma_wait3A_254[%dma_wait3A_255, %dma_wait3A_256] : memref<10240x64xf32, #tpu.memory_space<hbm>> -> memref<10240x64xf32, #tpu.memory_space<hbm>>
      tpu.wait_indirect_dma semaphore(%arg14 : memref<!tpu.dma_semaphore, #tpu.memory_space<semaphore_mem>>) src(%dma_wait3A_257 : memref<10240x64xf32, #tpu.memory_space<hbm>>) dst(%dma_wait3A_247 : memref<128x64xf32, #tpu.memory_space<vmem>>)
      %run_scoped3A_258 = arith.constant 5 : i32
      "tpu.region"() ({
        %run_scoped3A_266 = tpu.sem_alloc : memref<!tpu.dma_semaphore, #tpu.memory_space<semaphore_mem>>
        %dma_start3A_267 = arith.constant 0 : i32
        %dma_start3A_268 = arith.constant 0 : i32
        %dma_start3A_269 = tpu.memref_slice %arg8[%run_scoped3A_258, %dma_start3A_267, %dma_start3A_268] : memref<6x128x64xf32, #tpu.memory_space<vmem>> -> memref<1x128x64xf32, #tpu.memory_space<vmem>>
        %dma_start3A_270 = tpu.memref_squeeze %dma_start3A_269 : memref<1x128x64xf32, #tpu.memory_space<vmem>> -> memref<128x64xf32, #tpu.memory_space<vmem>>
        %dma_start3A_271 = arith.constant 0 : i32
        %dma_start3A_272 = tpu.memref_slice %arg7[%add3A_242, %dma_start3A_271] : memref<157x128xi32, #tpu.memory_space<vmem>> -> memref<1x128xi32, #tpu.memory_space<vmem>>
        %dma_start3A_273 = tpu.memref_squeeze %dma_start3A_272 : memref<1x128xi32, #tpu.memory_space<vmem>> -> memref<128xi32, #tpu.memory_space<vmem>>
        %dma_start3A_274 = arith.constant 0 : i32
        %dma_start3A_275 = arith.constant 0 : i32
        %dma_start3A_276 = tpu.memref_slice %arg15[%dma_start3A_274, %dma_start3A_275] : memref<10240x64xf32, #tpu.memory_space<vmem_shared>> -> memref<10240x64xf32, #tpu.memory_space<vmem_shared>>
        tpu.enqueue_indirect_dma source(%dma_start3A_270 : memref<128x64xf32, #tpu.memory_space<vmem>>) target(%dma_start3A_276 : memref<10240x64xf32, #tpu.memory_space<vmem_shared>>) offsets(%dma_start3A_273 : memref<128xi32, #tpu.memory_space<vmem>>) semaphore(%run_scoped3A_266 : memref<!tpu.dma_semaphore, #tpu.memory_space<semaphore_mem>>) {add = true}
        %dma_wait3A_277 = arith.constant 0 : i32
        %dma_wait3A_278 = arith.constant 0 : i32
        %dma_wait3A_279 = tpu.memref_slice %arg8[%run_scoped3A_258, %dma_wait3A_277, %dma_wait3A_278] : memref<6x128x64xf32, #tpu.memory_space<vmem>> -> memref<1x128x64xf32, #tpu.memory_space<vmem>>
        %dma_wait3A_280 = tpu.memref_squeeze %dma_wait3A_279 : memref<1x128x64xf32, #tpu.memory_space<vmem>> -> memref<128x64xf32, #tpu.memory_space<vmem>>
        %dma_wait3A_281 = arith.constant 0 : i32
        %dma_wait3A_282 = tpu.memref_slice %arg7[%add3A_242, %dma_wait3A_281] : memref<157x128xi32, #tpu.memory_space<vmem>> -> memref<1x128xi32, #tpu.memory_space<vmem>>
        %dma_wait3A_283 = tpu.memref_squeeze %dma_wait3A_282 : memref<1x128xi32, #tpu.memory_space<vmem>> -> memref<128xi32, #tpu.memory_space<vmem>>
        %dma_wait3A_284 = arith.constant 0 : i32
        %dma_wait3A_285 = arith.constant 0 : i32
        %dma_wait3A_286 = tpu.memref_slice %arg15[%dma_wait3A_284, %dma_wait3A_285] : memref<10240x64xf32, #tpu.memory_space<vmem_shared>> -> memref<10240x64xf32, #tpu.memory_space<vmem_shared>>
        tpu.wait_indirect_dma semaphore(%run_scoped3A_266 : memref<!tpu.dma_semaphore, #tpu.memory_space<semaphore_mem>>) src(%dma_wait3A_280 : memref<128x64xf32, #tpu.memory_space<vmem>>) dst(%dma_wait3A_286 : memref<10240x64xf32, #tpu.memory_space<vmem_shared>>)
        tpu.yield
      }) : () -> ()
      %add3A_259 = arith.constant 6 : i32
      %add3A_260 = arith.addi %add3A_242, %add3A_259 : i32
      %lt3A_261 = arith.constant 157 : i32
      %lt3A_262 = arith.cmpi slt, %add3A_260, %lt3A_261 : i32
      %convert_element_type3A_263 = arith.extui %lt3A_262 : i1 to i32
      %cond3A_264 = arith.constant 0 : i32
      %cond3A_265 = arith.cmpi ne, %convert_element_type3A_263, %cond3A_264 : i32
      scf.if %cond3A_265 {
        %dma_start3A_266 = arith.constant 5 : i32
        %dma_start3A_267 = arith.constant 0 : i32
        %dma_start3A_268 = arith.constant 0 : i32
        %dma_start3A_269 = tpu.memref_slice %arg8[%dma_start3A_266, %dma_start3A_267, %dma_start3A_268] : memref<6x128x64xf32, #tpu.memory_space<vmem>> -> memref<1x128x64xf32, #tpu.memory_space<vmem>>
        %dma_start3A_270 = tpu.memref_squeeze %dma_start3A_269 : memref<1x128x64xf32, #tpu.memory_space<vmem>> -> memref<128x64xf32, #tpu.memory_space<vmem>>
        %dma_start3A_271 = arith.constant 0 : i32
        %dma_start3A_272 = tpu.memref_slice %arg6[%add3A_260, %dma_start3A_271] : memref<157x128xi32, #tpu.memory_space<vmem>> -> memref<1x128xi32, #tpu.memory_space<vmem>>
        %dma_start3A_273 = tpu.memref_squeeze %dma_start3A_272 : memref<1x128xi32, #tpu.memory_space<vmem>> -> memref<128xi32, #tpu.memory_space<vmem>>
        %dma_start3A_274 = arith.constant 0 : i32
        %dma_start3A_275 = arith.constant 0 : i32
        %dma_start3A_276 = tpu.memref_slice %arg2[%arg0, %dma_start3A_274, %dma_start3A_275] : memref<2x10240x64xf32, #tpu.memory_space<hbm>> -> memref<1x10240x64xf32, #tpu.memory_space<hbm>>
        %dma_start3A_277 = tpu.memref_squeeze %dma_start3A_276 : memref<1x10240x64xf32, #tpu.memory_space<hbm>> -> memref<10240x64xf32, #tpu.memory_space<hbm>>
        %dma_start3A_278 = arith.constant 0 : i32
        %dma_start3A_279 = arith.constant 0 : i32
        %dma_start3A_280 = tpu.memref_slice %dma_start3A_277[%dma_start3A_278, %dma_start3A_279] : memref<10240x64xf32, #tpu.memory_space<hbm>> -> memref<10240x64xf32, #tpu.memory_space<hbm>>
        tpu.enqueue_indirect_dma source(%dma_start3A_280 : memref<10240x64xf32, #tpu.memory_space<hbm>>) target(%dma_start3A_270 : memref<128x64xf32, #tpu.memory_space<vmem>>) offsets(%dma_start3A_273 : memref<128xi32, #tpu.memory_space<vmem>>) semaphore(%arg14 : memref<!tpu.dma_semaphore, #tpu.memory_space<semaphore_mem>>)
      } else {
      }
    }
    %scan3A_99 = arith.constant 26 : i32
    %dma_wait3A = arith.constant 156 : i32
    %dma_wait3A_100 = arith.constant 0 : i32
    %dma_wait3A_101 = arith.constant 0 : i32
    %dma_wait3A_102 = arith.constant 0 : i32
    %dma_wait3A_103 = tpu.memref_slice %arg8[%dma_wait3A_100, %dma_wait3A_101, %dma_wait3A_102] : memref<6x128x64xf32, #tpu.memory_space<vmem>> -> memref<1x128x64xf32, #tpu.memory_space<vmem>>
    %dma_wait3A_104 = tpu.memref_squeeze %dma_wait3A_103 : memref<1x128x64xf32, #tpu.memory_space<vmem>> -> memref<128x64xf32, #tpu.memory_space<vmem>>
    %dma_wait3A_105 = arith.constant 0 : i32
    %dma_wait3A_106 = tpu.memref_slice %arg6[%dma_wait3A, %dma_wait3A_105] : memref<157x128xi32, #tpu.memory_space<vmem>> -> memref<1x128xi32, #tpu.memory_space<vmem>>
    %dma_wait3A_107 = tpu.memref_squeeze %dma_wait3A_106 : memref<1x128xi32, #tpu.memory_space<vmem>> -> memref<128xi32, #tpu.memory_space<vmem>>
    %dma_wait3A_108 = arith.constant 0 : i32
    %dma_wait3A_109 = arith.constant 0 : i32
    %dma_wait3A_110 = tpu.memref_slice %arg2[%arg0, %dma_wait3A_108, %dma_wait3A_109] : memref<2x10240x64xf32, #tpu.memory_space<hbm>> -> memref<1x10240x64xf32, #tpu.memory_space<hbm>>
    %dma_wait3A_111 = tpu.memref_squeeze %dma_wait3A_110 : memref<1x10240x64xf32, #tpu.memory_space<hbm>> -> memref<10240x64xf32, #tpu.memory_space<hbm>>
    %dma_wait3A_112 = arith.constant 0 : i32
    %dma_wait3A_113 = arith.constant 0 : i32
    %dma_wait3A_114 = tpu.memref_slice %dma_wait3A_111[%dma_wait3A_112, %dma_wait3A_113] : memref<10240x64xf32, #tpu.memory_space<hbm>> -> memref<10240x64xf32, #tpu.memory_space<hbm>>
    tpu.wait_indirect_dma semaphore(%arg9 : memref<!tpu.dma_semaphore, #tpu.memory_space<semaphore_mem>>) src(%dma_wait3A_114 : memref<10240x64xf32, #tpu.memory_space<hbm>>) dst(%dma_wait3A_104 : memref<128x64xf32, #tpu.memory_space<vmem>>)
    %run_scoped3A = arith.constant 0 : i32
    %run_scoped3A_115 = arith.constant 156 : i32
    "tpu.region"() ({
      %run_scoped3A_117 = tpu.sem_alloc : memref<!tpu.dma_semaphore, #tpu.memory_space<semaphore_mem>>
      %dma_start3A_118 = arith.constant 0 : i32
      %dma_start3A_119 = arith.constant 0 : i32
      %dma_start3A_120 = tpu.memref_slice %arg8[%run_scoped3A, %dma_start3A_118, %dma_start3A_119] : memref<6x128x64xf32, #tpu.memory_space<vmem>> -> memref<1x128x64xf32, #tpu.memory_space<vmem>>
      %dma_start3A_121 = tpu.memref_squeeze %dma_start3A_120 : memref<1x128x64xf32, #tpu.memory_space<vmem>> -> memref<128x64xf32, #tpu.memory_space<vmem>>
      %dma_start3A_122 = arith.constant 0 : i32
      %dma_start3A_123 = tpu.memref_slice %arg7[%run_scoped3A_115, %dma_start3A_122] : memref<157x128xi32, #tpu.memory_space<vmem>> -> memref<1x128xi32, #tpu.memory_space<vmem>>
      %dma_start3A_124 = tpu.memref_squeeze %dma_start3A_123 : memref<1x128xi32, #tpu.memory_space<vmem>> -> memref<128xi32, #tpu.memory_space<vmem>>
      %dma_start3A_125 = arith.constant 0 : i32
      %dma_start3A_126 = arith.constant 0 : i32
      %dma_start3A_127 = tpu.memref_slice %arg15[%dma_start3A_125, %dma_start3A_126] : memref<10240x64xf32, #tpu.memory_space<vmem_shared>> -> memref<10240x64xf32, #tpu.memory_space<vmem_shared>>
      tpu.enqueue_indirect_dma source(%dma_start3A_121 : memref<128x64xf32, #tpu.memory_space<vmem>>) target(%dma_start3A_127 : memref<10240x64xf32, #tpu.memory_space<vmem_shared>>) offsets(%dma_start3A_124 : memref<128xi32, #tpu.memory_space<vmem>>) semaphore(%run_scoped3A_117 : memref<!tpu.dma_semaphore, #tpu.memory_space<semaphore_mem>>) {add = true}
      %dma_wait3A_128 = arith.constant 0 : i32
      %dma_wait3A_129 = arith.constant 0 : i32
      %dma_wait3A_130 = tpu.memref_slice %arg8[%run_scoped3A, %dma_wait3A_128, %dma_wait3A_129] : memref<6x128x64xf32, #tpu.memory_space<vmem>> -> memref<1x128x64xf32, #tpu.memory_space<vmem>>
      %dma_wait3A_131 = tpu.memref_squeeze %dma_wait3A_130 : memref<1x128x64xf32, #tpu.memory_space<vmem>> -> memref<128x64xf32, #tpu.memory_space<vmem>>
      %dma_wait3A_132 = arith.constant 0 : i32
      %dma_wait3A_133 = tpu.memref_slice %arg7[%run_scoped3A_115, %dma_wait3A_132] : memref<157x128xi32, #tpu.memory_space<vmem>> -> memref<1x128xi32, #tpu.memory_space<vmem>>
      %dma_wait3A_134 = tpu.memref_squeeze %dma_wait3A_133 : memref<1x128xi32, #tpu.memory_space<vmem>> -> memref<128xi32, #tpu.memory_space<vmem>>
      %dma_wait3A_135 = arith.constant 0 : i32
      %dma_wait3A_136 = arith.constant 0 : i32
      %dma_wait3A_137 = tpu.memref_slice %arg15[%dma_wait3A_135, %dma_wait3A_136] : memref<10240x64xf32, #tpu.memory_space<vmem_shared>> -> memref<10240x64xf32, #tpu.memory_space<vmem_shared>>
      tpu.wait_indirect_dma semaphore(%run_scoped3A_117 : memref<!tpu.dma_semaphore, #tpu.memory_space<semaphore_mem>>) src(%dma_wait3A_131 : memref<128x64xf32, #tpu.memory_space<vmem>>) dst(%dma_wait3A_137 : memref<10240x64xf32, #tpu.memory_space<vmem_shared>>)
      tpu.yield
    }) : () -> ()
    %barrier3A_116 = arith.constant 0 : index
    tpu.barrier barrier_id(%barrier3A_116)
    "tpu.region"() ({
      %run_scoped3A_117 = tpu.sem_alloc : memref<!tpu.dma_semaphore, #tpu.memory_space<semaphore_mem>>
      %dma_start3A_118 = arith.constant 0 : i32
      %dma_start3A_119 = arith.constant 0 : i32
      %dma_start3A_120 = tpu.memref_slice %arg5[%arg0, %dma_start3A_118, %dma_start3A_119] : memref<2x10240x64xf32, #tpu.memory_space<hbm>> -> memref<1x10240x64xf32, #tpu.memory_space<hbm>>
      %dma_start3A_121 = tpu.memref_squeeze %dma_start3A_120 : memref<1x10240x64xf32, #tpu.memory_space<hbm>> -> memref<10240x64xf32, #tpu.memory_space<hbm>>
      %dma_start3A_122 = arith.constant 0 : i32
      %dma_start3A_123 = tpu.memref_slice %dma_start3A_121[%mul3A_0, %dma_start3A_122] : memref<10240x64xf32, #tpu.memory_space<hbm>> -> memref<640x64xf32, #tpu.memory_space<hbm>>
      %dma_start3A_124 = arith.constant 0 : i32
      %dma_start3A_125 = tpu.memref_slice %arg15[%mul3A_0, %dma_start3A_124] : memref<10240x64xf32, #tpu.memory_space<vmem_shared>> -> memref<640x64xf32, #tpu.memory_space<vmem_shared>>
      tpu.enqueue_dma source(%dma_start3A_125 : memref<640x64xf32, #tpu.memory_space<vmem_shared>>) target(%dma_start3A_123 : memref<640x64xf32, #tpu.memory_space<hbm>>) target_semaphore(%run_scoped3A_117 : memref<!tpu.dma_semaphore, #tpu.memory_space<semaphore_mem>>)
      %dma_wait3A_126 = arith.constant 0 : i32
      %dma_wait3A_127 = arith.constant 0 : i32
      %dma_wait3A_128 = tpu.memref_slice %arg5[%arg0, %dma_wait3A_126, %dma_wait3A_127] : memref<2x10240x64xf32, #tpu.memory_space<hbm>> -> memref<1x10240x64xf32, #tpu.memory_space<hbm>>
      %dma_wait3A_129 = tpu.memref_squeeze %dma_wait3A_128 : memref<1x10240x64xf32, #tpu.memory_space<hbm>> -> memref<10240x64xf32, #tpu.memory_space<hbm>>
      %dma_wait3A_130 = arith.constant 0 : i32
      %dma_wait3A_131 = tpu.memref_slice %dma_wait3A_129[%mul3A_0, %dma_wait3A_130] : memref<10240x64xf32, #tpu.memory_space<hbm>> -> memref<640x64xf32, #tpu.memory_space<hbm>>
      %dma_wait3A_132 = arith.constant 0 : i32
      %dma_wait3A_133 = tpu.memref_slice %arg15[%mul3A_0, %dma_wait3A_132] : memref<10240x64xf32, #tpu.memory_space<vmem_shared>> -> memref<640x64xf32, #tpu.memory_space<vmem_shared>>
      tpu.wait_dma2 semaphore(%run_scoped3A_117 : memref<!tpu.dma_semaphore, #tpu.memory_space<semaphore_mem>>) src(%dma_wait3A_133 : memref<640x64xf32, #tpu.memory_space<vmem_shared>>) dst(%dma_wait3A_131 : memref<640x64xf32, #tpu.memory_space<hbm>>)
      tpu.yield
    }) : () -> ()
    return
  }
}

#map = affine_map<(d0, d1) -> (0, 0, 0)>
module attributes {stable_mosaic.version = 14 : i64} {
  func.func @deg_kernel(%arg0: i32, %arg1: i32, %arg2: memref<16x157x128xi32, #tpu.memory_space<hbm>>, %arg3: memref<2x10240x16xf32, #tpu.memory_space<hbm>>, %arg4: memref<157x128xi32, #tpu.memory_space<vmem>>, %arg5: memref<128x16xf32, #tpu.memory_space<vmem>>, %arg6: memref<10240x16xf32, #tpu.memory_space<vmem_shared>>) attributes {dimension_semantics = [#tpu.dimension_semantics<core_parallel>, #tpu.dimension_semantics<subcore_parallel>], iteration_bounds = array<i64: 2, 16>, scalar_prefetch = 0 : i64, scratch_operands = 3 : i64, tpu.core_type = #tpu.core_type<sc_vector_subcore>, window_params = [{transform_indices = #map}, {transform_indices = #map}]} {
    "tpu.region"() ({
      %run_scoped3A = tpu.sem_alloc : memref<!tpu.dma_semaphore, #tpu.memory_space<semaphore_mem>>
      %dma_start3A = arith.constant 0 : i32
      %dma_start3A_30 = arith.constant 0 : i32
      %dma_start3A_31 = tpu.memref_slice %arg2[%arg1, %dma_start3A, %dma_start3A_30] : memref<16x157x128xi32, #tpu.memory_space<hbm>> -> memref<1x157x128xi32, #tpu.memory_space<hbm>>
      %dma_start3A_32 = tpu.memref_squeeze %dma_start3A_31 : memref<1x157x128xi32, #tpu.memory_space<hbm>> -> memref<157x128xi32, #tpu.memory_space<hbm>>
      %dma_start3A_33 = arith.constant 0 : i32
      %dma_start3A_34 = arith.constant 0 : i32
      %dma_start3A_35 = tpu.memref_slice %arg2[%arg1, %dma_start3A_33, %dma_start3A_34] : memref<16x157x128xi32, #tpu.memory_space<hbm>> -> memref<1x157x128xi32, #tpu.memory_space<hbm>>
      %dma_start3A_36 = tpu.memref_squeeze %dma_start3A_35 : memref<1x157x128xi32, #tpu.memory_space<hbm>> -> memref<157x128xi32, #tpu.memory_space<hbm>>
      tpu.enqueue_dma source(%dma_start3A_36 : memref<157x128xi32, #tpu.memory_space<hbm>>) target(%arg4 : memref<157x128xi32, #tpu.memory_space<vmem>>) target_semaphore(%run_scoped3A : memref<!tpu.dma_semaphore, #tpu.memory_space<semaphore_mem>>)
      %dma_wait3A = arith.constant 0 : i32
      %dma_wait3A_37 = arith.constant 0 : i32
      %dma_wait3A_38 = tpu.memref_slice %arg2[%arg1, %dma_wait3A, %dma_wait3A_37] : memref<16x157x128xi32, #tpu.memory_space<hbm>> -> memref<1x157x128xi32, #tpu.memory_space<hbm>>
      %dma_wait3A_39 = tpu.memref_squeeze %dma_wait3A_38 : memref<1x157x128xi32, #tpu.memory_space<hbm>> -> memref<157x128xi32, #tpu.memory_space<hbm>>
      %dma_wait3A_40 = arith.constant 0 : i32
      %dma_wait3A_41 = arith.constant 0 : i32
      %dma_wait3A_42 = tpu.memref_slice %arg2[%arg1, %dma_wait3A_40, %dma_wait3A_41] : memref<16x157x128xi32, #tpu.memory_space<hbm>> -> memref<1x157x128xi32, #tpu.memory_space<hbm>>
      %dma_wait3A_43 = tpu.memref_squeeze %dma_wait3A_42 : memref<1x157x128xi32, #tpu.memory_space<hbm>> -> memref<157x128xi32, #tpu.memory_space<hbm>>
      tpu.wait_dma2 semaphore(%run_scoped3A : memref<!tpu.dma_semaphore, #tpu.memory_space<semaphore_mem>>) src(%dma_wait3A_43 : memref<157x128xi32, #tpu.memory_space<hbm>>) dst(%arg4 : memref<157x128xi32, #tpu.memory_space<vmem>>)
      tpu.yield
    }) : () -> ()
    %scan3A = arith.constant 0 : i32
    %scan3A_0 = arith.constant 128 : i32
    %scan3A_1 = arith.addi %scan3A, %scan3A_0 : i32
    %scan3A_2 = arith.constant 1 : i32
    scf.for %scan3A_30 = %scan3A to %scan3A_1 step %scan3A_2  : i32 {
      %broadcast_in_dim3A = arith.constant 1.000000e+00 : f32
      %broadcast_in_dim3A_31 = vector.broadcast %broadcast_in_dim3A : f32 to vector<16xf32>
      %swap3A = arith.index_cast %scan3A_30 : i32 to index
      %swap3A_32 = arith.constant 0 : index
      %swap3A_33 = tpu.vector_load %arg5[%swap3A, %swap3A_32] {strides = array<i32>} : memref<128x16xf32, #tpu.memory_space<vmem>>, vector<1x16xf32>,
      %swap3A_34 = vector.shape_cast %swap3A_33 : vector<1x16xf32> to vector<16xf32>
      %swap3A_35 = vector.shape_cast %broadcast_in_dim3A_31 : vector<16xf32> to vector<1x16xf32>
      tpu.vector_store %arg5[%swap3A, %swap3A_32], %swap3A_35 {strides = array<i32>} : memref<128x16xf32, #tpu.memory_space<vmem>>, vector<1x16xf32>,
    }
    %scan3A_3 = arith.constant 128 : i32
    %mul3A = arith.constant 640 : i32
    %mul3A_4 = arith.muli %arg1, %mul3A : i32
    %mul3A_5 = arith.constant 640 : i32
    %mul3A_6 = arith.muli %arg1, %mul3A_5 : i32
    %add3A = arith.constant 0 : i32
    %add3A_7 = arith.addi %mul3A_6, %add3A : i32
    "tpu.region"() ({
      %run_scoped3A = tpu.sem_alloc : memref<!tpu.dma_semaphore, #tpu.memory_space<semaphore_mem>>
      %dma_start3A = arith.constant 0 : i32
      %dma_start3A_30 = tpu.memref_slice %arg6[%add3A_7, %dma_start3A] : memref<10240x16xf32, #tpu.memory_space<vmem_shared>> -> memref<128x16xf32, #tpu.memory_space<vmem_shared>>
      %dma_start3A_31 = arith.constant 0 : i32
      %dma_start3A_32 = tpu.memref_slice %arg6[%add3A_7, %dma_start3A_31] : memref<10240x16xf32, #tpu.memory_space<vmem_shared>> -> memref<128x16xf32, #tpu.memory_space<vmem_shared>>
      tpu.enqueue_dma source(%arg5 : memref<128x16xf32, #tpu.memory_space<vmem>>) target(%dma_start3A_32 : memref<128x16xf32, #tpu.memory_space<vmem_shared>>) target_semaphore(%run_scoped3A : memref<!tpu.dma_semaphore, #tpu.memory_space<semaphore_mem>>)
      %dma_wait3A = arith.constant 0 : i32
      %dma_wait3A_33 = tpu.memref_slice %arg6[%add3A_7, %dma_wait3A] : memref<10240x16xf32, #tpu.memory_space<vmem_shared>> -> memref<128x16xf32, #tpu.memory_space<vmem_shared>>
      %dma_wait3A_34 = arith.constant 0 : i32
      %dma_wait3A_35 = tpu.memref_slice %arg6[%add3A_7, %dma_wait3A_34] : memref<10240x16xf32, #tpu.memory_space<vmem_shared>> -> memref<128x16xf32, #tpu.memory_space<vmem_shared>>
      tpu.wait_dma2 semaphore(%run_scoped3A : memref<!tpu.dma_semaphore, #tpu.memory_space<semaphore_mem>>) src(%arg5 : memref<128x16xf32, #tpu.memory_space<vmem>>) dst(%dma_wait3A_35 : memref<128x16xf32, #tpu.memory_space<vmem_shared>>)
      tpu.yield
    }) : () -> ()
    %mul3A_8 = arith.constant 640 : i32
    %mul3A_9 = arith.muli %arg1, %mul3A_8 : i32
    %add3A_10 = arith.constant 128 : i32
    %add3A_11 = arith.addi %mul3A_9, %add3A_10 : i32
    "tpu.region"() ({
      %run_scoped3A = tpu.sem_alloc : memref<!tpu.dma_semaphore, #tpu.memory_space<semaphore_mem>>
      %dma_start3A = arith.constant 0 : i32
      %dma_start3A_30 = tpu.memref_slice %arg6[%add3A_11, %dma_start3A] : memref<10240x16xf32, #tpu.memory_space<vmem_shared>> -> memref<128x16xf32, #tpu.memory_space<vmem_shared>>
      %dma_start3A_31 = arith.constant 0 : i32
      %dma_start3A_32 = tpu.memref_slice %arg6[%add3A_11, %dma_start3A_31] : memref<10240x16xf32, #tpu.memory_space<vmem_shared>> -> memref<128x16xf32, #tpu.memory_space<vmem_shared>>
      tpu.enqueue_dma source(%arg5 : memref<128x16xf32, #tpu.memory_space<vmem>>) target(%dma_start3A_32 : memref<128x16xf32, #tpu.memory_space<vmem_shared>>) target_semaphore(%run_scoped3A : memref<!tpu.dma_semaphore, #tpu.memory_space<semaphore_mem>>)
      %dma_wait3A = arith.constant 0 : i32
      %dma_wait3A_33 = tpu.memref_slice %arg6[%add3A_11, %dma_wait3A] : memref<10240x16xf32, #tpu.memory_space<vmem_shared>> -> memref<128x16xf32, #tpu.memory_space<vmem_shared>>
      %dma_wait3A_34 = arith.constant 0 : i32
      %dma_wait3A_35 = tpu.memref_slice %arg6[%add3A_11, %dma_wait3A_34] : memref<10240x16xf32, #tpu.memory_space<vmem_shared>> -> memref<128x16xf32, #tpu.memory_space<vmem_shared>>
      tpu.wait_dma2 semaphore(%run_scoped3A : memref<!tpu.dma_semaphore, #tpu.memory_space<semaphore_mem>>) src(%arg5 : memref<128x16xf32, #tpu.memory_space<vmem>>) dst(%dma_wait3A_35 : memref<128x16xf32, #tpu.memory_space<vmem_shared>>)
      tpu.yield
    }) : () -> ()
    %mul3A_12 = arith.constant 640 : i32
    %mul3A_13 = arith.muli %arg1, %mul3A_12 : i32
    %add3A_14 = arith.constant 256 : i32
    %add3A_15 = arith.addi %mul3A_13, %add3A_14 : i32
    "tpu.region"() ({
      %run_scoped3A = tpu.sem_alloc : memref<!tpu.dma_semaphore, #tpu.memory_space<semaphore_mem>>
      %dma_start3A = arith.constant 0 : i32
      %dma_start3A_30 = tpu.memref_slice %arg6[%add3A_15, %dma_start3A] : memref<10240x16xf32, #tpu.memory_space<vmem_shared>> -> memref<128x16xf32, #tpu.memory_space<vmem_shared>>
      %dma_start3A_31 = arith.constant 0 : i32
      %dma_start3A_32 = tpu.memref_slice %arg6[%add3A_15, %dma_start3A_31] : memref<10240x16xf32, #tpu.memory_space<vmem_shared>> -> memref<128x16xf32, #tpu.memory_space<vmem_shared>>
      tpu.enqueue_dma source(%arg5 : memref<128x16xf32, #tpu.memory_space<vmem>>) target(%dma_start3A_32 : memref<128x16xf32, #tpu.memory_space<vmem_shared>>) target_semaphore(%run_scoped3A : memref<!tpu.dma_semaphore, #tpu.memory_space<semaphore_mem>>)
      %dma_wait3A = arith.constant 0 : i32
      %dma_wait3A_33 = tpu.memref_slice %arg6[%add3A_15, %dma_wait3A] : memref<10240x16xf32, #tpu.memory_space<vmem_shared>> -> memref<128x16xf32, #tpu.memory_space<vmem_shared>>
      %dma_wait3A_34 = arith.constant 0 : i32
      %dma_wait3A_35 = tpu.memref_slice %arg6[%add3A_15, %dma_wait3A_34] : memref<10240x16xf32, #tpu.memory_space<vmem_shared>> -> memref<128x16xf32, #tpu.memory_space<vmem_shared>>
      tpu.wait_dma2 semaphore(%run_scoped3A : memref<!tpu.dma_semaphore, #tpu.memory_space<semaphore_mem>>) src(%arg5 : memref<128x16xf32, #tpu.memory_space<vmem>>) dst(%dma_wait3A_35 : memref<128x16xf32, #tpu.memory_space<vmem_shared>>)
      tpu.yield
    }) : () -> ()
    %mul3A_16 = arith.constant 640 : i32
    %mul3A_17 = arith.muli %arg1, %mul3A_16 : i32
    %add3A_18 = arith.constant 384 : i32
    %add3A_19 = arith.addi %mul3A_17, %add3A_18 : i32
    "tpu.region"() ({
      %run_scoped3A = tpu.sem_alloc : memref<!tpu.dma_semaphore, #tpu.memory_space<semaphore_mem>>
      %dma_start3A = arith.constant 0 : i32
      %dma_start3A_30 = tpu.memref_slice %arg6[%add3A_19, %dma_start3A] : memref<10240x16xf32, #tpu.memory_space<vmem_shared>> -> memref<128x16xf32, #tpu.memory_space<vmem_shared>>
      %dma_start3A_31 = arith.constant 0 : i32
      %dma_start3A_32 = tpu.memref_slice %arg6[%add3A_19, %dma_start3A_31] : memref<10240x16xf32, #tpu.memory_space<vmem_shared>> -> memref<128x16xf32, #tpu.memory_space<vmem_shared>>
      tpu.enqueue_dma source(%arg5 : memref<128x16xf32, #tpu.memory_space<vmem>>) target(%dma_start3A_32 : memref<128x16xf32, #tpu.memory_space<vmem_shared>>) target_semaphore(%run_scoped3A : memref<!tpu.dma_semaphore, #tpu.memory_space<semaphore_mem>>)
      %dma_wait3A = arith.constant 0 : i32
      %dma_wait3A_33 = tpu.memref_slice %arg6[%add3A_19, %dma_wait3A] : memref<10240x16xf32, #tpu.memory_space<vmem_shared>> -> memref<128x16xf32, #tpu.memory_space<vmem_shared>>
      %dma_wait3A_34 = arith.constant 0 : i32
      %dma_wait3A_35 = tpu.memref_slice %arg6[%add3A_19, %dma_wait3A_34] : memref<10240x16xf32, #tpu.memory_space<vmem_shared>> -> memref<128x16xf32, #tpu.memory_space<vmem_shared>>
      tpu.wait_dma2 semaphore(%run_scoped3A : memref<!tpu.dma_semaphore, #tpu.memory_space<semaphore_mem>>) src(%arg5 : memref<128x16xf32, #tpu.memory_space<vmem>>) dst(%dma_wait3A_35 : memref<128x16xf32, #tpu.memory_space<vmem_shared>>)
      tpu.yield
    }) : () -> ()
    %mul3A_20 = arith.constant 640 : i32
    %mul3A_21 = arith.muli %arg1, %mul3A_20 : i32
    %add3A_22 = arith.constant 512 : i32
    %add3A_23 = arith.addi %mul3A_21, %add3A_22 : i32
    "tpu.region"() ({
      %run_scoped3A = tpu.sem_alloc : memref<!tpu.dma_semaphore, #tpu.memory_space<semaphore_mem>>
      %dma_start3A = arith.constant 0 : i32
      %dma_start3A_30 = tpu.memref_slice %arg6[%add3A_23, %dma_start3A] : memref<10240x16xf32, #tpu.memory_space<vmem_shared>> -> memref<128x16xf32, #tpu.memory_space<vmem_shared>>
      %dma_start3A_31 = arith.constant 0 : i32
      %dma_start3A_32 = tpu.memref_slice %arg6[%add3A_23, %dma_start3A_31] : memref<10240x16xf32, #tpu.memory_space<vmem_shared>> -> memref<128x16xf32, #tpu.memory_space<vmem_shared>>
      tpu.enqueue_dma source(%arg5 : memref<128x16xf32, #tpu.memory_space<vmem>>) target(%dma_start3A_32 : memref<128x16xf32, #tpu.memory_space<vmem_shared>>) target_semaphore(%run_scoped3A : memref<!tpu.dma_semaphore, #tpu.memory_space<semaphore_mem>>)
      %dma_wait3A = arith.constant 0 : i32
      %dma_wait3A_33 = tpu.memref_slice %arg6[%add3A_23, %dma_wait3A] : memref<10240x16xf32, #tpu.memory_space<vmem_shared>> -> memref<128x16xf32, #tpu.memory_space<vmem_shared>>
      %dma_wait3A_34 = arith.constant 0 : i32
      %dma_wait3A_35 = tpu.memref_slice %arg6[%add3A_23, %dma_wait3A_34] : memref<10240x16xf32, #tpu.memory_space<vmem_shared>> -> memref<128x16xf32, #tpu.memory_space<vmem_shared>>
      tpu.wait_dma2 semaphore(%run_scoped3A : memref<!tpu.dma_semaphore, #tpu.memory_space<semaphore_mem>>) src(%arg5 : memref<128x16xf32, #tpu.memory_space<vmem>>) dst(%dma_wait3A_35 : memref<128x16xf32, #tpu.memory_space<vmem_shared>>)
      tpu.yield
    }) : () -> ()
    %barrier3A = arith.constant 0 : index
    tpu.barrier barrier_id(%barrier3A)
    %scan3A_24 = arith.constant 0 : i32
    %scan3A_25 = arith.constant 157 : i32
    %scan3A_26 = arith.addi %scan3A_24, %scan3A_25 : i32
    %scan3A_27 = arith.constant 1 : i32
    scf.for %scan3A_30 = %scan3A_24 to %scan3A_26 step %scan3A_27  : i32 {
      "tpu.region"() ({
        %run_scoped3A = tpu.sem_alloc : memref<!tpu.dma_semaphore, #tpu.memory_space<semaphore_mem>>
        %dma_start3A = arith.constant 0 : i32
        %dma_start3A_31 = tpu.memref_slice %arg4[%scan3A_30, %dma_start3A] : memref<157x128xi32, #tpu.memory_space<vmem>> -> memref<1x128xi32, #tpu.memory_space<vmem>>
        %dma_start3A_32 = tpu.memref_squeeze %dma_start3A_31 : memref<1x128xi32, #tpu.memory_space<vmem>> -> memref<128xi32, #tpu.memory_space<vmem>>
        %dma_start3A_33 = arith.constant 0 : i32
        %dma_start3A_34 = arith.constant 0 : i32
        %dma_start3A_35 = tpu.memref_slice %arg6[%dma_start3A_33, %dma_start3A_34] : memref<10240x16xf32, #tpu.memory_space<vmem_shared>> -> memref<10240x16xf32, #tpu.memory_space<vmem_shared>>
        tpu.enqueue_indirect_dma source(%arg5 : memref<128x16xf32, #tpu.memory_space<vmem>>) target(%dma_start3A_35 : memref<10240x16xf32, #tpu.memory_space<vmem_shared>>) offsets(%dma_start3A_32 : memref<128xi32, #tpu.memory_space<vmem>>) semaphore(%run_scoped3A : memref<!tpu.dma_semaphore, #tpu.memory_space<semaphore_mem>>) {add = true}
        %dma_wait3A = arith.constant 0 : i32
        %dma_wait3A_36 = tpu.memref_slice %arg4[%scan3A_30, %dma_wait3A] : memref<157x128xi32, #tpu.memory_space<vmem>> -> memref<1x128xi32, #tpu.memory_space<vmem>>
        %dma_wait3A_37 = tpu.memref_squeeze %dma_wait3A_36 : memref<1x128xi32, #tpu.memory_space<vmem>> -> memref<128xi32, #tpu.memory_space<vmem>>
        %dma_wait3A_38 = arith.constant 0 : i32
        %dma_wait3A_39 = arith.constant 0 : i32
        %dma_wait3A_40 = tpu.memref_slice %arg6[%dma_wait3A_38, %dma_wait3A_39] : memref<10240x16xf32, #tpu.memory_space<vmem_shared>> -> memref<10240x16xf32, #tpu.memory_space<vmem_shared>>
        tpu.wait_indirect_dma semaphore(%run_scoped3A : memref<!tpu.dma_semaphore, #tpu.memory_space<semaphore_mem>>) src(%arg5 : memref<128x16xf32, #tpu.memory_space<vmem>>) dst(%dma_wait3A_40 : memref<10240x16xf32, #tpu.memory_space<vmem_shared>>)
        tpu.yield
      }) : () -> ()
    }
    %scan3A_28 = arith.constant 157 : i32
    %barrier3A_29 = arith.constant 0 : index
    tpu.barrier barrier_id(%barrier3A_29)
    "tpu.region"() ({
      %run_scoped3A = tpu.sem_alloc : memref<!tpu.dma_semaphore, #tpu.memory_space<semaphore_mem>>
      %dma_start3A = arith.constant 0 : i32
      %dma_start3A_30 = arith.constant 0 : i32
      %dma_start3A_31 = tpu.memref_slice %arg3[%arg0, %dma_start3A, %dma_start3A_30] : memref<2x10240x16xf32, #tpu.memory_space<hbm>> -> memref<1x10240x16xf32, #tpu.memory_space<hbm>>
      %dma_start3A_32 = tpu.memref_squeeze %dma_start3A_31 : memref<1x10240x16xf32, #tpu.memory_space<hbm>> -> memref<10240x16xf32, #tpu.memory_space<hbm>>
      %dma_start3A_33 = arith.constant 0 : i32
      %dma_start3A_34 = tpu.memref_slice %dma_start3A_32[%mul3A_4, %dma_start3A_33] : memref<10240x16xf32, #tpu.memory_space<hbm>> -> memref<640x16xf32, #tpu.memory_space<hbm>>
      %dma_start3A_35 = arith.constant 0 : i32
      %dma_start3A_36 = tpu.memref_slice %arg6[%mul3A_4, %dma_start3A_35] : memref<10240x16xf32, #tpu.memory_space<vmem_shared>> -> memref<640x16xf32, #tpu.memory_space<vmem_shared>>
      tpu.enqueue_dma source(%dma_start3A_36 : memref<640x16xf32, #tpu.memory_space<vmem_shared>>) target(%dma_start3A_34 : memref<640x16xf32, #tpu.memory_space<hbm>>) target_semaphore(%run_scoped3A : memref<!tpu.dma_semaphore, #tpu.memory_space<semaphore_mem>>)
      %dma_wait3A = arith.constant 0 : i32
      %dma_wait3A_37 = arith.constant 0 : i32
      %dma_wait3A_38 = tpu.memref_slice %arg3[%arg0, %dma_wait3A, %dma_wait3A_37] : memref<2x10240x16xf32, #tpu.memory_space<hbm>> -> memref<1x10240x16xf32, #tpu.memory_space<hbm>>
      %dma_wait3A_39 = tpu.memref_squeeze %dma_wait3A_38 : memref<1x10240x16xf32, #tpu.memory_space<hbm>> -> memref<10240x16xf32, #tpu.memory_space<hbm>>
      %dma_wait3A_40 = arith.constant 0 : i32
      %dma_wait3A_41 = tpu.memref_slice %dma_wait3A_39[%mul3A_4, %dma_wait3A_40] : memref<10240x16xf32, #tpu.memory_space<hbm>> -> memref<640x16xf32, #tpu.memory_space<hbm>>
      %dma_wait3A_42 = arith.constant 0 : i32
      %dma_wait3A_43 = tpu.memref_slice %arg6[%mul3A_4, %dma_wait3A_42] : memref<10240x16xf32, #tpu.memory_space<vmem_shared>> -> memref<640x16xf32, #tpu.memory_space<vmem_shared>>
      tpu.wait_dma2 semaphore(%run_scoped3A : memref<!tpu.dma_semaphore, #tpu.memory_space<semaphore_mem>>) src(%dma_wait3A_43 : memref<640x16xf32, #tpu.memory_space<vmem_shared>>) dst(%dma_wait3A_41 : memref<640x16xf32, #tpu.memory_space<hbm>>)
      tpu.yield
    }) : () -> ()
    return
  }
}

#map = affine_map<(d0, d1) -> (0, 0, 0)>
module attributes {stable_mosaic.version = 14 : i64} {
  func.func @agg_kernel(%arg0: i32, %arg1: i32, %arg2: memref<2x10240x64xf32, #tpu.memory_space<hbm>>, %arg3: memref<16x157x128xi32, #tpu.memory_space<hbm>>, %arg4: memref<16x157x128xi32, #tpu.memory_space<hbm>>, %arg5: memref<2x10240x64xf32, #tpu.memory_space<hbm>>, %arg6: memref<157x128xi32, #tpu.memory_space<vmem>>, %arg7: memref<157x128xi32, #tpu.memory_space<vmem>>, %arg8: memref<6x128x64xf32, #tpu.memory_space<vmem>>, %arg9: memref<!tpu.dma_semaphore, #tpu.memory_space<semaphore_mem>>, %arg10: memref<!tpu.dma_semaphore, #tpu.memory_space<semaphore_mem>>, %arg11: memref<!tpu.dma_semaphore, #tpu.memory_space<semaphore_mem>>, %arg12: memref<!tpu.dma_semaphore, #tpu.memory_space<semaphore_mem>>, %arg13: memref<!tpu.dma_semaphore, #tpu.memory_space<semaphore_mem>>, %arg14: memref<!tpu.dma_semaphore, #tpu.memory_space<semaphore_mem>>, %arg15: memref<10240x64xf32, #tpu.memory_space<vmem_shared>>) attributes {dimension_semantics = [#tpu.dimension_semantics<core_parallel>, #tpu.dimension_semantics<subcore_parallel>], iteration_bounds = array<i64: 2, 16>, scalar_prefetch = 0 : i64, scratch_operands = 10 : i64, tpu.core_type = #tpu.core_type<sc_vector_subcore>, window_params = [{transform_indices = #map}, {transform_indices = #map}, {transform_indices = #map}, {transform_indices = #map}]} {
    "tpu.region"() ({
      %run_scoped3A_117 = tpu.sem_alloc : memref<!tpu.dma_semaphore, #tpu.memory_space<semaphore_mem>>
      %dma_start3A_118 = arith.constant 0 : i32
      %dma_start3A_119 = arith.constant 0 : i32
      %dma_start3A_120 = tpu.memref_slice %arg3[%arg1, %dma_start3A_118, %dma_start3A_119] : memref<16x157x128xi32, #tpu.memory_space<hbm>> -> memref<1x157x128xi32, #tpu.memory_space<hbm>>
      %dma_start3A_121 = tpu.memref_squeeze %dma_start3A_120 : memref<1x157x128xi32, #tpu.memory_space<hbm>> -> memref<157x128xi32, #tpu.memory_space<hbm>>
      %dma_start3A_122 = arith.constant 0 : i32
      %dma_start3A_123 = arith.constant 0 : i32
      %dma_start3A_124 = tpu.memref_slice %arg3[%arg1, %dma_start3A_122, %dma_start3A_123] : memref<16x157x128xi32, #tpu.memory_space<hbm>> -> memref<1x157x128xi32, #tpu.memory_space<hbm>>
      %dma_start3A_125 = tpu.memref_squeeze %dma_start3A_124 : memref<1x157x128xi32, #tpu.memory_space<hbm>> -> memref<157x128xi32, #tpu.memory_space<hbm>>
      tpu.enqueue_dma source(%dma_start3A_125 : memref<157x128xi32, #tpu.memory_space<hbm>>) target(%arg6 : memref<157x128xi32, #tpu.memory_space<vmem>>) target_semaphore(%run_scoped3A_117 : memref<!tpu.dma_semaphore, #tpu.memory_space<semaphore_mem>>)
      %dma_wait3A_126 = arith.constant 0 : i32
      %dma_wait3A_127 = arith.constant 0 : i32
      %dma_wait3A_128 = tpu.memref_slice %arg3[%arg1, %dma_wait3A_126, %dma_wait3A_127] : memref<16x157x128xi32, #tpu.memory_space<hbm>> -> memref<1x157x128xi32, #tpu.memory_space<hbm>>
      %dma_wait3A_129 = tpu.memref_squeeze %dma_wait3A_128 : memref<1x157x128xi32, #tpu.memory_space<hbm>> -> memref<157x128xi32, #tpu.memory_space<hbm>>
      %dma_wait3A_130 = arith.constant 0 : i32
      %dma_wait3A_131 = arith.constant 0 : i32
      %dma_wait3A_132 = tpu.memref_slice %arg3[%arg1, %dma_wait3A_130, %dma_wait3A_131] : memref<16x157x128xi32, #tpu.memory_space<hbm>> -> memref<1x157x128xi32, #tpu.memory_space<hbm>>
      %dma_wait3A_133 = tpu.memref_squeeze %dma_wait3A_132 : memref<1x157x128xi32, #tpu.memory_space<hbm>> -> memref<157x128xi32, #tpu.memory_space<hbm>>
      tpu.wait_dma2 semaphore(%run_scoped3A_117 : memref<!tpu.dma_semaphore, #tpu.memory_space<semaphore_mem>>) src(%dma_wait3A_133 : memref<157x128xi32, #tpu.memory_space<hbm>>) dst(%arg6 : memref<157x128xi32, #tpu.memory_space<vmem>>)
      tpu.yield
    }) : () -> ()
    "tpu.region"() ({
      %run_scoped3A_117 = tpu.sem_alloc : memref<!tpu.dma_semaphore, #tpu.memory_space<semaphore_mem>>
      %dma_start3A_118 = arith.constant 0 : i32
      %dma_start3A_119 = arith.constant 0 : i32
      %dma_start3A_120 = tpu.memref_slice %arg4[%arg1, %dma_start3A_118, %dma_start3A_119] : memref<16x157x128xi32, #tpu.memory_space<hbm>> -> memref<1x157x128xi32, #tpu.memory_space<hbm>>
      %dma_start3A_121 = tpu.memref_squeeze %dma_start3A_120 : memref<1x157x128xi32, #tpu.memory_space<hbm>> -> memref<157x128xi32, #tpu.memory_space<hbm>>
      %dma_start3A_122 = arith.constant 0 : i32
      %dma_start3A_123 = arith.constant 0 : i32
      %dma_start3A_124 = tpu.memref_slice %arg4[%arg1, %dma_start3A_122, %dma_start3A_123] : memref<16x157x128xi32, #tpu.memory_space<hbm>> -> memref<1x157x128xi32, #tpu.memory_space<hbm>>
      %dma_start3A_125 = tpu.memref_squeeze %dma_start3A_124 : memref<1x157x128xi32, #tpu.memory_space<hbm>> -> memref<157x128xi32, #tpu.memory_space<hbm>>
      tpu.enqueue_dma source(%dma_start3A_125 : memref<157x128xi32, #tpu.memory_space<hbm>>) target(%arg7 : memref<157x128xi32, #tpu.memory_space<vmem>>) target_semaphore(%run_scoped3A_117 : memref<!tpu.dma_semaphore, #tpu.memory_space<semaphore_mem>>)
      %dma_wait3A_126 = arith.constant 0 : i32
      %dma_wait3A_127 = arith.constant 0 : i32
      %dma_wait3A_128 = tpu.memref_slice %arg4[%arg1, %dma_wait3A_126, %dma_wait3A_127] : memref<16x157x128xi32, #tpu.memory_space<hbm>> -> memref<1x157x128xi32, #tpu.memory_space<hbm>>
      %dma_wait3A_129 = tpu.memref_squeeze %dma_wait3A_128 : memref<1x157x128xi32, #tpu.memory_space<hbm>> -> memref<157x128xi32, #tpu.memory_space<hbm>>
      %dma_wait3A_130 = arith.constant 0 : i32
      %dma_wait3A_131 = arith.constant 0 : i32
      %dma_wait3A_132 = tpu.memref_slice %arg4[%arg1, %dma_wait3A_130, %dma_wait3A_131] : memref<16x157x128xi32, #tpu.memory_space<hbm>> -> memref<1x157x128xi32, #tpu.memory_space<hbm>>
      %dma_wait3A_133 = tpu.memref_squeeze %dma_wait3A_132 : memref<1x157x128xi32, #tpu.memory_space<hbm>> -> memref<157x128xi32, #tpu.memory_space<hbm>>
      tpu.wait_dma2 semaphore(%run_scoped3A_117 : memref<!tpu.dma_semaphore, #tpu.memory_space<semaphore_mem>>) src(%dma_wait3A_133 : memref<157x128xi32, #tpu.memory_space<hbm>>) dst(%arg7 : memref<157x128xi32, #tpu.memory_space<vmem>>)
      tpu.yield
    }) : () -> ()
    %mul3A = arith.constant 640 : i32
    %mul3A_0 = arith.muli %arg1, %mul3A : i32
    "tpu.region"() ({
      %run_scoped3A_117 = tpu.sem_alloc : memref<!tpu.dma_semaphore, #tpu.memory_space<semaphore_mem>>
      %dma_start3A_118 = arith.constant 0 : i32
      %dma_start3A_119 = tpu.memref_slice %arg15[%mul3A_0, %dma_start3A_118] : memref<10240x64xf32, #tpu.memory_space<vmem_shared>> -> memref<640x64xf32, #tpu.memory_space<vmem_shared>>
      %dma_start3A_120 = arith.constant 0 : i32
      %dma_start3A_121 = arith.constant 0 : i32
      %dma_start3A_122 = tpu.memref_slice %arg2[%arg0, %dma_start3A_120, %dma_start3A_121] : memref<2x10240x64xf32, #tpu.memory_space<hbm>> -> memref<1x10240x64xf32, #tpu.memory_space<hbm>>
      %dma_start3A_123 = tpu.memref_squeeze %dma_start3A_122 : memref<1x10240x64xf32, #tpu.memory_space<hbm>> -> memref<10240x64xf32, #tpu.memory_space<hbm>>
      %dma_start3A_124 = arith.constant 0 : i32
      %dma_start3A_125 = tpu.memref_slice %dma_start3A_123[%mul3A_0, %dma_start3A_124] : memref<10240x64xf32, #tpu.memory_space<hbm>> -> memref<640x64xf32, #tpu.memory_space<hbm>>
      tpu.enqueue_dma source(%dma_start3A_125 : memref<640x64xf32, #tpu.memory_space<hbm>>) target(%dma_start3A_119 : memref<640x64xf32, #tpu.memory_space<vmem_shared>>) target_semaphore(%run_scoped3A_117 : memref<!tpu.dma_semaphore, #tpu.memory_space<semaphore_mem>>)
      %dma_wait3A_126 = arith.constant 0 : i32
      %dma_wait3A_127 = tpu.memref_slice %arg15[%mul3A_0, %dma_wait3A_126] : memref<10240x64xf32, #tpu.memory_space<vmem_shared>> -> memref<640x64xf32, #tpu.memory_space<vmem_shared>>
      %dma_wait3A_128 = arith.constant 0 : i32
      %dma_wait3A_129 = arith.constant 0 : i32
      %dma_wait3A_130 = tpu.memref_slice %arg2[%arg0, %dma_wait3A_128, %dma_wait3A_129] : memref<2x10240x64xf32, #tpu.memory_space<hbm>> -> memref<1x10240x64xf32, #tpu.memory_space<hbm>>
      %dma_wait3A_131 = tpu.memref_squeeze %dma_wait3A_130 : memref<1x10240x64xf32, #tpu.memory_space<hbm>> -> memref<10240x64xf32, #tpu.memory_space<hbm>>
      %dma_wait3A_132 = arith.constant 0 : i32
      %dma_wait3A_133 = tpu.memref_slice %dma_wait3A_131[%mul3A_0, %dma_wait3A_132] : memref<10240x64xf32, #tpu.memory_space<hbm>> -> memref<640x64xf32, #tpu.memory_space<hbm>>
      tpu.wait_dma2 semaphore(%run_scoped3A_117 : memref<!tpu.dma_semaphore, #tpu.memory_space<semaphore_mem>>) src(%dma_wait3A_133 : memref<640x64xf32, #tpu.memory_space<hbm>>) dst(%dma_wait3A_127 : memref<640x64xf32, #tpu.memory_space<vmem_shared>>)
      tpu.yield
    }) : () -> ()
    %barrier3A = arith.constant 0 : index
    tpu.barrier barrier_id(%barrier3A)
    %dma_start3A = arith.constant 0 : i32
    %dma_start3A_1 = arith.constant 0 : i32
    %dma_start3A_2 = arith.constant 0 : i32
    %dma_start3A_3 = arith.constant 0 : i32
    %dma_start3A_4 = tpu.memref_slice %arg8[%dma_start3A_1, %dma_start3A_2, %dma_start3A_3] : memref<6x128x64xf32, #tpu.memory_space<vmem>> -> memref<1x128x64xf32, #tpu.memory_space<vmem>>
    %dma_start3A_5 = tpu.memref_squeeze %dma_start3A_4 : memref<1x128x64xf32, #tpu.memory_space<vmem>> -> memref<128x64xf32, #tpu.memory_space<vmem>>
    %dma_start3A_6 = arith.constant 0 : i32
    %dma_start3A_7 = tpu.memref_slice %arg6[%dma_start3A, %dma_start3A_6] : memref<157x128xi32, #tpu.memory_space<vmem>> -> memref<1x128xi32, #tpu.memory_space<vmem>>
    %dma_start3A_8 = tpu.memref_squeeze %dma_start3A_7 : memref<1x128xi32, #tpu.memory_space<vmem>> -> memref<128xi32, #tpu.memory_space<vmem>>
    %dma_start3A_9 = arith.constant 0 : i32
    %dma_start3A_10 = arith.constant 0 : i32
    %dma_start3A_11 = tpu.memref_slice %arg2[%arg0, %dma_start3A_9, %dma_start3A_10] : memref<2x10240x64xf32, #tpu.memory_space<hbm>> -> memref<1x10240x64xf32, #tpu.memory_space<hbm>>
    %dma_start3A_12 = tpu.memref_squeeze %dma_start3A_11 : memref<1x10240x64xf32, #tpu.memory_space<hbm>> -> memref<10240x64xf32, #tpu.memory_space<hbm>>
    %dma_start3A_13 = arith.constant 0 : i32
    %dma_start3A_14 = arith.constant 0 : i32
    %dma_start3A_15 = tpu.memref_slice %dma_start3A_12[%dma_start3A_13, %dma_start3A_14] : memref<10240x64xf32, #tpu.memory_space<hbm>> -> memref<10240x64xf32, #tpu.memory_space<hbm>>
    tpu.enqueue_indirect_dma source(%dma_start3A_15 : memref<10240x64xf32, #tpu.memory_space<hbm>>) target(%dma_start3A_5 : memref<128x64xf32, #tpu.memory_space<vmem>>) offsets(%dma_start3A_8 : memref<128xi32, #tpu.memory_space<vmem>>) semaphore(%arg9 : memref<!tpu.dma_semaphore, #tpu.memory_space<semaphore_mem>>)
    %dma_start3A_16 = arith.constant 1 : i32
    %dma_start3A_17 = arith.constant 1 : i32
    %dma_start3A_18 = arith.constant 0 : i32
    %dma_start3A_19 = arith.constant 0 : i32
    %dma_start3A_20 = tpu.memref_slice %arg8[%dma_start3A_17, %dma_start3A_18, %dma_start3A_19] : memref<6x128x64xf32, #tpu.memory_space<vmem>> -> memref<1x128x64xf32, #tpu.memory_space<vmem>>
    %dma_start3A_21 = tpu.memref_squeeze %dma_start3A_20 : memref<1x128x64xf32, #tpu.memory_space<vmem>> -> memref<128x64xf32, #tpu.memory_space<vmem>>
    %dma_start3A_22 = arith.constant 0 : i32
    %dma_start3A_23 = tpu.memref_slice %arg6[%dma_start3A_16, %dma_start3A_22] : memref<157x128xi32, #tpu.memory_space<vmem>> -> memref<1x128xi32, #tpu.memory_space<vmem>>
    %dma_start3A_24 = tpu.memref_squeeze %dma_start3A_23 : memref<1x128xi32, #tpu.memory_space<vmem>> -> memref<128xi32, #tpu.memory_space<vmem>>
    %dma_start3A_25 = arith.constant 0 : i32
    %dma_start3A_26 = arith.constant 0 : i32
    %dma_start3A_27 = tpu.memref_slice %arg2[%arg0, %dma_start3A_25, %dma_start3A_26] : memref<2x10240x64xf32, #tpu.memory_space<hbm>> -> memref<1x10240x64xf32, #tpu.memory_space<hbm>>
    %dma_start3A_28 = tpu.memref_squeeze %dma_start3A_27 : memref<1x10240x64xf32, #tpu.memory_space<hbm>> -> memref<10240x64xf32, #tpu.memory_space<hbm>>
    %dma_start3A_29 = arith.constant 0 : i32
    %dma_start3A_30 = arith.constant 0 : i32
    %dma_start3A_31 = tpu.memref_slice %dma_start3A_28[%dma_start3A_29, %dma_start3A_30] : memref<10240x64xf32, #tpu.memory_space<hbm>> -> memref<10240x64xf32, #tpu.memory_space<hbm>>
    tpu.enqueue_indirect_dma source(%dma_start3A_31 : memref<10240x64xf32, #tpu.memory_space<hbm>>) target(%dma_start3A_21 : memref<128x64xf32, #tpu.memory_space<vmem>>) offsets(%dma_start3A_24 : memref<128xi32, #tpu.memory_space<vmem>>) semaphore(%arg10 : memref<!tpu.dma_semaphore, #tpu.memory_space<semaphore_mem>>)
    %dma_start3A_32 = arith.constant 2 : i32
    %dma_start3A_33 = arith.constant 2 : i32
    %dma_start3A_34 = arith.constant 0 : i32
    %dma_start3A_35 = arith.constant 0 : i32
    %dma_start3A_36 = tpu.memref_slice %arg8[%dma_start3A_33, %dma_start3A_34, %dma_start3A_35] : memref<6x128x64xf32, #tpu.memory_space<vmem>> -> memref<1x128x64xf32, #tpu.memory_space<vmem>>
    %dma_start3A_37 = tpu.memref_squeeze %dma_start3A_36 : memref<1x128x64xf32, #tpu.memory_space<vmem>> -> memref<128x64xf32, #tpu.memory_space<vmem>>
    %dma_start3A_38 = arith.constant 0 : i32
    %dma_start3A_39 = tpu.memref_slice %arg6[%dma_start3A_32, %dma_start3A_38] : memref<157x128xi32, #tpu.memory_space<vmem>> -> memref<1x128xi32, #tpu.memory_space<vmem>>
    %dma_start3A_40 = tpu.memref_squeeze %dma_start3A_39 : memref<1x128xi32, #tpu.memory_space<vmem>> -> memref<128xi32, #tpu.memory_space<vmem>>
    %dma_start3A_41 = arith.constant 0 : i32
    %dma_start3A_42 = arith.constant 0 : i32
    %dma_start3A_43 = tpu.memref_slice %arg2[%arg0, %dma_start3A_41, %dma_start3A_42] : memref<2x10240x64xf32, #tpu.memory_space<hbm>> -> memref<1x10240x64xf32, #tpu.memory_space<hbm>>
    %dma_start3A_44 = tpu.memref_squeeze %dma_start3A_43 : memref<1x10240x64xf32, #tpu.memory_space<hbm>> -> memref<10240x64xf32, #tpu.memory_space<hbm>>
    %dma_start3A_45 = arith.constant 0 : i32
    %dma_start3A_46 = arith.constant 0 : i32
    %dma_start3A_47 = tpu.memref_slice %dma_start3A_44[%dma_start3A_45, %dma_start3A_46] : memref<10240x64xf32, #tpu.memory_space<hbm>> -> memref<10240x64xf32, #tpu.memory_space<hbm>>
    tpu.enqueue_indirect_dma source(%dma_start3A_47 : memref<10240x64xf32, #tpu.memory_space<hbm>>) target(%dma_start3A_37 : memref<128x64xf32, #tpu.memory_space<vmem>>) offsets(%dma_start3A_40 : memref<128xi32, #tpu.memory_space<vmem>>) semaphore(%arg11 : memref<!tpu.dma_semaphore, #tpu.memory_space<semaphore_mem>>)
    %dma_start3A_48 = arith.constant 3 : i32
    %dma_start3A_49 = arith.constant 3 : i32
    %dma_start3A_50 = arith.constant 0 : i32
    %dma_start3A_51 = arith.constant 0 : i32
    %dma_start3A_52 = tpu.memref_slice %arg8[%dma_start3A_49, %dma_start3A_50, %dma_start3A_51] : memref<6x128x64xf32, #tpu.memory_space<vmem>> -> memref<1x128x64xf32, #tpu.memory_space<vmem>>
    %dma_start3A_53 = tpu.memref_squeeze %dma_start3A_52 : memref<1x128x64xf32, #tpu.memory_space<vmem>> -> memref<128x64xf32, #tpu.memory_space<vmem>>
    %dma_start3A_54 = arith.constant 0 : i32
    %dma_start3A_55 = tpu.memref_slice %arg6[%dma_start3A_48, %dma_start3A_54] : memref<157x128xi32, #tpu.memory_space<vmem>> -> memref<1x128xi32, #tpu.memory_space<vmem>>
    %dma_start3A_56 = tpu.memref_squeeze %dma_start3A_55 : memref<1x128xi32, #tpu.memory_space<vmem>> -> memref<128xi32, #tpu.memory_space<vmem>>
    %dma_start3A_57 = arith.constant 0 : i32
    %dma_start3A_58 = arith.constant 0 : i32
    %dma_start3A_59 = tpu.memref_slice %arg2[%arg0, %dma_start3A_57, %dma_start3A_58] : memref<2x10240x64xf32, #tpu.memory_space<hbm>> -> memref<1x10240x64xf32, #tpu.memory_space<hbm>>
    %dma_start3A_60 = tpu.memref_squeeze %dma_start3A_59 : memref<1x10240x64xf32, #tpu.memory_space<hbm>> -> memref<10240x64xf32, #tpu.memory_space<hbm>>
    %dma_start3A_61 = arith.constant 0 : i32
    %dma_start3A_62 = arith.constant 0 : i32
    %dma_start3A_63 = tpu.memref_slice %dma_start3A_60[%dma_start3A_61, %dma_start3A_62] : memref<10240x64xf32, #tpu.memory_space<hbm>> -> memref<10240x64xf32, #tpu.memory_space<hbm>>
    tpu.enqueue_indirect_dma source(%dma_start3A_63 : memref<10240x64xf32, #tpu.memory_space<hbm>>) target(%dma_start3A_53 : memref<128x64xf32, #tpu.memory_space<vmem>>) offsets(%dma_start3A_56 : memref<128xi32, #tpu.memory_space<vmem>>) semaphore(%arg12 : memref<!tpu.dma_semaphore, #tpu.memory_space<semaphore_mem>>)
    %dma_start3A_64 = arith.constant 4 : i32
    %dma_start3A_65 = arith.constant 4 : i32
    %dma_start3A_66 = arith.constant 0 : i32
    %dma_start3A_67 = arith.constant 0 : i32
    %dma_start3A_68 = tpu.memref_slice %arg8[%dma_start3A_65, %dma_start3A_66, %dma_start3A_67] : memref<6x128x64xf32, #tpu.memory_space<vmem>> -> memref<1x128x64xf32, #tpu.memory_space<vmem>>
    %dma_start3A_69 = tpu.memref_squeeze %dma_start3A_68 : memref<1x128x64xf32, #tpu.memory_space<vmem>> -> memref<128x64xf32, #tpu.memory_space<vmem>>
    %dma_start3A_70 = arith.constant 0 : i32
    %dma_start3A_71 = tpu.memref_slice %arg6[%dma_start3A_64, %dma_start3A_70] : memref<157x128xi32, #tpu.memory_space<vmem>> -> memref<1x128xi32, #tpu.memory_space<vmem>>
    %dma_start3A_72 = tpu.memref_squeeze %dma_start3A_71 : memref<1x128xi32, #tpu.memory_space<vmem>> -> memref<128xi32, #tpu.memory_space<vmem>>
    %dma_start3A_73 = arith.constant 0 : i32
    %dma_start3A_74 = arith.constant 0 : i32
    %dma_start3A_75 = tpu.memref_slice %arg2[%arg0, %dma_start3A_73, %dma_start3A_74] : memref<2x10240x64xf32, #tpu.memory_space<hbm>> -> memref<1x10240x64xf32, #tpu.memory_space<hbm>>
    %dma_start3A_76 = tpu.memref_squeeze %dma_start3A_75 : memref<1x10240x64xf32, #tpu.memory_space<hbm>> -> memref<10240x64xf32, #tpu.memory_space<hbm>>
    %dma_start3A_77 = arith.constant 0 : i32
    %dma_start3A_78 = arith.constant 0 : i32
    %dma_start3A_79 = tpu.memref_slice %dma_start3A_76[%dma_start3A_77, %dma_start3A_78] : memref<10240x64xf32, #tpu.memory_space<hbm>> -> memref<10240x64xf32, #tpu.memory_space<hbm>>
    tpu.enqueue_indirect_dma source(%dma_start3A_79 : memref<10240x64xf32, #tpu.memory_space<hbm>>) target(%dma_start3A_69 : memref<128x64xf32, #tpu.memory_space<vmem>>) offsets(%dma_start3A_72 : memref<128xi32, #tpu.memory_space<vmem>>) semaphore(%arg13 : memref<!tpu.dma_semaphore, #tpu.memory_space<semaphore_mem>>)
    %dma_start3A_80 = arith.constant 5 : i32
    %dma_start3A_81 = arith.constant 5 : i32
    %dma_start3A_82 = arith.constant 0 : i32
    %dma_start3A_83 = arith.constant 0 : i32
    %dma_start3A_84 = tpu.memref_slice %arg8[%dma_start3A_81, %dma_start3A_82, %dma_start3A_83] : memref<6x128x64xf32, #tpu.memory_space<vmem>> -> memref<1x128x64xf32, #tpu.memory_space<vmem>>
    %dma_start3A_85 = tpu.memref_squeeze %dma_start3A_84 : memref<1x128x64xf32, #tpu.memory_space<vmem>> -> memref<128x64xf32, #tpu.memory_space<vmem>>
    %dma_start3A_86 = arith.constant 0 : i32
    %dma_start3A_87 = tpu.memref_slice %arg6[%dma_start3A_80, %dma_start3A_86] : memref<157x128xi32, #tpu.memory_space<vmem>> -> memref<1x128xi32, #tpu.memory_space<vmem>>
    %dma_start3A_88 = tpu.memref_squeeze %dma_start3A_87 : memref<1x128xi32, #tpu.memory_space<vmem>> -> memref<128xi32, #tpu.memory_space<vmem>>
    %dma_start3A_89 = arith.constant 0 : i32
    %dma_start3A_90 = arith.constant 0 : i32
    %dma_start3A_91 = tpu.memref_slice %arg2[%arg0, %dma_start3A_89, %dma_start3A_90] : memref<2x10240x64xf32, #tpu.memory_space<hbm>> -> memref<1x10240x64xf32, #tpu.memory_space<hbm>>
    %dma_start3A_92 = tpu.memref_squeeze %dma_start3A_91 : memref<1x10240x64xf32, #tpu.memory_space<hbm>> -> memref<10240x64xf32, #tpu.memory_space<hbm>>
    %dma_start3A_93 = arith.constant 0 : i32
    %dma_start3A_94 = arith.constant 0 : i32
    %dma_start3A_95 = tpu.memref_slice %dma_start3A_92[%dma_start3A_93, %dma_start3A_94] : memref<10240x64xf32, #tpu.memory_space<hbm>> -> memref<10240x64xf32, #tpu.memory_space<hbm>>
    tpu.enqueue_indirect_dma source(%dma_start3A_95 : memref<10240x64xf32, #tpu.memory_space<hbm>>) target(%dma_start3A_85 : memref<128x64xf32, #tpu.memory_space<vmem>>) offsets(%dma_start3A_88 : memref<128xi32, #tpu.memory_space<vmem>>) semaphore(%arg14 : memref<!tpu.dma_semaphore, #tpu.memory_space<semaphore_mem>>)
    %scan3A = arith.constant 0 : i32
    %scan3A_96 = arith.constant 26 : i32
    %scan3A_97 = arith.addi %scan3A, %scan3A_96 : i32
    %scan3A_98 = arith.constant 1 : i32
    scf.for %scan3A_117 = %scan3A to %scan3A_97 step %scan3A_98  : i32 {
      %mul3A_118 = arith.constant 6 : i32
      %mul3A_119 = arith.muli %scan3A_117, %mul3A_118 : i32
      %add3A = arith.constant 0 : i32
      %add3A_120 = arith.addi %mul3A_119, %add3A : i32
      %dma_wait3A_121 = arith.constant 0 : i32
      %dma_wait3A_122 = arith.constant 0 : i32
      %dma_wait3A_123 = arith.constant 0 : i32
      %dma_wait3A_124 = tpu.memref_slice %arg8[%dma_wait3A_121, %dma_wait3A_122, %dma_wait3A_123] : memref<6x128x64xf32, #tpu.memory_space<vmem>> -> memref<1x128x64xf32, #tpu.memory_space<vmem>>
      %dma_wait3A_125 = tpu.memref_squeeze %dma_wait3A_124 : memref<1x128x64xf32, #tpu.memory_space<vmem>> -> memref<128x64xf32, #tpu.memory_space<vmem>>
      %dma_wait3A_126 = arith.constant 0 : i32
      %dma_wait3A_127 = tpu.memref_slice %arg6[%add3A_120, %dma_wait3A_126] : memref<157x128xi32, #tpu.memory_space<vmem>> -> memref<1x128xi32, #tpu.memory_space<vmem>>
      %dma_wait3A_128 = tpu.memref_squeeze %dma_wait3A_127 : memref<1x128xi32, #tpu.memory_space<vmem>> -> memref<128xi32, #tpu.memory_space<vmem>>
      %dma_wait3A_129 = arith.constant 0 : i32
      %dma_wait3A_130 = arith.constant 0 : i32
      %dma_wait3A_131 = tpu.memref_slice %arg2[%arg0, %dma_wait3A_129, %dma_wait3A_130] : memref<2x10240x64xf32, #tpu.memory_space<hbm>> -> memref<1x10240x64xf32, #tpu.memory_space<hbm>>
      %dma_wait3A_132 = tpu.memref_squeeze %dma_wait3A_131 : memref<1x10240x64xf32, #tpu.memory_space<hbm>> -> memref<10240x64xf32, #tpu.memory_space<hbm>>
      %dma_wait3A_133 = arith.constant 0 : i32
      %dma_wait3A_134 = arith.constant 0 : i32
      %dma_wait3A_135 = tpu.memref_slice %dma_wait3A_132[%dma_wait3A_133, %dma_wait3A_134] : memref<10240x64xf32, #tpu.memory_space<hbm>> -> memref<10240x64xf32, #tpu.memory_space<hbm>>
      tpu.wait_indirect_dma semaphore(%arg9 : memref<!tpu.dma_semaphore, #tpu.memory_space<semaphore_mem>>) src(%dma_wait3A_135 : memref<10240x64xf32, #tpu.memory_space<hbm>>) dst(%dma_wait3A_125 : memref<128x64xf32, #tpu.memory_space<vmem>>)
      %run_scoped3A_136 = arith.constant 0 : i32
      "tpu.region"() ({
        %run_scoped3A_266 = tpu.sem_alloc : memref<!tpu.dma_semaphore, #tpu.memory_space<semaphore_mem>>
        %dma_start3A_267 = arith.constant 0 : i32
        %dma_start3A_268 = arith.constant 0 : i32
        %dma_start3A_269 = tpu.memref_slice %arg8[%run_scoped3A_136, %dma_start3A_267, %dma_start3A_268] : memref<6x128x64xf32, #tpu.memory_space<vmem>> -> memref<1x128x64xf32, #tpu.memory_space<vmem>>
        %dma_start3A_270 = tpu.memref_squeeze %dma_start3A_269 : memref<1x128x64xf32, #tpu.memory_space<vmem>> -> memref<128x64xf32, #tpu.memory_space<vmem>>
        %dma_start3A_271 = arith.constant 0 : i32
        %dma_start3A_272 = tpu.memref_slice %arg7[%add3A_120, %dma_start3A_271] : memref<157x128xi32, #tpu.memory_space<vmem>> -> memref<1x128xi32, #tpu.memory_space<vmem>>
        %dma_start3A_273 = tpu.memref_squeeze %dma_start3A_272 : memref<1x128xi32, #tpu.memory_space<vmem>> -> memref<128xi32, #tpu.memory_space<vmem>>
        %dma_start3A_274 = arith.constant 0 : i32
        %dma_start3A_275 = arith.constant 0 : i32
        %dma_start3A_276 = tpu.memref_slice %arg15[%dma_start3A_274, %dma_start3A_275] : memref<10240x64xf32, #tpu.memory_space<vmem_shared>> -> memref<10240x64xf32, #tpu.memory_space<vmem_shared>>
        tpu.enqueue_indirect_dma source(%dma_start3A_270 : memref<128x64xf32, #tpu.memory_space<vmem>>) target(%dma_start3A_276 : memref<10240x64xf32, #tpu.memory_space<vmem_shared>>) offsets(%dma_start3A_273 : memref<128xi32, #tpu.memory_space<vmem>>) semaphore(%run_scoped3A_266 : memref<!tpu.dma_semaphore, #tpu.memory_space<semaphore_mem>>) {add = true}
        %dma_wait3A_277 = arith.constant 0 : i32
        %dma_wait3A_278 = arith.constant 0 : i32
        %dma_wait3A_279 = tpu.memref_slice %arg8[%run_scoped3A_136, %dma_wait3A_277, %dma_wait3A_278] : memref<6x128x64xf32, #tpu.memory_space<vmem>> -> memref<1x128x64xf32, #tpu.memory_space<vmem>>
        %dma_wait3A_280 = tpu.memref_squeeze %dma_wait3A_279 : memref<1x128x64xf32, #tpu.memory_space<vmem>> -> memref<128x64xf32, #tpu.memory_space<vmem>>
        %dma_wait3A_281 = arith.constant 0 : i32
        %dma_wait3A_282 = tpu.memref_slice %arg7[%add3A_120, %dma_wait3A_281] : memref<157x128xi32, #tpu.memory_space<vmem>> -> memref<1x128xi32, #tpu.memory_space<vmem>>
        %dma_wait3A_283 = tpu.memref_squeeze %dma_wait3A_282 : memref<1x128xi32, #tpu.memory_space<vmem>> -> memref<128xi32, #tpu.memory_space<vmem>>
        %dma_wait3A_284 = arith.constant 0 : i32
        %dma_wait3A_285 = arith.constant 0 : i32
        %dma_wait3A_286 = tpu.memref_slice %arg15[%dma_wait3A_284, %dma_wait3A_285] : memref<10240x64xf32, #tpu.memory_space<vmem_shared>> -> memref<10240x64xf32, #tpu.memory_space<vmem_shared>>
        tpu.wait_indirect_dma semaphore(%run_scoped3A_266 : memref<!tpu.dma_semaphore, #tpu.memory_space<semaphore_mem>>) src(%dma_wait3A_280 : memref<128x64xf32, #tpu.memory_space<vmem>>) dst(%dma_wait3A_286 : memref<10240x64xf32, #tpu.memory_space<vmem_shared>>)
        tpu.yield
      }) : () -> ()
      %add3A_137 = arith.constant 6 : i32
      %add3A_138 = arith.addi %add3A_120, %add3A_137 : i32
      %lt3A = arith.constant 157 : i32
      %lt3A_139 = arith.cmpi slt, %add3A_138, %lt3A : i32
      %convert_element_type3A = arith.extui %lt3A_139 : i1 to i32
      %cond3A = arith.constant 0 : i32
      %cond3A_140 = arith.cmpi ne, %convert_element_type3A, %cond3A : i32
      scf.if %cond3A_140 {
        %dma_start3A_266 = arith.constant 0 : i32
        %dma_start3A_267 = arith.constant 0 : i32
        %dma_start3A_268 = arith.constant 0 : i32
        %dma_start3A_269 = tpu.memref_slice %arg8[%dma_start3A_266, %dma_start3A_267, %dma_start3A_268] : memref<6x128x64xf32, #tpu.memory_space<vmem>> -> memref<1x128x64xf32, #tpu.memory_space<vmem>>
        %dma_start3A_270 = tpu.memref_squeeze %dma_start3A_269 : memref<1x128x64xf32, #tpu.memory_space<vmem>> -> memref<128x64xf32, #tpu.memory_space<vmem>>
        %dma_start3A_271 = arith.constant 0 : i32
        %dma_start3A_272 = tpu.memref_slice %arg6[%add3A_138, %dma_start3A_271] : memref<157x128xi32, #tpu.memory_space<vmem>> -> memref<1x128xi32, #tpu.memory_space<vmem>>
        %dma_start3A_273 = tpu.memref_squeeze %dma_start3A_272 : memref<1x128xi32, #tpu.memory_space<vmem>> -> memref<128xi32, #tpu.memory_space<vmem>>
        %dma_start3A_274 = arith.constant 0 : i32
        %dma_start3A_275 = arith.constant 0 : i32
        %dma_start3A_276 = tpu.memref_slice %arg2[%arg0, %dma_start3A_274, %dma_start3A_275] : memref<2x10240x64xf32, #tpu.memory_space<hbm>> -> memref<1x10240x64xf32, #tpu.memory_space<hbm>>
        %dma_start3A_277 = tpu.memref_squeeze %dma_start3A_276 : memref<1x10240x64xf32, #tpu.memory_space<hbm>> -> memref<10240x64xf32, #tpu.memory_space<hbm>>
        %dma_start3A_278 = arith.constant 0 : i32
        %dma_start3A_279 = arith.constant 0 : i32
        %dma_start3A_280 = tpu.memref_slice %dma_start3A_277[%dma_start3A_278, %dma_start3A_279] : memref<10240x64xf32, #tpu.memory_space<hbm>> -> memref<10240x64xf32, #tpu.memory_space<hbm>>
        tpu.enqueue_indirect_dma source(%dma_start3A_280 : memref<10240x64xf32, #tpu.memory_space<hbm>>) target(%dma_start3A_270 : memref<128x64xf32, #tpu.memory_space<vmem>>) offsets(%dma_start3A_273 : memref<128xi32, #tpu.memory_space<vmem>>) semaphore(%arg9 : memref<!tpu.dma_semaphore, #tpu.memory_space<semaphore_mem>>)
      } else {
      }
      %add3A_141 = arith.constant 1 : i32
      %add3A_142 = arith.addi %mul3A_119, %add3A_141 : i32
      %dma_wait3A_143 = arith.constant 1 : i32
      %dma_wait3A_144 = arith.constant 0 : i32
      %dma_wait3A_145 = arith.constant 0 : i32
      %dma_wait3A_146 = tpu.memref_slice %arg8[%dma_wait3A_143, %dma_wait3A_144, %dma_wait3A_145] : memref<6x128x64xf32, #tpu.memory_space<vmem>> -> memref<1x128x64xf32, #tpu.memory_space<vmem>>
      %dma_wait3A_147 = tpu.memref_squeeze %dma_wait3A_146 : memref<1x128x64xf32, #tpu.memory_space<vmem>> -> memref<128x64xf32, #tpu.memory_space<vmem>>
      %dma_wait3A_148 = arith.constant 0 : i32
      %dma_wait3A_149 = tpu.memref_slice %arg6[%add3A_142, %dma_wait3A_148] : memref<157x128xi32, #tpu.memory_space<vmem>> -> memref<1x128xi32, #tpu.memory_space<vmem>>
      %dma_wait3A_150 = tpu.memref_squeeze %dma_wait3A_149 : memref<1x128xi32, #tpu.memory_space<vmem>> -> memref<128xi32, #tpu.memory_space<vmem>>
      %dma_wait3A_151 = arith.constant 0 : i32
      %dma_wait3A_152 = arith.constant 0 : i32
      %dma_wait3A_153 = tpu.memref_slice %arg2[%arg0, %dma_wait3A_151, %dma_wait3A_152] : memref<2x10240x64xf32, #tpu.memory_space<hbm>> -> memref<1x10240x64xf32, #tpu.memory_space<hbm>>
      %dma_wait3A_154 = tpu.memref_squeeze %dma_wait3A_153 : memref<1x10240x64xf32, #tpu.memory_space<hbm>> -> memref<10240x64xf32, #tpu.memory_space<hbm>>
      %dma_wait3A_155 = arith.constant 0 : i32
      %dma_wait3A_156 = arith.constant 0 : i32
      %dma_wait3A_157 = tpu.memref_slice %dma_wait3A_154[%dma_wait3A_155, %dma_wait3A_156] : memref<10240x64xf32, #tpu.memory_space<hbm>> -> memref<10240x64xf32, #tpu.memory_space<hbm>>
      tpu.wait_indirect_dma semaphore(%arg10 : memref<!tpu.dma_semaphore, #tpu.memory_space<semaphore_mem>>) src(%dma_wait3A_157 : memref<10240x64xf32, #tpu.memory_space<hbm>>) dst(%dma_wait3A_147 : memref<128x64xf32, #tpu.memory_space<vmem>>)
      %run_scoped3A_158 = arith.constant 1 : i32
      "tpu.region"() ({
        %run_scoped3A_266 = tpu.sem_alloc : memref<!tpu.dma_semaphore, #tpu.memory_space<semaphore_mem>>
        %dma_start3A_267 = arith.constant 0 : i32
        %dma_start3A_268 = arith.constant 0 : i32
        %dma_start3A_269 = tpu.memref_slice %arg8[%run_scoped3A_158, %dma_start3A_267, %dma_start3A_268] : memref<6x128x64xf32, #tpu.memory_space<vmem>> -> memref<1x128x64xf32, #tpu.memory_space<vmem>>
        %dma_start3A_270 = tpu.memref_squeeze %dma_start3A_269 : memref<1x128x64xf32, #tpu.memory_space<vmem>> -> memref<128x64xf32, #tpu.memory_space<vmem>>
        %dma_start3A_271 = arith.constant 0 : i32
        %dma_start3A_272 = tpu.memref_slice %arg7[%add3A_142, %dma_start3A_271] : memref<157x128xi32, #tpu.memory_space<vmem>> -> memref<1x128xi32, #tpu.memory_space<vmem>>
        %dma_start3A_273 = tpu.memref_squeeze %dma_start3A_272 : memref<1x128xi32, #tpu.memory_space<vmem>> -> memref<128xi32, #tpu.memory_space<vmem>>
        %dma_start3A_274 = arith.constant 0 : i32
        %dma_start3A_275 = arith.constant 0 : i32
        %dma_start3A_276 = tpu.memref_slice %arg15[%dma_start3A_274, %dma_start3A_275] : memref<10240x64xf32, #tpu.memory_space<vmem_shared>> -> memref<10240x64xf32, #tpu.memory_space<vmem_shared>>
        tpu.enqueue_indirect_dma source(%dma_start3A_270 : memref<128x64xf32, #tpu.memory_space<vmem>>) target(%dma_start3A_276 : memref<10240x64xf32, #tpu.memory_space<vmem_shared>>) offsets(%dma_start3A_273 : memref<128xi32, #tpu.memory_space<vmem>>) semaphore(%run_scoped3A_266 : memref<!tpu.dma_semaphore, #tpu.memory_space<semaphore_mem>>) {add = true}
        %dma_wait3A_277 = arith.constant 0 : i32
        %dma_wait3A_278 = arith.constant 0 : i32
        %dma_wait3A_279 = tpu.memref_slice %arg8[%run_scoped3A_158, %dma_wait3A_277, %dma_wait3A_278] : memref<6x128x64xf32, #tpu.memory_space<vmem>> -> memref<1x128x64xf32, #tpu.memory_space<vmem>>
        %dma_wait3A_280 = tpu.memref_squeeze %dma_wait3A_279 : memref<1x128x64xf32, #tpu.memory_space<vmem>> -> memref<128x64xf32, #tpu.memory_space<vmem>>
        %dma_wait3A_281 = arith.constant 0 : i32
        %dma_wait3A_282 = tpu.memref_slice %arg7[%add3A_142, %dma_wait3A_281] : memref<157x128xi32, #tpu.memory_space<vmem>> -> memref<1x128xi32, #tpu.memory_space<vmem>>
        %dma_wait3A_283 = tpu.memref_squeeze %dma_wait3A_282 : memref<1x128xi32, #tpu.memory_space<vmem>> -> memref<128xi32, #tpu.memory_space<vmem>>
        %dma_wait3A_284 = arith.constant 0 : i32
        %dma_wait3A_285 = arith.constant 0 : i32
        %dma_wait3A_286 = tpu.memref_slice %arg15[%dma_wait3A_284, %dma_wait3A_285] : memref<10240x64xf32, #tpu.memory_space<vmem_shared>> -> memref<10240x64xf32, #tpu.memory_space<vmem_shared>>
        tpu.wait_indirect_dma semaphore(%run_scoped3A_266 : memref<!tpu.dma_semaphore, #tpu.memory_space<semaphore_mem>>) src(%dma_wait3A_280 : memref<128x64xf32, #tpu.memory_space<vmem>>) dst(%dma_wait3A_286 : memref<10240x64xf32, #tpu.memory_space<vmem_shared>>)
        tpu.yield
      }) : () -> ()
      %add3A_159 = arith.constant 6 : i32
      %add3A_160 = arith.addi %add3A_142, %add3A_159 : i32
      %lt3A_161 = arith.constant 157 : i32
      %lt3A_162 = arith.cmpi slt, %add3A_160, %lt3A_161 : i32
      %convert_element_type3A_163 = arith.extui %lt3A_162 : i1 to i32
      %cond3A_164 = arith.constant 0 : i32
      %cond3A_165 = arith.cmpi ne, %convert_element_type3A_163, %cond3A_164 : i32
      scf.if %cond3A_165 {
        %dma_start3A_266 = arith.constant 1 : i32
        %dma_start3A_267 = arith.constant 0 : i32
        %dma_start3A_268 = arith.constant 0 : i32
        %dma_start3A_269 = tpu.memref_slice %arg8[%dma_start3A_266, %dma_start3A_267, %dma_start3A_268] : memref<6x128x64xf32, #tpu.memory_space<vmem>> -> memref<1x128x64xf32, #tpu.memory_space<vmem>>
        %dma_start3A_270 = tpu.memref_squeeze %dma_start3A_269 : memref<1x128x64xf32, #tpu.memory_space<vmem>> -> memref<128x64xf32, #tpu.memory_space<vmem>>
        %dma_start3A_271 = arith.constant 0 : i32
        %dma_start3A_272 = tpu.memref_slice %arg6[%add3A_160, %dma_start3A_271] : memref<157x128xi32, #tpu.memory_space<vmem>> -> memref<1x128xi32, #tpu.memory_space<vmem>>
        %dma_start3A_273 = tpu.memref_squeeze %dma_start3A_272 : memref<1x128xi32, #tpu.memory_space<vmem>> -> memref<128xi32, #tpu.memory_space<vmem>>
        %dma_start3A_274 = arith.constant 0 : i32
        %dma_start3A_275 = arith.constant 0 : i32
        %dma_start3A_276 = tpu.memref_slice %arg2[%arg0, %dma_start3A_274, %dma_start3A_275] : memref<2x10240x64xf32, #tpu.memory_space<hbm>> -> memref<1x10240x64xf32, #tpu.memory_space<hbm>>
        %dma_start3A_277 = tpu.memref_squeeze %dma_start3A_276 : memref<1x10240x64xf32, #tpu.memory_space<hbm>> -> memref<10240x64xf32, #tpu.memory_space<hbm>>
        %dma_start3A_278 = arith.constant 0 : i32
        %dma_start3A_279 = arith.constant 0 : i32
        %dma_start3A_280 = tpu.memref_slice %dma_start3A_277[%dma_start3A_278, %dma_start3A_279] : memref<10240x64xf32, #tpu.memory_space<hbm>> -> memref<10240x64xf32, #tpu.memory_space<hbm>>
        tpu.enqueue_indirect_dma source(%dma_start3A_280 : memref<10240x64xf32, #tpu.memory_space<hbm>>) target(%dma_start3A_270 : memref<128x64xf32, #tpu.memory_space<vmem>>) offsets(%dma_start3A_273 : memref<128xi32, #tpu.memory_space<vmem>>) semaphore(%arg10 : memref<!tpu.dma_semaphore, #tpu.memory_space<semaphore_mem>>)
      } else {
      }
      %add3A_166 = arith.constant 2 : i32
      %add3A_167 = arith.addi %mul3A_119, %add3A_166 : i32
      %dma_wait3A_168 = arith.constant 2 : i32
      %dma_wait3A_169 = arith.constant 0 : i32
      %dma_wait3A_170 = arith.constant 0 : i32
      %dma_wait3A_171 = tpu.memref_slice %arg8[%dma_wait3A_168, %dma_wait3A_169, %dma_wait3A_170] : memref<6x128x64xf32, #tpu.memory_space<vmem>> -> memref<1x128x64xf32, #tpu.memory_space<vmem>>
      %dma_wait3A_172 = tpu.memref_squeeze %dma_wait3A_171 : memref<1x128x64xf32, #tpu.memory_space<vmem>> -> memref<128x64xf32, #tpu.memory_space<vmem>>
      %dma_wait3A_173 = arith.constant 0 : i32
      %dma_wait3A_174 = tpu.memref_slice %arg6[%add3A_167, %dma_wait3A_173] : memref<157x128xi32, #tpu.memory_space<vmem>> -> memref<1x128xi32, #tpu.memory_space<vmem>>
      %dma_wait3A_175 = tpu.memref_squeeze %dma_wait3A_174 : memref<1x128xi32, #tpu.memory_space<vmem>> -> memref<128xi32, #tpu.memory_space<vmem>>
      %dma_wait3A_176 = arith.constant 0 : i32
      %dma_wait3A_177 = arith.constant 0 : i32
      %dma_wait3A_178 = tpu.memref_slice %arg2[%arg0, %dma_wait3A_176, %dma_wait3A_177] : memref<2x10240x64xf32, #tpu.memory_space<hbm>> -> memref<1x10240x64xf32, #tpu.memory_space<hbm>>
      %dma_wait3A_179 = tpu.memref_squeeze %dma_wait3A_178 : memref<1x10240x64xf32, #tpu.memory_space<hbm>> -> memref<10240x64xf32, #tpu.memory_space<hbm>>
      %dma_wait3A_180 = arith.constant 0 : i32
      %dma_wait3A_181 = arith.constant 0 : i32
      %dma_wait3A_182 = tpu.memref_slice %dma_wait3A_179[%dma_wait3A_180, %dma_wait3A_181] : memref<10240x64xf32, #tpu.memory_space<hbm>> -> memref<10240x64xf32, #tpu.memory_space<hbm>>
      tpu.wait_indirect_dma semaphore(%arg11 : memref<!tpu.dma_semaphore, #tpu.memory_space<semaphore_mem>>) src(%dma_wait3A_182 : memref<10240x64xf32, #tpu.memory_space<hbm>>) dst(%dma_wait3A_172 : memref<128x64xf32, #tpu.memory_space<vmem>>)
      %run_scoped3A_183 = arith.constant 2 : i32
      "tpu.region"() ({
        %run_scoped3A_266 = tpu.sem_alloc : memref<!tpu.dma_semaphore, #tpu.memory_space<semaphore_mem>>
        %dma_start3A_267 = arith.constant 0 : i32
        %dma_start3A_268 = arith.constant 0 : i32
        %dma_start3A_269 = tpu.memref_slice %arg8[%run_scoped3A_183, %dma_start3A_267, %dma_start3A_268] : memref<6x128x64xf32, #tpu.memory_space<vmem>> -> memref<1x128x64xf32, #tpu.memory_space<vmem>>
        %dma_start3A_270 = tpu.memref_squeeze %dma_start3A_269 : memref<1x128x64xf32, #tpu.memory_space<vmem>> -> memref<128x64xf32, #tpu.memory_space<vmem>>
        %dma_start3A_271 = arith.constant 0 : i32
        %dma_start3A_272 = tpu.memref_slice %arg7[%add3A_167, %dma_start3A_271] : memref<157x128xi32, #tpu.memory_space<vmem>> -> memref<1x128xi32, #tpu.memory_space<vmem>>
        %dma_start3A_273 = tpu.memref_squeeze %dma_start3A_272 : memref<1x128xi32, #tpu.memory_space<vmem>> -> memref<128xi32, #tpu.memory_space<vmem>>
        %dma_start3A_274 = arith.constant 0 : i32
        %dma_start3A_275 = arith.constant 0 : i32
        %dma_start3A_276 = tpu.memref_slice %arg15[%dma_start3A_274, %dma_start3A_275] : memref<10240x64xf32, #tpu.memory_space<vmem_shared>> -> memref<10240x64xf32, #tpu.memory_space<vmem_shared>>
        tpu.enqueue_indirect_dma source(%dma_start3A_270 : memref<128x64xf32, #tpu.memory_space<vmem>>) target(%dma_start3A_276 : memref<10240x64xf32, #tpu.memory_space<vmem_shared>>) offsets(%dma_start3A_273 : memref<128xi32, #tpu.memory_space<vmem>>) semaphore(%run_scoped3A_266 : memref<!tpu.dma_semaphore, #tpu.memory_space<semaphore_mem>>) {add = true}
        %dma_wait3A_277 = arith.constant 0 : i32
        %dma_wait3A_278 = arith.constant 0 : i32
        %dma_wait3A_279 = tpu.memref_slice %arg8[%run_scoped3A_183, %dma_wait3A_277, %dma_wait3A_278] : memref<6x128x64xf32, #tpu.memory_space<vmem>> -> memref<1x128x64xf32, #tpu.memory_space<vmem>>
        %dma_wait3A_280 = tpu.memref_squeeze %dma_wait3A_279 : memref<1x128x64xf32, #tpu.memory_space<vmem>> -> memref<128x64xf32, #tpu.memory_space<vmem>>
        %dma_wait3A_281 = arith.constant 0 : i32
        %dma_wait3A_282 = tpu.memref_slice %arg7[%add3A_167, %dma_wait3A_281] : memref<157x128xi32, #tpu.memory_space<vmem>> -> memref<1x128xi32, #tpu.memory_space<vmem>>
        %dma_wait3A_283 = tpu.memref_squeeze %dma_wait3A_282 : memref<1x128xi32, #tpu.memory_space<vmem>> -> memref<128xi32, #tpu.memory_space<vmem>>
        %dma_wait3A_284 = arith.constant 0 : i32
        %dma_wait3A_285 = arith.constant 0 : i32
        %dma_wait3A_286 = tpu.memref_slice %arg15[%dma_wait3A_284, %dma_wait3A_285] : memref<10240x64xf32, #tpu.memory_space<vmem_shared>> -> memref<10240x64xf32, #tpu.memory_space<vmem_shared>>
        tpu.wait_indirect_dma semaphore(%run_scoped3A_266 : memref<!tpu.dma_semaphore, #tpu.memory_space<semaphore_mem>>) src(%dma_wait3A_280 : memref<128x64xf32, #tpu.memory_space<vmem>>) dst(%dma_wait3A_286 : memref<10240x64xf32, #tpu.memory_space<vmem_shared>>)
        tpu.yield
      }) : () -> ()
      %add3A_184 = arith.constant 6 : i32
      %add3A_185 = arith.addi %add3A_167, %add3A_184 : i32
      %lt3A_186 = arith.constant 157 : i32
      %lt3A_187 = arith.cmpi slt, %add3A_185, %lt3A_186 : i32
      %convert_element_type3A_188 = arith.extui %lt3A_187 : i1 to i32
      %cond3A_189 = arith.constant 0 : i32
      %cond3A_190 = arith.cmpi ne, %convert_element_type3A_188, %cond3A_189 : i32
      scf.if %cond3A_190 {
        %dma_start3A_266 = arith.constant 2 : i32
        %dma_start3A_267 = arith.constant 0 : i32
        %dma_start3A_268 = arith.constant 0 : i32
        %dma_start3A_269 = tpu.memref_slice %arg8[%dma_start3A_266, %dma_start3A_267, %dma_start3A_268] : memref<6x128x64xf32, #tpu.memory_space<vmem>> -> memref<1x128x64xf32, #tpu.memory_space<vmem>>
        %dma_start3A_270 = tpu.memref_squeeze %dma_start3A_269 : memref<1x128x64xf32, #tpu.memory_space<vmem>> -> memref<128x64xf32, #tpu.memory_space<vmem>>
        %dma_start3A_271 = arith.constant 0 : i32
        %dma_start3A_272 = tpu.memref_slice %arg6[%add3A_185, %dma_start3A_271] : memref<157x128xi32, #tpu.memory_space<vmem>> -> memref<1x128xi32, #tpu.memory_space<vmem>>
        %dma_start3A_273 = tpu.memref_squeeze %dma_start3A_272 : memref<1x128xi32, #tpu.memory_space<vmem>> -> memref<128xi32, #tpu.memory_space<vmem>>
        %dma_start3A_274 = arith.constant 0 : i32
        %dma_start3A_275 = arith.constant 0 : i32
        %dma_start3A_276 = tpu.memref_slice %arg2[%arg0, %dma_start3A_274, %dma_start3A_275] : memref<2x10240x64xf32, #tpu.memory_space<hbm>> -> memref<1x10240x64xf32, #tpu.memory_space<hbm>>
        %dma_start3A_277 = tpu.memref_squeeze %dma_start3A_276 : memref<1x10240x64xf32, #tpu.memory_space<hbm>> -> memref<10240x64xf32, #tpu.memory_space<hbm>>
        %dma_start3A_278 = arith.constant 0 : i32
        %dma_start3A_279 = arith.constant 0 : i32
        %dma_start3A_280 = tpu.memref_slice %dma_start3A_277[%dma_start3A_278, %dma_start3A_279] : memref<10240x64xf32, #tpu.memory_space<hbm>> -> memref<10240x64xf32, #tpu.memory_space<hbm>>
        tpu.enqueue_indirect_dma source(%dma_start3A_280 : memref<10240x64xf32, #tpu.memory_space<hbm>>) target(%dma_start3A_270 : memref<128x64xf32, #tpu.memory_space<vmem>>) offsets(%dma_start3A_273 : memref<128xi32, #tpu.memory_space<vmem>>) semaphore(%arg11 : memref<!tpu.dma_semaphore, #tpu.memory_space<semaphore_mem>>)
      } else {
      }
      %add3A_191 = arith.constant 3 : i32
      %add3A_192 = arith.addi %mul3A_119, %add3A_191 : i32
      %dma_wait3A_193 = arith.constant 3 : i32
      %dma_wait3A_194 = arith.constant 0 : i32
      %dma_wait3A_195 = arith.constant 0 : i32
      %dma_wait3A_196 = tpu.memref_slice %arg8[%dma_wait3A_193, %dma_wait3A_194, %dma_wait3A_195] : memref<6x128x64xf32, #tpu.memory_space<vmem>> -> memref<1x128x64xf32, #tpu.memory_space<vmem>>
      %dma_wait3A_197 = tpu.memref_squeeze %dma_wait3A_196 : memref<1x128x64xf32, #tpu.memory_space<vmem>> -> memref<128x64xf32, #tpu.memory_space<vmem>>
      %dma_wait3A_198 = arith.constant 0 : i32
      %dma_wait3A_199 = tpu.memref_slice %arg6[%add3A_192, %dma_wait3A_198] : memref<157x128xi32, #tpu.memory_space<vmem>> -> memref<1x128xi32, #tpu.memory_space<vmem>>
      %dma_wait3A_200 = tpu.memref_squeeze %dma_wait3A_199 : memref<1x128xi32, #tpu.memory_space<vmem>> -> memref<128xi32, #tpu.memory_space<vmem>>
      %dma_wait3A_201 = arith.constant 0 : i32
      %dma_wait3A_202 = arith.constant 0 : i32
      %dma_wait3A_203 = tpu.memref_slice %arg2[%arg0, %dma_wait3A_201, %dma_wait3A_202] : memref<2x10240x64xf32, #tpu.memory_space<hbm>> -> memref<1x10240x64xf32, #tpu.memory_space<hbm>>
      %dma_wait3A_204 = tpu.memref_squeeze %dma_wait3A_203 : memref<1x10240x64xf32, #tpu.memory_space<hbm>> -> memref<10240x64xf32, #tpu.memory_space<hbm>>
      %dma_wait3A_205 = arith.constant 0 : i32
      %dma_wait3A_206 = arith.constant 0 : i32
      %dma_wait3A_207 = tpu.memref_slice %dma_wait3A_204[%dma_wait3A_205, %dma_wait3A_206] : memref<10240x64xf32, #tpu.memory_space<hbm>> -> memref<10240x64xf32, #tpu.memory_space<hbm>>
      tpu.wait_indirect_dma semaphore(%arg12 : memref<!tpu.dma_semaphore, #tpu.memory_space<semaphore_mem>>) src(%dma_wait3A_207 : memref<10240x64xf32, #tpu.memory_space<hbm>>) dst(%dma_wait3A_197 : memref<128x64xf32, #tpu.memory_space<vmem>>)
      %run_scoped3A_208 = arith.constant 3 : i32
      "tpu.region"() ({
        %run_scoped3A_266 = tpu.sem_alloc : memref<!tpu.dma_semaphore, #tpu.memory_space<semaphore_mem>>
        %dma_start3A_267 = arith.constant 0 : i32
        %dma_start3A_268 = arith.constant 0 : i32
        %dma_start3A_269 = tpu.memref_slice %arg8[%run_scoped3A_208, %dma_start3A_267, %dma_start3A_268] : memref<6x128x64xf32, #tpu.memory_space<vmem>> -> memref<1x128x64xf32, #tpu.memory_space<vmem>>
        %dma_start3A_270 = tpu.memref_squeeze %dma_start3A_269 : memref<1x128x64xf32, #tpu.memory_space<vmem>> -> memref<128x64xf32, #tpu.memory_space<vmem>>
        %dma_start3A_271 = arith.constant 0 : i32
        %dma_start3A_272 = tpu.memref_slice %arg7[%add3A_192, %dma_start3A_271] : memref<157x128xi32, #tpu.memory_space<vmem>> -> memref<1x128xi32, #tpu.memory_space<vmem>>
        %dma_start3A_273 = tpu.memref_squeeze %dma_start3A_272 : memref<1x128xi32, #tpu.memory_space<vmem>> -> memref<128xi32, #tpu.memory_space<vmem>>
        %dma_start3A_274 = arith.constant 0 : i32
        %dma_start3A_275 = arith.constant 0 : i32
        %dma_start3A_276 = tpu.memref_slice %arg15[%dma_start3A_274, %dma_start3A_275] : memref<10240x64xf32, #tpu.memory_space<vmem_shared>> -> memref<10240x64xf32, #tpu.memory_space<vmem_shared>>
        tpu.enqueue_indirect_dma source(%dma_start3A_270 : memref<128x64xf32, #tpu.memory_space<vmem>>) target(%dma_start3A_276 : memref<10240x64xf32, #tpu.memory_space<vmem_shared>>) offsets(%dma_start3A_273 : memref<128xi32, #tpu.memory_space<vmem>>) semaphore(%run_scoped3A_266 : memref<!tpu.dma_semaphore, #tpu.memory_space<semaphore_mem>>) {add = true}
        %dma_wait3A_277 = arith.constant 0 : i32
        %dma_wait3A_278 = arith.constant 0 : i32
        %dma_wait3A_279 = tpu.memref_slice %arg8[%run_scoped3A_208, %dma_wait3A_277, %dma_wait3A_278] : memref<6x128x64xf32, #tpu.memory_space<vmem>> -> memref<1x128x64xf32, #tpu.memory_space<vmem>>
        %dma_wait3A_280 = tpu.memref_squeeze %dma_wait3A_279 : memref<1x128x64xf32, #tpu.memory_space<vmem>> -> memref<128x64xf32, #tpu.memory_space<vmem>>
        %dma_wait3A_281 = arith.constant 0 : i32
        %dma_wait3A_282 = tpu.memref_slice %arg7[%add3A_192, %dma_wait3A_281] : memref<157x128xi32, #tpu.memory_space<vmem>> -> memref<1x128xi32, #tpu.memory_space<vmem>>
        %dma_wait3A_283 = tpu.memref_squeeze %dma_wait3A_282 : memref<1x128xi32, #tpu.memory_space<vmem>> -> memref<128xi32, #tpu.memory_space<vmem>>
        %dma_wait3A_284 = arith.constant 0 : i32
        %dma_wait3A_285 = arith.constant 0 : i32
        %dma_wait3A_286 = tpu.memref_slice %arg15[%dma_wait3A_284, %dma_wait3A_285] : memref<10240x64xf32, #tpu.memory_space<vmem_shared>> -> memref<10240x64xf32, #tpu.memory_space<vmem_shared>>
        tpu.wait_indirect_dma semaphore(%run_scoped3A_266 : memref<!tpu.dma_semaphore, #tpu.memory_space<semaphore_mem>>) src(%dma_wait3A_280 : memref<128x64xf32, #tpu.memory_space<vmem>>) dst(%dma_wait3A_286 : memref<10240x64xf32, #tpu.memory_space<vmem_shared>>)
        tpu.yield
      }) : () -> ()
      %add3A_209 = arith.constant 6 : i32
      %add3A_210 = arith.addi %add3A_192, %add3A_209 : i32
      %lt3A_211 = arith.constant 157 : i32
      %lt3A_212 = arith.cmpi slt, %add3A_210, %lt3A_211 : i32
      %convert_element_type3A_213 = arith.extui %lt3A_212 : i1 to i32
      %cond3A_214 = arith.constant 0 : i32
      %cond3A_215 = arith.cmpi ne, %convert_element_type3A_213, %cond3A_214 : i32
      scf.if %cond3A_215 {
        %dma_start3A_266 = arith.constant 3 : i32
        %dma_start3A_267 = arith.constant 0 : i32
        %dma_start3A_268 = arith.constant 0 : i32
        %dma_start3A_269 = tpu.memref_slice %arg8[%dma_start3A_266, %dma_start3A_267, %dma_start3A_268] : memref<6x128x64xf32, #tpu.memory_space<vmem>> -> memref<1x128x64xf32, #tpu.memory_space<vmem>>
        %dma_start3A_270 = tpu.memref_squeeze %dma_start3A_269 : memref<1x128x64xf32, #tpu.memory_space<vmem>> -> memref<128x64xf32, #tpu.memory_space<vmem>>
        %dma_start3A_271 = arith.constant 0 : i32
        %dma_start3A_272 = tpu.memref_slice %arg6[%add3A_210, %dma_start3A_271] : memref<157x128xi32, #tpu.memory_space<vmem>> -> memref<1x128xi32, #tpu.memory_space<vmem>>
        %dma_start3A_273 = tpu.memref_squeeze %dma_start3A_272 : memref<1x128xi32, #tpu.memory_space<vmem>> -> memref<128xi32, #tpu.memory_space<vmem>>
        %dma_start3A_274 = arith.constant 0 : i32
        %dma_start3A_275 = arith.constant 0 : i32
        %dma_start3A_276 = tpu.memref_slice %arg2[%arg0, %dma_start3A_274, %dma_start3A_275] : memref<2x10240x64xf32, #tpu.memory_space<hbm>> -> memref<1x10240x64xf32, #tpu.memory_space<hbm>>
        %dma_start3A_277 = tpu.memref_squeeze %dma_start3A_276 : memref<1x10240x64xf32, #tpu.memory_space<hbm>> -> memref<10240x64xf32, #tpu.memory_space<hbm>>
        %dma_start3A_278 = arith.constant 0 : i32
        %dma_start3A_279 = arith.constant 0 : i32
        %dma_start3A_280 = tpu.memref_slice %dma_start3A_277[%dma_start3A_278, %dma_start3A_279] : memref<10240x64xf32, #tpu.memory_space<hbm>> -> memref<10240x64xf32, #tpu.memory_space<hbm>>
        tpu.enqueue_indirect_dma source(%dma_start3A_280 : memref<10240x64xf32, #tpu.memory_space<hbm>>) target(%dma_start3A_270 : memref<128x64xf32, #tpu.memory_space<vmem>>) offsets(%dma_start3A_273 : memref<128xi32, #tpu.memory_space<vmem>>) semaphore(%arg12 : memref<!tpu.dma_semaphore, #tpu.memory_space<semaphore_mem>>)
      } else {
      }
      %add3A_216 = arith.constant 4 : i32
      %add3A_217 = arith.addi %mul3A_119, %add3A_216 : i32
      %dma_wait3A_218 = arith.constant 4 : i32
      %dma_wait3A_219 = arith.constant 0 : i32
      %dma_wait3A_220 = arith.constant 0 : i32
      %dma_wait3A_221 = tpu.memref_slice %arg8[%dma_wait3A_218, %dma_wait3A_219, %dma_wait3A_220] : memref<6x128x64xf32, #tpu.memory_space<vmem>> -> memref<1x128x64xf32, #tpu.memory_space<vmem>>
      %dma_wait3A_222 = tpu.memref_squeeze %dma_wait3A_221 : memref<1x128x64xf32, #tpu.memory_space<vmem>> -> memref<128x64xf32, #tpu.memory_space<vmem>>
      %dma_wait3A_223 = arith.constant 0 : i32
      %dma_wait3A_224 = tpu.memref_slice %arg6[%add3A_217, %dma_wait3A_223] : memref<157x128xi32, #tpu.memory_space<vmem>> -> memref<1x128xi32, #tpu.memory_space<vmem>>
      %dma_wait3A_225 = tpu.memref_squeeze %dma_wait3A_224 : memref<1x128xi32, #tpu.memory_space<vmem>> -> memref<128xi32, #tpu.memory_space<vmem>>
      %dma_wait3A_226 = arith.constant 0 : i32
      %dma_wait3A_227 = arith.constant 0 : i32
      %dma_wait3A_228 = tpu.memref_slice %arg2[%arg0, %dma_wait3A_226, %dma_wait3A_227] : memref<2x10240x64xf32, #tpu.memory_space<hbm>> -> memref<1x10240x64xf32, #tpu.memory_space<hbm>>
      %dma_wait3A_229 = tpu.memref_squeeze %dma_wait3A_228 : memref<1x10240x64xf32, #tpu.memory_space<hbm>> -> memref<10240x64xf32, #tpu.memory_space<hbm>>
      %dma_wait3A_230 = arith.constant 0 : i32
      %dma_wait3A_231 = arith.constant 0 : i32
      %dma_wait3A_232 = tpu.memref_slice %dma_wait3A_229[%dma_wait3A_230, %dma_wait3A_231] : memref<10240x64xf32, #tpu.memory_space<hbm>> -> memref<10240x64xf32, #tpu.memory_space<hbm>>
      tpu.wait_indirect_dma semaphore(%arg13 : memref<!tpu.dma_semaphore, #tpu.memory_space<semaphore_mem>>) src(%dma_wait3A_232 : memref<10240x64xf32, #tpu.memory_space<hbm>>) dst(%dma_wait3A_222 : memref<128x64xf32, #tpu.memory_space<vmem>>)
      %run_scoped3A_233 = arith.constant 4 : i32
      "tpu.region"() ({
        %run_scoped3A_266 = tpu.sem_alloc : memref<!tpu.dma_semaphore, #tpu.memory_space<semaphore_mem>>
        %dma_start3A_267 = arith.constant 0 : i32
        %dma_start3A_268 = arith.constant 0 : i32
        %dma_start3A_269 = tpu.memref_slice %arg8[%run_scoped3A_233, %dma_start3A_267, %dma_start3A_268] : memref<6x128x64xf32, #tpu.memory_space<vmem>> -> memref<1x128x64xf32, #tpu.memory_space<vmem>>
        %dma_start3A_270 = tpu.memref_squeeze %dma_start3A_269 : memref<1x128x64xf32, #tpu.memory_space<vmem>> -> memref<128x64xf32, #tpu.memory_space<vmem>>
        %dma_start3A_271 = arith.constant 0 : i32
        %dma_start3A_272 = tpu.memref_slice %arg7[%add3A_217, %dma_start3A_271] : memref<157x128xi32, #tpu.memory_space<vmem>> -> memref<1x128xi32, #tpu.memory_space<vmem>>
        %dma_start3A_273 = tpu.memref_squeeze %dma_start3A_272 : memref<1x128xi32, #tpu.memory_space<vmem>> -> memref<128xi32, #tpu.memory_space<vmem>>
        %dma_start3A_274 = arith.constant 0 : i32
        %dma_start3A_275 = arith.constant 0 : i32
        %dma_start3A_276 = tpu.memref_slice %arg15[%dma_start3A_274, %dma_start3A_275] : memref<10240x64xf32, #tpu.memory_space<vmem_shared>> -> memref<10240x64xf32, #tpu.memory_space<vmem_shared>>
        tpu.enqueue_indirect_dma source(%dma_start3A_270 : memref<128x64xf32, #tpu.memory_space<vmem>>) target(%dma_start3A_276 : memref<10240x64xf32, #tpu.memory_space<vmem_shared>>) offsets(%dma_start3A_273 : memref<128xi32, #tpu.memory_space<vmem>>) semaphore(%run_scoped3A_266 : memref<!tpu.dma_semaphore, #tpu.memory_space<semaphore_mem>>) {add = true}
        %dma_wait3A_277 = arith.constant 0 : i32
        %dma_wait3A_278 = arith.constant 0 : i32
        %dma_wait3A_279 = tpu.memref_slice %arg8[%run_scoped3A_233, %dma_wait3A_277, %dma_wait3A_278] : memref<6x128x64xf32, #tpu.memory_space<vmem>> -> memref<1x128x64xf32, #tpu.memory_space<vmem>>
        %dma_wait3A_280 = tpu.memref_squeeze %dma_wait3A_279 : memref<1x128x64xf32, #tpu.memory_space<vmem>> -> memref<128x64xf32, #tpu.memory_space<vmem>>
        %dma_wait3A_281 = arith.constant 0 : i32
        %dma_wait3A_282 = tpu.memref_slice %arg7[%add3A_217, %dma_wait3A_281] : memref<157x128xi32, #tpu.memory_space<vmem>> -> memref<1x128xi32, #tpu.memory_space<vmem>>
        %dma_wait3A_283 = tpu.memref_squeeze %dma_wait3A_282 : memref<1x128xi32, #tpu.memory_space<vmem>> -> memref<128xi32, #tpu.memory_space<vmem>>
        %dma_wait3A_284 = arith.constant 0 : i32
        %dma_wait3A_285 = arith.constant 0 : i32
        %dma_wait3A_286 = tpu.memref_slice %arg15[%dma_wait3A_284, %dma_wait3A_285] : memref<10240x64xf32, #tpu.memory_space<vmem_shared>> -> memref<10240x64xf32, #tpu.memory_space<vmem_shared>>
        tpu.wait_indirect_dma semaphore(%run_scoped3A_266 : memref<!tpu.dma_semaphore, #tpu.memory_space<semaphore_mem>>) src(%dma_wait3A_280 : memref<128x64xf32, #tpu.memory_space<vmem>>) dst(%dma_wait3A_286 : memref<10240x64xf32, #tpu.memory_space<vmem_shared>>)
        tpu.yield
      }) : () -> ()
      %add3A_234 = arith.constant 6 : i32
      %add3A_235 = arith.addi %add3A_217, %add3A_234 : i32
      %lt3A_236 = arith.constant 157 : i32
      %lt3A_237 = arith.cmpi slt, %add3A_235, %lt3A_236 : i32
      %convert_element_type3A_238 = arith.extui %lt3A_237 : i1 to i32
      %cond3A_239 = arith.constant 0 : i32
      %cond3A_240 = arith.cmpi ne, %convert_element_type3A_238, %cond3A_239 : i32
      scf.if %cond3A_240 {
        %dma_start3A_266 = arith.constant 4 : i32
        %dma_start3A_267 = arith.constant 0 : i32
        %dma_start3A_268 = arith.constant 0 : i32
        %dma_start3A_269 = tpu.memref_slice %arg8[%dma_start3A_266, %dma_start3A_267, %dma_start3A_268] : memref<6x128x64xf32, #tpu.memory_space<vmem>> -> memref<1x128x64xf32, #tpu.memory_space<vmem>>
        %dma_start3A_270 = tpu.memref_squeeze %dma_start3A_269 : memref<1x128x64xf32, #tpu.memory_space<vmem>> -> memref<128x64xf32, #tpu.memory_space<vmem>>
        %dma_start3A_271 = arith.constant 0 : i32
        %dma_start3A_272 = tpu.memref_slice %arg6[%add3A_235, %dma_start3A_271] : memref<157x128xi32, #tpu.memory_space<vmem>> -> memref<1x128xi32, #tpu.memory_space<vmem>>
        %dma_start3A_273 = tpu.memref_squeeze %dma_start3A_272 : memref<1x128xi32, #tpu.memory_space<vmem>> -> memref<128xi32, #tpu.memory_space<vmem>>
        %dma_start3A_274 = arith.constant 0 : i32
        %dma_start3A_275 = arith.constant 0 : i32
        %dma_start3A_276 = tpu.memref_slice %arg2[%arg0, %dma_start3A_274, %dma_start3A_275] : memref<2x10240x64xf32, #tpu.memory_space<hbm>> -> memref<1x10240x64xf32, #tpu.memory_space<hbm>>
        %dma_start3A_277 = tpu.memref_squeeze %dma_start3A_276 : memref<1x10240x64xf32, #tpu.memory_space<hbm>> -> memref<10240x64xf32, #tpu.memory_space<hbm>>
        %dma_start3A_278 = arith.constant 0 : i32
        %dma_start3A_279 = arith.constant 0 : i32
        %dma_start3A_280 = tpu.memref_slice %dma_start3A_277[%dma_start3A_278, %dma_start3A_279] : memref<10240x64xf32, #tpu.memory_space<hbm>> -> memref<10240x64xf32, #tpu.memory_space<hbm>>
        tpu.enqueue_indirect_dma source(%dma_start3A_280 : memref<10240x64xf32, #tpu.memory_space<hbm>>) target(%dma_start3A_270 : memref<128x64xf32, #tpu.memory_space<vmem>>) offsets(%dma_start3A_273 : memref<128xi32, #tpu.memory_space<vmem>>) semaphore(%arg13 : memref<!tpu.dma_semaphore, #tpu.memory_space<semaphore_mem>>)
      } else {
      }
      %add3A_241 = arith.constant 5 : i32
      %add3A_242 = arith.addi %mul3A_119, %add3A_241 : i32
      %dma_wait3A_243 = arith.constant 5 : i32
      %dma_wait3A_244 = arith.constant 0 : i32
      %dma_wait3A_245 = arith.constant 0 : i32
      %dma_wait3A_246 = tpu.memref_slice %arg8[%dma_wait3A_243, %dma_wait3A_244, %dma_wait3A_245] : memref<6x128x64xf32, #tpu.memory_space<vmem>> -> memref<1x128x64xf32, #tpu.memory_space<vmem>>
      %dma_wait3A_247 = tpu.memref_squeeze %dma_wait3A_246 : memref<1x128x64xf32, #tpu.memory_space<vmem>> -> memref<128x64xf32, #tpu.memory_space<vmem>>
      %dma_wait3A_248 = arith.constant 0 : i32
      %dma_wait3A_249 = tpu.memref_slice %arg6[%add3A_242, %dma_wait3A_248] : memref<157x128xi32, #tpu.memory_space<vmem>> -> memref<1x128xi32, #tpu.memory_space<vmem>>
      %dma_wait3A_250 = tpu.memref_squeeze %dma_wait3A_249 : memref<1x128xi32, #tpu.memory_space<vmem>> -> memref<128xi32, #tpu.memory_space<vmem>>
      %dma_wait3A_251 = arith.constant 0 : i32
      %dma_wait3A_252 = arith.constant 0 : i32
      %dma_wait3A_253 = tpu.memref_slice %arg2[%arg0, %dma_wait3A_251, %dma_wait3A_252] : memref<2x10240x64xf32, #tpu.memory_space<hbm>> -> memref<1x10240x64xf32, #tpu.memory_space<hbm>>
      %dma_wait3A_254 = tpu.memref_squeeze %dma_wait3A_253 : memref<1x10240x64xf32, #tpu.memory_space<hbm>> -> memref<10240x64xf32, #tpu.memory_space<hbm>>
      %dma_wait3A_255 = arith.constant 0 : i32
      %dma_wait3A_256 = arith.constant 0 : i32
      %dma_wait3A_257 = tpu.memref_slice %dma_wait3A_254[%dma_wait3A_255, %dma_wait3A_256] : memref<10240x64xf32, #tpu.memory_space<hbm>> -> memref<10240x64xf32, #tpu.memory_space<hbm>>
      tpu.wait_indirect_dma semaphore(%arg14 : memref<!tpu.dma_semaphore, #tpu.memory_space<semaphore_mem>>) src(%dma_wait3A_257 : memref<10240x64xf32, #tpu.memory_space<hbm>>) dst(%dma_wait3A_247 : memref<128x64xf32, #tpu.memory_space<vmem>>)
      %run_scoped3A_258 = arith.constant 5 : i32
      "tpu.region"() ({
        %run_scoped3A_266 = tpu.sem_alloc : memref<!tpu.dma_semaphore, #tpu.memory_space<semaphore_mem>>
        %dma_start3A_267 = arith.constant 0 : i32
        %dma_start3A_268 = arith.constant 0 : i32
        %dma_start3A_269 = tpu.memref_slice %arg8[%run_scoped3A_258, %dma_start3A_267, %dma_start3A_268] : memref<6x128x64xf32, #tpu.memory_space<vmem>> -> memref<1x128x64xf32, #tpu.memory_space<vmem>>
        %dma_start3A_270 = tpu.memref_squeeze %dma_start3A_269 : memref<1x128x64xf32, #tpu.memory_space<vmem>> -> memref<128x64xf32, #tpu.memory_space<vmem>>
        %dma_start3A_271 = arith.constant 0 : i32
        %dma_start3A_272 = tpu.memref_slice %arg7[%add3A_242, %dma_start3A_271] : memref<157x128xi32, #tpu.memory_space<vmem>> -> memref<1x128xi32, #tpu.memory_space<vmem>>
        %dma_start3A_273 = tpu.memref_squeeze %dma_start3A_272 : memref<1x128xi32, #tpu.memory_space<vmem>> -> memref<128xi32, #tpu.memory_space<vmem>>
        %dma_start3A_274 = arith.constant 0 : i32
        %dma_start3A_275 = arith.constant 0 : i32
        %dma_start3A_276 = tpu.memref_slice %arg15[%dma_start3A_274, %dma_start3A_275] : memref<10240x64xf32, #tpu.memory_space<vmem_shared>> -> memref<10240x64xf32, #tpu.memory_space<vmem_shared>>
        tpu.enqueue_indirect_dma source(%dma_start3A_270 : memref<128x64xf32, #tpu.memory_space<vmem>>) target(%dma_start3A_276 : memref<10240x64xf32, #tpu.memory_space<vmem_shared>>) offsets(%dma_start3A_273 : memref<128xi32, #tpu.memory_space<vmem>>) semaphore(%run_scoped3A_266 : memref<!tpu.dma_semaphore, #tpu.memory_space<semaphore_mem>>) {add = true}
        %dma_wait3A_277 = arith.constant 0 : i32
        %dma_wait3A_278 = arith.constant 0 : i32
        %dma_wait3A_279 = tpu.memref_slice %arg8[%run_scoped3A_258, %dma_wait3A_277, %dma_wait3A_278] : memref<6x128x64xf32, #tpu.memory_space<vmem>> -> memref<1x128x64xf32, #tpu.memory_space<vmem>>
        %dma_wait3A_280 = tpu.memref_squeeze %dma_wait3A_279 : memref<1x128x64xf32, #tpu.memory_space<vmem>> -> memref<128x64xf32, #tpu.memory_space<vmem>>
        %dma_wait3A_281 = arith.constant 0 : i32
        %dma_wait3A_282 = tpu.memref_slice %arg7[%add3A_242, %dma_wait3A_281] : memref<157x128xi32, #tpu.memory_space<vmem>> -> memref<1x128xi32, #tpu.memory_space<vmem>>
        %dma_wait3A_283 = tpu.memref_squeeze %dma_wait3A_282 : memref<1x128xi32, #tpu.memory_space<vmem>> -> memref<128xi32, #tpu.memory_space<vmem>>
        %dma_wait3A_284 = arith.constant 0 : i32
        %dma_wait3A_285 = arith.constant 0 : i32
        %dma_wait3A_286 = tpu.memref_slice %arg15[%dma_wait3A_284, %dma_wait3A_285] : memref<10240x64xf32, #tpu.memory_space<vmem_shared>> -> memref<10240x64xf32, #tpu.memory_space<vmem_shared>>
        tpu.wait_indirect_dma semaphore(%run_scoped3A_266 : memref<!tpu.dma_semaphore, #tpu.memory_space<semaphore_mem>>) src(%dma_wait3A_280 : memref<128x64xf32, #tpu.memory_space<vmem>>) dst(%dma_wait3A_286 : memref<10240x64xf32, #tpu.memory_space<vmem_shared>>)
        tpu.yield
      }) : () -> ()
      %add3A_259 = arith.constant 6 : i32
      %add3A_260 = arith.addi %add3A_242, %add3A_259 : i32
      %lt3A_261 = arith.constant 157 : i32
      %lt3A_262 = arith.cmpi slt, %add3A_260, %lt3A_261 : i32
      %convert_element_type3A_263 = arith.extui %lt3A_262 : i1 to i32
      %cond3A_264 = arith.constant 0 : i32
      %cond3A_265 = arith.cmpi ne, %convert_element_type3A_263, %cond3A_264 : i32
      scf.if %cond3A_265 {
        %dma_start3A_266 = arith.constant 5 : i32
        %dma_start3A_267 = arith.constant 0 : i32
        %dma_start3A_268 = arith.constant 0 : i32
        %dma_start3A_269 = tpu.memref_slice %arg8[%dma_start3A_266, %dma_start3A_267, %dma_start3A_268] : memref<6x128x64xf32, #tpu.memory_space<vmem>> -> memref<1x128x64xf32, #tpu.memory_space<vmem>>
        %dma_start3A_270 = tpu.memref_squeeze %dma_start3A_269 : memref<1x128x64xf32, #tpu.memory_space<vmem>> -> memref<128x64xf32, #tpu.memory_space<vmem>>
        %dma_start3A_271 = arith.constant 0 : i32
        %dma_start3A_272 = tpu.memref_slice %arg6[%add3A_260, %dma_start3A_271] : memref<157x128xi32, #tpu.memory_space<vmem>> -> memref<1x128xi32, #tpu.memory_space<vmem>>
        %dma_start3A_273 = tpu.memref_squeeze %dma_start3A_272 : memref<1x128xi32, #tpu.memory_space<vmem>> -> memref<128xi32, #tpu.memory_space<vmem>>
        %dma_start3A_274 = arith.constant 0 : i32
        %dma_start3A_275 = arith.constant 0 : i32
        %dma_start3A_276 = tpu.memref_slice %arg2[%arg0, %dma_start3A_274, %dma_start3A_275] : memref<2x10240x64xf32, #tpu.memory_space<hbm>> -> memref<1x10240x64xf32, #tpu.memory_space<hbm>>
        %dma_start3A_277 = tpu.memref_squeeze %dma_start3A_276 : memref<1x10240x64xf32, #tpu.memory_space<hbm>> -> memref<10240x64xf32, #tpu.memory_space<hbm>>
        %dma_start3A_278 = arith.constant 0 : i32
        %dma_start3A_279 = arith.constant 0 : i32
        %dma_start3A_280 = tpu.memref_slice %dma_start3A_277[%dma_start3A_278, %dma_start3A_279] : memref<10240x64xf32, #tpu.memory_space<hbm>> -> memref<10240x64xf32, #tpu.memory_space<hbm>>
        tpu.enqueue_indirect_dma source(%dma_start3A_280 : memref<10240x64xf32, #tpu.memory_space<hbm>>) target(%dma_start3A_270 : memref<128x64xf32, #tpu.memory_space<vmem>>) offsets(%dma_start3A_273 : memref<128xi32, #tpu.memory_space<vmem>>) semaphore(%arg14 : memref<!tpu.dma_semaphore, #tpu.memory_space<semaphore_mem>>)
      } else {
      }
    }
    %scan3A_99 = arith.constant 26 : i32
    %dma_wait3A = arith.constant 156 : i32
    %dma_wait3A_100 = arith.constant 0 : i32
    %dma_wait3A_101 = arith.constant 0 : i32
    %dma_wait3A_102 = arith.constant 0 : i32
    %dma_wait3A_103 = tpu.memref_slice %arg8[%dma_wait3A_100, %dma_wait3A_101, %dma_wait3A_102] : memref<6x128x64xf32, #tpu.memory_space<vmem>> -> memref<1x128x64xf32, #tpu.memory_space<vmem>>
    %dma_wait3A_104 = tpu.memref_squeeze %dma_wait3A_103 : memref<1x128x64xf32, #tpu.memory_space<vmem>> -> memref<128x64xf32, #tpu.memory_space<vmem>>
    %dma_wait3A_105 = arith.constant 0 : i32
    %dma_wait3A_106 = tpu.memref_slice %arg6[%dma_wait3A, %dma_wait3A_105] : memref<157x128xi32, #tpu.memory_space<vmem>> -> memref<1x128xi32, #tpu.memory_space<vmem>>
    %dma_wait3A_107 = tpu.memref_squeeze %dma_wait3A_106 : memref<1x128xi32, #tpu.memory_space<vmem>> -> memref<128xi32, #tpu.memory_space<vmem>>
    %dma_wait3A_108 = arith.constant 0 : i32
    %dma_wait3A_109 = arith.constant 0 : i32
    %dma_wait3A_110 = tpu.memref_slice %arg2[%arg0, %dma_wait3A_108, %dma_wait3A_109] : memref<2x10240x64xf32, #tpu.memory_space<hbm>> -> memref<1x10240x64xf32, #tpu.memory_space<hbm>>
    %dma_wait3A_111 = tpu.memref_squeeze %dma_wait3A_110 : memref<1x10240x64xf32, #tpu.memory_space<hbm>> -> memref<10240x64xf32, #tpu.memory_space<hbm>>
    %dma_wait3A_112 = arith.constant 0 : i32
    %dma_wait3A_113 = arith.constant 0 : i32
    %dma_wait3A_114 = tpu.memref_slice %dma_wait3A_111[%dma_wait3A_112, %dma_wait3A_113] : memref<10240x64xf32, #tpu.memory_space<hbm>> -> memref<10240x64xf32, #tpu.memory_space<hbm>>
    tpu.wait_indirect_dma semaphore(%arg9 : memref<!tpu.dma_semaphore, #tpu.memory_space<semaphore_mem>>) src(%dma_wait3A_114 : memref<10240x64xf32, #tpu.memory_space<hbm>>) dst(%dma_wait3A_104 : memref<128x64xf32, #tpu.memory_space<vmem>>)
    %run_scoped3A = arith.constant 0 : i32
    %run_scoped3A_115 = arith.constant 156 : i32
    "tpu.region"() ({
      %run_scoped3A_117 = tpu.sem_alloc : memref<!tpu.dma_semaphore, #tpu.memory_space<semaphore_mem>>
      %dma_start3A_118 = arith.constant 0 : i32
      %dma_start3A_119 = arith.constant 0 : i32
      %dma_start3A_120 = tpu.memref_slice %arg8[%run_scoped3A, %dma_start3A_118, %dma_start3A_119] : memref<6x128x64xf32, #tpu.memory_space<vmem>> -> memref<1x128x64xf32, #tpu.memory_space<vmem>>
      %dma_start3A_121 = tpu.memref_squeeze %dma_start3A_120 : memref<1x128x64xf32, #tpu.memory_space<vmem>> -> memref<128x64xf32, #tpu.memory_space<vmem>>
      %dma_start3A_122 = arith.constant 0 : i32
      %dma_start3A_123 = tpu.memref_slice %arg7[%run_scoped3A_115, %dma_start3A_122] : memref<157x128xi32, #tpu.memory_space<vmem>> -> memref<1x128xi32, #tpu.memory_space<vmem>>
      %dma_start3A_124 = tpu.memref_squeeze %dma_start3A_123 : memref<1x128xi32, #tpu.memory_space<vmem>> -> memref<128xi32, #tpu.memory_space<vmem>>
      %dma_start3A_125 = arith.constant 0 : i32
      %dma_start3A_126 = arith.constant 0 : i32
      %dma_start3A_127 = tpu.memref_slice %arg15[%dma_start3A_125, %dma_start3A_126] : memref<10240x64xf32, #tpu.memory_space<vmem_shared>> -> memref<10240x64xf32, #tpu.memory_space<vmem_shared>>
      tpu.enqueue_indirect_dma source(%dma_start3A_121 : memref<128x64xf32, #tpu.memory_space<vmem>>) target(%dma_start3A_127 : memref<10240x64xf32, #tpu.memory_space<vmem_shared>>) offsets(%dma_start3A_124 : memref<128xi32, #tpu.memory_space<vmem>>) semaphore(%run_scoped3A_117 : memref<!tpu.dma_semaphore, #tpu.memory_space<semaphore_mem>>) {add = true}
      %dma_wait3A_128 = arith.constant 0 : i32
      %dma_wait3A_129 = arith.constant 0 : i32
      %dma_wait3A_130 = tpu.memref_slice %arg8[%run_scoped3A, %dma_wait3A_128, %dma_wait3A_129] : memref<6x128x64xf32, #tpu.memory_space<vmem>> -> memref<1x128x64xf32, #tpu.memory_space<vmem>>
      %dma_wait3A_131 = tpu.memref_squeeze %dma_wait3A_130 : memref<1x128x64xf32, #tpu.memory_space<vmem>> -> memref<128x64xf32, #tpu.memory_space<vmem>>
      %dma_wait3A_132 = arith.constant 0 : i32
      %dma_wait3A_133 = tpu.memref_slice %arg7[%run_scoped3A_115, %dma_wait3A_132] : memref<157x128xi32, #tpu.memory_space<vmem>> -> memref<1x128xi32, #tpu.memory_space<vmem>>
      %dma_wait3A_134 = tpu.memref_squeeze %dma_wait3A_133 : memref<1x128xi32, #tpu.memory_space<vmem>> -> memref<128xi32, #tpu.memory_space<vmem>>
      %dma_wait3A_135 = arith.constant 0 : i32
      %dma_wait3A_136 = arith.constant 0 : i32
      %dma_wait3A_137 = tpu.memref_slice %arg15[%dma_wait3A_135, %dma_wait3A_136] : memref<10240x64xf32, #tpu.memory_space<vmem_shared>> -> memref<10240x64xf32, #tpu.memory_space<vmem_shared>>
      tpu.wait_indirect_dma semaphore(%run_scoped3A_117 : memref<!tpu.dma_semaphore, #tpu.memory_space<semaphore_mem>>) src(%dma_wait3A_131 : memref<128x64xf32, #tpu.memory_space<vmem>>) dst(%dma_wait3A_137 : memref<10240x64xf32, #tpu.memory_space<vmem_shared>>)
      tpu.yield
    }) : () -> ()
    %barrier3A_116 = arith.constant 0 : index
    tpu.barrier barrier_id(%barrier3A_116)
    "tpu.region"() ({
      %run_scoped3A_117 = tpu.sem_alloc : memref<!tpu.dma_semaphore, #tpu.memory_space<semaphore_mem>>
      %dma_start3A_118 = arith.constant 0 : i32
      %dma_start3A_119 = arith.constant 0 : i32
      %dma_start3A_120 = tpu.memref_slice %arg5[%arg0, %dma_start3A_118, %dma_start3A_119] : memref<2x10240x64xf32, #tpu.memory_space<hbm>> -> memref<1x10240x64xf32, #tpu.memory_space<hbm>>
      %dma_start3A_121 = tpu.memref_squeeze %dma_start3A_120 : memref<1x10240x64xf32, #tpu.memory_space<hbm>> -> memref<10240x64xf32, #tpu.memory_space<hbm>>
      %dma_start3A_122 = arith.constant 0 : i32
      %dma_start3A_123 = tpu.memref_slice %dma_start3A_121[%mul3A_0, %dma_start3A_122] : memref<10240x64xf32, #tpu.memory_space<hbm>> -> memref<640x64xf32, #tpu.memory_space<hbm>>
      %dma_start3A_124 = arith.constant 0 : i32
      %dma_start3A_125 = tpu.memref_slice %arg15[%mul3A_0, %dma_start3A_124] : memref<10240x64xf32, #tpu.memory_space<vmem_shared>> -> memref<640x64xf32, #tpu.memory_space<vmem_shared>>
      tpu.enqueue_dma source(%dma_start3A_125 : memref<640x64xf32, #tpu.memory_space<vmem_shared>>) target(%dma_start3A_123 : memref<640x64xf32, #tpu.memory_space<hbm>>) target_semaphore(%run_scoped3A_117 : memref<!tpu.dma_semaphore, #tpu.memory_space<semaphore_mem>>)
      %dma_wait3A_126 = arith.constant 0 : i32
      %dma_wait3A_127 = arith.constant 0 : i32
      %dma_wait3A_128 = tpu.memref_slice %arg5[%arg0, %dma_wait3A_126, %dma_wait3A_127] : memref<2x10240x64xf32, #tpu.memory_space<hbm>> -> memref<1x10240x64xf32, #tpu.memory_space<hbm>>
      %dma_wait3A_129 = tpu.memref_squeeze %dma_wait3A_128 : memref<1x10240x64xf32, #tpu.memory_space<hbm>> -> memref<10240x64xf32, #tpu.memory_space<hbm>>
      %dma_wait3A_130 = arith.constant 0 : i32
      %dma_wait3A_131 = tpu.memref_slice %dma_wait3A_129[%mul3A_0, %dma_wait3A_130] : memref<10240x64xf32, #tpu.memory_space<hbm>> -> memref<640x64xf32, #tpu.memory_space<hbm>>
      %dma_wait3A_132 = arith.constant 0 : i32
      %dma_wait3A_133 = tpu.memref_slice %arg15[%mul3A_0, %dma_wait3A_132] : memref<10240x64xf32, #tpu.memory_space<vmem_shared>> -> memref<640x64xf32, #tpu.memory_space<vmem_shared>>
      tpu.wait_dma2 semaphore(%run_scoped3A_117 : memref<!tpu.dma_semaphore, #tpu.memory_space<semaphore_mem>>) src(%dma_wait3A_133 : memref<640x64xf32, #tpu.memory_space<vmem_shared>>) dst(%dma_wait3A_131 : memref<640x64xf32, #tpu.memory_space<hbm>>)
      tpu.yield
    }) : () -> ()
    return
  }
}

module attributes {stable_mosaic.version = 14 : i64} {
  func.func @body(%arg0: i32, %arg1: memref<1024x128xf32, #tpu.memory_space<vmem>>, %arg2: memref<128x128xf32, #tpu.memory_space<vmem>>, %arg3: memref<1024x128xf32, #tpu.memory_space<vmem>>) attributes {dimension_semantics = [#tpu.dimension_semantics<arbitrary>], iteration_bounds = array<i64: 10>, scalar_prefetch = 0 : i64, scratch_operands = 0 : i64, tpu.core_type = #tpu.core_type<tc>, window_params = [{transform_indices = @transform_0, window_bounds = array<i64: 1024, 128>}, {pipeline_mode = #tpu.pipeline_mode<synchronous>, transform_indices = @transform_1, window_bounds = array<i64: 128, 128>}, {transform_indices = @transform_2, window_bounds = array<i64: 1024, 128>}]} {
    %get3A = arith.constant 0 : index
    %get3A_0 = arith.constant 0 : index
    %get3A_1 = vector.load %arg1[%get3A, %get3A_0] : memref<1024x128xf32, #tpu.memory_space<vmem>>, vector<1024x128xf32>
    %get3A_2 = arith.constant 0 : index
    %get3A_3 = arith.constant 0 : index
    %get3A_4 = vector.load %arg2[%get3A_2, %get3A_3] : memref<128x128xf32, #tpu.memory_space<vmem>>, vector<128x128xf32>
    %dot_general3A = arith.constant dense<0.000000e+00> : vector<1024x128xf32>
    %dot_general3A_5 = tpu.matmul %get3A_1, %get3A_4, %dot_general3A {dimension_numbers = #tpu.dot_dimension_numbers<[1], [0], [0], [1], [0, 0, 1, 1], [], []>, transpose_lhs_hint = false} : vector<1024x128xf32>, vector<128x128xf32>, vector<1024x128xf32> -> vector<1024x128xf32>
    %swap3A = arith.constant 0 : index
    %swap3A_6 = arith.constant 0 : index
    %swap3A_7 = vector.load %arg3[%swap3A, %swap3A_6] : memref<1024x128xf32, #tpu.memory_space<vmem>>, vector<1024x128xf32>
    tpu.vector_store %arg3[%swap3A, %swap3A_6], %dot_general3A_5 {strides = array<i32>} : memref<1024x128xf32, #tpu.memory_space<vmem>>, vector<1024x128xf32>,
    return
  }
  func.func @transform_0(%arg0: i32) -> (i32, i32) {
    %c0_i32 = arith.constant 0 : i32
    %c0_i32_0 = arith.constant 0 : i32
    return %arg0, %c0_i32 : i32, i32
  }
  func.func @transform_1(%arg0: i32) -> (i32, i32) {
    %c0_i32 = arith.constant 0 : i32
    %c0_i32_0 = arith.constant 0 : i32
    %c0_i32_1 = arith.constant 0 : i32
    return %c0_i32, %c0_i32_0 : i32, i32
  }
  func.func @transform_2(%arg0: i32) -> (i32, i32) {
    %c0_i32 = arith.constant 0 : i32
    %c0_i32_0 = arith.constant 0 : i32
    return %arg0, %c0_i32 : i32, i32
  }
}

module attributes {stable_mosaic.version = 14 : i64} {
  func.func @body(%arg0: i32, %arg1: memref<1024x128xf32, #tpu.memory_space<vmem>>, %arg2: memref<1024x16xf32, #tpu.memory_space<vmem>>, %arg3: memref<2x1024x64xf32, #tpu.memory_space<vmem>>, %arg4: memref<1024x128xf32, #tpu.memory_space<vmem>>) attributes {dimension_semantics = [#tpu.dimension_semantics<arbitrary>], iteration_bounds = array<i64: 10>, scalar_prefetch = 0 : i64, scratch_operands = 0 : i64, tpu.core_type = #tpu.core_type<tc>, window_params = [{transform_indices = @transform_0, window_bounds = array<i64: 1024, 128>}, {transform_indices = @transform_1, window_bounds = array<i64: 1024, 16>}, {transform_indices = @transform_2, window_bounds = array<i64: 2, 1024, 64>}, {transform_indices = @transform_3, window_bounds = array<i64: 1024, 128>}]} {
    %get3A = arith.constant 0 : index
    %get3A_0 = arith.constant 0 : index
    %get3A_1 = vector.load %arg2[%get3A, %get3A_0] : memref<1024x16xf32, #tpu.memory_space<vmem>>, vector<1024x16xf32>
    %slice3A = vector.extract_strided_slice %get3A_1 {offsets = [0, 0], sizes = [1024, 1], strides = [1, 1]} : vector<1024x16xf32> to vector<1024x1xf32>
    %rsqrt3A = math.rsqrt %slice3A : vector<1024x1xf32>
    %get3A_2 = arith.constant 0 : index
    %get3A_3 = arith.constant 0 : index
    %get3A_4 = vector.load %arg1[%get3A_2, %get3A_3] : memref<1024x128xf32, #tpu.memory_space<vmem>>, vector<1024x128xf32>
    %mul3A = vector.broadcast %rsqrt3A : vector<1024x1xf32> to vector<1024x128xf32>
    %mul3A_5 = arith.mulf %mul3A, %get3A_4 : vector<1024x128xf32>
    %slice3A_6 = vector.extract_strided_slice %mul3A_5 {offsets = [0, 0], sizes = [1024, 64], strides = [1, 1]} : vector<1024x128xf32> to vector<1024x64xf32>
    %swap3A = arith.constant 0 : index
    %swap3A_7 = arith.constant 0 : index
    %swap3A_8 = arith.constant 0 : index
    %swap3A_9 = vector.load %arg3[%swap3A, %swap3A_7, %swap3A_8] : memref<2x1024x64xf32, #tpu.memory_space<vmem>>, vector<1x1024x64xf32>
    %swap3A_10 = vector.shape_cast %swap3A_9 : vector<1x1024x64xf32> to vector<1024x64xf32>
    %swap3A_11 = vector.shape_cast %slice3A_6 : vector<1024x64xf32> to vector<1x1024x64xf32>
    tpu.vector_store %arg3[%swap3A, %swap3A_7, %swap3A_8], %swap3A_11 {strides = array<i32>} : memref<2x1024x64xf32, #tpu.memory_space<vmem>>, vector<1x1024x64xf32>,
    %slice3A_12 = vector.extract_strided_slice %mul3A_5 {offsets = [0, 64], sizes = [1024, 64], strides = [1, 1]} : vector<1024x128xf32> to vector<1024x64xf32>
    %swap3A_13 = arith.constant 1 : index
    %swap3A_14 = arith.constant 0 : index
    %swap3A_15 = arith.constant 0 : index
    %swap3A_16 = vector.load %arg3[%swap3A_13, %swap3A_14, %swap3A_15] : memref<2x1024x64xf32, #tpu.memory_space<vmem>>, vector<1x1024x64xf32>
    %swap3A_17 = vector.shape_cast %swap3A_16 : vector<1x1024x64xf32> to vector<1024x64xf32>
    %swap3A_18 = vector.shape_cast %slice3A_12 : vector<1024x64xf32> to vector<1x1024x64xf32>
    tpu.vector_store %arg3[%swap3A_13, %swap3A_14, %swap3A_15], %swap3A_18 {strides = array<i32>} : memref<2x1024x64xf32, #tpu.memory_space<vmem>>, vector<1x1024x64xf32>,
    %broadcast_in_dim3A = vector.shape_cast %rsqrt3A : vector<1024x1xf32> to vector<1024x1xf32>
    %broadcast_in_dim3A_19 = vector.broadcast %broadcast_in_dim3A : vector<1024x1xf32> to vector<1024x128xf32>
    %swap3A_20 = arith.constant 0 : index
    %swap3A_21 = arith.constant 0 : index
    %swap3A_22 = vector.load %arg4[%swap3A_20, %swap3A_21] : memref<1024x128xf32, #tpu.memory_space<vmem>>, vector<1024x128xf32>
    tpu.vector_store %arg4[%swap3A_20, %swap3A_21], %broadcast_in_dim3A_19 {strides = array<i32>} : memref<1024x128xf32, #tpu.memory_space<vmem>>, vector<1024x128xf32>,
    return
  }
  func.func @transform_0(%arg0: i32) -> (i32, i32) {
    %c0_i32 = arith.constant 0 : i32
    %c0_i32_0 = arith.constant 0 : i32
    return %arg0, %c0_i32 : i32, i32
  }
  func.func @transform_1(%arg0: i32) -> (i32, i32) {
    %c0_i32 = arith.constant 0 : i32
    %c0_i32_0 = arith.constant 0 : i32
    return %arg0, %c0_i32 : i32, i32
  }
  func.func @transform_2(%arg0: i32) -> (i32, i32, i32) {
    %c0_i32 = arith.constant 0 : i32
    %c0_i32_0 = arith.constant 0 : i32
    %c0_i32_1 = arith.constant 0 : i32
    return %c0_i32, %arg0, %c0_i32_0 : i32, i32, i32
  }
  func.func @transform_3(%arg0: i32) -> (i32, i32) {
    %c0_i32 = arith.constant 0 : i32
    %c0_i32_0 = arith.constant 0 : i32
    return %arg0, %c0_i32 : i32, i32
  }
}

module attributes {stable_mosaic.version = 14 : i64} {
  func.func @body(%arg0: i32, %arg1: memref<2x1024x64xf32, #tpu.memory_space<vmem>>, %arg2: memref<1024x128xf32, #tpu.memory_space<vmem>>, %arg3: memref<1x128xf32, #tpu.memory_space<vmem>>, %arg4: memref<128x128xf32, #tpu.memory_space<vmem>>, %arg5: memref<2x1024x64xf32, #tpu.memory_space<vmem>>) attributes {dimension_semantics = [#tpu.dimension_semantics<arbitrary>], iteration_bounds = array<i64: 10>, scalar_prefetch = 0 : i64, scratch_operands = 0 : i64, tpu.core_type = #tpu.core_type<tc>, window_params = [{transform_indices = @transform_0, window_bounds = array<i64: 2, 1024, 64>}, {transform_indices = @transform_1, window_bounds = array<i64: 1024, 128>}, {pipeline_mode = #tpu.pipeline_mode<synchronous>, transform_indices = @transform_2, window_bounds = array<i64: 1, 128>}, {pipeline_mode = #tpu.pipeline_mode<synchronous>, transform_indices = @transform_3, window_bounds = array<i64: 128, 128>}, {transform_indices = @transform_4, window_bounds = array<i64: 2, 1024, 64>}]} {
    %get3A = arith.constant 0 : index
    %get3A_0 = arith.constant 0 : index
    %get3A_1 = arith.constant 0 : index
    %get3A_2 = vector.load %arg1[%get3A, %get3A_0, %get3A_1] : memref<2x1024x64xf32, #tpu.memory_space<vmem>>, vector<1x1024x64xf32>
    %get3A_3 = vector.shape_cast %get3A_2 : vector<1x1024x64xf32> to vector<1024x64xf32>
    %get3A_4 = arith.constant 1 : index
    %get3A_5 = arith.constant 0 : index
    %get3A_6 = arith.constant 0 : index
    %get3A_7 = vector.load %arg1[%get3A_4, %get3A_5, %get3A_6] : memref<2x1024x64xf32, #tpu.memory_space<vmem>>, vector<1x1024x64xf32>
    %get3A_8 = vector.shape_cast %get3A_7 : vector<1x1024x64xf32> to vector<1024x64xf32>
    %concatenate3A = tpu.concatenate %get3A_3, %get3A_8 in 1 : vector<1024x64xf32>, vector<1024x64xf32> -> vector<1024x128xf32>
    %get3A_9 = arith.constant 0 : index
    %get3A_10 = arith.constant 0 : index
    %get3A_11 = vector.load %arg2[%get3A_9, %get3A_10] : memref<1024x128xf32, #tpu.memory_space<vmem>>, vector<1024x128xf32>
    %mul3A = arith.mulf %get3A_11, %concatenate3A : vector<1024x128xf32>
    %get3A_12 = arith.constant 0 : index
    %get3A_13 = arith.constant 0 : index
    %get3A_14 = vector.load %arg3[%get3A_12, %get3A_13] : memref<1x128xf32, #tpu.memory_space<vmem>>, vector<1x128xf32>
    %add3A = vector.broadcast %get3A_14 : vector<1x128xf32> to vector<1024x128xf32>
    %add3A_15 = arith.addf %mul3A, %add3A : vector<1024x128xf32>
    %max3A = arith.constant 0.000000e+00 : f32
    %max3A_16 = vector.broadcast %max3A : f32 to vector<1024x128xf32>
    %max3A_17 = arith.maximumf %add3A_15, %max3A_16 : vector<1024x128xf32>
    %get3A_18 = arith.constant 0 : index
    %get3A_19 = arith.constant 0 : index
    %get3A_20 = vector.load %arg2[%get3A_18, %get3A_19] : memref<1024x128xf32, #tpu.memory_space<vmem>>, vector<1024x128xf32>
    %get3A_21 = arith.constant 0 : index
    %get3A_22 = arith.constant 0 : index
    %get3A_23 = vector.load %arg4[%get3A_21, %get3A_22] : memref<128x128xf32, #tpu.memory_space<vmem>>, vector<128x128xf32>
    %dot_general3A = arith.constant dense<0.000000e+00> : vector<1024x128xf32>
    %dot_general3A_24 = tpu.matmul %max3A_17, %get3A_23, %dot_general3A {dimension_numbers = #tpu.dot_dimension_numbers<[1], [0], [0], [1], [0, 0, 1, 1], [], []>, transpose_lhs_hint = false} : vector<1024x128xf32>, vector<128x128xf32>, vector<1024x128xf32> -> vector<1024x128xf32>
    %mul3A_25 = arith.mulf %get3A_20, %dot_general3A_24 : vector<1024x128xf32>
    %slice3A = vector.extract_strided_slice %mul3A_25 {offsets = [0, 0], sizes = [1024, 64], strides = [1, 1]} : vector<1024x128xf32> to vector<1024x64xf32>
    %swap3A = arith.constant 0 : index
    %swap3A_26 = arith.constant 0 : index
    %swap3A_27 = arith.constant 0 : index
    %swap3A_28 = vector.load %arg5[%swap3A, %swap3A_26, %swap3A_27] : memref<2x1024x64xf32, #tpu.memory_space<vmem>>, vector<1x1024x64xf32>
    %swap3A_29 = vector.shape_cast %swap3A_28 : vector<1x1024x64xf32> to vector<1024x64xf32>
    %swap3A_30 = vector.shape_cast %slice3A : vector<1024x64xf32> to vector<1x1024x64xf32>
    tpu.vector_store %arg5[%swap3A, %swap3A_26, %swap3A_27], %swap3A_30 {strides = array<i32>} : memref<2x1024x64xf32, #tpu.memory_space<vmem>>, vector<1x1024x64xf32>,
    %slice3A_31 = vector.extract_strided_slice %mul3A_25 {offsets = [0, 64], sizes = [1024, 64], strides = [1, 1]} : vector<1024x128xf32> to vector<1024x64xf32>
    %swap3A_32 = arith.constant 1 : index
    %swap3A_33 = arith.constant 0 : index
    %swap3A_34 = arith.constant 0 : index
    %swap3A_35 = vector.load %arg5[%swap3A_32, %swap3A_33, %swap3A_34] : memref<2x1024x64xf32, #tpu.memory_space<vmem>>, vector<1x1024x64xf32>
    %swap3A_36 = vector.shape_cast %swap3A_35 : vector<1x1024x64xf32> to vector<1024x64xf32>
    %swap3A_37 = vector.shape_cast %slice3A_31 : vector<1024x64xf32> to vector<1x1024x64xf32>
    tpu.vector_store %arg5[%swap3A_32, %swap3A_33, %swap3A_34], %swap3A_37 {strides = array<i32>} : memref<2x1024x64xf32, #tpu.memory_space<vmem>>, vector<1x1024x64xf32>,
    return
  }
  func.func @transform_0(%arg0: i32) -> (i32, i32, i32) {
    %c0_i32 = arith.constant 0 : i32
    %c0_i32_0 = arith.constant 0 : i32
    %c0_i32_1 = arith.constant 0 : i32
    return %c0_i32, %arg0, %c0_i32_0 : i32, i32, i32
  }
  func.func @transform_1(%arg0: i32) -> (i32, i32) {
    %c0_i32 = arith.constant 0 : i32
    %c0_i32_0 = arith.constant 0 : i32
    return %arg0, %c0_i32 : i32, i32
  }
  func.func @transform_2(%arg0: i32) -> (i32, i32) {
    %c0_i32 = arith.constant 0 : i32
    %c0_i32_0 = arith.constant 0 : i32
    %c0_i32_1 = arith.constant 0 : i32
    return %c0_i32, %c0_i32_0 : i32, i32
  }
  func.func @transform_3(%arg0: i32) -> (i32, i32) {
    %c0_i32 = arith.constant 0 : i32
    %c0_i32_0 = arith.constant 0 : i32
    %c0_i32_1 = arith.constant 0 : i32
    return %c0_i32, %c0_i32_0 : i32, i32
  }
  func.func @transform_4(%arg0: i32) -> (i32, i32, i32) {
    %c0_i32 = arith.constant 0 : i32
    %c0_i32_0 = arith.constant 0 : i32
    %c0_i32_1 = arith.constant 0 : i32
    return %c0_i32, %arg0, %c0_i32_0 : i32, i32, i32
  }
}

module attributes {stable_mosaic.version = 14 : i64} {
  func.func @body(%arg0: i32, %arg1: memref<2x1024x64xf32, #tpu.memory_space<vmem>>, %arg2: memref<1024x128xf32, #tpu.memory_space<vmem>>, %arg3: memref<1x128xf32, #tpu.memory_space<vmem>>, %arg4: memref<1024x128xf32, #tpu.memory_space<vmem>>) attributes {dimension_semantics = [#tpu.dimension_semantics<arbitrary>], iteration_bounds = array<i64: 10>, scalar_prefetch = 0 : i64, scratch_operands = 0 : i64, tpu.core_type = #tpu.core_type<tc>, window_params = [{transform_indices = @transform_0, window_bounds = array<i64: 2, 1024, 64>}, {transform_indices = @transform_1, window_bounds = array<i64: 1024, 128>}, {pipeline_mode = #tpu.pipeline_mode<synchronous>, transform_indices = @transform_2, window_bounds = array<i64: 1, 128>}, {transform_indices = @transform_3, window_bounds = array<i64: 1024, 128>}]} {
    %get3A = arith.constant 0 : index
    %get3A_0 = arith.constant 0 : index
    %get3A_1 = arith.constant 0 : index
    %get3A_2 = vector.load %arg1[%get3A, %get3A_0, %get3A_1] : memref<2x1024x64xf32, #tpu.memory_space<vmem>>, vector<1x1024x64xf32>
    %get3A_3 = vector.shape_cast %get3A_2 : vector<1x1024x64xf32> to vector<1024x64xf32>
    %get3A_4 = arith.constant 1 : index
    %get3A_5 = arith.constant 0 : index
    %get3A_6 = arith.constant 0 : index
    %get3A_7 = vector.load %arg1[%get3A_4, %get3A_5, %get3A_6] : memref<2x1024x64xf32, #tpu.memory_space<vmem>>, vector<1x1024x64xf32>
    %get3A_8 = vector.shape_cast %get3A_7 : vector<1x1024x64xf32> to vector<1024x64xf32>
    %concatenate3A = tpu.concatenate %get3A_3, %get3A_8 in 1 : vector<1024x64xf32>, vector<1024x64xf32> -> vector<1024x128xf32>
    %get3A_9 = arith.constant 0 : index
    %get3A_10 = arith.constant 0 : index
    %get3A_11 = vector.load %arg2[%get3A_9, %get3A_10] : memref<1024x128xf32, #tpu.memory_space<vmem>>, vector<1024x128xf32>
    %mul3A = arith.mulf %get3A_11, %concatenate3A : vector<1024x128xf32>
    %get3A_12 = arith.constant 0 : index
    %get3A_13 = arith.constant 0 : index
    %get3A_14 = vector.load %arg3[%get3A_12, %get3A_13] : memref<1x128xf32, #tpu.memory_space<vmem>>, vector<1x128xf32>
    %add3A = vector.broadcast %get3A_14 : vector<1x128xf32> to vector<1024x128xf32>
    %add3A_15 = arith.addf %mul3A, %add3A : vector<1024x128xf32>
    %max3A = arith.constant 0.000000e+00 : f32
    %max3A_16 = vector.broadcast %max3A : f32 to vector<1024x128xf32>
    %max3A_17 = arith.maximumf %add3A_15, %max3A_16 : vector<1024x128xf32>
    %swap3A = arith.constant 0 : index
    %swap3A_18 = arith.constant 0 : index
    %swap3A_19 = vector.load %arg4[%swap3A, %swap3A_18] : memref<1024x128xf32, #tpu.memory_space<vmem>>, vector<1024x128xf32>
    tpu.vector_store %arg4[%swap3A, %swap3A_18], %max3A_17 {strides = array<i32>} : memref<1024x128xf32, #tpu.memory_space<vmem>>, vector<1024x128xf32>,
    return
  }
  func.func @transform_0(%arg0: i32) -> (i32, i32, i32) {
    %c0_i32 = arith.constant 0 : i32
    %c0_i32_0 = arith.constant 0 : i32
    %c0_i32_1 = arith.constant 0 : i32
    return %c0_i32, %arg0, %c0_i32_0 : i32, i32, i32
  }
  func.func @transform_1(%arg0: i32) -> (i32, i32) {
    %c0_i32 = arith.constant 0 : i32
    %c0_i32_0 = arith.constant 0 : i32
    return %arg0, %c0_i32 : i32, i32
  }
  func.func @transform_2(%arg0: i32) -> (i32, i32) {
    %c0_i32 = arith.constant 0 : i32
    %c0_i32_0 = arith.constant 0 : i32
    %c0_i32_1 = arith.constant 0 : i32
    return %c0_i32, %c0_i32_0 : i32, i32
  }
  func.func @transform_3(%arg0: i32) -> (i32, i32) {
    %c0_i32 = arith.constant 0 : i32
    %c0_i32_0 = arith.constant 0 : i32
    return %arg0, %c0_i32 : i32, i32
  }
}

</mosaic_0001>

<sc_bundles>
// kernel: kernel.11.cloned.1.call-start
scs
__scs_entry_jumppad:
0x0: {  	(pc) =	sbr.rel $0x88, $3  }
0x1: {  	(tag) =	ssettag $0x0;
	lr =	simm.s32 $0x1  }
0x2: {  	[smem:$0x3F99] =	sst lr;
	_ =	strace $0xD0000000  }
0x3: {  	_ = 	snop  }
0x4: {  	_ = 	snop  }
0x5: {  	_ = 	snop  }
0x6: {  	_ = 	snop  }
0x7: {  	_ = 	snop  }
__scs_overlays_trampoline_lowered:
0x8: {  	[smem:$0x3FA8] =	sst s0  }
0x9: {  	[smem:$0x3FA9] =	sst s1  }
0xa: {  	[smem:$0x3FAA] =	sst s2  }
0xb: {  	[smem:$0x3FAB] =	sst s3  }
0xc: {  	[smem:$0x3FAC] =	sst s4  }
0xd: {  	[smem:$0x3FAD] =	sst s5  }
0xe: {  	[smem:$0x3FAE] =	sst s6  }
0xf: {  	[smem:$0x3FAF] =	sst s7  }
0x10: {  	[smem:$0x3FB0] =	sst s8  }
0x11: {  	[smem:$0x3FB1] =	sst s9;
	s0 =	simm.s32 @!p0 $0x0  }
0x12: {  	s1 =	sld [smem:$0x3F97];
	s0 =	simm.s32 @p0 $0x1  }
0x13: {  	[smem:$0x3FB2] =	sst s0;
	s0 =	simm.s32 @!p1 $0x0  }
0x14: {  	s2 =	sld [smem:$0x3F96];
	s0 =	simm.s32 @p1 $0x1  }
0x15: {  	[smem:$0x3FB3] =	sst s0;
	s0 =	simm.s32 @!p2 $0x0  }
0x16: {  	s3 =	sld [smem:$0x3FDB];
	s0 =	simm.s32 @p2 $0x1  }
0x17: {  	s4 =	simm.s32 $0x1BF5;
	[smem:$0x3FB5] =	sst s0  }
0x18: {  	s0 =	sld [smem:$0x3F98];
	_ =	swait.ge [sflag:s4], $0x0  }
0x19: {  	s7 =	sld [smem:$0x3F99]  }
0x1a: {  	s8 =	sadd.s32 $0xFFFFE003, lr  }
0x1b: {  	s9 =	sadd.s32 $0xFFFFFEF7, lr;
	s5 =	simm.s32 $0xFFFFFFFF;
	p2 =	slt.u32 s8, $0xFFFFF086  }
0x1c: {  	p1 =	slt.u32 s9, $0xF7A;
	s5 =	simm.s32 @!p2 $0x0  }
0x1d: {  	s5 =	simm.s32 @p1 $0x1;
	p0 =	seq.s32 s7, s2  }
0x1e: {  	s7 =	smul.u32 @!p0 $0xF7A, s2;
	p2 =	seq.s32 @!p0 s5, $0x0  }
0x1f: {  	s9 =	smul.u32 $0xF7A, s1;
	s8 =	simm.s32 @!p0 $0x1BF5;
	p2 =	por !p2, p0  }
0x20: {  	[sflag:s8] =	ssyncset.s32 @!p0 $0xFFFFF086;
	s6 =	sadd.s32 @!p0 s3, s7;
	s7 =	simm.s32 @!p0 $0x108  }
0x21: {  	s3 =	sadd.s32 s3, s9;
	s6 =	sadd.s32 @!p0 $0x88, s6;
	s7 =	simm.s32 @p2 $0x1082  }
0x22: {  	[simem:s7], [sflag:s8] =	dma.local @!p0 [hbm:s6], $0xF7A  }
0x23: {  	s9 =	sor.u32 $0xD0000000, s2;
	s6 =	simm.s32 $0x108;
	_ =	swait.ge @!p0 [sflag:s8], $0x0  }
0x24: {  	s3 =	sadd.s32 $0x88, s3;
	s6 =	simm.s32 @!p1 $0x1082;
	[sflag:s4] =	ssyncset.s32 $0xFFFFF086  }
0x25: {  	[simem:s6], [sflag:s4] =	dma.local [hbm:s3], $0xF7A  }
0x26: {  	[smem:$0x3F99] =	sst s1;
	(tag) =	ssettag s2;
	_ =	strace s9  }
0x27: {  	s1 =	sld [smem:$0x3FA9]  }
0x28: {  	s2 =	sld [smem:$0x3FAA]  }
0x29: {  	s4 =	sld [smem:$0x3FAC]  }
0x2a: {  	p0 =	seq.s32 s5, $0x0;
	s5 =	sld [smem:$0x3FAD]  }
0x2b: {  	s6 =	sld [smem:$0x3FAE]  }
0x2c: {  	s7 =	sld [smem:$0x3FAF]  }
0x2d: {  	s3 =	simm.s32 $0x108;
	s8 =	sld [smem:$0x3FB0]  }
0x2e: {  	s3 =	simm.s32 @!p0 $0x1082;
	s9 =	sld [smem:$0x3FB1]  }
0x2f: {  	lr =	sadd.s32 s0, s3;
	s0 =	sld [smem:$0x3FA8]  }
0x30: {  	s3 =	sld [smem:$0x3FAB]  }
0x31: {  	[smem:$0x3FB4] =	sst s10  }
0x32: {  	s10 =	sld [smem:$0x3FB2];
	_ =	sdelay $0x3  }
0x33: {  	p0 =	seq.s32 s10, $0x1;
	s10 =	sld [smem:$0x3FB4];
	_ =	sdelay $0x3  }
0x34: {  	[smem:$0x3FB4] =	sst s10  }
0x35: {  	s10 =	sld [smem:$0x3FB3];
	_ =	sdelay $0x3  }
0x36: {  	p1 =	seq.s32 s10, $0x1;
	s10 =	sld [smem:$0x3FB4];
	_ =	sdelay $0x3  }
0x37: {  	[smem:$0x3FB4] =	sst s10  }
0x38: {  	s10 =	sld [smem:$0x3FB5]  }
0x39: {  	_ = 	snop;
	(pc) =	sbr.ind lr, $3  }
0x3a: {  	_ = 	snop  }
0x3b: {  	_ = 	snop  }
0x3c: {  	p2 =	seq.s32 s10, $0x1;
	s10 =	sld [smem:$0x3FB4]  }
0x3d: {  	_ =	shalt  }
0x3e: {  	_ =	shalt  }
0x3f: {  	_ =	shalt  }
0x40: {  	_ =	shalt  }
0x41: {  	_ =	shalt  }
0x42: {  	_ =	shalt  }
0x43: {  	_ =	shalt  }
0x44: {  	_ =	shalt  }
0x45: {  	_ =	shalt  }
0x46: {  	_ =	shalt  }
0x47: {  	_ =	shalt  }
0x48: {  	_ =	shalt  }
0x49: {  	_ =	shalt  }
0x4a: {  	_ =	shalt  }
0x4b: {  	_ =	shalt  }
0x4c: {  	_ =	shalt  }
0x4d: {  	_ =	shalt  }
0x4e: {  	_ =	shalt  }
0x4f: {  	_ =	shalt  }
0x50: {  	_ =	shalt  }
0x51: {  	_ =	shalt  }
0x52: {  	_ =	shalt  }
0x53: {  	_ =	shalt  }
0x54: {  	_ =	shalt  }
0x55: {  	_ =	shalt  }
0x56: {  	_ =	shalt  }
0x57: {  	_ =	shalt  }
0x58: {  	_ =	shalt  }
0x59: {  	_ =	shalt  }
0x5a: {  	_ =	shalt  }
0x5b: {  	_ =	shalt  }
0x5c: {  	_ =	shalt  }
0x5d: {  	_ =	shalt  }
0x5e: {  	_ =	shalt  }
0x5f: {  	_ =	shalt  }
0x60: {  	_ =	shalt  }
0x61: {  	_ =	shalt  }
0x62: {  	_ =	shalt  }
0x63: {  	_ =	shalt  }
0x64: {  	_ =	shalt  }
0x65: {  	_ =	shalt  }
0x66: {  	_ =	shalt  }
0x67: {  	_ =	shalt  }
0x68: {  	_ =	shalt  }
0x69: {  	_ =	shalt  }
0x6a: {  	_ =	shalt  }
0x6b: {  	_ =	shalt  }
0x6c: {  	_ =	shalt  }
0x6d: {  	_ =	shalt  }
0x6e: {  	_ =	shalt  }
0x6f: {  	_ =	shalt  }
0x70: {  	_ =	shalt  }
0x71: {  	_ =	shalt  }
0x72: {  	_ =	shalt  }
0x73: {  	_ =	shalt  }
0x74: {  	_ =	shalt  }
0x75: {  	_ =	shalt  }
0x76: {  	_ =	shalt  }
0x77: {  	_ =	shalt  }
0x78: {  	_ =	shalt  }
0x79: {  	_ =	shalt  }
0x7a: {  	_ =	shalt  }
0x7b: {  	_ =	shalt  }
0x7c: {  	_ =	shalt  }
0x7d: {  	_ =	shalt  }
0x7e: {  	_ =	shalt  }
0x7f: {  	_ =	shalt  }
0x80: {  	_ =	shalt  }
0x81: {  	_ =	shalt  }
0x82: {  	_ =	shalt  }
0x83: {  	_ =	shalt  }
0x84: {  	_ =	shalt  }
0x85: {  	_ =	shalt  }
0x86: {  	_ =	shalt  }
0x87: {  	_ =	shalt  }
.Lfunc_end0:
.L_simem_size_0:
called_computation_lowered:
.L_overlay_start_0:
0x88: {  	s2 =	sld [smem:$0x3FD9]  }
0x89: {  	s3 =	sld [smem:$0x3FFE];
	_ =	sdelay $0x1  }
0x8a: {  	s1 =	srdreg.scid  }
0x8b: {  	s0 =	sand.u32 $0x1, s1  }
0x8c: {  	s17 =	sshll.u32 s0, $0xA;
	s2 =	sadd.s32 s3, s2  }
0x8d: {  	s2 =	sadd.s32 s2, s17  }
0x8e: {  	[smem:$0x3FC0] =	sst s2  }
0x8f: {  	_ = 	snop  }
0x90: {  	s2 =	sld [smem:$0x3FD0];
	(tm) =	ssettm $0x1  }
0x91: {  	s18 =	sld [smem:$0x3FFB];
	_ =	sdelay $0x3  }
0x92: {  	_ =	strace s18  }
0x93: {  	s3 =	sld [smem:$0x3FFC];
	_ =	sdelay $0x3  }
0x94: {  	_ =	strace s3  }
0x95: {  	s3 =	sld [smem:$0x3FFD];
	_ =	sdelay $0x3  }
0x96: {  	_ =	strace s3  }
0x97: {  	_ =	strace $0x8FFFFFFF  }
0x98: {  	s19 =	sld [smem:$0x3FDB];
	_ =	sdelay $0x1  }
0x99: {  	s4 =	simm.s32 $_scs_section_size  }
0x9a: {  	s5 =	simm.s32 $_size__tile_overlayer_lowered;
	s6 =	simm.s32 $_tile_overlayer_lowered  }
0x9b: {  	s22 =	simm.s32 $0x1BFF;
	s21 =	sshll.u32 s6, $0x1;
	s3 =	sadd.s32 s4, s19  }
0x9c: {  	s7 =	simm.s32 $0x0;
	s20 =	sshll.u32 s5, $0x1;
	s5 =	sadd.s32 s21, s3  }
0x9d: {  	[timem:s7], [sflag:s22] =	dma.local [hbm:s5], s20  }
0x9e: {  	_ =	swait.ge [sflag:s22], s20  }
0x9f: {  	s4 =	ssub.s32 $0x0, s20;
	[sflag:s22] =	ssyncset.done $0x0  }
0xa0: {  	[sflag:s22] =	ssyncadd.s32 s4;
	_ =	sdelay $0x1  }
0xa1: {  	s23 =	simm.s32 $0x1B8B  }
0xa2: {  	_ =	swait.ge [sflag:s23], $0x1  }
0xa3: {  	[sflag:s23] =	ssyncset.done $0x0  }
0xa4: {  	s25 =	simm.s32 $0x1B8E;
	s24 =	sld [smem:$0x3FFE];
	[sflag:s23] =	ssyncadd.s32 $0xFFFFFFFF  }
0xa5: {  	s26 =	simm.s32 $execute0_lowered;
	[smem:$0x3FD2] =	sst s25  }
0xa6: {  	s5 =	sshll.u32 s26, $0x1;
	_ =	strace $0x80000046;
	[dreg:$0x1] =	wrdreg $0xFFFFFFFF  }
0xa7: {  	s28 =	simm.s32 $_size_execute0_lowered;
	s3 =	sadd.s32 s3, s5;
	[dreg:$0x0] =	wrdreg $0x0  }
0xa8: {  	s5 =	sshll.u32 s28, $0x1;
	[dreg:$0x2] =	wrdreg s3  }
0xa9: {  	[dreg:$0x3] =	wrdreg s5  }
0xaa: {  	[dreg:$0x4] =	wrdreg $0xC0  }
0xab: {  	_ =	task [dreg:s7], $0x5FFFF  }
0xac: {  	[dreg:$0x1] =	wrdreg $0xFFFFFFFF  }
0xad: {  	[dreg:$0x0] =	wrdreg $0x60  }
0xae: {  	[dreg:$0x2] =	wrdreg s24  }
0xaf: {  	[dreg:$0x3] =	wrdreg s2  }
0xb0: {  	[dreg:$0x4] =	wrdreg $0x56800  }
0xb1: {  	[dreg:$0x5] =	wrdreg $0x9  }
0xb2: {  	_ =	task.clear_ibuf [dreg:s7], $0x6FFFF;
	_ =	strace $0x90000046  }
0xb3: {  	s29 =	simm.s32 $0x9;
	_ =	strace $0x80000048  }
0xb4: {  	_ =	swait.ge [sflag:s29], $0x1  }
0xb5: {  	[sflag:s29] =	ssyncadd.s32 $0xFFFFFFFF  }
0xb6: {  	_ =	strace $0x90000048  }
0xb7: {  	_ =	sfence  }
0xb8: {  	s30 =	sld [smem:$0x0];
	_ =	sdelay $0x2  }
0xb9: {  	s31 =	sshll.u32 s1, $0xD;
	s1 =	sshrl.u32 s1, $0x2  }
0xba: {  	s3 =	sand.u32 $0x4000, s31;
	s1 =	sadd.s32 s1, s30  }
0xbb: {  	s0 =	sor.u32 s3, s0;
	s1 =	sshll.u32 s1, $0x11  }
0xbc: {  	s0 =	sor.u32 s1, s0  }
0xbd: {  	s0 =	sadd.s32 $0x8F2B, s0  }
0xbe: {  	[sflag:s0] =	ssyncadd.remote.s32 $0x1  }
0xbf: {  	_ =	sfence.sel $0xFFFF  }
0xc0: {  	[dreg:$0x0] =	wrdreg $0xFFFFFFFF;
	(pc) =	sbr.abs _section_cstart, $3  }
0xc1: {  	[dreg:$0x1] =	wrdreg $0xFFFFFFFF  }
0xc2: {  	_ =	task.clear_ibuf [dreg:s7], $0x2FFFF;
	_ =	strace $0x9FFFFFFF  }
0xc3: {  	(tm) =	ssettm $0x7FFFFFFF  }
tec
execute0_lowered:
.L_overlay_start_1:
0x0: {  	(tag) =	ssettag $0x1  }
0x1: {  	s4 =	rddreg [dreg:$0x0]  }
0x2: {  	s10 =	rddreg [dreg:$0x1]  }
0x3: {  	s2 =	rddreg [dreg:$0x2];
	s1 =	stileid.u32  }
0x4: {  	s0 =	rddreg [dreg:$0x3];
	s3 =	simm.s32 $0x0;
	s6 =	smul.u32 $0x9D0, s1  }
0x5: {  	s5 =	srdreg.scid;
	s17 =	simm.s32 $0x0;
	s8 =	smul.u32 $0xA000, s1  }
0x6: {  	[smem:$0x7FF] =	sst s3;
	s7 =	sand.u32 $0x1, s5;
	s11 =	smul.u32 $0x2800, s1  }
0x7: {  	s31 =	sshll.u32 s1, $0x6;
	_ =	strace $0x80000047;
	s5 =	ssub.s32 $0x2, s7  }
0x8: {  	s13 =	smul.u32 $0x5000, s7;
	s4 =	sadd.s32 s6, s4;
	s29 =	sshrl.u32 s5, $0x1  }
0x9: {  	s30 =	sshrl.u32 s8, $0x2;
	s15 =	sshrl.u32 s11, $0x3;
	s12 =	ssub.s32 s5, s29  }
0xa: {  	s4 =	sadd.s32 $0x1E00, s4;
	s5 =	sadd.s32 s11, s2;
	s9 =	sadd.s32 s30, s2  }
0xb: {  	s14 =	sadd.s32 s10, s13;
	s11 =	simm.s32 $0x1;
	s13 =	simm.s32 $0x80  }
0xc: {  	s6 =	sadd.s32 $0x800, s9;
	s7 =	sadd.s32 $0x1000, s9;
	s8 =	sadd.s32 $0x1800, s9  }
0xd: {  	s9 =	sadd.s32 $0x2000, s9;
	s10 =	smax.u32 s12, $0x1;
	s12 =	simm.s32 $0x4E80  }
0xe: {  	v0 =	vimm.f32 $1.000000000e+00;
	s14 =	sadd.s32 s15, s14;
	s15 =	sor.u32 $0x1C01, s31;
	s16 =	sshrl.u32 s5, $0x3  }
.LBB2_1:
0xf: {  	[tilespmem:s3], [sflag:$0x1] =	stream.linear.gather [hbm4b:s4+s3], $0x4E80, $0x38;
	[tilespmem:$0x7E80] =	vst v63  }
0x10: {  	_ =	swait.ge [sflag:s11], $0x4E80  }
0x11: {  	[sflag:s11] =	ssyncset.done $0x0  }
0x12: {  	s18 =	simm.s32 $0x40;
	s19 =	simm.s32 $0x0;
	[sflag:s11] =	ssyncadd.s32 $0xFFFFB180  }
.LBB2_2:
0x13: {  	p0 =	sne.s32 s18, $0x1FC0;
	[tilespmem:s19+$0x4E80] =	vst v0;
	s19 =	smov.u32 s18;
	s18 =	sadd.s32 $0x40, s18  }
.Ltmp0:
0x14: {  	(pc) =	sbr.rel @p0 .LBB2_2-.Ltmp0, $2  }
0x15: {  	_ =	sdelay $0x2  }
0x16: {  	s19 =	sshra.s32 s19, $0x2  }
0x17: {  	[tilespmem:s19+$0x4E80] =	vst v0  }
0x18: {  	[spmem:s5] =	stream.linear.scatter [tilespmem:s12], [sflag:$0x1], $0x800, $0x38;
	[tilespmem:$0x7E80] =	vst v63  }
0x19: {  	_ =	swait.ge [sflag:s11], $0x800  }
0x1a: {  	[sflag:s11] =	ssyncset.done $0x0  }
0x1b: {  	[sflag:s11] =	ssyncadd.s32 $0xFFFFF800  }
0x1c: {  	[spmem:s6] =	stream.linear.scatter [tilespmem:s12], [sflag:$0x1], $0x800, $0x38;
	[tilespmem:$0x7E80] =	vst v63  }
0x1d: {  	_ =	swait.ge [sflag:s11], $0x800  }
0x1e: {  	[sflag:s11] =	ssyncset.done $0x0  }
0x1f: {  	[sflag:s11] =	ssyncadd.s32 $0xFFFFF800  }
0x20: {  	[spmem:s7] =	stream.linear.scatter [tilespmem:s12], [sflag:$0x1], $0x800, $0x38;
	[tilespmem:$0x7E80] =	vst v63  }
0x21: {  	_ =	swait.ge [sflag:s11], $0x800  }
0x22: {  	[sflag:s11] =	ssyncset.done $0x0  }
0x23: {  	[sflag:s11] =	ssyncadd.s32 $0xFFFFF800  }
0x24: {  	[spmem:s8] =	stream.linear.scatter [tilespmem:s12], [sflag:$0x1], $0x800, $0x38;
	[tilespmem:$0x7E80] =	vst v63  }
0x25: {  	_ =	swait.ge [sflag:s11], $0x800  }
0x26: {  	[sflag:s11] =	ssyncset.done $0x0  }
0x27: {  	[sflag:s11] =	ssyncadd.s32 $0xFFFFF800  }
0x28: {  	[spmem:s9] =	stream.linear.scatter [tilespmem:s12], [sflag:$0x1], $0x800, $0x38;
	[tilespmem:$0x7E80] =	vst v63  }
0x29: {  	_ =	swait.ge [sflag:s11], $0x800  }
0x2a: {  	[sflag:s11] =	ssyncset.done $0x0  }
0x2b: {  	[sflag:s11] =	ssyncadd.s32 $0xFFFFF800  }
0x2c: {  	s18 =	simm.s32 $0x0;
	[bflag:$0x0] =	sbarrier.arrive $0xFFFF  }
0x2d: {  	[spmem:s2] =	stream.indirect.scatter.add.f32 [tilespmem:s12], [sflag:$0x1], $0x10, s18, s13, $0xb8;
	[tilespmem:$0x7E80] =	vst v63  }
0x2e: {  	_ =	swait.ge [sflag:s11], $0x800  }
0x2f: {  	s18 =	simm.s32 $0x200;
	[sflag:s11] =	ssyncset.done $0x0  }
.LBB2_4:
0x30: {  	s19 =	sshra.s32 s18, $0x2;
	[sflag:s11] =	ssyncadd.s32 $0xFFFFF800;
	p0 =	sne.s32 s18, $0x13800  }
0x31: {  	[spmem:s2] =	stream.indirect.scatter.add.f32 [tilespmem:s12], [sflag:$0x1], $0x10, s19, s13, $0xb8;
	[tilespmem:$0x7E80] =	vst v63  }
.Ltmp1:
0x32: {  	_ = 	snop;
	(pc) =	sbr.rel @p0 .LBB2_4-.Ltmp1, $4  }
0x33: {  	_ = 	snop  }
0x34: {  	s18 =	sadd.s32 $0x200, s18  }
0x35: {  	_ =	swait.ge [sflag:s11], $0x800  }
0x36: {  	[sflag:s11] =	ssyncset.done $0x0  }
0x37: {  	s17 =	sadd.s32 $0x1, s17  }
0x38: {  	[sflag:s11] =	ssyncadd.s32 $0xFFFFF800;
	p0 =	sne.s32 s17, s10  }
.Ltmp2:
0x39: {  	[bflag:$0x0] =	sbarrier.arrive $0xFFFF;
	(pc) =	sbr.rel @p0 .LBB2_1-.Ltmp2, $4  }
0x3a: {  	[hbm:s14], [sflag:s15] =	dma.local [spmem:s16], $0x500  }
0x3b: {  	_ =	swait.ge [sflag:s11], $0x500  }
0x3c: {  	[sflag:s11] =	ssyncset.done $0x0  }
0x3d: {  	[sflag:s11] =	ssyncadd.s32 $0xFFFFFB00  }
0x3e: {  	_ =	sfence.sel $0x180000  }
0x3f: {  	[bflag:$0x0] =	sbarrier.arrive $0xFFFF  }
0x40: {  	p0 =	sne.s32 s1, $0x0;
	_ =	strace $0x90000047  }
0x41: {  	s0 =	sadd.s32 @!p0 $0x100000, s0;
	[bflag:$0x2] =	sbarrier.arrive $0xFFFF  }
0x42: {  	[sflag:s0] =	ssyncadd.tile.s32 @!p0 $0x1;
	_ =	shalt  }
.Lfunc_end2:
_tile_overlayer_lowered:
.L_overlay_start_2:
0x43: {  	(tag) =	ssettag $0x2  }
0x44: {  	s0 =	rddreg [dreg:$0x0];
	s2 =	stileid.u32  }
0x45: {  	s1 =	rddreg [dreg:$0x1];
	p0 =	sne.s32 s2, $0x0  }
0x46: {  	s3 =	rddreg [dreg:$0x2];
	[bflag:$0x3] =	sbarrier.arrive $0xFFFF;
	s2 =	simm.s32 @!p0 $0x1C01  }
0x47: {  	[timem:s3], [sflag:s2] =	dma.local @!p0 [hbm:s0], s1  }
0x48: {  	s0 =	simm.s32 @!p0 $0x1  }
0x49: {  	_ =	swait.ge @!p0 [sflag:s0], s1  }
0x4a: {  	s1 =	ssub.s32 @!p0 $0x0, s1;
	[sflag:s0] =	ssyncset.done @!p0 $0x0  }
0x4b: {  	[sflag:s0] =	ssyncadd.s32 @!p0 s1  }
0x4c: {  	[bflag:$0x3] =	sbarrier.arrive $0xFFFF  }
0x4d: {  	_ =	shalt  }

// kernel: kernel.14.cloned.1.call-start
scs
__scs_entry_jumppad:
0x0: {  	(pc) =	sbr.rel $0x88, $3  }
0x1: {  	(tag) =	ssettag $0x0;
	lr =	simm.s32 $0x1  }
0x2: {  	[smem:$0x3F99] =	sst lr;
	_ =	strace $0xD0000000  }
0x3: {  	_ = 	snop  }
0x4: {  	_ = 	snop  }
0x5: {  	_ = 	snop  }
0x6: {  	_ = 	snop  }
0x7: {  	_ = 	snop  }
__scs_overlays_trampoline_lowered:
0x8: {  	[smem:$0x3FA8] =	sst s0  }
0x9: {  	[smem:$0x3FA9] =	sst s1  }
0xa: {  	[smem:$0x3FAA] =	sst s2  }
0xb: {  	[smem:$0x3FAB] =	sst s3  }
0xc: {  	[smem:$0x3FAC] =	sst s4  }
0xd: {  	[smem:$0x3FAD] =	sst s5  }
0xe: {  	[smem:$0x3FAE] =	sst s6  }
0xf: {  	[smem:$0x3FAF] =	sst s7  }
0x10: {  	[smem:$0x3FB0] =	sst s8  }
0x11: {  	[smem:$0x3FB1] =	sst s9;
	s0 =	simm.s32 @!p0 $0x0  }
0x12: {  	s1 =	sld [smem:$0x3F97];
	s0 =	simm.s32 @p0 $0x1  }
0x13: {  	[smem:$0x3FB2] =	sst s0;
	s0 =	simm.s32 @!p1 $0x0  }
0x14: {  	s2 =	sld [smem:$0x3F96];
	s0 =	simm.s32 @p1 $0x1  }
0x15: {  	[smem:$0x3FB3] =	sst s0;
	s0 =	simm.s32 @!p2 $0x0  }
0x16: {  	s3 =	sld [smem:$0x3FDB];
	s0 =	simm.s32 @p2 $0x1  }
0x17: {  	s4 =	simm.s32 $0x1BF5;
	[smem:$0x3FB5] =	sst s0  }
0x18: {  	s0 =	sld [smem:$0x3F98];
	_ =	swait.ge [sflag:s4], $0x0  }
0x19: {  	s7 =	sld [smem:$0x3F99]  }
0x1a: {  	s8 =	sadd.s32 $0xFFFFE003, lr  }
0x1b: {  	s9 =	sadd.s32 $0xFFFFFEF7, lr;
	s5 =	simm.s32 $0xFFFFFFFF;
	p2 =	slt.u32 s8, $0xFFFFF086  }
0x1c: {  	p1 =	slt.u32 s9, $0xF7A;
	s5 =	simm.s32 @!p2 $0x0  }
0x1d: {  	s5 =	simm.s32 @p1 $0x1;
	p0 =	seq.s32 s7, s2  }
0x1e: {  	s7 =	smul.u32 @!p0 $0xF7A, s2;
	p2 =	seq.s32 @!p0 s5, $0x0  }
0x1f: {  	s9 =	smul.u32 $0xF7A, s1;
	s8 =	simm.s32 @!p0 $0x1BF5;
	p2 =	por !p2, p0  }
0x20: {  	[sflag:s8] =	ssyncset.s32 @!p0 $0xFFFFF086;
	s6 =	sadd.s32 @!p0 s3, s7;
	s7 =	simm.s32 @!p0 $0x108  }
0x21: {  	s3 =	sadd.s32 s3, s9;
	s6 =	sadd.s32 @!p0 $0x88, s6;
	s7 =	simm.s32 @p2 $0x1082  }
0x22: {  	[simem:s7], [sflag:s8] =	dma.local @!p0 [hbm:s6], $0xF7A  }
0x23: {  	s9 =	sor.u32 $0xD0000000, s2;
	s6 =	simm.s32 $0x108;
	_ =	swait.ge @!p0 [sflag:s8], $0x0  }
0x24: {  	s3 =	sadd.s32 $0x88, s3;
	s6 =	simm.s32 @!p1 $0x1082;
	[sflag:s4] =	ssyncset.s32 $0xFFFFF086  }
0x25: {  	[simem:s6], [sflag:s4] =	dma.local [hbm:s3], $0xF7A  }
0x26: {  	[smem:$0x3F99] =	sst s1;
	(tag) =	ssettag s2;
	_ =	strace s9  }
0x27: {  	s1 =	sld [smem:$0x3FA9]  }
0x28: {  	s2 =	sld [smem:$0x3FAA]  }
0x29: {  	s4 =	sld [smem:$0x3FAC]  }
0x2a: {  	p0 =	seq.s32 s5, $0x0;
	s5 =	sld [smem:$0x3FAD]  }
0x2b: {  	s6 =	sld [smem:$0x3FAE]  }
0x2c: {  	s7 =	sld [smem:$0x3FAF]  }
0x2d: {  	s3 =	simm.s32 $0x108;
	s8 =	sld [smem:$0x3FB0]  }
0x2e: {  	s3 =	simm.s32 @!p0 $0x1082;
	s9 =	sld [smem:$0x3FB1]  }
0x2f: {  	lr =	sadd.s32 s0, s3;
	s0 =	sld [smem:$0x3FA8]  }
0x30: {  	s3 =	sld [smem:$0x3FAB]  }
0x31: {  	[smem:$0x3FB4] =	sst s10  }
0x32: {  	s10 =	sld [smem:$0x3FB2];
	_ =	sdelay $0x3  }
0x33: {  	p0 =	seq.s32 s10, $0x1;
	s10 =	sld [smem:$0x3FB4];
	_ =	sdelay $0x3  }
0x34: {  	[smem:$0x3FB4] =	sst s10  }
0x35: {  	s10 =	sld [smem:$0x3FB3];
	_ =	sdelay $0x3  }
0x36: {  	p1 =	seq.s32 s10, $0x1;
	s10 =	sld [smem:$0x3FB4];
	_ =	sdelay $0x3  }
0x37: {  	[smem:$0x3FB4] =	sst s10  }
0x38: {  	s10 =	sld [smem:$0x3FB5]  }
0x39: {  	_ = 	snop;
	(pc) =	sbr.ind lr, $3  }
0x3a: {  	_ = 	snop  }
0x3b: {  	_ = 	snop  }
0x3c: {  	p2 =	seq.s32 s10, $0x1;
	s10 =	sld [smem:$0x3FB4]  }
0x3d: {  	_ =	shalt  }
0x3e: {  	_ =	shalt  }
0x3f: {  	_ =	shalt  }
0x40: {  	_ =	shalt  }
0x41: {  	_ =	shalt  }
0x42: {  	_ =	shalt  }
0x43: {  	_ =	shalt  }
0x44: {  	_ =	shalt  }
0x45: {  	_ =	shalt  }
0x46: {  	_ =	shalt  }
0x47: {  	_ =	shalt  }
0x48: {  	_ =	shalt  }
0x49: {  	_ =	shalt  }
0x4a: {  	_ =	shalt  }
0x4b: {  	_ =	shalt  }
0x4c: {  	_ =	shalt  }
0x4d: {  	_ =	shalt  }
0x4e: {  	_ =	shalt  }
0x4f: {  	_ =	shalt  }
0x50: {  	_ =	shalt  }
0x51: {  	_ =	shalt  }
0x52: {  	_ =	shalt  }
0x53: {  	_ =	shalt  }
0x54: {  	_ =	shalt  }
0x55: {  	_ =	shalt  }
0x56: {  	_ =	shalt  }
0x57: {  	_ =	shalt  }
0x58: {  	_ =	shalt  }
0x59: {  	_ =	shalt  }
0x5a: {  	_ =	shalt  }
0x5b: {  	_ =	shalt  }
0x5c: {  	_ =	shalt  }
0x5d: {  	_ =	shalt  }
0x5e: {  	_ =	shalt  }
0x5f: {  	_ =	shalt  }
0x60: {  	_ =	shalt  }
0x61: {  	_ =	shalt  }
0x62: {  	_ =	shalt  }
0x63: {  	_ =	shalt  }
0x64: {  	_ =	shalt  }
0x65: {  	_ =	shalt  }
0x66: {  	_ =	shalt  }
0x67: {  	_ =	shalt  }
0x68: {  	_ =	shalt  }
0x69: {  	_ =	shalt  }
0x6a: {  	_ =	shalt  }
0x6b: {  	_ =	shalt  }
0x6c: {  	_ =	shalt  }
0x6d: {  	_ =	shalt  }
0x6e: {  	_ =	shalt  }
0x6f: {  	_ =	shalt  }
0x70: {  	_ =	shalt  }
0x71: {  	_ =	shalt  }
0x72: {  	_ =	shalt  }
0x73: {  	_ =	shalt  }
0x74: {  	_ =	shalt  }
0x75: {  	_ =	shalt  }
0x76: {  	_ =	shalt  }
0x77: {  	_ =	shalt  }
0x78: {  	_ =	shalt  }
0x79: {  	_ =	shalt  }
0x7a: {  	_ =	shalt  }
0x7b: {  	_ =	shalt  }
0x7c: {  	_ =	shalt  }
0x7d: {  	_ =	shalt  }
0x7e: {  	_ =	shalt  }
0x7f: {  	_ =	shalt  }
0x80: {  	_ =	shalt  }
0x81: {  	_ =	shalt  }
0x82: {  	_ =	shalt  }
0x83: {  	_ =	shalt  }
0x84: {  	_ =	shalt  }
0x85: {  	_ =	shalt  }
0x86: {  	_ =	shalt  }
0x87: {  	_ =	shalt  }
.Lfunc_end0:
.L_simem_size_0:
called_computation.1_lowered:
.L_overlay_start_0:
0x88: {  	s2 =	sld [smem:$0x3FD9]  }
0x89: {  	s3 =	sld [smem:$0x3FFE];
	_ =	sdelay $0x1  }
0x8a: {  	s1 =	srdreg.scid  }
0x8b: {  	s0 =	sand.u32 $0x1, s1  }
0x8c: {  	s16 =	sshll.u32 s0, $0xA;
	s2 =	sadd.s32 s3, s2  }
0x8d: {  	s2 =	sadd.s32 s2, s16  }
0x8e: {  	[smem:$0x3FC0] =	sst s2  }
0x8f: {  	_ = 	snop  }
0x90: {  	(tm) =	ssettm $0x1  }
0x91: {  	s17 =	sld [smem:$0x3FFB];
	_ =	sdelay $0x3  }
0x92: {  	_ =	strace s17  }
0x93: {  	s2 =	sld [smem:$0x3FFC];
	_ =	sdelay $0x3  }
0x94: {  	_ =	strace s2  }
0x95: {  	s2 =	sld [smem:$0x3FFD];
	_ =	sdelay $0x3  }
0x96: {  	_ =	strace s2  }
0x97: {  	_ =	strace $0x8FFFFFFF  }
0x98: {  	s18 =	sld [smem:$0x3FDB];
	_ =	sdelay $0x1  }
0x99: {  	s19 =	simm.s32 $_scs_section_size  }
0x9a: {  	s4 =	simm.s32 $_size__tile_overlayer_lowered;
	s5 =	simm.s32 $_tile_overlayer_lowered  }
0x9b: {  	s22 =	simm.s32 $0x1BFF;
	s21 =	sshll.u32 s5, $0x1;
	s2 =	sadd.s32 s19, s18  }
0x9c: {  	s6 =	simm.s32 $0x0;
	s20 =	sshll.u32 s4, $0x1;
	s4 =	sadd.s32 s21, s2  }
0x9d: {  	[timem:s6], [sflag:s22] =	dma.local [hbm:s4], s20  }
0x9e: {  	_ =	swait.ge [sflag:s22], s20  }
0x9f: {  	s3 =	ssub.s32 $0x0, s20;
	[sflag:s22] =	ssyncset.done $0x0  }
0xa0: {  	[sflag:s22] =	ssyncadd.s32 s3;
	_ =	sdelay $0x1  }
0xa1: {  	s23 =	simm.s32 $0x1B8B  }
0xa2: {  	_ =	swait.ge [sflag:s23], $0x1  }
0xa3: {  	[sflag:s23] =	ssyncset.done $0x0  }
0xa4: {  	s25 =	simm.s32 $0x1B8E;
	s24 =	sld [smem:$0x3FFE];
	[sflag:s23] =	ssyncadd.s32 $0xFFFFFFFF  }
0xa5: {  	s26 =	simm.s32 $execute0_lowered;
	[smem:$0x3FD2] =	sst s25  }
0xa6: {  	s4 =	sshll.u32 s26, $0x1;
	_ =	strace $0x80000049;
	[dreg:$0x1] =	wrdreg $0xFFFFFFFF  }
0xa7: {  	s28 =	simm.s32 $_size_execute0_lowered;
	s2 =	sadd.s32 s2, s4;
	[dreg:$0x0] =	wrdreg $0x0  }
0xa8: {  	s4 =	sshll.u32 s28, $0x1;
	[dreg:$0x2] =	wrdreg s2  }
0xa9: {  	[dreg:$0x3] =	wrdreg s4  }
0xaa: {  	[dreg:$0x4] =	wrdreg $0xC0  }
0xab: {  	_ =	task [dreg:s6], $0x5FFFF  }
0xac: {  	[dreg:$0x1] =	wrdreg $0xFFFFFFFF  }
0xad: {  	[dreg:$0x0] =	wrdreg $0x60  }
0xae: {  	[dreg:$0x2] =	wrdreg s24  }
0xaf: {  	[dreg:$0x3] =	wrdreg $0x15D000  }
0xb0: {  	[dreg:$0x4] =	wrdreg $0x9  }
0xb1: {  	_ =	task.clear_ibuf [dreg:s6], $0x5FFFF;
	_ =	strace $0x90000049  }
0xb2: {  	s29 =	simm.s32 $0x9;
	_ =	strace $0x8000004B  }
0xb3: {  	_ =	swait.ge [sflag:s29], $0x1  }
0xb4: {  	[sflag:s29] =	ssyncadd.s32 $0xFFFFFFFF  }
0xb5: {  	_ =	strace $0x9000004B  }
0xb6: {  	_ =	sfence  }
0xb7: {  	s30 =	sld [smem:$0x0];
	_ =	sdelay $0x2  }
0xb8: {  	s31 =	sshll.u32 s1, $0xD;
	s1 =	sshrl.u32 s1, $0x2  }
0xb9: {  	s3 =	sand.u32 $0x4000, s31;
	s1 =	sadd.s32 s1, s30  }
0xba: {  	s0 =	sor.u32 s3, s0;
	s1 =	sshll.u32 s1, $0x11  }
0xbb: {  	s0 =	sor.u32 s1, s0  }
0xbc: {  	s0 =	sadd.s32 $0x8F2B, s0  }
0xbd: {  	[sflag:s0] =	ssyncadd.remote.s32 $0x1  }
0xbe: {  	_ =	sfence.sel $0xFFFF  }
0xbf: {  	[dreg:$0x0] =	wrdreg $0xFFFFFFFF;
	(pc) =	sbr.abs _section_cstart, $3  }
0xc0: {  	[dreg:$0x1] =	wrdreg $0xFFFFFFFF  }
0xc1: {  	_ =	task.clear_ibuf [dreg:s6], $0x2FFFF;
	_ =	strace $0x9FFFFFFF  }
0xc2: {  	(tm) =	ssettm $0x7FFFFFFF  }
0xc3: {  	_ =	shalt  }
tec
execute0_lowered:
.L_overlay_start_1:
0x0: {  	(tag) =	ssettag $0x1  }
0x1: {  	s0 =	rddreg [dreg:$0x0]  }
0x2: {  	s2 =	rddreg [dreg:$0x1];
	s3 =	simm.s32 $0x0;
	s10 =	stileid.u32  }
0x3: {  	s1 =	srdreg.scid;
	s8 =	simm.s32 $0x7;
	s13 =	simm.s32 $0x80  }
0x4: {  	s14 =	simm.s32 $0x9D00;
	s15 =	simm.s32 $0xBD00;
	s17 =	simm.s32 $0xDD00  }
0x5: {  	s19 =	simm.s32 $0xFD00;
	s21 =	simm.s32 $0x11D00;
	s23 =	simm.s32 $0x13D00  }
0x6: {  	s28 =	simm.s32 $0x3;
	s29 =	simm.s32 $0x4;
	s30 =	simm.s32 $0x5  }
0x7: {  	s31 =	simm.s32 $0x6;
	s20 =	simm.s32 $0x9B80;
	s22 =	simm.s32 $0x9C00  }
0x8: {  	[smem:$0x7FF] =	sst s3;
	s4 =	smul.u32 $0x9D0, s10;
	s1 =	sand.u32 $0x1, s1  }
0x9: {  	s7 =	smul.u32 $0xA000, s10;
	s26 =	sshll.u32 s10, $0x6;
	_ =	strace $0x8000004A  }
0xa: {  	s5 =	smul.u32 $0x14000, s1;
	s1 =	ssub.s32 $0x2, s1;
	s11 =	sor.u32 $0x1C07, s26  }
0xb: {  	s26 =	simm.s32 $0x2;
	s6 =	sadd.s32 s4, s0;
	s25 =	sshrl.u32 s1, $0x1  }
0xc: {  	s9 =	sadd.s32 s7, s2;
	s16 =	sshrl.u32 s7, $0x3;
	s0 =	sadd.s32 s5, s0  }
0xd: {  	s1 =	ssub.s32 s1, s25;
	s4 =	sadd.s32 $0xBC00, s6;
	s5 =	sadd.s32 $0x1E00, s6  }
0xe: {  	s12 =	sshrl.u32 s9, $0x3;
	s25 =	simm.s32 $0x1;
	s6 =	sadd.s32 $0x65A00, s0  }
0xf: {  	s0 =	sadd.s32 $0x15A00, s0;
	s7 =	smax.u32 s1, $0x1;
	s1 =	simm.s32 $0x0  }
0x10: {  	s10 =	sadd.s32 s16, s6;
	s24 =	sadd.s32 s16, s0;
	s0 =	simm.s32 $0x9C80  }
.LBB2_1:
0x11: {  	[tilespmem:s3], [sflag:$0x7] =	stream.linear.gather [hbm4b:s4+s3], $0x4E80, $0x38;
	[tilespmem:$0x1FD00] =	vst v63  }
0x12: {  	_ =	swait.ge [sflag:s8], $0x4E80  }
0x13: {  	[sflag:s8] =	ssyncset.done $0x0  }
0x14: {  	s9 =	simm.s32 $0x4E80;
	[sflag:s8] =	ssyncadd.s32 $0xFFFFB180  }
0x15: {  	[tilespmem:s9], [sflag:$0x7] =	stream.linear.gather [hbm4b:s5+s3], $0x4E80, $0x38;
	[tilespmem:$0x1FD00] =	vst v63  }
0x16: {  	_ =	swait.ge [sflag:s8], $0x4E80  }
0x17: {  	[sflag:s8] =	ssyncset.done $0x0  }
0x18: {  	[sflag:s8] =	ssyncadd.s32 $0xFFFFB180  }
0x19: {  	[spmem:s12], [sflag:s11] =	dma.local [hbm:s10], $0x1400  }
0x1a: {  	_ =	swait.ge [sflag:s8], $0x1400  }
0x1b: {  	[sflag:s8] =	ssyncset.done $0x0  }
0x1c: {  	[sflag:s8] =	ssyncadd.s32 $0xFFFFEC00  }
0x1d: {  	[bflag:$0x0] =	sbarrier.arrive $0xFFFF  }
0x1e: {  	[tilespmem:s14], [sflag:$0x1] =	stream.indirect.gather [hbm4b:s6+s13], $0x40, s3, s13, $0xb8;
	[tilespmem:$0x1FD00] =	vst v63  }
0x1f: {  	_ = 	snop  }
0x20: {  	[tilespmem:s15], [sflag:$0x2] =	stream.indirect.gather [hbm4b:s6+s13], $0x40, s13, s13, $0xb8;
	[tilespmem:$0x1FD00] =	vst v63  }
0x21: {  	s18 =	simm.s32 $0x100  }
0x22: {  	[tilespmem:s17], [sflag:$0x3] =	stream.indirect.gather [hbm4b:s6+s13], $0x40, s18, s13, $0xb8;
	[tilespmem:$0x1FD00] =	vst v63  }
0x23: {  	s16 =	simm.s32 $0x180  }
0x24: {  	[tilespmem:s19], [sflag:$0x4] =	stream.indirect.gather [hbm4b:s6+s13], $0x40, s16, s13, $0xb8;
	[tilespmem:$0x1FD00] =	vst v63  }
0x25: {  	s18 =	simm.s32 $0x200  }
0x26: {  	[tilespmem:s21], [sflag:$0x5] =	stream.indirect.gather [hbm4b:s6+s13], $0x40, s18, s13, $0xb8;
	[tilespmem:$0x1FD00] =	vst v63  }
0x27: {  	s16 =	simm.s32 $0x280  }
0x28: {  	[tilespmem:s23], [sflag:$0x6] =	stream.indirect.gather [hbm4b:s6+s13], $0x40, s16, s13, $0xb8;
	[tilespmem:$0x1FD00] =	vst v63  }
0x29: {  	_ =	swait.ge [sflag:s25], $0x2000  }
0x2a: {  	[sflag:s25] =	ssyncset.done $0x0  }
0x2b: {  	s18 =	simm.s32 $0x4E80;
	[sflag:s25] =	ssyncadd.s32 $0xFFFFE000  }
0x2c: {  	[spmem:s2] =	stream.indirect.scatter.add.f32 [tilespmem:s14], [sflag:$0x7], $0x40, s18, s13, $0xb8;
	[tilespmem:$0x1FD00] =	vst v63  }
0x2d: {  	_ =	swait.ge [sflag:s8], $0x2000  }
0x2e: {  	[sflag:s8] =	ssyncset.done $0x0  }
0x2f: {  	s16 =	simm.s32 $0x300;
	[sflag:s8] =	ssyncadd.s32 $0xFFFFE000  }
0x30: {  	[tilespmem:s14], [sflag:$0x1] =	stream.indirect.gather [hbm4b:s6+s13], $0x40, s16, s13, $0xb8;
	[tilespmem:$0x1FD00] =	vst v63  }
0x31: {  	_ =	swait.ge [sflag:s26], $0x2000  }
0x32: {  	[sflag:s26] =	ssyncset.done $0x0  }
0x33: {  	s18 =	simm.s32 $0x4F00;
	[sflag:s26] =	ssyncadd.s32 $0xFFFFE000  }
0x34: {  	[spmem:s2] =	stream.indirect.scatter.add.f32 [tilespmem:s15], [sflag:$0x7], $0x40, s18, s13, $0xb8;
	[tilespmem:$0x1FD00] =	vst v63  }
0x35: {  	_ =	swait.ge [sflag:s8], $0x2000  }
0x36: {  	[sflag:s8] =	ssyncset.done $0x0  }
0x37: {  	s16 =	simm.s32 $0x380;
	[sflag:s8] =	ssyncadd.s32 $0xFFFFE000  }
0x38: {  	[tilespmem:s15], [sflag:$0x2] =	stream.indirect.gather [hbm4b:s6+s13], $0x40, s16, s13, $0xb8;
	[tilespmem:$0x1FD00] =	vst v63  }
0x39: {  	_ =	swait.ge [sflag:s28], $0x2000  }
0x3a: {  	[sflag:s28] =	ssyncset.done $0x0  }
0x3b: {  	s18 =	simm.s32 $0x4F80;
	[sflag:s28] =	ssyncadd.s32 $0xFFFFE000  }
0x3c: {  	[spmem:s2] =	stream.indirect.scatter.add.f32 [tilespmem:s17], [sflag:$0x7], $0x40, s18, s13, $0xb8;
	[tilespmem:$0x1FD00] =	vst v63  }
0x3d: {  	_ =	swait.ge [sflag:s8], $0x2000  }
0x3e: {  	[sflag:s8] =	ssyncset.done $0x0  }
0x3f: {  	s16 =	simm.s32 $0x400;
	[sflag:s8] =	ssyncadd.s32 $0xFFFFE000  }
0x40: {  	[tilespmem:s17], [sflag:$0x3] =	stream.indirect.gather [hbm4b:s6+s13], $0x40, s16, s13, $0xb8;
	[tilespmem:$0x1FD00] =	vst v63  }
0x41: {  	_ =	swait.ge [sflag:s29], $0x2000  }
0x42: {  	[sflag:s29] =	ssyncset.done $0x0  }
0x43: {  	s18 =	simm.s32 $0x5000;
	[sflag:s29] =	ssyncadd.s32 $0xFFFFE000  }
0x44: {  	[spmem:s2] =	stream.indirect.scatter.add.f32 [tilespmem:s19], [sflag:$0x7], $0x40, s18, s13, $0xb8;
	[tilespmem:$0x1FD00] =	vst v63  }
0x45: {  	_ =	swait.ge [sflag:s8], $0x2000  }
0x46: {  	[sflag:s8] =	ssyncset.done $0x0  }
0x47: {  	s16 =	simm.s32 $0x480;
	[sflag:s8] =	ssyncadd.s32 $0xFFFFE000  }
0x48: {  	[tilespmem:s19], [sflag:$0x4] =	stream.indirect.gather [hbm4b:s6+s13], $0x40, s16, s13, $0xb8;
	[tilespmem:$0x1FD00] =	vst v63  }
0x49: {  	_ =	swait.ge [sflag:s30], $0x2000  }
0x4a: {  	[sflag:s30] =	ssyncset.done $0x0  }
0x4b: {  	s18 =	simm.s32 $0x5080;
	[sflag:s30] =	ssyncadd.s32 $0xFFFFE000  }
0x4c: {  	[spmem:s2] =	stream.indirect.scatter.add.f32 [tilespmem:s21], [sflag:$0x7], $0x40, s18, s13, $0xb8;
	[tilespmem:$0x1FD00] =	vst v63  }
0x4d: {  	_ =	swait.ge [sflag:s8], $0x2000  }
0x4e: {  	[sflag:s8] =	ssyncset.done $0x0  }
0x4f: {  	s16 =	simm.s32 $0x500;
	[sflag:s8] =	ssyncadd.s32 $0xFFFFE000  }
0x50: {  	[tilespmem:s21], [sflag:$0x5] =	stream.indirect.gather [hbm4b:s6+s13], $0x40, s16, s13, $0xb8;
	[tilespmem:$0x1FD00] =	vst v63  }
0x51: {  	_ =	swait.ge [sflag:s31], $0x2000  }
0x52: {  	[sflag:s31] =	ssyncset.done $0x0  }
0x53: {  	s18 =	simm.s32 $0x5100;
	[sflag:s31] =	ssyncadd.s32 $0xFFFFE000  }
0x54: {  	[spmem:s2] =	stream.indirect.scatter.add.f32 [tilespmem:s23], [sflag:$0x7], $0x40, s18, s13, $0xb8;
	[tilespmem:$0x1FD00] =	vst v63  }
0x55: {  	_ =	swait.ge [sflag:s8], $0x2000  }
0x56: {  	[sflag:s8] =	ssyncset.done $0x0  }
0x57: {  	s9 =	simm.s32 $0xC00;
	s16 =	simm.s32 $0x580;
	[sflag:s8] =	ssyncadd.s32 $0xFFFFE000  }
.LBB2_2:
0x58: {  	[tilespmem:s23], [sflag:$0x6] =	stream.indirect.gather [hbm4b:s6+s13], $0x40, s16, s13, $0xb8;
	[tilespmem:$0x1FD00] =	vst v63  }
0x59: {  	s16 =	smov.u32 s9  }
0x5a: {  	p0 =	sne.s32 s9, $0x12000;
	s9 =	sadd.s32 $0xC00, s9;
	_ =	swait.ge [sflag:s25], $0x2000  }
0x5b: {  	s16 =	sshra.s32 s16, $0x2;
	[sflag:s25] =	ssyncset.done $0x0  }
0x5c: {  	s18 =	sadd.s32 $0x4E80, s16;
	[sflag:s25] =	ssyncadd.s32 $0xFFFFE000  }
0x5d: {  	[spmem:s2] =	stream.indirect.scatter.add.f32 [tilespmem:s14], [sflag:$0x7], $0x40, s18, s13, $0xb8;
	[tilespmem:$0x1FD00] =	vst v63  }
0x5e: {  	_ =	swait.ge [sflag:s8], $0x2000  }
0x5f: {  	[sflag:s8] =	ssyncset.done $0x0  }
0x60: {  	s18 =	sadd.s32 $0x300, s16;
	[sflag:s8] =	ssyncadd.s32 $0xFFFFE000  }
0x61: {  	[tilespmem:s14], [sflag:$0x1] =	stream.indirect.gather [hbm4b:s6+s13], $0x40, s18, s13, $0xb8;
	[tilespmem:$0x1FD00] =	vst v63  }
0x62: {  	_ =	swait.ge [sflag:s26], $0x2000  }
0x63: {  	[sflag:s26] =	ssyncset.done $0x0  }
0x64: {  	s18 =	sadd.s32 $0x4F00, s16;
	[sflag:s26] =	ssyncadd.s32 $0xFFFFE000  }
0x65: {  	[spmem:s2] =	stream.indirect.scatter.add.f32 [tilespmem:s15], [sflag:$0x7], $0x40, s18, s13, $0xb8;
	[tilespmem:$0x1FD00] =	vst v63  }
0x66: {  	_ =	swait.ge [sflag:s8], $0x2000  }
0x67: {  	[sflag:s8] =	ssyncset.done $0x0  }
0x68: {  	s18 =	sadd.s32 $0x380, s16;
	[sflag:s8] =	ssyncadd.s32 $0xFFFFE000  }
0x69: {  	[tilespmem:s15], [sflag:$0x2] =	stream.indirect.gather [hbm4b:s6+s13], $0x40, s18, s13, $0xb8;
	[tilespmem:$0x1FD00] =	vst v63  }
0x6a: {  	_ =	swait.ge [sflag:s28], $0x2000  }
0x6b: {  	[sflag:s28] =	ssyncset.done $0x0  }
0x6c: {  	s18 =	sadd.s32 $0x4F80, s16;
	[sflag:s28] =	ssyncadd.s32 $0xFFFFE000  }
0x6d: {  	[spmem:s2] =	stream.indirect.scatter.add.f32 [tilespmem:s17], [sflag:$0x7], $0x40, s18, s13, $0xb8;
	[tilespmem:$0x1FD00] =	vst v63  }
0x6e: {  	_ =	swait.ge [sflag:s8], $0x2000  }
0x6f: {  	[sflag:s8] =	ssyncset.done $0x0  }
0x70: {  	s18 =	sadd.s32 $0x400, s16;
	[sflag:s8] =	ssyncadd.s32 $0xFFFFE000  }
0x71: {  	[tilespmem:s17], [sflag:$0x3] =	stream.indirect.gather [hbm4b:s6+s13], $0x40, s18, s13, $0xb8;
	[tilespmem:$0x1FD00] =	vst v63  }
0x72: {  	_ =	swait.ge [sflag:s29], $0x2000  }
0x73: {  	[sflag:s29] =	ssyncset.done $0x0  }
0x74: {  	s18 =	sadd.s32 $0x5000, s16;
	[sflag:s29] =	ssyncadd.s32 $0xFFFFE000  }
0x75: {  	[spmem:s2] =	stream.indirect.scatter.add.f32 [tilespmem:s19], [sflag:$0x7], $0x40, s18, s13, $0xb8;
	[tilespmem:$0x1FD00] =	vst v63  }
0x76: {  	_ =	swait.ge [sflag:s8], $0x2000  }
0x77: {  	[sflag:s8] =	ssyncset.done $0x0  }
0x78: {  	s18 =	sadd.s32 $0x480, s16;
	[sflag:s8] =	ssyncadd.s32 $0xFFFFE000  }
0x79: {  	[tilespmem:s19], [sflag:$0x4] =	stream.indirect.gather [hbm4b:s6+s13], $0x40, s18, s13, $0xb8;
	[tilespmem:$0x1FD00] =	vst v63  }
0x7a: {  	_ =	swait.ge [sflag:s30], $0x2000  }
0x7b: {  	[sflag:s30] =	ssyncset.done $0x0  }
0x7c: {  	s18 =	sadd.s32 $0x5080, s16;
	[sflag:s30] =	ssyncadd.s32 $0xFFFFE000  }
0x7d: {  	[spmem:s2] =	stream.indirect.scatter.add.f32 [tilespmem:s21], [sflag:$0x7], $0x40, s18, s13, $0xb8;
	[tilespmem:$0x1FD00] =	vst v63  }
0x7e: {  	_ =	swait.ge [sflag:s8], $0x2000  }
0x7f: {  	[sflag:s8] =	ssyncset.done $0x0  }
0x80: {  	s18 =	sadd.s32 $0x500, s16;
	[sflag:s8] =	ssyncadd.s32 $0xFFFFE000  }
0x81: {  	[tilespmem:s21], [sflag:$0x5] =	stream.indirect.gather [hbm4b:s6+s13], $0x40, s18, s13, $0xb8;
	[tilespmem:$0x1FD00] =	vst v63  }
0x82: {  	_ =	swait.ge [sflag:s31], $0x2000  }
0x83: {  	[sflag:s31] =	ssyncset.done $0x0  }
.Ltmp0:
0x84: {  	s18 =	sadd.s32 $0x5100, s16;
	[sflag:s31] =	ssyncadd.s32 $0xFFFFE000;
	(pc) =	sbr.rel @p0 .LBB2_2-.Ltmp0, $4  }
0x85: {  	[spmem:s2] =	stream.indirect.scatter.add.f32 [tilespmem:s23], [sflag:$0x7], $0x40, s18, s13, $0xb8;
	[tilespmem:$0x1FD00] =	vst v63  }
0x86: {  	_ =	swait.ge [sflag:s8], $0x2000  }
0x87: {  	[sflag:s8] =	ssyncset.done $0x0  }
0x88: {  	s16 =	sadd.s32 $0x580, s16;
	[sflag:s8] =	ssyncadd.s32 $0xFFFFE000  }
0x89: {  	[tilespmem:s23], [sflag:$0x6] =	stream.indirect.gather [hbm4b:s6+s13], $0x40, s16, s13, $0xb8;
	[tilespmem:$0x1FD00] =	vst v63  }
0x8a: {  	_ =	swait.ge [sflag:s25], $0x2000  }
0x8b: {  	[sflag:s25] =	ssyncset.done $0x0  }
0x8c: {  	s9 =	simm.s32 $0x9980;
	[sflag:s25] =	ssyncadd.s32 $0xFFFFE000  }
0x8d: {  	[spmem:s2] =	stream.indirect.scatter.add.f32 [tilespmem:s14], [sflag:$0x7], $0x40, s9, s13, $0xb8;
	[tilespmem:$0x1FD00] =	vst v63  }
0x8e: {  	_ =	swait.ge [sflag:s8], $0x2000  }
0x8f: {  	[sflag:s8] =	ssyncset.done $0x0  }
0x90: {  	s16 =	simm.s32 $0x4E00;
	[sflag:s8] =	ssyncadd.s32 $0xFFFFE000  }
0x91: {  	[tilespmem:s14], [sflag:$0x1] =	stream.indirect.gather [hbm4b:s6+s13], $0x40, s16, s13, $0xb8;
	[tilespmem:$0x1FD00] =	vst v63  }
0x92: {  	_ =	swait.ge [sflag:s26], $0x2000  }
0x93: {  	[sflag:s26] =	ssyncset.done $0x0  }
0x94: {  	s18 =	simm.s32 $0x9A00;
	[sflag:s26] =	ssyncadd.s32 $0xFFFFE000  }
0x95: {  	[spmem:s2] =	stream.indirect.scatter.add.f32 [tilespmem:s15], [sflag:$0x7], $0x40, s18, s13, $0xb8;
	[tilespmem:$0x1FD00] =	vst v63  }
0x96: {  	_ =	swait.ge [sflag:s8], $0x2000  }
0x97: {  	[sflag:s8] =	ssyncset.done $0x0  }
0x98: {  	[sflag:s8] =	ssyncadd.s32 $0xFFFFE000  }
0x99: {  	_ =	swait.ge [sflag:s28], $0x2000  }
0x9a: {  	[sflag:s28] =	ssyncset.done $0x0  }
0x9b: {  	s16 =	simm.s32 $0x9A80;
	[sflag:s28] =	ssyncadd.s32 $0xFFFFE000  }
0x9c: {  	[spmem:s2] =	stream.indirect.scatter.add.f32 [tilespmem:s17], [sflag:$0x7], $0x40, s16, s13, $0xb8;
	[tilespmem:$0x1FD00] =	vst v63  }
0x9d: {  	_ =	swait.ge [sflag:s8], $0x2000  }
0x9e: {  	[sflag:s8] =	ssyncset.done $0x0  }
0x9f: {  	[sflag:s8] =	ssyncadd.s32 $0xFFFFE000  }
0xa0: {  	_ =	swait.ge [sflag:s29], $0x2000  }
0xa1: {  	[sflag:s29] =	ssyncset.done $0x0  }
0xa2: {  	s18 =	simm.s32 $0x9B00;
	[sflag:s29] =	ssyncadd.s32 $0xFFFFE000  }
0xa3: {  	[spmem:s2] =	stream.indirect.scatter.add.f32 [tilespmem:s19], [sflag:$0x7], $0x40, s18, s13, $0xb8;
	[tilespmem:$0x1FD00] =	vst v63  }
0xa4: {  	_ =	swait.ge [sflag:s8], $0x2000  }
0xa5: {  	[sflag:s8] =	ssyncset.done $0x0  }
0xa6: {  	[sflag:s8] =	ssyncadd.s32 $0xFFFFE000  }
0xa7: {  	_ =	swait.ge [sflag:s30], $0x2000  }
0xa8: {  	[sflag:s30] =	ssyncset.done $0x0  }
0xa9: {  	[sflag:s30] =	ssyncadd.s32 $0xFFFFE000  }
0xaa: {  	[spmem:s2] =	stream.indirect.scatter.add.f32 [tilespmem:s21], [sflag:$0x7], $0x40, s20, s13, $0xb8;
	[tilespmem:$0x1FD00] =	vst v63  }
0xab: {  	_ =	swait.ge [sflag:s8], $0x2000  }
0xac: {  	[sflag:s8] =	ssyncset.done $0x0  }
0xad: {  	[sflag:s8] =	ssyncadd.s32 $0xFFFFE000  }
0xae: {  	_ =	swait.ge [sflag:s31], $0x2000  }
0xaf: {  	[sflag:s31] =	ssyncset.done $0x0  }
0xb0: {  	[sflag:s31] =	ssyncadd.s32 $0xFFFFE000  }
0xb1: {  	[spmem:s2] =	stream.indirect.scatter.add.f32 [tilespmem:s23], [sflag:$0x7], $0x40, s22, s13, $0xb8;
	[tilespmem:$0x1FD00] =	vst v63  }
0xb2: {  	_ =	swait.ge [sflag:s8], $0x2000  }
0xb3: {  	[sflag:s8] =	ssyncset.done $0x0  }
0xb4: {  	[sflag:s8] =	ssyncadd.s32 $0xFFFFE000  }
0xb5: {  	_ =	swait.ge [sflag:s25], $0x2000  }
0xb6: {  	[sflag:s25] =	ssyncset.done $0x0  }
0xb7: {  	[sflag:s25] =	ssyncadd.s32 $0xFFFFE000  }
0xb8: {  	[spmem:s2] =	stream.indirect.scatter.add.f32 [tilespmem:s14], [sflag:$0x7], $0x40, s0, s13, $0xb8;
	[tilespmem:$0x1FD00] =	vst v63  }
0xb9: {  	_ =	swait.ge [sflag:s8], $0x2000  }
0xba: {  	s1 =	sadd.s32 $0x1, s1;
	[sflag:s8] =	ssyncset.done $0x0  }
0xbb: {  	p0 =	sne.s32 s1, s7;
	[sflag:s8] =	ssyncadd.s32 $0xFFFFE000  }
.Ltmp1:
0xbc: {  	[bflag:$0x0] =	sbarrier.arrive $0xFFFF;
	(pc) =	sbr.rel @p0 .LBB2_1-.Ltmp1, $4  }
0xbd: {  	[hbm:s24], [sflag:s11] =	dma.local [spmem:s12], $0x1400  }
0xbe: {  	_ =	swait.ge [sflag:s8], $0x1400  }
0xbf: {  	[sflag:s8] =	ssyncset.done $0x0  }
0xc0: {  	[sflag:s8] =	ssyncadd.s32 $0xFFFFEC00  }
0xc1: {  	_ =	sfence.sel $0x180000  }
0xc2: {  	[bflag:$0x0] =	sbarrier.arrive $0xFFFF  }
0xc3: {  	_ =	strace $0x9000004A  }
0xc4: {  	s0 =	stileid.u32;
	[bflag:$0x2] =	sbarrier.arrive $0xFFFF  }
0xc5: {  	p0 =	sne.s32 s0, $0x0;
	s0 =	rddreg [dreg:$0x2]  }
0xc6: {  	s0 =	sadd.s32 @!p0 $0x100000, s0  }
0xc7: {  	[sflag:s0] =	ssyncadd.tile.s32 @!p0 $0x1;
	_ =	shalt  }
.Lfunc_end2:
_tile_overlayer_lowered:
.L_overlay_start_2:
0xc8: {  	(tag) =	ssettag $0x2  }
0xc9: {  	s0 =	rddreg [dreg:$0x0];
	s2 =	stileid.u32  }
0xca: {  	s1 =	rddreg [dreg:$0x1];
	p0 =	sne.s32 s2, $0x0  }
0xcb: {  	s3 =	rddreg [dreg:$0x2];
	[bflag:$0x3] =	sbarrier.arrive $0xFFFF;
	s2 =	simm.s32 @!p0 $0x1C07  }
0xcc: {  	[timem:s3], [sflag:s2] =	dma.local @!p0 [hbm:s0], s1  }
0xcd: {  	s0 =	simm.s32 @!p0 $0x7  }
0xce: {  	_ =	swait.ge @!p0 [sflag:s0], s1  }
0xcf: {  	s1 =	ssub.s32 @!p0 $0x0, s1;
	[sflag:s0] =	ssyncset.done @!p0 $0x0  }
0xd0: {  	[sflag:s0] =	ssyncadd.s32 @!p0 s1  }
0xd1: {  	[bflag:$0x3] =	sbarrier.arrive $0xFFFF  }
0xd2: {  	_ =	shalt  }

// kernel: kernel.17.cloned.1.call-start
scs
__scs_entry_jumppad:
0x0: {  	(pc) =	sbr.rel $0x88, $3  }
0x1: {  	(tag) =	ssettag $0x0;
	lr =	simm.s32 $0x1  }
0x2: {  	[smem:$0x3F99] =	sst lr;
	_ =	strace $0xD0000000  }
0x3: {  	_ = 	snop  }
0x4: {  	_ = 	snop  }
0x5: {  	_ = 	snop  }
0x6: {  	_ = 	snop  }
0x7: {  	_ = 	snop  }
__scs_overlays_trampoline_lowered:
0x8: {  	[smem:$0x3FA8] =	sst s0  }
0x9: {  	[smem:$0x3FA9] =	sst s1  }
0xa: {  	[smem:$0x3FAA] =	sst s2  }
0xb: {  	[smem:$0x3FAB] =	sst s3  }
0xc: {  	[smem:$0x3FAC] =	sst s4  }
0xd: {  	[smem:$0x3FAD] =	sst s5  }
0xe: {  	[smem:$0x3FAE] =	sst s6  }
0xf: {  	[smem:$0x3FAF] =	sst s7  }
0x10: {  	[smem:$0x3FB0] =	sst s8  }
0x11: {  	[smem:$0x3FB1] =	sst s9;
	s0 =	simm.s32 @!p0 $0x0  }
0x12: {  	s1 =	sld [smem:$0x3F97];
	s0 =	simm.s32 @p0 $0x1  }
0x13: {  	[smem:$0x3FB2] =	sst s0;
	s0 =	simm.s32 @!p1 $0x0  }
0x14: {  	s2 =	sld [smem:$0x3F96];
	s0 =	simm.s32 @p1 $0x1  }
0x15: {  	[smem:$0x3FB3] =	sst s0;
	s0 =	simm.s32 @!p2 $0x0  }
0x16: {  	s3 =	sld [smem:$0x3FDB];
	s0 =	simm.s32 @p2 $0x1  }
0x17: {  	s4 =	simm.s32 $0x1BF5;
	[smem:$0x3FB5] =	sst s0  }
0x18: {  	s0 =	sld [smem:$0x3F98];
	_ =	swait.ge [sflag:s4], $0x0  }
0x19: {  	s7 =	sld [smem:$0x3F99]  }
0x1a: {  	s8 =	sadd.s32 $0xFFFFE003, lr  }
0x1b: {  	s9 =	sadd.s32 $0xFFFFFEF7, lr;
	s5 =	simm.s32 $0xFFFFFFFF;
	p2 =	slt.u32 s8, $0xFFFFF086  }
0x1c: {  	p1 =	slt.u32 s9, $0xF7A;
	s5 =	simm.s32 @!p2 $0x0  }
0x1d: {  	s5 =	simm.s32 @p1 $0x1;
	p0 =	seq.s32 s7, s2  }
0x1e: {  	s7 =	smul.u32 @!p0 $0xF7A, s2;
	p2 =	seq.s32 @!p0 s5, $0x0  }
0x1f: {  	s9 =	smul.u32 $0xF7A, s1;
	s8 =	simm.s32 @!p0 $0x1BF5;
	p2 =	por !p2, p0  }
0x20: {  	[sflag:s8] =	ssyncset.s32 @!p0 $0xFFFFF086;
	s6 =	sadd.s32 @!p0 s3, s7;
	s7 =	simm.s32 @!p0 $0x108  }
0x21: {  	s3 =	sadd.s32 s3, s9;
	s6 =	sadd.s32 @!p0 $0x88, s6;
	s7 =	simm.s32 @p2 $0x1082  }
0x22: {  	[simem:s7], [sflag:s8] =	dma.local @!p0 [hbm:s6], $0xF7A  }
0x23: {  	s9 =	sor.u32 $0xD0000000, s2;
	s6 =	simm.s32 $0x108;
	_ =	swait.ge @!p0 [sflag:s8], $0x0  }
0x24: {  	s3 =	sadd.s32 $0x88, s3;
	s6 =	simm.s32 @!p1 $0x1082;
	[sflag:s4] =	ssyncset.s32 $0xFFFFF086  }
0x25: {  	[simem:s6], [sflag:s4] =	dma.local [hbm:s3], $0xF7A  }
0x26: {  	[smem:$0x3F99] =	sst s1;
	(tag) =	ssettag s2;
	_ =	strace s9  }
0x27: {  	s1 =	sld [smem:$0x3FA9]  }
0x28: {  	s2 =	sld [smem:$0x3FAA]  }
0x29: {  	s4 =	sld [smem:$0x3FAC]  }
0x2a: {  	p0 =	seq.s32 s5, $0x0;
	s5 =	sld [smem:$0x3FAD]  }
0x2b: {  	s6 =	sld [smem:$0x3FAE]  }
0x2c: {  	s7 =	sld [smem:$0x3FAF]  }
0x2d: {  	s3 =	simm.s32 $0x108;
	s8 =	sld [smem:$0x3FB0]  }
0x2e: {  	s3 =	simm.s32 @!p0 $0x1082;
	s9 =	sld [smem:$0x3FB1]  }
0x2f: {  	lr =	sadd.s32 s0, s3;
	s0 =	sld [smem:$0x3FA8]  }
0x30: {  	s3 =	sld [smem:$0x3FAB]  }
0x31: {  	[smem:$0x3FB4] =	sst s10  }
0x32: {  	s10 =	sld [smem:$0x3FB2];
	_ =	sdelay $0x3  }
0x33: {  	p0 =	seq.s32 s10, $0x1;
	s10 =	sld [smem:$0x3FB4];
	_ =	sdelay $0x3  }
0x34: {  	[smem:$0x3FB4] =	sst s10  }
0x35: {  	s10 =	sld [smem:$0x3FB3];
	_ =	sdelay $0x3  }
0x36: {  	p1 =	seq.s32 s10, $0x1;
	s10 =	sld [smem:$0x3FB4];
	_ =	sdelay $0x3  }
0x37: {  	[smem:$0x3FB4] =	sst s10  }
0x38: {  	s10 =	sld [smem:$0x3FB5]  }
0x39: {  	_ = 	snop;
	(pc) =	sbr.ind lr, $3  }
0x3a: {  	_ = 	snop  }
0x3b: {  	_ = 	snop  }
0x3c: {  	p2 =	seq.s32 s10, $0x1;
	s10 =	sld [smem:$0x3FB4]  }
0x3d: {  	_ =	shalt  }
0x3e: {  	_ =	shalt  }
0x3f: {  	_ =	shalt  }
0x40: {  	_ =	shalt  }
0x41: {  	_ =	shalt  }
0x42: {  	_ =	shalt  }
0x43: {  	_ =	shalt  }
0x44: {  	_ =	shalt  }
0x45: {  	_ =	shalt  }
0x46: {  	_ =	shalt  }
0x47: {  	_ =	shalt  }
0x48: {  	_ =	shalt  }
0x49: {  	_ =	shalt  }
0x4a: {  	_ =	shalt  }
0x4b: {  	_ =	shalt  }
0x4c: {  	_ =	shalt  }
0x4d: {  	_ =	shalt  }
0x4e: {  	_ =	shalt  }
0x4f: {  	_ =	shalt  }
0x50: {  	_ =	shalt  }
0x51: {  	_ =	shalt  }
0x52: {  	_ =	shalt  }
0x53: {  	_ =	shalt  }
0x54: {  	_ =	shalt  }
0x55: {  	_ =	shalt  }
0x56: {  	_ =	shalt  }
0x57: {  	_ =	shalt  }
0x58: {  	_ =	shalt  }
0x59: {  	_ =	shalt  }
0x5a: {  	_ =	shalt  }
0x5b: {  	_ =	shalt  }
0x5c: {  	_ =	shalt  }
0x5d: {  	_ =	shalt  }
0x5e: {  	_ =	shalt  }
0x5f: {  	_ =	shalt  }
0x60: {  	_ =	shalt  }
0x61: {  	_ =	shalt  }
0x62: {  	_ =	shalt  }
0x63: {  	_ =	shalt  }
0x64: {  	_ =	shalt  }
0x65: {  	_ =	shalt  }
0x66: {  	_ =	shalt  }
0x67: {  	_ =	shalt  }
0x68: {  	_ =	shalt  }
0x69: {  	_ =	shalt  }
0x6a: {  	_ =	shalt  }
0x6b: {  	_ =	shalt  }
0x6c: {  	_ =	shalt  }
0x6d: {  	_ =	shalt  }
0x6e: {  	_ =	shalt  }
0x6f: {  	_ =	shalt  }
0x70: {  	_ =	shalt  }
0x71: {  	_ =	shalt  }
0x72: {  	_ =	shalt  }
0x73: {  	_ =	shalt  }
0x74: {  	_ =	shalt  }
0x75: {  	_ =	shalt  }
0x76: {  	_ =	shalt  }
0x77: {  	_ =	shalt  }
0x78: {  	_ =	shalt  }
0x79: {  	_ =	shalt  }
0x7a: {  	_ =	shalt  }
0x7b: {  	_ =	shalt  }
0x7c: {  	_ =	shalt  }
0x7d: {  	_ =	shalt  }
0x7e: {  	_ =	shalt  }
0x7f: {  	_ =	shalt  }
0x80: {  	_ =	shalt  }
0x81: {  	_ =	shalt  }
0x82: {  	_ =	shalt  }
0x83: {  	_ =	shalt  }
0x84: {  	_ =	shalt  }
0x85: {  	_ =	shalt  }
0x86: {  	_ =	shalt  }
0x87: {  	_ =	shalt  }
.Lfunc_end0:
.L_simem_size_0:
called_computation.2_lowered:
.L_overlay_start_0:
0x88: {  	s2 =	sld [smem:$0x3FD9]  }
0x89: {  	s3 =	sld [smem:$0x3FFE];
	_ =	sdelay $0x1  }
0x8a: {  	s1 =	srdreg.scid  }
0x8b: {  	s0 =	sand.u32 $0x1, s1  }
0x8c: {  	s16 =	sshll.u32 s0, $0xA;
	s2 =	sadd.s32 s3, s2  }
0x8d: {  	s2 =	sadd.s32 s2, s16  }
0x8e: {  	[smem:$0x3FC0] =	sst s2  }
0x8f: {  	_ = 	snop  }
0x90: {  	(tm) =	ssettm $0x1  }
0x91: {  	s17 =	sld [smem:$0x3FFB];
	_ =	sdelay $0x3  }
0x92: {  	_ =	strace s17  }
0x93: {  	s2 =	sld [smem:$0x3FFC];
	_ =	sdelay $0x3  }
0x94: {  	_ =	strace s2  }
0x95: {  	s2 =	sld [smem:$0x3FFD];
	_ =	sdelay $0x3  }
0x96: {  	_ =	strace s2  }
0x97: {  	_ =	strace $0x8FFFFFFF  }
0x98: {  	s18 =	sld [smem:$0x3FDB];
	_ =	sdelay $0x1  }
0x99: {  	s19 =	simm.s32 $_scs_section_size  }
0x9a: {  	s4 =	simm.s32 $_size__tile_overlayer_lowered;
	s5 =	simm.s32 $_tile_overlayer_lowered  }
0x9b: {  	s22 =	simm.s32 $0x1BFF;
	s21 =	sshll.u32 s5, $0x1;
	s2 =	sadd.s32 s19, s18  }
0x9c: {  	s6 =	simm.s32 $0x0;
	s20 =	sshll.u32 s4, $0x1;
	s4 =	sadd.s32 s21, s2  }
0x9d: {  	[timem:s6], [sflag:s22] =	dma.local [hbm:s4], s20  }
0x9e: {  	_ =	swait.ge [sflag:s22], s20  }
0x9f: {  	s3 =	ssub.s32 $0x0, s20;
	[sflag:s22] =	ssyncset.done $0x0  }
0xa0: {  	[sflag:s22] =	ssyncadd.s32 s3;
	_ =	sdelay $0x1  }
0xa1: {  	s23 =	simm.s32 $0x1B8B  }
0xa2: {  	_ =	swait.ge [sflag:s23], $0x1  }
0xa3: {  	[sflag:s23] =	ssyncset.done $0x0  }
0xa4: {  	s25 =	simm.s32 $0x1B8E;
	s24 =	sld [smem:$0x3FFE];
	[sflag:s23] =	ssyncadd.s32 $0xFFFFFFFF  }
0xa5: {  	s26 =	simm.s32 $execute0_lowered;
	[smem:$0x3FD2] =	sst s25  }
0xa6: {  	s4 =	sshll.u32 s26, $0x1;
	_ =	strace $0x8000004C;
	[dreg:$0x1] =	wrdreg $0xFFFFFFFF  }
0xa7: {  	s28 =	simm.s32 $_size_execute0_lowered;
	s2 =	sadd.s32 s2, s4;
	[dreg:$0x0] =	wrdreg $0x0  }
0xa8: {  	s4 =	sshll.u32 s28, $0x1;
	[dreg:$0x2] =	wrdreg s2  }
0xa9: {  	[dreg:$0x3] =	wrdreg s4  }
0xaa: {  	[dreg:$0x4] =	wrdreg $0xC0  }
0xab: {  	_ =	task [dreg:s6], $0x5FFFF  }
0xac: {  	[dreg:$0x1] =	wrdreg $0xFFFFFFFF  }
0xad: {  	[dreg:$0x0] =	wrdreg $0x60  }
0xae: {  	[dreg:$0x2] =	wrdreg s24  }
0xaf: {  	[dreg:$0x3] =	wrdreg $0x15D000  }
0xb0: {  	[dreg:$0x4] =	wrdreg $0x9  }
0xb1: {  	_ =	task.clear_ibuf [dreg:s6], $0x5FFFF;
	_ =	strace $0x9000004C  }
0xb2: {  	s29 =	simm.s32 $0x9;
	_ =	strace $0x8000004E  }
0xb3: {  	_ =	swait.ge [sflag:s29], $0x1  }
0xb4: {  	[sflag:s29] =	ssyncadd.s32 $0xFFFFFFFF  }
0xb5: {  	_ =	strace $0x9000004E  }
0xb6: {  	_ =	sfence  }
0xb7: {  	s30 =	sld [smem:$0x0];
	_ =	sdelay $0x2  }
0xb8: {  	s31 =	sshll.u32 s1, $0xD;
	s1 =	sshrl.u32 s1, $0x2  }
0xb9: {  	s3 =	sand.u32 $0x4000, s31;
	s1 =	sadd.s32 s1, s30  }
0xba: {  	s0 =	sor.u32 s3, s0;
	s1 =	sshll.u32 s1, $0x11  }
0xbb: {  	s0 =	sor.u32 s1, s0  }
0xbc: {  	s0 =	sadd.s32 $0x8F2B, s0  }
0xbd: {  	[sflag:s0] =	ssyncadd.remote.s32 $0x1  }
0xbe: {  	_ =	sfence.sel $0xFFFF  }
0xbf: {  	[dreg:$0x0] =	wrdreg $0xFFFFFFFF;
	(pc) =	sbr.abs _section_cstart, $3  }
0xc0: {  	[dreg:$0x1] =	wrdreg $0xFFFFFFFF  }
0xc1: {  	_ =	task.clear_ibuf [dreg:s6], $0x2FFFF;
	_ =	strace $0x9FFFFFFF  }
0xc2: {  	(tm) =	ssettm $0x7FFFFFFF  }
0xc3: {  	_ =	shalt  }
tec
execute0_lowered:
.L_overlay_start_1:
0x0: {  	(tag) =	ssettag $0x1  }
0x1: {  	s0 =	rddreg [dreg:$0x0]  }
0x2: {  	s2 =	rddreg [dreg:$0x1];
	s3 =	simm.s32 $0x0;
	s10 =	stileid.u32  }
0x3: {  	s1 =	srdreg.scid;
	s8 =	simm.s32 $0x7;
	s13 =	simm.s32 $0x80  }
0x4: {  	s14 =	simm.s32 $0x9D00;
	s15 =	simm.s32 $0xBD00;
	s17 =	simm.s32 $0xDD00  }
0x5: {  	s19 =	simm.s32 $0xFD00;
	s21 =	simm.s32 $0x11D00;
	s23 =	simm.s32 $0x13D00  }
0x6: {  	s28 =	simm.s32 $0x3;
	s29 =	simm.s32 $0x4;
	s30 =	simm.s32 $0x5  }
0x7: {  	s31 =	simm.s32 $0x6;
	s20 =	simm.s32 $0x9B80;
	s22 =	simm.s32 $0x9C00  }
0x8: {  	[smem:$0x7FF] =	sst s3;
	s4 =	smul.u32 $0x9D0, s10;
	s1 =	sand.u32 $0x1, s1  }
0x9: {  	s7 =	smul.u32 $0xA000, s10;
	s26 =	sshll.u32 s10, $0x6;
	_ =	strace $0x8000004D  }
0xa: {  	s5 =	smul.u32 $0x14000, s1;
	s1 =	ssub.s32 $0x2, s1;
	s11 =	sor.u32 $0x1C07, s26  }
0xb: {  	s26 =	simm.s32 $0x2;
	s6 =	sadd.s32 s4, s0;
	s25 =	sshrl.u32 s1, $0x1  }
0xc: {  	s9 =	sadd.s32 s7, s2;
	s16 =	sshrl.u32 s7, $0x3;
	s0 =	sadd.s32 s5, s0  }
0xd: {  	s1 =	ssub.s32 s1, s25;
	s4 =	sadd.s32 $0xBC00, s6;
	s5 =	sadd.s32 $0x1E00, s6  }
0xe: {  	s12 =	sshrl.u32 s9, $0x3;
	s25 =	simm.s32 $0x1;
	s6 =	sadd.s32 $0x15A00, s0  }
0xf: {  	s0 =	sadd.s32 $0x3DA00, s0;
	s7 =	smax.u32 s1, $0x1;
	s1 =	simm.s32 $0x0  }
0x10: {  	s10 =	sadd.s32 s16, s6;
	s24 =	sadd.s32 s16, s0;
	s0 =	simm.s32 $0x9C80  }
.LBB2_1:
0x11: {  	[tilespmem:s3], [sflag:$0x7] =	stream.linear.gather [hbm4b:s4+s3], $0x4E80, $0x38;
	[tilespmem:$0x1FD00] =	vst v63  }
0x12: {  	_ =	swait.ge [sflag:s8], $0x4E80  }
0x13: {  	[sflag:s8] =	ssyncset.done $0x0  }
0x14: {  	s9 =	simm.s32 $0x4E80;
	[sflag:s8] =	ssyncadd.s32 $0xFFFFB180  }
0x15: {  	[tilespmem:s9], [sflag:$0x7] =	stream.linear.gather [hbm4b:s5+s3], $0x4E80, $0x38;
	[tilespmem:$0x1FD00] =	vst v63  }
0x16: {  	_ =	swait.ge [sflag:s8], $0x4E80  }
0x17: {  	[sflag:s8] =	ssyncset.done $0x0  }
0x18: {  	[sflag:s8] =	ssyncadd.s32 $0xFFFFB180  }
0x19: {  	[spmem:s12], [sflag:s11] =	dma.local [hbm:s10], $0x1400  }
0x1a: {  	_ =	swait.ge [sflag:s8], $0x1400  }
0x1b: {  	[sflag:s8] =	ssyncset.done $0x0  }
0x1c: {  	[sflag:s8] =	ssyncadd.s32 $0xFFFFEC00  }
0x1d: {  	[bflag:$0x0] =	sbarrier.arrive $0xFFFF  }
0x1e: {  	[tilespmem:s14], [sflag:$0x1] =	stream.indirect.gather [hbm4b:s6+s13], $0x40, s3, s13, $0xb8;
	[tilespmem:$0x1FD00] =	vst v63  }
0x1f: {  	_ = 	snop  }
0x20: {  	[tilespmem:s15], [sflag:$0x2] =	stream.indirect.gather [hbm4b:s6+s13], $0x40, s13, s13, $0xb8;
	[tilespmem:$0x1FD00] =	vst v63  }
0x21: {  	s18 =	simm.s32 $0x100  }
0x22: {  	[tilespmem:s17], [sflag:$0x3] =	stream.indirect.gather [hbm4b:s6+s13], $0x40, s18, s13, $0xb8;
	[tilespmem:$0x1FD00] =	vst v63  }
0x23: {  	s16 =	simm.s32 $0x180  }
0x24: {  	[tilespmem:s19], [sflag:$0x4] =	stream.indirect.gather [hbm4b:s6+s13], $0x40, s16, s13, $0xb8;
	[tilespmem:$0x1FD00] =	vst v63  }
0x25: {  	s18 =	simm.s32 $0x200  }
0x26: {  	[tilespmem:s21], [sflag:$0x5] =	stream.indirect.gather [hbm4b:s6+s13], $0x40, s18, s13, $0xb8;
	[tilespmem:$0x1FD00] =	vst v63  }
0x27: {  	s16 =	simm.s32 $0x280  }
0x28: {  	[tilespmem:s23], [sflag:$0x6] =	stream.indirect.gather [hbm4b:s6+s13], $0x40, s16, s13, $0xb8;
	[tilespmem:$0x1FD00] =	vst v63  }
0x29: {  	_ =	swait.ge [sflag:s25], $0x2000  }
0x2a: {  	[sflag:s25] =	ssyncset.done $0x0  }
0x2b: {  	s18 =	simm.s32 $0x4E80;
	[sflag:s25] =	ssyncadd.s32 $0xFFFFE000  }
0x2c: {  	[spmem:s2] =	stream.indirect.scatter.add.f32 [tilespmem:s14], [sflag:$0x7], $0x40, s18, s13, $0xb8;
	[tilespmem:$0x1FD00] =	vst v63  }
0x2d: {  	_ =	swait.ge [sflag:s8], $0x2000  }
0x2e: {  	[sflag:s8] =	ssyncset.done $0x0  }
0x2f: {  	s16 =	simm.s32 $0x300;
	[sflag:s8] =	ssyncadd.s32 $0xFFFFE000  }
0x30: {  	[tilespmem:s14], [sflag:$0x1] =	stream.indirect.gather [hbm4b:s6+s13], $0x40, s16, s13, $0xb8;
	[tilespmem:$0x1FD00] =	vst v63  }
0x31: {  	_ =	swait.ge [sflag:s26], $0x2000  }
0x32: {  	[sflag:s26] =	ssyncset.done $0x0  }
0x33: {  	s18 =	simm.s32 $0x4F00;
	[sflag:s26] =	ssyncadd.s32 $0xFFFFE000  }
0x34: {  	[spmem:s2] =	stream.indirect.scatter.add.f32 [tilespmem:s15], [sflag:$0x7], $0x40, s18, s13, $0xb8;
	[tilespmem:$0x1FD00] =	vst v63  }
0x35: {  	_ =	swait.ge [sflag:s8], $0x2000  }
0x36: {  	[sflag:s8] =	ssyncset.done $0x0  }
0x37: {  	s16 =	simm.s32 $0x380;
	[sflag:s8] =	ssyncadd.s32 $0xFFFFE000  }
0x38: {  	[tilespmem:s15], [sflag:$0x2] =	stream.indirect.gather [hbm4b:s6+s13], $0x40, s16, s13, $0xb8;
	[tilespmem:$0x1FD00] =	vst v63  }
0x39: {  	_ =	swait.ge [sflag:s28], $0x2000  }
0x3a: {  	[sflag:s28] =	ssyncset.done $0x0  }
0x3b: {  	s18 =	simm.s32 $0x4F80;
	[sflag:s28] =	ssyncadd.s32 $0xFFFFE000  }
0x3c: {  	[spmem:s2] =	stream.indirect.scatter.add.f32 [tilespmem:s17], [sflag:$0x7], $0x40, s18, s13, $0xb8;
	[tilespmem:$0x1FD00] =	vst v63  }
0x3d: {  	_ =	swait.ge [sflag:s8], $0x2000  }
0x3e: {  	[sflag:s8] =	ssyncset.done $0x0  }
0x3f: {  	s16 =	simm.s32 $0x400;
	[sflag:s8] =	ssyncadd.s32 $0xFFFFE000  }
0x40: {  	[tilespmem:s17], [sflag:$0x3] =	stream.indirect.gather [hbm4b:s6+s13], $0x40, s16, s13, $0xb8;
	[tilespmem:$0x1FD00] =	vst v63  }
0x41: {  	_ =	swait.ge [sflag:s29], $0x2000  }
0x42: {  	[sflag:s29] =	ssyncset.done $0x0  }
0x43: {  	s18 =	simm.s32 $0x5000;
	[sflag:s29] =	ssyncadd.s32 $0xFFFFE000  }
0x44: {  	[spmem:s2] =	stream.indirect.scatter.add.f32 [tilespmem:s19], [sflag:$0x7], $0x40, s18, s13, $0xb8;
	[tilespmem:$0x1FD00] =	vst v63  }
0x45: {  	_ =	swait.ge [sflag:s8], $0x2000  }
0x46: {  	[sflag:s8] =	ssyncset.done $0x0  }
0x47: {  	s16 =	simm.s32 $0x480;
	[sflag:s8] =	ssyncadd.s32 $0xFFFFE000  }
0x48: {  	[tilespmem:s19], [sflag:$0x4] =	stream.indirect.gather [hbm4b:s6+s13], $0x40, s16, s13, $0xb8;
	[tilespmem:$0x1FD00] =	vst v63  }
0x49: {  	_ =	swait.ge [sflag:s30], $0x2000  }
0x4a: {  	[sflag:s30] =	ssyncset.done $0x0  }
0x4b: {  	s18 =	simm.s32 $0x5080;
	[sflag:s30] =	ssyncadd.s32 $0xFFFFE000  }
0x4c: {  	[spmem:s2] =	stream.indirect.scatter.add.f32 [tilespmem:s21], [sflag:$0x7], $0x40, s18, s13, $0xb8;
	[tilespmem:$0x1FD00] =	vst v63  }
0x4d: {  	_ =	swait.ge [sflag:s8], $0x2000  }
0x4e: {  	[sflag:s8] =	ssyncset.done $0x0  }
0x4f: {  	s16 =	simm.s32 $0x500;
	[sflag:s8] =	ssyncadd.s32 $0xFFFFE000  }
0x50: {  	[tilespmem:s21], [sflag:$0x5] =	stream.indirect.gather [hbm4b:s6+s13], $0x40, s16, s13, $0xb8;
	[tilespmem:$0x1FD00] =	vst v63  }
0x51: {  	_ =	swait.ge [sflag:s31], $0x2000  }
0x52: {  	[sflag:s31] =	ssyncset.done $0x0  }
0x53: {  	s18 =	simm.s32 $0x5100;
	[sflag:s31] =	ssyncadd.s32 $0xFFFFE000  }
0x54: {  	[spmem:s2] =	stream.indirect.scatter.add.f32 [tilespmem:s23], [sflag:$0x7], $0x40, s18, s13, $0xb8;
	[tilespmem:$0x1FD00] =	vst v63  }
0x55: {  	_ =	swait.ge [sflag:s8], $0x2000  }
0x56: {  	[sflag:s8] =	ssyncset.done $0x0  }
0x57: {  	s9 =	simm.s32 $0xC00;
	s16 =	simm.s32 $0x580;
	[sflag:s8] =	ssyncadd.s32 $0xFFFFE000  }
.LBB2_2:
0x58: {  	[tilespmem:s23], [sflag:$0x6] =	stream.indirect.gather [hbm4b:s6+s13], $0x40, s16, s13, $0xb8;
	[tilespmem:$0x1FD00] =	vst v63  }
0x59: {  	s16 =	smov.u32 s9  }
0x5a: {  	p0 =	sne.s32 s9, $0x12000;
	s9 =	sadd.s32 $0xC00, s9;
	_ =	swait.ge [sflag:s25], $0x2000  }
0x5b: {  	s16 =	sshra.s32 s16, $0x2;
	[sflag:s25] =	ssyncset.done $0x0  }
0x5c: {  	s18 =	sadd.s32 $0x4E80, s16;
	[sflag:s25] =	ssyncadd.s32 $0xFFFFE000  }
0x5d: {  	[spmem:s2] =	stream.indirect.scatter.add.f32 [tilespmem:s14], [sflag:$0x7], $0x40, s18, s13, $0xb8;
	[tilespmem:$0x1FD00] =	vst v63  }
0x5e: {  	_ =	swait.ge [sflag:s8], $0x2000  }
0x5f: {  	[sflag:s8] =	ssyncset.done $0x0  }
0x60: {  	s18 =	sadd.s32 $0x300, s16;
	[sflag:s8] =	ssyncadd.s32 $0xFFFFE000  }
0x61: {  	[tilespmem:s14], [sflag:$0x1] =	stream.indirect.gather [hbm4b:s6+s13], $0x40, s18, s13, $0xb8;
	[tilespmem:$0x1FD00] =	vst v63  }
0x62: {  	_ =	swait.ge [sflag:s26], $0x2000  }
0x63: {  	[sflag:s26] =	ssyncset.done $0x0  }
0x64: {  	s18 =	sadd.s32 $0x4F00, s16;
	[sflag:s26] =	ssyncadd.s32 $0xFFFFE000  }
0x65: {  	[spmem:s2] =	stream.indirect.scatter.add.f32 [tilespmem:s15], [sflag:$0x7], $0x40, s18, s13, $0xb8;
	[tilespmem:$0x1FD00] =	vst v63  }
0x66: {  	_ =	swait.ge [sflag:s8], $0x2000  }
0x67: {  	[sflag:s8] =	ssyncset.done $0x0  }
0x68: {  	s18 =	sadd.s32 $0x380, s16;
	[sflag:s8] =	ssyncadd.s32 $0xFFFFE000  }
0x69: {  	[tilespmem:s15], [sflag:$0x2] =	stream.indirect.gather [hbm4b:s6+s13], $0x40, s18, s13, $0xb8;
	[tilespmem:$0x1FD00] =	vst v63  }
0x6a: {  	_ =	swait.ge [sflag:s28], $0x2000  }
0x6b: {  	[sflag:s28] =	ssyncset.done $0x0  }
0x6c: {  	s18 =	sadd.s32 $0x4F80, s16;
	[sflag:s28] =	ssyncadd.s32 $0xFFFFE000  }
0x6d: {  	[spmem:s2] =	stream.indirect.scatter.add.f32 [tilespmem:s17], [sflag:$0x7], $0x40, s18, s13, $0xb8;
	[tilespmem:$0x1FD00] =	vst v63  }
0x6e: {  	_ =	swait.ge [sflag:s8], $0x2000  }
0x6f: {  	[sflag:s8] =	ssyncset.done $0x0  }
0x70: {  	s18 =	sadd.s32 $0x400, s16;
	[sflag:s8] =	ssyncadd.s32 $0xFFFFE000  }
0x71: {  	[tilespmem:s17], [sflag:$0x3] =	stream.indirect.gather [hbm4b:s6+s13], $0x40, s18, s13, $0xb8;
	[tilespmem:$0x1FD00] =	vst v63  }
0x72: {  	_ =	swait.ge [sflag:s29], $0x2000  }
0x73: {  	[sflag:s29] =	ssyncset.done $0x0  }
0x74: {  	s18 =	sadd.s32 $0x5000, s16;
	[sflag:s29] =	ssyncadd.s32 $0xFFFFE000  }
0x75: {  	[spmem:s2] =	stream.indirect.scatter.add.f32 [tilespmem:s19], [sflag:$0x7], $0x40, s18, s13, $0xb8;
	[tilespmem:$0x1FD00] =	vst v63  }
0x76: {  	_ =	swait.ge [sflag:s8], $0x2000  }
0x77: {  	[sflag:s8] =	ssyncset.done $0x0  }
0x78: {  	s18 =	sadd.s32 $0x480, s16;
	[sflag:s8] =	ssyncadd.s32 $0xFFFFE000  }
0x79: {  	[tilespmem:s19], [sflag:$0x4] =	stream.indirect.gather [hbm4b:s6+s13], $0x40, s18, s13, $0xb8;
	[tilespmem:$0x1FD00] =	vst v63  }
0x7a: {  	_ =	swait.ge [sflag:s30], $0x2000  }
0x7b: {  	[sflag:s30] =	ssyncset.done $0x0  }
0x7c: {  	s18 =	sadd.s32 $0x5080, s16;
	[sflag:s30] =	ssyncadd.s32 $0xFFFFE000  }
0x7d: {  	[spmem:s2] =	stream.indirect.scatter.add.f32 [tilespmem:s21], [sflag:$0x7], $0x40, s18, s13, $0xb8;
	[tilespmem:$0x1FD00] =	vst v63  }
0x7e: {  	_ =	swait.ge [sflag:s8], $0x2000  }
0x7f: {  	[sflag:s8] =	ssyncset.done $0x0  }
0x80: {  	s18 =	sadd.s32 $0x500, s16;
	[sflag:s8] =	ssyncadd.s32 $0xFFFFE000  }
0x81: {  	[tilespmem:s21], [sflag:$0x5] =	stream.indirect.gather [hbm4b:s6+s13], $0x40, s18, s13, $0xb8;
	[tilespmem:$0x1FD00] =	vst v63  }
0x82: {  	_ =	swait.ge [sflag:s31], $0x2000  }
0x83: {  	[sflag:s31] =	ssyncset.done $0x0  }
.Ltmp0:
0x84: {  	s18 =	sadd.s32 $0x5100, s16;
	[sflag:s31] =	ssyncadd.s32 $0xFFFFE000;
	(pc) =	sbr.rel @p0 .LBB2_2-.Ltmp0, $4  }
0x85: {  	[spmem:s2] =	stream.indirect.scatter.add.f32 [tilespmem:s23], [sflag:$0x7], $0x40, s18, s13, $0xb8;
	[tilespmem:$0x1FD00] =	vst v63  }
0x86: {  	_ =	swait.ge [sflag:s8], $0x2000  }
0x87: {  	[sflag:s8] =	ssyncset.done $0x0  }
0x88: {  	s16 =	sadd.s32 $0x580, s16;
	[sflag:s8] =	ssyncadd.s32 $0xFFFFE000  }
0x89: {  	[tilespmem:s23], [sflag:$0x6] =	stream.indirect.gather [hbm4b:s6+s13], $0x40, s16, s13, $0xb8;
	[tilespmem:$0x1FD00] =	vst v63  }
0x8a: {  	_ =	swait.ge [sflag:s25], $0x2000  }
0x8b: {  	[sflag:s25] =	ssyncset.done $0x0  }
0x8c: {  	s9 =	simm.s32 $0x9980;
	[sflag:s25] =	ssyncadd.s32 $0xFFFFE000  }
0x8d: {  	[spmem:s2] =	stream.indirect.scatter.add.f32 [tilespmem:s14], [sflag:$0x7], $0x40, s9, s13, $0xb8;
	[tilespmem:$0x1FD00] =	vst v63  }
0x8e: {  	_ =	swait.ge [sflag:s8], $0x2000  }
0x8f: {  	[sflag:s8] =	ssyncset.done $0x0  }
0x90: {  	s16 =	simm.s32 $0x4E00;
	[sflag:s8] =	ssyncadd.s32 $0xFFFFE000  }
0x91: {  	[tilespmem:s14], [sflag:$0x1] =	stream.indirect.gather [hbm4b:s6+s13], $0x40, s16, s13, $0xb8;
	[tilespmem:$0x1FD00] =	vst v63  }
0x92: {  	_ =	swait.ge [sflag:s26], $0x2000  }
0x93: {  	[sflag:s26] =	ssyncset.done $0x0  }
0x94: {  	s18 =	simm.s32 $0x9A00;
	[sflag:s26] =	ssyncadd.s32 $0xFFFFE000  }
0x95: {  	[spmem:s2] =	stream.indirect.scatter.add.f32 [tilespmem:s15], [sflag:$0x7], $0x40, s18, s13, $0xb8;
	[tilespmem:$0x1FD00] =	vst v63  }
0x96: {  	_ =	swait.ge [sflag:s8], $0x2000  }
0x97: {  	[sflag:s8] =	ssyncset.done $0x0  }
0x98: {  	[sflag:s8] =	ssyncadd.s32 $0xFFFFE000  }
0x99: {  	_ =	swait.ge [sflag:s28], $0x2000  }
0x9a: {  	[sflag:s28] =	ssyncset.done $0x0  }
0x9b: {  	s16 =	simm.s32 $0x9A80;
	[sflag:s28] =	ssyncadd.s32 $0xFFFFE000  }
0x9c: {  	[spmem:s2] =	stream.indirect.scatter.add.f32 [tilespmem:s17], [sflag:$0x7], $0x40, s16, s13, $0xb8;
	[tilespmem:$0x1FD00] =	vst v63  }
0x9d: {  	_ =	swait.ge [sflag:s8], $0x2000  }
0x9e: {  	[sflag:s8] =	ssyncset.done $0x0  }
0x9f: {  	[sflag:s8] =	ssyncadd.s32 $0xFFFFE000  }
0xa0: {  	_ =	swait.ge [sflag:s29], $0x2000  }
0xa1: {  	[sflag:s29] =	ssyncset.done $0x0  }
0xa2: {  	s18 =	simm.s32 $0x9B00;
	[sflag:s29] =	ssyncadd.s32 $0xFFFFE000  }
0xa3: {  	[spmem:s2] =	stream.indirect.scatter.add.f32 [tilespmem:s19], [sflag:$0x7], $0x40, s18, s13, $0xb8;
	[tilespmem:$0x1FD00] =	vst v63  }
0xa4: {  	_ =	swait.ge [sflag:s8], $0x2000  }
0xa5: {  	[sflag:s8] =	ssyncset.done $0x0  }
0xa6: {  	[sflag:s8] =	ssyncadd.s32 $0xFFFFE000  }
0xa7: {  	_ =	swait.ge [sflag:s30], $0x2000  }
0xa8: {  	[sflag:s30] =	ssyncset.done $0x0  }
0xa9: {  	[sflag:s30] =	ssyncadd.s32 $0xFFFFE000  }
0xaa: {  	[spmem:s2] =	stream.indirect.scatter.add.f32 [tilespmem:s21], [sflag:$0x7], $0x40, s20, s13, $0xb8;
	[tilespmem:$0x1FD00] =	vst v63  }
0xab: {  	_ =	swait.ge [sflag:s8], $0x2000  }
0xac: {  	[sflag:s8] =	ssyncset.done $0x0  }
0xad: {  	[sflag:s8] =	ssyncadd.s32 $0xFFFFE000  }
0xae: {  	_ =	swait.ge [sflag:s31], $0x2000  }
0xaf: {  	[sflag:s31] =	ssyncset.done $0x0  }
0xb0: {  	[sflag:s31] =	ssyncadd.s32 $0xFFFFE000  }
0xb1: {  	[spmem:s2] =	stream.indirect.scatter.add.f32 [tilespmem:s23], [sflag:$0x7], $0x40, s22, s13, $0xb8;
	[tilespmem:$0x1FD00] =	vst v63  }
0xb2: {  	_ =	swait.ge [sflag:s8], $0x2000  }
0xb3: {  	[sflag:s8] =	ssyncset.done $0x0  }
0xb4: {  	[sflag:s8] =	ssyncadd.s32 $0xFFFFE000  }
0xb5: {  	_ =	swait.ge [sflag:s25], $0x2000  }
0xb6: {  	[sflag:s25] =	ssyncset.done $0x0  }
0xb7: {  	[sflag:s25] =	ssyncadd.s32 $0xFFFFE000  }
0xb8: {  	[spmem:s2] =	stream.indirect.scatter.add.f32 [tilespmem:s14], [sflag:$0x7], $0x40, s0, s13, $0xb8;
	[tilespmem:$0x1FD00] =	vst v63  }
0xb9: {  	_ =	swait.ge [sflag:s8], $0x2000  }
0xba: {  	s1 =	sadd.s32 $0x1, s1;
	[sflag:s8] =	ssyncset.done $0x0  }
0xbb: {  	p0 =	sne.s32 s1, s7;
	[sflag:s8] =	ssyncadd.s32 $0xFFFFE000  }
.Ltmp1:
0xbc: {  	[bflag:$0x0] =	sbarrier.arrive $0xFFFF;
	(pc) =	sbr.rel @p0 .LBB2_1-.Ltmp1, $4  }
0xbd: {  	[hbm:s24], [sflag:s11] =	dma.local [spmem:s12], $0x1400  }
0xbe: {  	_ =	swait.ge [sflag:s8], $0x1400  }
0xbf: {  	[sflag:s8] =	ssyncset.done $0x0  }
0xc0: {  	[sflag:s8] =	ssyncadd.s32 $0xFFFFEC00  }
0xc1: {  	_ =	sfence.sel $0x180000  }
0xc2: {  	[bflag:$0x0] =	sbarrier.arrive $0xFFFF  }
0xc3: {  	_ =	strace $0x9000004D  }
0xc4: {  	s0 =	stileid.u32;
	[bflag:$0x2] =	sbarrier.arrive $0xFFFF  }
0xc5: {  	p0 =	sne.s32 s0, $0x0;
	s0 =	rddreg [dreg:$0x2]  }
0xc6: {  	s0 =	sadd.s32 @!p0 $0x100000, s0  }
0xc7: {  	[sflag:s0] =	ssyncadd.tile.s32 @!p0 $0x1;
	_ =	shalt  }
.Lfunc_end2:
_tile_overlayer_lowered:
.L_overlay_start_2:
0xc8: {  	(tag) =	ssettag $0x2  }
0xc9: {  	s0 =	rddreg [dreg:$0x0];
	s2 =	stileid.u32  }
0xca: {  	s1 =	rddreg [dreg:$0x1];
	p0 =	sne.s32 s2, $0x0  }
0xcb: {  	s3 =	rddreg [dreg:$0x2];
	[bflag:$0x3] =	sbarrier.arrive $0xFFFF;
	s2 =	simm.s32 @!p0 $0x1C07  }
0xcc: {  	[timem:s3], [sflag:s2] =	dma.local @!p0 [hbm:s0], s1  }
0xcd: {  	s0 =	simm.s32 @!p0 $0x7  }
0xce: {  	_ =	swait.ge @!p0 [sflag:s0], s1  }
0xcf: {  	s1 =	ssub.s32 @!p0 $0x0, s1;
	[sflag:s0] =	ssyncset.done @!p0 $0x0  }
0xd0: {  	[sflag:s0] =	ssyncadd.s32 @!p0 s1  }
0xd1: {  	[bflag:$0x3] =	sbarrier.arrive $0xFFFF  }
0xd2: {  	_ =	shalt  }

// kernel: kernel.20.cloned.1.call-start
scs
__scs_entry_jumppad:
0x0: {  	(pc) =	sbr.rel $0x88, $3  }
0x1: {  	(tag) =	ssettag $0x0;
	lr =	simm.s32 $0x1  }
0x2: {  	[smem:$0x3F99] =	sst lr;
	_ =	strace $0xD0000000  }
0x3: {  	_ = 	snop  }
0x4: {  	_ = 	snop  }
0x5: {  	_ = 	snop  }
0x6: {  	_ = 	snop  }
0x7: {  	_ = 	snop  }
__scs_overlays_trampoline_lowered:
0x8: {  	[smem:$0x3FA8] =	sst s0  }
0x9: {  	[smem:$0x3FA9] =	sst s1  }
0xa: {  	[smem:$0x3FAA] =	sst s2  }
0xb: {  	[smem:$0x3FAB] =	sst s3  }
0xc: {  	[smem:$0x3FAC] =	sst s4  }
0xd: {  	[smem:$0x3FAD] =	sst s5  }
0xe: {  	[smem:$0x3FAE] =	sst s6  }
0xf: {  	[smem:$0x3FAF] =	sst s7  }
0x10: {  	[smem:$0x3FB0] =	sst s8  }
0x11: {  	[smem:$0x3FB1] =	sst s9;
	s0 =	simm.s32 @!p0 $0x0  }
0x12: {  	s1 =	sld [smem:$0x3F97];
	s0 =	simm.s32 @p0 $0x1  }
0x13: {  	[smem:$0x3FB2] =	sst s0;
	s0 =	simm.s32 @!p1 $0x0  }
0x14: {  	s2 =	sld [smem:$0x3F96];
	s0 =	simm.s32 @p1 $0x1  }
0x15: {  	[smem:$0x3FB3] =	sst s0;
	s0 =	simm.s32 @!p2 $0x0  }
0x16: {  	s3 =	sld [smem:$0x3FDB];
	s0 =	simm.s32 @p2 $0x1  }
0x17: {  	s4 =	simm.s32 $0x1BF5;
	[smem:$0x3FB5] =	sst s0  }
0x18: {  	s0 =	sld [smem:$0x3F98];
	_ =	swait.ge [sflag:s4], $0x0  }
0x19: {  	s7 =	sld [smem:$0x3F99]  }
0x1a: {  	s8 =	sadd.s32 $0xFFFFE003, lr  }
0x1b: {  	s9 =	sadd.s32 $0xFFFFFEF7, lr;
	s5 =	simm.s32 $0xFFFFFFFF;
	p2 =	slt.u32 s8, $0xFFFFF086  }
0x1c: {  	p1 =	slt.u32 s9, $0xF7A;
	s5 =	simm.s32 @!p2 $0x0  }
0x1d: {  	s5 =	simm.s32 @p1 $0x1;
	p0 =	seq.s32 s7, s2  }
0x1e: {  	s7 =	smul.u32 @!p0 $0xF7A, s2;
	p2 =	seq.s32 @!p0 s5, $0x0  }
0x1f: {  	s9 =	smul.u32 $0xF7A, s1;
	s8 =	simm.s32 @!p0 $0x1BF5;
	p2 =	por !p2, p0  }
0x20: {  	[sflag:s8] =	ssyncset.s32 @!p0 $0xFFFFF086;
	s6 =	sadd.s32 @!p0 s3, s7;
	s7 =	simm.s32 @!p0 $0x108  }
0x21: {  	s3 =	sadd.s32 s3, s9;
	s6 =	sadd.s32 @!p0 $0x88, s6;
	s7 =	simm.s32 @p2 $0x1082  }
0x22: {  	[simem:s7], [sflag:s8] =	dma.local @!p0 [hbm:s6], $0xF7A  }
0x23: {  	s9 =	sor.u32 $0xD0000000, s2;
	s6 =	simm.s32 $0x108;
	_ =	swait.ge @!p0 [sflag:s8], $0x0  }
0x24: {  	s3 =	sadd.s32 $0x88, s3;
	s6 =	simm.s32 @!p1 $0x1082;
	[sflag:s4] =	ssyncset.s32 $0xFFFFF086  }
0x25: {  	[simem:s6], [sflag:s4] =	dma.local [hbm:s3], $0xF7A  }
0x26: {  	[smem:$0x3F99] =	sst s1;
	(tag) =	ssettag s2;
	_ =	strace s9  }
0x27: {  	s1 =	sld [smem:$0x3FA9]  }
0x28: {  	s2 =	sld [smem:$0x3FAA]  }
0x29: {  	s4 =	sld [smem:$0x3FAC]  }
0x2a: {  	p0 =	seq.s32 s5, $0x0;
	s5 =	sld [smem:$0x3FAD]  }
0x2b: {  	s6 =	sld [smem:$0x3FAE]  }
0x2c: {  	s7 =	sld [smem:$0x3FAF]  }
0x2d: {  	s3 =	simm.s32 $0x108;
	s8 =	sld [smem:$0x3FB0]  }
0x2e: {  	s3 =	simm.s32 @!p0 $0x1082;
	s9 =	sld [smem:$0x3FB1]  }
0x2f: {  	lr =	sadd.s32 s0, s3;
	s0 =	sld [smem:$0x3FA8]  }
0x30: {  	s3 =	sld [smem:$0x3FAB]  }
0x31: {  	[smem:$0x3FB4] =	sst s10  }
0x32: {  	s10 =	sld [smem:$0x3FB2];
	_ =	sdelay $0x3  }
0x33: {  	p0 =	seq.s32 s10, $0x1;
	s10 =	sld [smem:$0x3FB4];
	_ =	sdelay $0x3  }
0x34: {  	[smem:$0x3FB4] =	sst s10  }
0x35: {  	s10 =	sld [smem:$0x3FB3];
	_ =	sdelay $0x3  }
0x36: {  	p1 =	seq.s32 s10, $0x1;
	s10 =	sld [smem:$0x3FB4];
	_ =	sdelay $0x3  }
0x37: {  	[smem:$0x3FB4] =	sst s10  }
0x38: {  	s10 =	sld [smem:$0x3FB5]  }
0x39: {  	_ = 	snop;
	(pc) =	sbr.ind lr, $3  }
0x3a: {  	_ = 	snop  }
0x3b: {  	_ = 	snop  }
0x3c: {  	p2 =	seq.s32 s10, $0x1;
	s10 =	sld [smem:$0x3FB4]  }
0x3d: {  	_ =	shalt  }
0x3e: {  	_ =	shalt  }
0x3f: {  	_ =	shalt  }
0x40: {  	_ =	shalt  }
0x41: {  	_ =	shalt  }
0x42: {  	_ =	shalt  }
0x43: {  	_ =	shalt  }
0x44: {  	_ =	shalt  }
0x45: {  	_ =	shalt  }
0x46: {  	_ =	shalt  }
0x47: {  	_ =	shalt  }
0x48: {  	_ =	shalt  }
0x49: {  	_ =	shalt  }
0x4a: {  	_ =	shalt  }
0x4b: {  	_ =	shalt  }
0x4c: {  	_ =	shalt  }
0x4d: {  	_ =	shalt  }
0x4e: {  	_ =	shalt  }
0x4f: {  	_ =	shalt  }
0x50: {  	_ =	shalt  }
0x51: {  	_ =	shalt  }
0x52: {  	_ =	shalt  }
0x53: {  	_ =	shalt  }
0x54: {  	_ =	shalt  }
0x55: {  	_ =	shalt  }
0x56: {  	_ =	shalt  }
0x57: {  	_ =	shalt  }
0x58: {  	_ =	shalt  }
0x59: {  	_ =	shalt  }
0x5a: {  	_ =	shalt  }
0x5b: {  	_ =	shalt  }
0x5c: {  	_ =	shalt  }
0x5d: {  	_ =	shalt  }
0x5e: {  	_ =	shalt  }
0x5f: {  	_ =	shalt  }
0x60: {  	_ =	shalt  }
0x61: {  	_ =	shalt  }
0x62: {  	_ =	shalt  }
0x63: {  	_ =	shalt  }
0x64: {  	_ =	shalt  }
0x65: {  	_ =	shalt  }
0x66: {  	_ =	shalt  }
0x67: {  	_ =	shalt  }
0x68: {  	_ =	shalt  }
0x69: {  	_ =	shalt  }
0x6a: {  	_ =	shalt  }
0x6b: {  	_ =	shalt  }
0x6c: {  	_ =	shalt  }
0x6d: {  	_ =	shalt  }
0x6e: {  	_ =	shalt  }
0x6f: {  	_ =	shalt  }
0x70: {  	_ =	shalt  }
0x71: {  	_ =	shalt  }
0x72: {  	_ =	shalt  }
0x73: {  	_ =	shalt  }
0x74: {  	_ =	shalt  }
0x75: {  	_ =	shalt  }
0x76: {  	_ =	shalt  }
0x77: {  	_ =	shalt  }
0x78: {  	_ =	shalt  }
0x79: {  	_ =	shalt  }
0x7a: {  	_ =	shalt  }
0x7b: {  	_ =	shalt  }
0x7c: {  	_ =	shalt  }
0x7d: {  	_ =	shalt  }
0x7e: {  	_ =	shalt  }
0x7f: {  	_ =	shalt  }
0x80: {  	_ =	shalt  }
0x81: {  	_ =	shalt  }
0x82: {  	_ =	shalt  }
0x83: {  	_ =	shalt  }
0x84: {  	_ =	shalt  }
0x85: {  	_ =	shalt  }
0x86: {  	_ =	shalt  }
0x87: {  	_ =	shalt  }
.Lfunc_end0:
.L_simem_size_0:
called_computation.3_lowered:
.L_overlay_start_0:
0x88: {  	s2 =	sld [smem:$0x3FD9]  }
0x89: {  	s3 =	sld [smem:$0x3FFE];
	_ =	sdelay $0x1  }
0x8a: {  	s1 =	srdreg.scid  }
0x8b: {  	s0 =	sand.u32 $0x1, s1  }
0x8c: {  	s16 =	sshll.u32 s0, $0xA;
	s2 =	sadd.s32 s3, s2  }
0x8d: {  	s2 =	sadd.s32 s2, s16  }
0x8e: {  	[smem:$0x3FC0] =	sst s2  }
0x8f: {  	_ = 	snop  }
0x90: {  	(tm) =	ssettm $0x1  }
0x91: {  	s17 =	sld [smem:$0x3FFB];
	_ =	sdelay $0x3  }
0x92: {  	_ =	strace s17  }
0x93: {  	s2 =	sld [smem:$0x3FFC];
	_ =	sdelay $0x3  }
0x94: {  	_ =	strace s2  }
0x95: {  	s2 =	sld [smem:$0x3FFD];
	_ =	sdelay $0x3  }
0x96: {  	_ =	strace s2  }
0x97: {  	_ =	strace $0x8FFFFFFF  }
0x98: {  	s18 =	sld [smem:$0x3FDB];
	_ =	sdelay $0x1  }
0x99: {  	s19 =	simm.s32 $_scs_section_size  }
0x9a: {  	s4 =	simm.s32 $_size__tile_overlayer_lowered;
	s5 =	simm.s32 $_tile_overlayer_lowered  }
0x9b: {  	s22 =	simm.s32 $0x1BFF;
	s21 =	sshll.u32 s5, $0x1;
	s2 =	sadd.s32 s19, s18  }
0x9c: {  	s6 =	simm.s32 $0x0;
	s20 =	sshll.u32 s4, $0x1;
	s4 =	sadd.s32 s21, s2  }
0x9d: {  	[timem:s6], [sflag:s22] =	dma.local [hbm:s4], s20  }
0x9e: {  	_ =	swait.ge [sflag:s22], s20  }
0x9f: {  	s3 =	ssub.s32 $0x0, s20;
	[sflag:s22] =	ssyncset.done $0x0  }
0xa0: {  	[sflag:s22] =	ssyncadd.s32 s3;
	_ =	sdelay $0x1  }
0xa1: {  	s23 =	simm.s32 $0x1B8B  }
0xa2: {  	_ =	swait.ge [sflag:s23], $0x1  }
0xa3: {  	[sflag:s23] =	ssyncset.done $0x0  }
0xa4: {  	s25 =	simm.s32 $0x1B8E;
	s24 =	sld [smem:$0x3FFE];
	[sflag:s23] =	ssyncadd.s32 $0xFFFFFFFF  }
0xa5: {  	s26 =	simm.s32 $execute0_lowered;
	[smem:$0x3FD2] =	sst s25  }
0xa6: {  	s4 =	sshll.u32 s26, $0x1;
	_ =	strace $0x8000004F;
	[dreg:$0x1] =	wrdreg $0xFFFFFFFF  }
0xa7: {  	s28 =	simm.s32 $_size_execute0_lowered;
	s2 =	sadd.s32 s2, s4;
	[dreg:$0x0] =	wrdreg $0x0  }
0xa8: {  	s4 =	sshll.u32 s28, $0x1;
	[dreg:$0x2] =	wrdreg s2  }
0xa9: {  	[dreg:$0x3] =	wrdreg s4  }
0xaa: {  	[dreg:$0x4] =	wrdreg $0xC0  }
0xab: {  	_ =	task [dreg:s6], $0x5FFFF  }
0xac: {  	[dreg:$0x1] =	wrdreg $0xFFFFFFFF  }
0xad: {  	[dreg:$0x0] =	wrdreg $0x60  }
0xae: {  	[dreg:$0x2] =	wrdreg s24  }
0xaf: {  	[dreg:$0x3] =	wrdreg $0x15D000  }
0xb0: {  	[dreg:$0x4] =	wrdreg $0x9  }
0xb1: {  	_ =	task.clear_ibuf [dreg:s6], $0x5FFFF;
	_ =	strace $0x9000004F  }
0xb2: {  	s29 =	simm.s32 $0x9;
	_ =	strace $0x80000051  }
0xb3: {  	_ =	swait.ge [sflag:s29], $0x1  }
0xb4: {  	[sflag:s29] =	ssyncadd.s32 $0xFFFFFFFF  }
0xb5: {  	_ =	strace $0x90000051  }
0xb6: {  	_ =	sfence  }
0xb7: {  	s30 =	sld [smem:$0x0];
	_ =	sdelay $0x2  }
0xb8: {  	s31 =	sshll.u32 s1, $0xD;
	s1 =	sshrl.u32 s1, $0x2  }
0xb9: {  	s3 =	sand.u32 $0x4000, s31;
	s1 =	sadd.s32 s1, s30  }
0xba: {  	s0 =	sor.u32 s3, s0;
	s1 =	sshll.u32 s1, $0x11  }
0xbb: {  	s0 =	sor.u32 s1, s0  }
0xbc: {  	s0 =	sadd.s32 $0x8F2B, s0  }
0xbd: {  	[sflag:s0] =	ssyncadd.remote.s32 $0x1  }
0xbe: {  	_ =	sfence.sel $0xFFFF  }
0xbf: {  	[dreg:$0x0] =	wrdreg $0xFFFFFFFF;
	(pc) =	sbr.abs _section_cstart, $3  }
0xc0: {  	[dreg:$0x1] =	wrdreg $0xFFFFFFFF  }
0xc1: {  	_ =	task.clear_ibuf [dreg:s6], $0x2FFFF;
	_ =	strace $0x9FFFFFFF  }
0xc2: {  	(tm) =	ssettm $0x7FFFFFFF  }
0xc3: {  	_ =	shalt  }
tec
execute0_lowered:
.L_overlay_start_1:
0x0: {  	(tag) =	ssettag $0x1  }
0x1: {  	s0 =	rddreg [dreg:$0x0]  }
0x2: {  	s2 =	rddreg [dreg:$0x1];
	s3 =	simm.s32 $0x0;
	s10 =	stileid.u32  }
0x3: {  	s1 =	srdreg.scid;
	s8 =	simm.s32 $0x7;
	s13 =	simm.s32 $0x80  }
0x4: {  	s14 =	simm.s32 $0x9D00;
	s15 =	simm.s32 $0xBD00;
	s17 =	simm.s32 $0xDD00  }
0x5: {  	s19 =	simm.s32 $0xFD00;
	s21 =	simm.s32 $0x11D00;
	s23 =	simm.s32 $0x13D00  }
0x6: {  	s28 =	simm.s32 $0x3;
	s29 =	simm.s32 $0x4;
	s30 =	simm.s32 $0x5  }
0x7: {  	s31 =	simm.s32 $0x6;
	s20 =	simm.s32 $0x9B80;
	s22 =	simm.s32 $0x9C00  }
0x8: {  	[smem:$0x7FF] =	sst s3;
	s4 =	smul.u32 $0x9D0, s10;
	s1 =	sand.u32 $0x1, s1  }
0x9: {  	s7 =	smul.u32 $0xA000, s10;
	s26 =	sshll.u32 s10, $0x6;
	_ =	strace $0x80000050  }
0xa: {  	s5 =	smul.u32 $0x14000, s1;
	s1 =	ssub.s32 $0x2, s1;
	s11 =	sor.u32 $0x1C07, s26  }
0xb: {  	s26 =	simm.s32 $0x2;
	s6 =	sadd.s32 s4, s0;
	s25 =	sshrl.u32 s1, $0x1  }
0xc: {  	s9 =	sadd.s32 s7, s2;
	s16 =	sshrl.u32 s7, $0x3;
	s0 =	sadd.s32 s5, s0  }
0xd: {  	s1 =	ssub.s32 s1, s25;
	s4 =	sadd.s32 $0xBC00, s6;
	s5 =	sadd.s32 $0x1E00, s6  }
0xe: {  	s12 =	sshrl.u32 s9, $0x3;
	s25 =	simm.s32 $0x1;
	s6 =	sadd.s32 $0x15A00, s0  }
0xf: {  	s0 =	sadd.s32 $0x3DA00, s0;
	s7 =	smax.u32 s1, $0x1;
	s1 =	simm.s32 $0x0  }
0x10: {  	s10 =	sadd.s32 s16, s6;
	s24 =	sadd.s32 s16, s0;
	s0 =	simm.s32 $0x9C80  }
.LBB2_1:
0x11: {  	[tilespmem:s3], [sflag:$0x7] =	stream.linear.gather [hbm4b:s4+s3], $0x4E80, $0x38;
	[tilespmem:$0x1FD00] =	vst v63  }
0x12: {  	_ =	swait.ge [sflag:s8], $0x4E80  }
0x13: {  	[sflag:s8] =	ssyncset.done $0x0  }
0x14: {  	s9 =	simm.s32 $0x4E80;
	[sflag:s8] =	ssyncadd.s32 $0xFFFFB180  }
0x15: {  	[tilespmem:s9], [sflag:$0x7] =	stream.linear.gather [hbm4b:s5+s3], $0x4E80, $0x38;
	[tilespmem:$0x1FD00] =	vst v63  }
0x16: {  	_ =	swait.ge [sflag:s8], $0x4E80  }
0x17: {  	[sflag:s8] =	ssyncset.done $0x0  }
0x18: {  	[sflag:s8] =	ssyncadd.s32 $0xFFFFB180  }
0x19: {  	[spmem:s12], [sflag:s11] =	dma.local [hbm:s10], $0x1400  }
0x1a: {  	_ =	swait.ge [sflag:s8], $0x1400  }
0x1b: {  	[sflag:s8] =	ssyncset.done $0x0  }
0x1c: {  	[sflag:s8] =	ssyncadd.s32 $0xFFFFEC00  }
0x1d: {  	[bflag:$0x0] =	sbarrier.arrive $0xFFFF  }
0x1e: {  	[tilespmem:s14], [sflag:$0x1] =	stream.indirect.gather [hbm4b:s6+s13], $0x40, s3, s13, $0xb8;
	[tilespmem:$0x1FD00] =	vst v63  }
0x1f: {  	_ = 	snop  }
0x20: {  	[tilespmem:s15], [sflag:$0x2] =	stream.indirect.gather [hbm4b:s6+s13], $0x40, s13, s13, $0xb8;
	[tilespmem:$0x1FD00] =	vst v63  }
0x21: {  	s18 =	simm.s32 $0x100  }
0x22: {  	[tilespmem:s17], [sflag:$0x3] =	stream.indirect.gather [hbm4b:s6+s13], $0x40, s18, s13, $0xb8;
	[tilespmem:$0x1FD00] =	vst v63  }
0x23: {  	s16 =	simm.s32 $0x180  }
0x24: {  	[tilespmem:s19], [sflag:$0x4] =	stream.indirect.gather [hbm4b:s6+s13], $0x40, s16, s13, $0xb8;
	[tilespmem:$0x1FD00] =	vst v63  }
0x25: {  	s18 =	simm.s32 $0x200  }
0x26: {  	[tilespmem:s21], [sflag:$0x5] =	stream.indirect.gather [hbm4b:s6+s13], $0x40, s18, s13, $0xb8;
	[tilespmem:$0x1FD00] =	vst v63  }
0x27: {  	s16 =	simm.s32 $0x280  }
0x28: {  	[tilespmem:s23], [sflag:$0x6] =	stream.indirect.gather [hbm4b:s6+s13], $0x40, s16, s13, $0xb8;
	[tilespmem:$0x1FD00] =	vst v63  }
0x29: {  	_ =	swait.ge [sflag:s25], $0x2000  }
0x2a: {  	[sflag:s25] =	ssyncset.done $0x0  }
0x2b: {  	s18 =	simm.s32 $0x4E80;
	[sflag:s25] =	ssyncadd.s32 $0xFFFFE000  }
0x2c: {  	[spmem:s2] =	stream.indirect.scatter.add.f32 [tilespmem:s14], [sflag:$0x7], $0x40, s18, s13, $0xb8;
	[tilespmem:$0x1FD00] =	vst v63  }
0x2d: {  	_ =	swait.ge [sflag:s8], $0x2000  }
0x2e: {  	[sflag:s8] =	ssyncset.done $0x0  }
0x2f: {  	s16 =	simm.s32 $0x300;
	[sflag:s8] =	ssyncadd.s32 $0xFFFFE000  }
0x30: {  	[tilespmem:s14], [sflag:$0x1] =	stream.indirect.gather [hbm4b:s6+s13], $0x40, s16, s13, $0xb8;
	[tilespmem:$0x1FD00] =	vst v63  }
0x31: {  	_ =	swait.ge [sflag:s26], $0x2000  }
0x32: {  	[sflag:s26] =	ssyncset.done $0x0  }
0x33: {  	s18 =	simm.s32 $0x4F00;
	[sflag:s26] =	ssyncadd.s32 $0xFFFFE000  }
0x34: {  	[spmem:s2] =	stream.indirect.scatter.add.f32 [tilespmem:s15], [sflag:$0x7], $0x40, s18, s13, $0xb8;
	[tilespmem:$0x1FD00] =	vst v63  }
0x35: {  	_ =	swait.ge [sflag:s8], $0x2000  }
0x36: {  	[sflag:s8] =	ssyncset.done $0x0  }
0x37: {  	s16 =	simm.s32 $0x380;
	[sflag:s8] =	ssyncadd.s32 $0xFFFFE000  }
0x38: {  	[tilespmem:s15], [sflag:$0x2] =	stream.indirect.gather [hbm4b:s6+s13], $0x40, s16, s13, $0xb8;
	[tilespmem:$0x1FD00] =	vst v63  }
0x39: {  	_ =	swait.ge [sflag:s28], $0x2000  }
0x3a: {  	[sflag:s28] =	ssyncset.done $0x0  }
0x3b: {  	s18 =	simm.s32 $0x4F80;
	[sflag:s28] =	ssyncadd.s32 $0xFFFFE000  }
0x3c: {  	[spmem:s2] =	stream.indirect.scatter.add.f32 [tilespmem:s17], [sflag:$0x7], $0x40, s18, s13, $0xb8;
	[tilespmem:$0x1FD00] =	vst v63  }
0x3d: {  	_ =	swait.ge [sflag:s8], $0x2000  }
0x3e: {  	[sflag:s8] =	ssyncset.done $0x0  }
0x3f: {  	s16 =	simm.s32 $0x400;
	[sflag:s8] =	ssyncadd.s32 $0xFFFFE000  }
0x40: {  	[tilespmem:s17], [sflag:$0x3] =	stream.indirect.gather [hbm4b:s6+s13], $0x40, s16, s13, $0xb8;
	[tilespmem:$0x1FD00] =	vst v63  }
0x41: {  	_ =	swait.ge [sflag:s29], $0x2000  }
0x42: {  	[sflag:s29] =	ssyncset.done $0x0  }
0x43: {  	s18 =	simm.s32 $0x5000;
	[sflag:s29] =	ssyncadd.s32 $0xFFFFE000  }
0x44: {  	[spmem:s2] =	stream.indirect.scatter.add.f32 [tilespmem:s19], [sflag:$0x7], $0x40, s18, s13, $0xb8;
	[tilespmem:$0x1FD00] =	vst v63  }
0x45: {  	_ =	swait.ge [sflag:s8], $0x2000  }
0x46: {  	[sflag:s8] =	ssyncset.done $0x0  }
0x47: {  	s16 =	simm.s32 $0x480;
	[sflag:s8] =	ssyncadd.s32 $0xFFFFE000  }
0x48: {  	[tilespmem:s19], [sflag:$0x4] =	stream.indirect.gather [hbm4b:s6+s13], $0x40, s16, s13, $0xb8;
	[tilespmem:$0x1FD00] =	vst v63  }
0x49: {  	_ =	swait.ge [sflag:s30], $0x2000  }
0x4a: {  	[sflag:s30] =	ssyncset.done $0x0  }
0x4b: {  	s18 =	simm.s32 $0x5080;
	[sflag:s30] =	ssyncadd.s32 $0xFFFFE000  }
0x4c: {  	[spmem:s2] =	stream.indirect.scatter.add.f32 [tilespmem:s21], [sflag:$0x7], $0x40, s18, s13, $0xb8;
	[tilespmem:$0x1FD00] =	vst v63  }
0x4d: {  	_ =	swait.ge [sflag:s8], $0x2000  }
0x4e: {  	[sflag:s8] =	ssyncset.done $0x0  }
0x4f: {  	s16 =	simm.s32 $0x500;
	[sflag:s8] =	ssyncadd.s32 $0xFFFFE000  }
0x50: {  	[tilespmem:s21], [sflag:$0x5] =	stream.indirect.gather [hbm4b:s6+s13], $0x40, s16, s13, $0xb8;
	[tilespmem:$0x1FD00] =	vst v63  }
0x51: {  	_ =	swait.ge [sflag:s31], $0x2000  }
0x52: {  	[sflag:s31] =	ssyncset.done $0x0  }
0x53: {  	s18 =	simm.s32 $0x5100;
	[sflag:s31] =	ssyncadd.s32 $0xFFFFE000  }
0x54: {  	[spmem:s2] =	stream.indirect.scatter.add.f32 [tilespmem:s23], [sflag:$0x7], $0x40, s18, s13, $0xb8;
	[tilespmem:$0x1FD00] =	vst v63  }
0x55: {  	_ =	swait.ge [sflag:s8], $0x2000  }
0x56: {  	[sflag:s8] =	ssyncset.done $0x0  }
0x57: {  	s9 =	simm.s32 $0xC00;
	s16 =	simm.s32 $0x580;
	[sflag:s8] =	ssyncadd.s32 $0xFFFFE000  }
.LBB2_2:
0x58: {  	[tilespmem:s23], [sflag:$0x6] =	stream.indirect.gather [hbm4b:s6+s13], $0x40, s16, s13, $0xb8;
	[tilespmem:$0x1FD00] =	vst v63  }
0x59: {  	s16 =	smov.u32 s9  }
0x5a: {  	p0 =	sne.s32 s9, $0x12000;
	s9 =	sadd.s32 $0xC00, s9;
	_ =	swait.ge [sflag:s25], $0x2000  }
0x5b: {  	s16 =	sshra.s32 s16, $0x2;
	[sflag:s25] =	ssyncset.done $0x0  }
0x5c: {  	s18 =	sadd.s32 $0x4E80, s16;
	[sflag:s25] =	ssyncadd.s32 $0xFFFFE000  }
0x5d: {  	[spmem:s2] =	stream.indirect.scatter.add.f32 [tilespmem:s14], [sflag:$0x7], $0x40, s18, s13, $0xb8;
	[tilespmem:$0x1FD00] =	vst v63  }
0x5e: {  	_ =	swait.ge [sflag:s8], $0x2000  }
0x5f: {  	[sflag:s8] =	ssyncset.done $0x0  }
0x60: {  	s18 =	sadd.s32 $0x300, s16;
	[sflag:s8] =	ssyncadd.s32 $0xFFFFE000  }
0x61: {  	[tilespmem:s14], [sflag:$0x1] =	stream.indirect.gather [hbm4b:s6+s13], $0x40, s18, s13, $0xb8;
	[tilespmem:$0x1FD00] =	vst v63  }
0x62: {  	_ =	swait.ge [sflag:s26], $0x2000  }
0x63: {  	[sflag:s26] =	ssyncset.done $0x0  }
0x64: {  	s18 =	sadd.s32 $0x4F00, s16;
	[sflag:s26] =	ssyncadd.s32 $0xFFFFE000  }
0x65: {  	[spmem:s2] =	stream.indirect.scatter.add.f32 [tilespmem:s15], [sflag:$0x7], $0x40, s18, s13, $0xb8;
	[tilespmem:$0x1FD00] =	vst v63  }
0x66: {  	_ =	swait.ge [sflag:s8], $0x2000  }
0x67: {  	[sflag:s8] =	ssyncset.done $0x0  }
0x68: {  	s18 =	sadd.s32 $0x380, s16;
	[sflag:s8] =	ssyncadd.s32 $0xFFFFE000  }
0x69: {  	[tilespmem:s15], [sflag:$0x2] =	stream.indirect.gather [hbm4b:s6+s13], $0x40, s18, s13, $0xb8;
	[tilespmem:$0x1FD00] =	vst v63  }
0x6a: {  	_ =	swait.ge [sflag:s28], $0x2000  }
0x6b: {  	[sflag:s28] =	ssyncset.done $0x0  }
0x6c: {  	s18 =	sadd.s32 $0x4F80, s16;
	[sflag:s28] =	ssyncadd.s32 $0xFFFFE000  }
0x6d: {  	[spmem:s2] =	stream.indirect.scatter.add.f32 [tilespmem:s17], [sflag:$0x7], $0x40, s18, s13, $0xb8;
	[tilespmem:$0x1FD00] =	vst v63  }
0x6e: {  	_ =	swait.ge [sflag:s8], $0x2000  }
0x6f: {  	[sflag:s8] =	ssyncset.done $0x0  }
0x70: {  	s18 =	sadd.s32 $0x400, s16;
	[sflag:s8] =	ssyncadd.s32 $0xFFFFE000  }
0x71: {  	[tilespmem:s17], [sflag:$0x3] =	stream.indirect.gather [hbm4b:s6+s13], $0x40, s18, s13, $0xb8;
	[tilespmem:$0x1FD00] =	vst v63  }
0x72: {  	_ =	swait.ge [sflag:s29], $0x2000  }
0x73: {  	[sflag:s29] =	ssyncset.done $0x0  }
0x74: {  	s18 =	sadd.s32 $0x5000, s16;
	[sflag:s29] =	ssyncadd.s32 $0xFFFFE000  }
0x75: {  	[spmem:s2] =	stream.indirect.scatter.add.f32 [tilespmem:s19], [sflag:$0x7], $0x40, s18, s13, $0xb8;
	[tilespmem:$0x1FD00] =	vst v63  }
0x76: {  	_ =	swait.ge [sflag:s8], $0x2000  }
0x77: {  	[sflag:s8] =	ssyncset.done $0x0  }
0x78: {  	s18 =	sadd.s32 $0x480, s16;
	[sflag:s8] =	ssyncadd.s32 $0xFFFFE000  }
0x79: {  	[tilespmem:s19], [sflag:$0x4] =	stream.indirect.gather [hbm4b:s6+s13], $0x40, s18, s13, $0xb8;
	[tilespmem:$0x1FD00] =	vst v63  }
0x7a: {  	_ =	swait.ge [sflag:s30], $0x2000  }
0x7b: {  	[sflag:s30] =	ssyncset.done $0x0  }
0x7c: {  	s18 =	sadd.s32 $0x5080, s16;
	[sflag:s30] =	ssyncadd.s32 $0xFFFFE000  }
0x7d: {  	[spmem:s2] =	stream.indirect.scatter.add.f32 [tilespmem:s21], [sflag:$0x7], $0x40, s18, s13, $0xb8;
	[tilespmem:$0x1FD00] =	vst v63  }
0x7e: {  	_ =	swait.ge [sflag:s8], $0x2000  }
0x7f: {  	[sflag:s8] =	ssyncset.done $0x0  }
0x80: {  	s18 =	sadd.s32 $0x500, s16;
	[sflag:s8] =	ssyncadd.s32 $0xFFFFE000  }
0x81: {  	[tilespmem:s21], [sflag:$0x5] =	stream.indirect.gather [hbm4b:s6+s13], $0x40, s18, s13, $0xb8;
	[tilespmem:$0x1FD00] =	vst v63  }
0x82: {  	_ =	swait.ge [sflag:s31], $0x2000  }
0x83: {  	[sflag:s31] =	ssyncset.done $0x0  }
.Ltmp0:
0x84: {  	s18 =	sadd.s32 $0x5100, s16;
	[sflag:s31] =	ssyncadd.s32 $0xFFFFE000;
	(pc) =	sbr.rel @p0 .LBB2_2-.Ltmp0, $4  }
0x85: {  	[spmem:s2] =	stream.indirect.scatter.add.f32 [tilespmem:s23], [sflag:$0x7], $0x40, s18, s13, $0xb8;
	[tilespmem:$0x1FD00] =	vst v63  }
0x86: {  	_ =	swait.ge [sflag:s8], $0x2000  }
0x87: {  	[sflag:s8] =	ssyncset.done $0x0  }
0x88: {  	s16 =	sadd.s32 $0x580, s16;
	[sflag:s8] =	ssyncadd.s32 $0xFFFFE000  }
0x89: {  	[tilespmem:s23], [sflag:$0x6] =	stream.indirect.gather [hbm4b:s6+s13], $0x40, s16, s13, $0xb8;
	[tilespmem:$0x1FD00] =	vst v63  }
0x8a: {  	_ =	swait.ge [sflag:s25], $0x2000  }
0x8b: {  	[sflag:s25] =	ssyncset.done $0x0  }
0x8c: {  	s9 =	simm.s32 $0x9980;
	[sflag:s25] =	ssyncadd.s32 $0xFFFFE000  }
0x8d: {  	[spmem:s2] =	stream.indirect.scatter.add.f32 [tilespmem:s14], [sflag:$0x7], $0x40, s9, s13, $0xb8;
	[tilespmem:$0x1FD00] =	vst v63  }
0x8e: {  	_ =	swait.ge [sflag:s8], $0x2000  }
0x8f: {  	[sflag:s8] =	ssyncset.done $0x0  }
0x90: {  	s16 =	simm.s32 $0x4E00;
	[sflag:s8] =	ssyncadd.s32 $0xFFFFE000  }
0x91: {  	[tilespmem:s14], [sflag:$0x1] =	stream.indirect.gather [hbm4b:s6+s13], $0x40, s16, s13, $0xb8;
	[tilespmem:$0x1FD00] =	vst v63  }
0x92: {  	_ =	swait.ge [sflag:s26], $0x2000  }
0x93: {  	[sflag:s26] =	ssyncset.done $0x0  }
0x94: {  	s18 =	simm.s32 $0x9A00;
	[sflag:s26] =	ssyncadd.s32 $0xFFFFE000  }
0x95: {  	[spmem:s2] =	stream.indirect.scatter.add.f32 [tilespmem:s15], [sflag:$0x7], $0x40, s18, s13, $0xb8;
	[tilespmem:$0x1FD00] =	vst v63  }
0x96: {  	_ =	swait.ge [sflag:s8], $0x2000  }
0x97: {  	[sflag:s8] =	ssyncset.done $0x0  }
0x98: {  	[sflag:s8] =	ssyncadd.s32 $0xFFFFE000  }
0x99: {  	_ =	swait.ge [sflag:s28], $0x2000  }
0x9a: {  	[sflag:s28] =	ssyncset.done $0x0  }
0x9b: {  	s16 =	simm.s32 $0x9A80;
	[sflag:s28] =	ssyncadd.s32 $0xFFFFE000  }
0x9c: {  	[spmem:s2] =	stream.indirect.scatter.add.f32 [tilespmem:s17], [sflag:$0x7], $0x40, s16, s13, $0xb8;
	[tilespmem:$0x1FD00] =	vst v63  }
0x9d: {  	_ =	swait.ge [sflag:s8], $0x2000  }
0x9e: {  	[sflag:s8] =	ssyncset.done $0x0  }
0x9f: {  	[sflag:s8] =	ssyncadd.s32 $0xFFFFE000  }
0xa0: {  	_ =	swait.ge [sflag:s29], $0x2000  }
0xa1: {  	[sflag:s29] =	ssyncset.done $0x0  }
0xa2: {  	s18 =	simm.s32 $0x9B00;
	[sflag:s29] =	ssyncadd.s32 $0xFFFFE000  }
0xa3: {  	[spmem:s2] =	stream.indirect.scatter.add.f32 [tilespmem:s19], [sflag:$0x7], $0x40, s18, s13, $0xb8;
	[tilespmem:$0x1FD00] =	vst v63  }
0xa4: {  	_ =	swait.ge [sflag:s8], $0x2000  }
0xa5: {  	[sflag:s8] =	ssyncset.done $0x0  }
0xa6: {  	[sflag:s8] =	ssyncadd.s32 $0xFFFFE000  }
0xa7: {  	_ =	swait.ge [sflag:s30], $0x2000  }
0xa8: {  	[sflag:s30] =	ssyncset.done $0x0  }
0xa9: {  	[sflag:s30] =	ssyncadd.s32 $0xFFFFE000  }
0xaa: {  	[spmem:s2] =	stream.indirect.scatter.add.f32 [tilespmem:s21], [sflag:$0x7], $0x40, s20, s13, $0xb8;
	[tilespmem:$0x1FD00] =	vst v63  }
0xab: {  	_ =	swait.ge [sflag:s8], $0x2000  }
0xac: {  	[sflag:s8] =	ssyncset.done $0x0  }
0xad: {  	[sflag:s8] =	ssyncadd.s32 $0xFFFFE000  }
0xae: {  	_ =	swait.ge [sflag:s31], $0x2000  }
0xaf: {  	[sflag:s31] =	ssyncset.done $0x0  }
0xb0: {  	[sflag:s31] =	ssyncadd.s32 $0xFFFFE000  }
0xb1: {  	[spmem:s2] =	stream.indirect.scatter.add.f32 [tilespmem:s23], [sflag:$0x7], $0x40, s22, s13, $0xb8;
	[tilespmem:$0x1FD00] =	vst v63  }
0xb2: {  	_ =	swait.ge [sflag:s8], $0x2000  }
0xb3: {  	[sflag:s8] =	ssyncset.done $0x0  }
0xb4: {  	[sflag:s8] =	ssyncadd.s32 $0xFFFFE000  }
0xb5: {  	_ =	swait.ge [sflag:s25], $0x2000  }
0xb6: {  	[sflag:s25] =	ssyncset.done $0x0  }
0xb7: {  	[sflag:s25] =	ssyncadd.s32 $0xFFFFE000  }
0xb8: {  	[spmem:s2] =	stream.indirect.scatter.add.f32 [tilespmem:s14], [sflag:$0x7], $0x40, s0, s13, $0xb8;
	[tilespmem:$0x1FD00] =	vst v63  }
0xb9: {  	_ =	swait.ge [sflag:s8], $0x2000  }
0xba: {  	s1 =	sadd.s32 $0x1, s1;
	[sflag:s8] =	ssyncset.done $0x0  }
0xbb: {  	p0 =	sne.s32 s1, s7;
	[sflag:s8] =	ssyncadd.s32 $0xFFFFE000  }
.Ltmp1:
0xbc: {  	[bflag:$0x0] =	sbarrier.arrive $0xFFFF;
	(pc) =	sbr.rel @p0 .LBB2_1-.Ltmp1, $4  }
0xbd: {  	[hbm:s24], [sflag:s11] =	dma.local [spmem:s12], $0x1400  }
0xbe: {  	_ =	swait.ge [sflag:s8], $0x1400  }
0xbf: {  	[sflag:s8] =	ssyncset.done $0x0  }
0xc0: {  	[sflag:s8] =	ssyncadd.s32 $0xFFFFEC00  }
0xc1: {  	_ =	sfence.sel $0x180000  }
0xc2: {  	[bflag:$0x0] =	sbarrier.arrive $0xFFFF  }
0xc3: {  	_ =	strace $0x90000050  }
0xc4: {  	s0 =	stileid.u32;
	[bflag:$0x2] =	sbarrier.arrive $0xFFFF  }
0xc5: {  	p0 =	sne.s32 s0, $0x0;
	s0 =	rddreg [dreg:$0x2]  }
0xc6: {  	s0 =	sadd.s32 @!p0 $0x100000, s0  }
0xc7: {  	[sflag:s0] =	ssyncadd.tile.s32 @!p0 $0x1;
	_ =	shalt  }
.Lfunc_end2:
_tile_overlayer_lowered:
.L_overlay_start_2:
0xc8: {  	(tag) =	ssettag $0x2  }
0xc9: {  	s0 =	rddreg [dreg:$0x0];
	s2 =	stileid.u32  }
0xca: {  	s1 =	rddreg [dreg:$0x1];
	p0 =	sne.s32 s2, $0x0  }
0xcb: {  	s3 =	rddreg [dreg:$0x2];
	[bflag:$0x3] =	sbarrier.arrive $0xFFFF;
	s2 =	simm.s32 @!p0 $0x1C07  }
0xcc: {  	[timem:s3], [sflag:s2] =	dma.local @!p0 [hbm:s0], s1  }
0xcd: {  	s0 =	simm.s32 @!p0 $0x7  }
0xce: {  	_ =	swait.ge @!p0 [sflag:s0], s1  }
0xcf: {  	s1 =	ssub.s32 @!p0 $0x0, s1;
	[sflag:s0] =	ssyncset.done @!p0 $0x0  }
0xd0: {  	[sflag:s0] =	ssyncadd.s32 @!p0 s1  }
0xd1: {  	[bflag:$0x3] =	sbarrier.arrive $0xFFFF  }
0xd2: {  	_ =	shalt  }

</sc_bundles>
